<compile_context>
chip_gen: v7x
topology: tpu7x:2x2x1
jax: 0.10.2.dev20260603
libtpu: 0.0.44.dev20260713+nightly
codegen_flags: <defaults>
</compile_context>

<pallas_src>
import jax
import jax.numpy as jnp
from jax import lax
from jax.experimental import pallas as pl
from jax.experimental.pallas import tpu as pltpu
from jax.experimental.pallas import tpu_sc as plsc

_BATCH = 16384
_VOCAB = 1000000
_DIM = 3
_NC, _NS = 2, 16
_NW = _NC * _NS
_CHUNK = 128
_CPW = _BATCH // (_NW * _CHUNK)
_BPW = _BATCH // _NW
_NTAB = 3
_SUB = _CHUNK // 16


def _body(idx_hbm, w0, w1, w2, out_hbm, idx_v, fidx_v, vals_v, out_v, sem):
    c = lax.axis_index("c")
    s = lax.axis_index("s")
    w = c * _NS + s

    pltpu.sync_copy(idx_hbm.at[pl.ds(w * _BPW, _BPW)], idx_v)

    for j in range(_CPW):
        for cc in range(_SUB):
            v = idx_v[pl.ds(j * _CHUNK + cc * 16, 16)]
            for d in range(_DIM):
                fidx_v[d * _CPW + j, pl.ds(cc * 16, 16)] = v + d * _VOCAB

    copies = []
    for t, tbl in enumerate((w0, w1, w2)):
        for dj in range(_DIM * _CPW):
            copies.append(
                pltpu.async_copy(
                    tbl.at[fidx_v.at[dj]], vals_v.at[t * _DIM * _CPW + dj], sem
                )
            )
    for cp in copies:
        cp.wait()

    accs = [jnp.zeros((16,), jnp.float32) for _ in range(_NTAB * _DIM)]
    for t in range(_NTAB):
        for d in range(_DIM):
            for j in range(_CPW):
                row = t * _DIM * _CPW + d * _CPW + j
                for cc in range(_SUB):
                    accs[t * _DIM + d] = (
                        accs[t * _DIM + d] + vals_v[row, pl.ds(cc * 16, 16)]
                    )

    iota = lax.iota(jnp.int32, 16)
    _dnums = lax.GatherDimensionNumbers(
        offset_dims=(), collapsed_slice_dims=(0,), start_index_map=(0,)
    )

    def _shuffle(v, idx16):
        return lax.gather(
            v,
            idx16[:, None],
            _dnums,
            slice_sizes=(1,),
            mode=lax.GatherScatterMode.PROMISE_IN_BOUNDS,
        )

    def _lane_sum(v):
        for sh in (1, 2, 4, 8):
            v = v + _shuffle(v, jnp.bitwise_xor(iota, sh))
        return v

    part = jnp.zeros((16,), jnp.float32)
    for k2 in range(_NTAB * _DIM):
        part = jnp.where(iota == k2, _lane_sum(accs[k2]), part)
    scale = jnp.where(
        iota < 3, 5.0, jnp.where(iota < 6, 10.0, jnp.where(iota < 9, 6.0, 0.0))
    ).astype(jnp.float32)
    out_v[...] = part * scale

    pltpu.sync_copy(out_v, out_hbm.at[w])


_sc_call = pl.kernel(
    _body,
    out_type=jax.ShapeDtypeStruct((_NW, 16), jnp.float32),
    mesh=plsc.VectorSubcoreMesh(core_axis_name="c", subcore_axis_name="s"),
    scratch_types=[
        pltpu.VMEM((_BPW,), jnp.int32),
        pltpu.VMEM((_DIM * _CPW, _CHUNK), jnp.int32),
        pltpu.VMEM((_NTAB * _DIM * _CPW, _CHUNK), jnp.float32),
        pltpu.VMEM((16,), jnp.float32),
        pltpu.SemaphoreType.DMA,
    ],
)


@jax.jit
def kernel(e_input, W0, W1, W2):
    out = _sc_call(
        e_input.astype(jnp.int32),
        W0.T.reshape(_DIM * _VOCAB),
        W1.T.reshape(_DIM * _VOCAB),
        W2.T.reshape(_DIM * _VOCAB),
    )
    return out.sum(axis=0)[: _NTAB * _DIM].reshape(_NTAB, _DIM)

# --- scband reference (transcript-rebuilt; emitter-appended) ---
"""Pipeline reference for scband-custom-model-embedding-group-3753801417103 (READ-ONLY COPY).

The authoritative reference and input builder live on the scoring server;
editing this copy changes nothing except your own understanding.
"""

import jax, jax.numpy as jnp
import numpy as np

BATCH = 16384
VOCAB = 1000000
DIM = 3


def setup_inputs(seed: int = 0) -> dict:
    key = jax.random.key(seed)
    k1, k2, k3, k4 = jax.random.split(key, 4)
    e_input = jax.random.randint(k1, (BATCH,), 0, VOCAB, dtype=jnp.int64) if jax.config.read('jax_enable_x64') else jax.random.randint(k1, (BATCH,), 0, VOCAB, dtype=jnp.int32)
    # Note: in the torch module, [Embedding]*N creates N references to the SAME
    # embedding object, so each group shares one weight table.
    W0 = jax.random.normal(k2, (VOCAB, DIM), dtype=jnp.float32)
    W1 = jax.random.normal(k3, (VOCAB, DIM), dtype=jnp.float32)
    W2 = jax.random.normal(k4, (VOCAB, DIM), dtype=jnp.float32)
    return {"e_input": e_input, "W0": W0, "W1": W1, "W2": W2}


def reference(e_input, W0, W1, W2):
    # group 0: 5 lookups into the shared table W0
    e_outputs_grp_0 = [jnp.take(W0, e_input, axis=0) for _ in range(5)]
    e_sum_0 = jnp.expand_dims(jnp.sum(jnp.concatenate(e_outputs_grp_0, axis=0), axis=0), axis=0)
    # group 1: 10 lookups into the shared table W1
    e_outputs_grp_1 = [jnp.take(W1, e_input, axis=0) for _ in range(10)]
    e_sum_1 = jnp.expand_dims(jnp.sum(jnp.concatenate(e_outputs_grp_1, axis=0), axis=0), axis=0)
    # group 2: 6 lookups into the shared table W2
    e_outputs_grp_2 = [jnp.take(W2, e_input, axis=0) for _ in range(6)]
    e_sum_2 = jnp.expand_dims(jnp.sum(jnp.concatenate(e_outputs_grp_2, axis=0), axis=0), axis=0)
    output = jnp.concatenate([e_sum_0, e_sum_1, e_sum_2], axis=0)
    return output

if __name__ == "__main__":
    import jax
    _d = setup_inputs()
    print(jax.jit(kernel)(*tuple(_d.values())))

</pallas_src>

<mosaic_0001>
#map = affine_map<(d0, d1) -> (0)>
#map1 = affine_map<(d0, d1) -> (0, 0)>
module attributes {stable_mosaic.version = 14 : i64} {
  func.func @_body(%arg0: i32, %arg1: i32, %arg2: memref<16384xi32, #tpu.memory_space<hbm>>, %arg3: memref<3000000xf32, #tpu.memory_space<hbm>>, %arg4: memref<3000000xf32, #tpu.memory_space<hbm>>, %arg5: memref<3000000xf32, #tpu.memory_space<hbm>>, %arg6: memref<32x16xf32, #tpu.memory_space<hbm>>, %arg7: memref<512xi32, #tpu.memory_space<vmem>>, %arg8: memref<12x128xi32, #tpu.memory_space<vmem>>, %arg9: memref<36x128xf32, #tpu.memory_space<vmem>>, %arg10: memref<16xf32, #tpu.memory_space<vmem>>, %arg11: memref<!tpu.dma_semaphore, #tpu.memory_space<semaphore_mem>>) attributes {dimension_semantics = [#tpu.dimension_semantics<core_parallel>, #tpu.dimension_semantics<subcore_parallel>], iteration_bounds = array<i64: 2, 16>, scalar_prefetch = 0 : i64, scratch_operands = 5 : i64, tpu.core_type = #tpu.core_type<sc_vector_subcore>, window_params = [{transform_indices = #map}, {transform_indices = #map}, {transform_indices = #map}, {transform_indices = #map}, {transform_indices = #map1}]} {
    %mul3A = arith.constant 16 : i32
    %mul3A_0 = arith.muli %arg0, %mul3A : i32
    %add3A = arith.addi %mul3A_0, %arg1 : i32
    %mul3A_1 = arith.constant 512 : i32
    %mul3A_2 = arith.muli %add3A, %mul3A_1 : i32
    "tpu.region"() ({
      %run_scoped3A = tpu.sem_alloc : memref<!tpu.dma_semaphore, #tpu.memory_space<semaphore_mem>>
      %dma_start3A_3733 = tpu.memref_slice %arg2[%mul3A_2] : memref<16384xi32, #tpu.memory_space<hbm>> -> memref<512xi32, #tpu.memory_space<hbm>>
      %dma_start3A_3734 = tpu.memref_slice %arg2[%mul3A_2] : memref<16384xi32, #tpu.memory_space<hbm>> -> memref<512xi32, #tpu.memory_space<hbm>>
      tpu.enqueue_dma source(%dma_start3A_3734 : memref<512xi32, #tpu.memory_space<hbm>>) target(%arg7 : memref<512xi32, #tpu.memory_space<vmem>>) target_semaphore(%run_scoped3A : memref<!tpu.dma_semaphore, #tpu.memory_space<semaphore_mem>>)
      %dma_wait3A_3735 = tpu.memref_slice %arg2[%mul3A_2] : memref<16384xi32, #tpu.memory_space<hbm>> -> memref<512xi32, #tpu.memory_space<hbm>>
      %dma_wait3A_3736 = tpu.memref_slice %arg2[%mul3A_2] : memref<16384xi32, #tpu.memory_space<hbm>> -> memref<512xi32, #tpu.memory_space<hbm>>
      tpu.wait_dma2 semaphore(%run_scoped3A : memref<!tpu.dma_semaphore, #tpu.memory_space<semaphore_mem>>) src(%dma_wait3A_3736 : memref<512xi32, #tpu.memory_space<hbm>>) dst(%arg7 : memref<512xi32, #tpu.memory_space<vmem>>)
      tpu.yield
    }) : () -> ()
    %get3A = arith.constant 0 : index
    %get3A_3 = tpu.vector_load %arg7[%get3A] {strides = array<i32>} : memref<512xi32, #tpu.memory_space<vmem>>, vector<16xi32>,
    %get3A_4 = vector.shape_cast %get3A_3 : vector<16xi32> to vector<16xi32>
    %add3A_5 = arith.constant 0 : i32
    %add3A_6 = vector.broadcast %add3A_5 : i32 to vector<16xi32>
    %add3A_7 = arith.addi %get3A_4, %add3A_6 : vector<16xi32>
    %swap3A = arith.constant 0 : i32
    %swap3A_8 = arith.index_cast %swap3A : i32 to index
    %swap3A_9 = arith.constant 0 : index
    %swap3A_10 = tpu.vector_load %arg8[%swap3A_8, %swap3A_9] {strides = array<i32>} : memref<12x128xi32, #tpu.memory_space<vmem>>, vector<1x16xi32>,
    %swap3A_11 = vector.shape_cast %swap3A_10 : vector<1x16xi32> to vector<16xi32>
    %swap3A_12 = vector.shape_cast %add3A_7 : vector<16xi32> to vector<1x16xi32>
    tpu.vector_store %arg8[%swap3A_8, %swap3A_9], %swap3A_12 {strides = array<i32>} : memref<12x128xi32, #tpu.memory_space<vmem>>, vector<1x16xi32>,
    %add3A_13 = arith.constant 1000000 : i32
    %add3A_14 = vector.broadcast %add3A_13 : i32 to vector<16xi32>
    %add3A_15 = arith.addi %get3A_4, %add3A_14 : vector<16xi32>
    %swap3A_16 = arith.constant 4 : i32
    %swap3A_17 = arith.index_cast %swap3A_16 : i32 to index
    %swap3A_18 = arith.constant 0 : index
    %swap3A_19 = tpu.vector_load %arg8[%swap3A_17, %swap3A_18] {strides = array<i32>} : memref<12x128xi32, #tpu.memory_space<vmem>>, vector<1x16xi32>,
    %swap3A_20 = vector.shape_cast %swap3A_19 : vector<1x16xi32> to vector<16xi32>
    %swap3A_21 = vector.shape_cast %add3A_15 : vector<16xi32> to vector<1x16xi32>
    tpu.vector_store %arg8[%swap3A_17, %swap3A_18], %swap3A_21 {strides = array<i32>} : memref<12x128xi32, #tpu.memory_space<vmem>>, vector<1x16xi32>,
    %add3A_22 = arith.constant 2000000 : i32
    %add3A_23 = vector.broadcast %add3A_22 : i32 to vector<16xi32>
    %add3A_24 = arith.addi %get3A_4, %add3A_23 : vector<16xi32>
    %swap3A_25 = arith.constant 8 : i32
    %swap3A_26 = arith.index_cast %swap3A_25 : i32 to index
    %swap3A_27 = arith.constant 0 : index
    %swap3A_28 = tpu.vector_load %arg8[%swap3A_26, %swap3A_27] {strides = array<i32>} : memref<12x128xi32, #tpu.memory_space<vmem>>, vector<1x16xi32>,
    %swap3A_29 = vector.shape_cast %swap3A_28 : vector<1x16xi32> to vector<16xi32>
    %swap3A_30 = vector.shape_cast %add3A_24 : vector<16xi32> to vector<1x16xi32>
    tpu.vector_store %arg8[%swap3A_26, %swap3A_27], %swap3A_30 {strides = array<i32>} : memref<12x128xi32, #tpu.memory_space<vmem>>, vector<1x16xi32>,
    %get3A_31 = arith.constant 16 : index
    %get3A_32 = tpu.vector_load %arg7[%get3A_31] {strides = array<i32>} : memref<512xi32, #tpu.memory_space<vmem>>, vector<16xi32>,
    %get3A_33 = vector.shape_cast %get3A_32 : vector<16xi32> to vector<16xi32>
    %add3A_34 = arith.constant 0 : i32
    %add3A_35 = vector.broadcast %add3A_34 : i32 to vector<16xi32>
    %add3A_36 = arith.addi %get3A_33, %add3A_35 : vector<16xi32>
    %swap3A_37 = arith.constant 0 : i32
    %swap3A_38 = arith.index_cast %swap3A_37 : i32 to index
    %swap3A_39 = arith.constant 16 : index
    %swap3A_40 = tpu.vector_load %arg8[%swap3A_38, %swap3A_39] {strides = array<i32>} : memref<12x128xi32, #tpu.memory_space<vmem>>, vector<1x16xi32>,
    %swap3A_41 = vector.shape_cast %swap3A_40 : vector<1x16xi32> to vector<16xi32>
    %swap3A_42 = vector.shape_cast %add3A_36 : vector<16xi32> to vector<1x16xi32>
    tpu.vector_store %arg8[%swap3A_38, %swap3A_39], %swap3A_42 {strides = array<i32>} : memref<12x128xi32, #tpu.memory_space<vmem>>, vector<1x16xi32>,
    %add3A_43 = arith.constant 1000000 : i32
    %add3A_44 = vector.broadcast %add3A_43 : i32 to vector<16xi32>
    %add3A_45 = arith.addi %get3A_33, %add3A_44 : vector<16xi32>
    %swap3A_46 = arith.constant 4 : i32
    %swap3A_47 = arith.index_cast %swap3A_46 : i32 to index
    %swap3A_48 = arith.constant 16 : index
    %swap3A_49 = tpu.vector_load %arg8[%swap3A_47, %swap3A_48] {strides = array<i32>} : memref<12x128xi32, #tpu.memory_space<vmem>>, vector<1x16xi32>,
    %swap3A_50 = vector.shape_cast %swap3A_49 : vector<1x16xi32> to vector<16xi32>
    %swap3A_51 = vector.shape_cast %add3A_45 : vector<16xi32> to vector<1x16xi32>
    tpu.vector_store %arg8[%swap3A_47, %swap3A_48], %swap3A_51 {strides = array<i32>} : memref<12x128xi32, #tpu.memory_space<vmem>>, vector<1x16xi32>,
    %add3A_52 = arith.constant 2000000 : i32
    %add3A_53 = vector.broadcast %add3A_52 : i32 to vector<16xi32>
    %add3A_54 = arith.addi %get3A_33, %add3A_53 : vector<16xi32>
    %swap3A_55 = arith.constant 8 : i32
    %swap3A_56 = arith.index_cast %swap3A_55 : i32 to index
    %swap3A_57 = arith.constant 16 : index
    %swap3A_58 = tpu.vector_load %arg8[%swap3A_56, %swap3A_57] {strides = array<i32>} : memref<12x128xi32, #tpu.memory_space<vmem>>, vector<1x16xi32>,
    %swap3A_59 = vector.shape_cast %swap3A_58 : vector<1x16xi32> to vector<16xi32>
    %swap3A_60 = vector.shape_cast %add3A_54 : vector<16xi32> to vector<1x16xi32>
    tpu.vector_store %arg8[%swap3A_56, %swap3A_57], %swap3A_60 {strides = array<i32>} : memref<12x128xi32, #tpu.memory_space<vmem>>, vector<1x16xi32>,
    %get3A_61 = arith.constant 32 : index
    %get3A_62 = tpu.vector_load %arg7[%get3A_61] {strides = array<i32>} : memref<512xi32, #tpu.memory_space<vmem>>, vector<16xi32>,
    %get3A_63 = vector.shape_cast %get3A_62 : vector<16xi32> to vector<16xi32>
    %add3A_64 = arith.constant 0 : i32
    %add3A_65 = vector.broadcast %add3A_64 : i32 to vector<16xi32>
    %add3A_66 = arith.addi %get3A_63, %add3A_65 : vector<16xi32>
    %swap3A_67 = arith.constant 0 : i32
    %swap3A_68 = arith.index_cast %swap3A_67 : i32 to index
    %swap3A_69 = arith.constant 32 : index
    %swap3A_70 = tpu.vector_load %arg8[%swap3A_68, %swap3A_69] {strides = array<i32>} : memref<12x128xi32, #tpu.memory_space<vmem>>, vector<1x16xi32>,
    %swap3A_71 = vector.shape_cast %swap3A_70 : vector<1x16xi32> to vector<16xi32>
    %swap3A_72 = vector.shape_cast %add3A_66 : vector<16xi32> to vector<1x16xi32>
    tpu.vector_store %arg8[%swap3A_68, %swap3A_69], %swap3A_72 {strides = array<i32>} : memref<12x128xi32, #tpu.memory_space<vmem>>, vector<1x16xi32>,
    %add3A_73 = arith.constant 1000000 : i32
    %add3A_74 = vector.broadcast %add3A_73 : i32 to vector<16xi32>
    %add3A_75 = arith.addi %get3A_63, %add3A_74 : vector<16xi32>
    %swap3A_76 = arith.constant 4 : i32
    %swap3A_77 = arith.index_cast %swap3A_76 : i32 to index
    %swap3A_78 = arith.constant 32 : index
    %swap3A_79 = tpu.vector_load %arg8[%swap3A_77, %swap3A_78] {strides = array<i32>} : memref<12x128xi32, #tpu.memory_space<vmem>>, vector<1x16xi32>,
    %swap3A_80 = vector.shape_cast %swap3A_79 : vector<1x16xi32> to vector<16xi32>
    %swap3A_81 = vector.shape_cast %add3A_75 : vector<16xi32> to vector<1x16xi32>
    tpu.vector_store %arg8[%swap3A_77, %swap3A_78], %swap3A_81 {strides = array<i32>} : memref<12x128xi32, #tpu.memory_space<vmem>>, vector<1x16xi32>,
    %add3A_82 = arith.constant 2000000 : i32
    %add3A_83 = vector.broadcast %add3A_82 : i32 to vector<16xi32>
    %add3A_84 = arith.addi %get3A_63, %add3A_83 : vector<16xi32>
    %swap3A_85 = arith.constant 8 : i32
    %swap3A_86 = arith.index_cast %swap3A_85 : i32 to index
    %swap3A_87 = arith.constant 32 : index
    %swap3A_88 = tpu.vector_load %arg8[%swap3A_86, %swap3A_87] {strides = array<i32>} : memref<12x128xi32, #tpu.memory_space<vmem>>, vector<1x16xi32>,
    %swap3A_89 = vector.shape_cast %swap3A_88 : vector<1x16xi32> to vector<16xi32>
    %swap3A_90 = vector.shape_cast %add3A_84 : vector<16xi32> to vector<1x16xi32>
    tpu.vector_store %arg8[%swap3A_86, %swap3A_87], %swap3A_90 {strides = array<i32>} : memref<12x128xi32, #tpu.memory_space<vmem>>, vector<1x16xi32>,
    %get3A_91 = arith.constant 48 : index
    %get3A_92 = tpu.vector_load %arg7[%get3A_91] {strides = array<i32>} : memref<512xi32, #tpu.memory_space<vmem>>, vector<16xi32>,
    %get3A_93 = vector.shape_cast %get3A_92 : vector<16xi32> to vector<16xi32>
    %add3A_94 = arith.constant 0 : i32
    %add3A_95 = vector.broadcast %add3A_94 : i32 to vector<16xi32>
    %add3A_96 = arith.addi %get3A_93, %add3A_95 : vector<16xi32>
    %swap3A_97 = arith.constant 0 : i32
    %swap3A_98 = arith.index_cast %swap3A_97 : i32 to index
    %swap3A_99 = arith.constant 48 : index
    %swap3A_100 = tpu.vector_load %arg8[%swap3A_98, %swap3A_99] {strides = array<i32>} : memref<12x128xi32, #tpu.memory_space<vmem>>, vector<1x16xi32>,
    %swap3A_101 = vector.shape_cast %swap3A_100 : vector<1x16xi32> to vector<16xi32>
    %swap3A_102 = vector.shape_cast %add3A_96 : vector<16xi32> to vector<1x16xi32>
    tpu.vector_store %arg8[%swap3A_98, %swap3A_99], %swap3A_102 {strides = array<i32>} : memref<12x128xi32, #tpu.memory_space<vmem>>, vector<1x16xi32>,
    %add3A_103 = arith.constant 1000000 : i32
    %add3A_104 = vector.broadcast %add3A_103 : i32 to vector<16xi32>
    %add3A_105 = arith.addi %get3A_93, %add3A_104 : vector<16xi32>
    %swap3A_106 = arith.constant 4 : i32
    %swap3A_107 = arith.index_cast %swap3A_106 : i32 to index
    %swap3A_108 = arith.constant 48 : index
    %swap3A_109 = tpu.vector_load %arg8[%swap3A_107, %swap3A_108] {strides = array<i32>} : memref<12x128xi32, #tpu.memory_space<vmem>>, vector<1x16xi32>,
    %swap3A_110 = vector.shape_cast %swap3A_109 : vector<1x16xi32> to vector<16xi32>
    %swap3A_111 = vector.shape_cast %add3A_105 : vector<16xi32> to vector<1x16xi32>
    tpu.vector_store %arg8[%swap3A_107, %swap3A_108], %swap3A_111 {strides = array<i32>} : memref<12x128xi32, #tpu.memory_space<vmem>>, vector<1x16xi32>,
    %add3A_112 = arith.constant 2000000 : i32
    %add3A_113 = vector.broadcast %add3A_112 : i32 to vector<16xi32>
    %add3A_114 = arith.addi %get3A_93, %add3A_113 : vector<16xi32>
    %swap3A_115 = arith.constant 8 : i32
    %swap3A_116 = arith.index_cast %swap3A_115 : i32 to index
    %swap3A_117 = arith.constant 48 : index
    %swap3A_118 = tpu.vector_load %arg8[%swap3A_116, %swap3A_117] {strides = array<i32>} : memref<12x128xi32, #tpu.memory_space<vmem>>, vector<1x16xi32>,
    %swap3A_119 = vector.shape_cast %swap3A_118 : vector<1x16xi32> to vector<16xi32>
    %swap3A_120 = vector.shape_cast %add3A_114 : vector<16xi32> to vector<1x16xi32>
    tpu.vector_store %arg8[%swap3A_116, %swap3A_117], %swap3A_120 {strides = array<i32>} : memref<12x128xi32, #tpu.memory_space<vmem>>, vector<1x16xi32>,
    %get3A_121 = arith.constant 64 : index
    %get3A_122 = tpu.vector_load %arg7[%get3A_121] {strides = array<i32>} : memref<512xi32, #tpu.memory_space<vmem>>, vector<16xi32>,
    %get3A_123 = vector.shape_cast %get3A_122 : vector<16xi32> to vector<16xi32>
    %add3A_124 = arith.constant 0 : i32
    %add3A_125 = vector.broadcast %add3A_124 : i32 to vector<16xi32>
    %add3A_126 = arith.addi %get3A_123, %add3A_125 : vector<16xi32>
    %swap3A_127 = arith.constant 0 : i32
    %swap3A_128 = arith.index_cast %swap3A_127 : i32 to index
    %swap3A_129 = arith.constant 64 : index
    %swap3A_130 = tpu.vector_load %arg8[%swap3A_128, %swap3A_129] {strides = array<i32>} : memref<12x128xi32, #tpu.memory_space<vmem>>, vector<1x16xi32>,
    %swap3A_131 = vector.shape_cast %swap3A_130 : vector<1x16xi32> to vector<16xi32>
    %swap3A_132 = vector.shape_cast %add3A_126 : vector<16xi32> to vector<1x16xi32>
    tpu.vector_store %arg8[%swap3A_128, %swap3A_129], %swap3A_132 {strides = array<i32>} : memref<12x128xi32, #tpu.memory_space<vmem>>, vector<1x16xi32>,
    %add3A_133 = arith.constant 1000000 : i32
    %add3A_134 = vector.broadcast %add3A_133 : i32 to vector<16xi32>
    %add3A_135 = arith.addi %get3A_123, %add3A_134 : vector<16xi32>
    %swap3A_136 = arith.constant 4 : i32
    %swap3A_137 = arith.index_cast %swap3A_136 : i32 to index
    %swap3A_138 = arith.constant 64 : index
    %swap3A_139 = tpu.vector_load %arg8[%swap3A_137, %swap3A_138] {strides = array<i32>} : memref<12x128xi32, #tpu.memory_space<vmem>>, vector<1x16xi32>,
    %swap3A_140 = vector.shape_cast %swap3A_139 : vector<1x16xi32> to vector<16xi32>
    %swap3A_141 = vector.shape_cast %add3A_135 : vector<16xi32> to vector<1x16xi32>
    tpu.vector_store %arg8[%swap3A_137, %swap3A_138], %swap3A_141 {strides = array<i32>} : memref<12x128xi32, #tpu.memory_space<vmem>>, vector<1x16xi32>,
    %add3A_142 = arith.constant 2000000 : i32
    %add3A_143 = vector.broadcast %add3A_142 : i32 to vector<16xi32>
    %add3A_144 = arith.addi %get3A_123, %add3A_143 : vector<16xi32>
    %swap3A_145 = arith.constant 8 : i32
    %swap3A_146 = arith.index_cast %swap3A_145 : i32 to index
    %swap3A_147 = arith.constant 64 : index
    %swap3A_148 = tpu.vector_load %arg8[%swap3A_146, %swap3A_147] {strides = array<i32>} : memref<12x128xi32, #tpu.memory_space<vmem>>, vector<1x16xi32>,
    %swap3A_149 = vector.shape_cast %swap3A_148 : vector<1x16xi32> to vector<16xi32>
    %swap3A_150 = vector.shape_cast %add3A_144 : vector<16xi32> to vector<1x16xi32>
    tpu.vector_store %arg8[%swap3A_146, %swap3A_147], %swap3A_150 {strides = array<i32>} : memref<12x128xi32, #tpu.memory_space<vmem>>, vector<1x16xi32>,
    %get3A_151 = arith.constant 80 : index
    %get3A_152 = tpu.vector_load %arg7[%get3A_151] {strides = array<i32>} : memref<512xi32, #tpu.memory_space<vmem>>, vector<16xi32>,
    %get3A_153 = vector.shape_cast %get3A_152 : vector<16xi32> to vector<16xi32>
    %add3A_154 = arith.constant 0 : i32
    %add3A_155 = vector.broadcast %add3A_154 : i32 to vector<16xi32>
    %add3A_156 = arith.addi %get3A_153, %add3A_155 : vector<16xi32>
    %swap3A_157 = arith.constant 0 : i32
    %swap3A_158 = arith.index_cast %swap3A_157 : i32 to index
    %swap3A_159 = arith.constant 80 : index
    %swap3A_160 = tpu.vector_load %arg8[%swap3A_158, %swap3A_159] {strides = array<i32>} : memref<12x128xi32, #tpu.memory_space<vmem>>, vector<1x16xi32>,
    %swap3A_161 = vector.shape_cast %swap3A_160 : vector<1x16xi32> to vector<16xi32>
    %swap3A_162 = vector.shape_cast %add3A_156 : vector<16xi32> to vector<1x16xi32>
    tpu.vector_store %arg8[%swap3A_158, %swap3A_159], %swap3A_162 {strides = array<i32>} : memref<12x128xi32, #tpu.memory_space<vmem>>, vector<1x16xi32>,
    %add3A_163 = arith.constant 1000000 : i32
    %add3A_164 = vector.broadcast %add3A_163 : i32 to vector<16xi32>
    %add3A_165 = arith.addi %get3A_153, %add3A_164 : vector<16xi32>
    %swap3A_166 = arith.constant 4 : i32
    %swap3A_167 = arith.index_cast %swap3A_166 : i32 to index
    %swap3A_168 = arith.constant 80 : index
    %swap3A_169 = tpu.vector_load %arg8[%swap3A_167, %swap3A_168] {strides = array<i32>} : memref<12x128xi32, #tpu.memory_space<vmem>>, vector<1x16xi32>,
    %swap3A_170 = vector.shape_cast %swap3A_169 : vector<1x16xi32> to vector<16xi32>
    %swap3A_171 = vector.shape_cast %add3A_165 : vector<16xi32> to vector<1x16xi32>
    tpu.vector_store %arg8[%swap3A_167, %swap3A_168], %swap3A_171 {strides = array<i32>} : memref<12x128xi32, #tpu.memory_space<vmem>>, vector<1x16xi32>,
    %add3A_172 = arith.constant 2000000 : i32
    %add3A_173 = vector.broadcast %add3A_172 : i32 to vector<16xi32>
    %add3A_174 = arith.addi %get3A_153, %add3A_173 : vector<16xi32>
    %swap3A_175 = arith.constant 8 : i32
    %swap3A_176 = arith.index_cast %swap3A_175 : i32 to index
    %swap3A_177 = arith.constant 80 : index
    %swap3A_178 = tpu.vector_load %arg8[%swap3A_176, %swap3A_177] {strides = array<i32>} : memref<12x128xi32, #tpu.memory_space<vmem>>, vector<1x16xi32>,
    %swap3A_179 = vector.shape_cast %swap3A_178 : vector<1x16xi32> to vector<16xi32>
    %swap3A_180 = vector.shape_cast %add3A_174 : vector<16xi32> to vector<1x16xi32>
    tpu.vector_store %arg8[%swap3A_176, %swap3A_177], %swap3A_180 {strides = array<i32>} : memref<12x128xi32, #tpu.memory_space<vmem>>, vector<1x16xi32>,
    %get3A_181 = arith.constant 96 : index
    %get3A_182 = tpu.vector_load %arg7[%get3A_181] {strides = array<i32>} : memref<512xi32, #tpu.memory_space<vmem>>, vector<16xi32>,
    %get3A_183 = vector.shape_cast %get3A_182 : vector<16xi32> to vector<16xi32>
    %add3A_184 = arith.constant 0 : i32
    %add3A_185 = vector.broadcast %add3A_184 : i32 to vector<16xi32>
    %add3A_186 = arith.addi %get3A_183, %add3A_185 : vector<16xi32>
    %swap3A_187 = arith.constant 0 : i32
    %swap3A_188 = arith.index_cast %swap3A_187 : i32 to index
    %swap3A_189 = arith.constant 96 : index
    %swap3A_190 = tpu.vector_load %arg8[%swap3A_188, %swap3A_189] {strides = array<i32>} : memref<12x128xi32, #tpu.memory_space<vmem>>, vector<1x16xi32>,
    %swap3A_191 = vector.shape_cast %swap3A_190 : vector<1x16xi32> to vector<16xi32>
    %swap3A_192 = vector.shape_cast %add3A_186 : vector<16xi32> to vector<1x16xi32>
    tpu.vector_store %arg8[%swap3A_188, %swap3A_189], %swap3A_192 {strides = array<i32>} : memref<12x128xi32, #tpu.memory_space<vmem>>, vector<1x16xi32>,
    %add3A_193 = arith.constant 1000000 : i32
    %add3A_194 = vector.broadcast %add3A_193 : i32 to vector<16xi32>
    %add3A_195 = arith.addi %get3A_183, %add3A_194 : vector<16xi32>
    %swap3A_196 = arith.constant 4 : i32
    %swap3A_197 = arith.index_cast %swap3A_196 : i32 to index
    %swap3A_198 = arith.constant 96 : index
    %swap3A_199 = tpu.vector_load %arg8[%swap3A_197, %swap3A_198] {strides = array<i32>} : memref<12x128xi32, #tpu.memory_space<vmem>>, vector<1x16xi32>,
    %swap3A_200 = vector.shape_cast %swap3A_199 : vector<1x16xi32> to vector<16xi32>
    %swap3A_201 = vector.shape_cast %add3A_195 : vector<16xi32> to vector<1x16xi32>
    tpu.vector_store %arg8[%swap3A_197, %swap3A_198], %swap3A_201 {strides = array<i32>} : memref<12x128xi32, #tpu.memory_space<vmem>>, vector<1x16xi32>,
    %add3A_202 = arith.constant 2000000 : i32
    %add3A_203 = vector.broadcast %add3A_202 : i32 to vector<16xi32>
    %add3A_204 = arith.addi %get3A_183, %add3A_203 : vector<16xi32>
    %swap3A_205 = arith.constant 8 : i32
    %swap3A_206 = arith.index_cast %swap3A_205 : i32 to index
    %swap3A_207 = arith.constant 96 : index
    %swap3A_208 = tpu.vector_load %arg8[%swap3A_206, %swap3A_207] {strides = array<i32>} : memref<12x128xi32, #tpu.memory_space<vmem>>, vector<1x16xi32>,
    %swap3A_209 = vector.shape_cast %swap3A_208 : vector<1x16xi32> to vector<16xi32>
    %swap3A_210 = vector.shape_cast %add3A_204 : vector<16xi32> to vector<1x16xi32>
    tpu.vector_store %arg8[%swap3A_206, %swap3A_207], %swap3A_210 {strides = array<i32>} : memref<12x128xi32, #tpu.memory_space<vmem>>, vector<1x16xi32>,
    %get3A_211 = arith.constant 112 : index
    %get3A_212 = tpu.vector_load %arg7[%get3A_211] {strides = array<i32>} : memref<512xi32, #tpu.memory_space<vmem>>, vector<16xi32>,
    %get3A_213 = vector.shape_cast %get3A_212 : vector<16xi32> to vector<16xi32>
    %add3A_214 = arith.constant 0 : i32
    %add3A_215 = vector.broadcast %add3A_214 : i32 to vector<16xi32>
    %add3A_216 = arith.addi %get3A_213, %add3A_215 : vector<16xi32>
    %swap3A_217 = arith.constant 0 : i32
    %swap3A_218 = arith.index_cast %swap3A_217 : i32 to index
    %swap3A_219 = arith.constant 112 : index
    %swap3A_220 = tpu.vector_load %arg8[%swap3A_218, %swap3A_219] {strides = array<i32>} : memref<12x128xi32, #tpu.memory_space<vmem>>, vector<1x16xi32>,
    %swap3A_221 = vector.shape_cast %swap3A_220 : vector<1x16xi32> to vector<16xi32>
    %swap3A_222 = vector.shape_cast %add3A_216 : vector<16xi32> to vector<1x16xi32>
    tpu.vector_store %arg8[%swap3A_218, %swap3A_219], %swap3A_222 {strides = array<i32>} : memref<12x128xi32, #tpu.memory_space<vmem>>, vector<1x16xi32>,
    %add3A_223 = arith.constant 1000000 : i32
    %add3A_224 = vector.broadcast %add3A_223 : i32 to vector<16xi32>
    %add3A_225 = arith.addi %get3A_213, %add3A_224 : vector<16xi32>
    %swap3A_226 = arith.constant 4 : i32
    %swap3A_227 = arith.index_cast %swap3A_226 : i32 to index
    %swap3A_228 = arith.constant 112 : index
    %swap3A_229 = tpu.vector_load %arg8[%swap3A_227, %swap3A_228] {strides = array<i32>} : memref<12x128xi32, #tpu.memory_space<vmem>>, vector<1x16xi32>,
    %swap3A_230 = vector.shape_cast %swap3A_229 : vector<1x16xi32> to vector<16xi32>
    %swap3A_231 = vector.shape_cast %add3A_225 : vector<16xi32> to vector<1x16xi32>
    tpu.vector_store %arg8[%swap3A_227, %swap3A_228], %swap3A_231 {strides = array<i32>} : memref<12x128xi32, #tpu.memory_space<vmem>>, vector<1x16xi32>,
    %add3A_232 = arith.constant 2000000 : i32
    %add3A_233 = vector.broadcast %add3A_232 : i32 to vector<16xi32>
    %add3A_234 = arith.addi %get3A_213, %add3A_233 : vector<16xi32>
    %swap3A_235 = arith.constant 8 : i32
    %swap3A_236 = arith.index_cast %swap3A_235 : i32 to index
    %swap3A_237 = arith.constant 112 : index
    %swap3A_238 = tpu.vector_load %arg8[%swap3A_236, %swap3A_237] {strides = array<i32>} : memref<12x128xi32, #tpu.memory_space<vmem>>, vector<1x16xi32>,
    %swap3A_239 = vector.shape_cast %swap3A_238 : vector<1x16xi32> to vector<16xi32>
    %swap3A_240 = vector.shape_cast %add3A_234 : vector<16xi32> to vector<1x16xi32>
    tpu.vector_store %arg8[%swap3A_236, %swap3A_237], %swap3A_240 {strides = array<i32>} : memref<12x128xi32, #tpu.memory_space<vmem>>, vector<1x16xi32>,
    %get3A_241 = arith.constant 128 : index
    %get3A_242 = tpu.vector_load %arg7[%get3A_241] {strides = array<i32>} : memref<512xi32, #tpu.memory_space<vmem>>, vector<16xi32>,
    %get3A_243 = vector.shape_cast %get3A_242 : vector<16xi32> to vector<16xi32>
    %add3A_244 = arith.constant 0 : i32
    %add3A_245 = vector.broadcast %add3A_244 : i32 to vector<16xi32>
    %add3A_246 = arith.addi %get3A_243, %add3A_245 : vector<16xi32>
    %swap3A_247 = arith.constant 1 : i32
    %swap3A_248 = arith.index_cast %swap3A_247 : i32 to index
    %swap3A_249 = arith.constant 0 : index
    %swap3A_250 = tpu.vector_load %arg8[%swap3A_248, %swap3A_249] {strides = array<i32>} : memref<12x128xi32, #tpu.memory_space<vmem>>, vector<1x16xi32>,
    %swap3A_251 = vector.shape_cast %swap3A_250 : vector<1x16xi32> to vector<16xi32>
    %swap3A_252 = vector.shape_cast %add3A_246 : vector<16xi32> to vector<1x16xi32>
    tpu.vector_store %arg8[%swap3A_248, %swap3A_249], %swap3A_252 {strides = array<i32>} : memref<12x128xi32, #tpu.memory_space<vmem>>, vector<1x16xi32>,
    %add3A_253 = arith.constant 1000000 : i32
    %add3A_254 = vector.broadcast %add3A_253 : i32 to vector<16xi32>
    %add3A_255 = arith.addi %get3A_243, %add3A_254 : vector<16xi32>
    %swap3A_256 = arith.constant 5 : i32
    %swap3A_257 = arith.index_cast %swap3A_256 : i32 to index
    %swap3A_258 = arith.constant 0 : index
    %swap3A_259 = tpu.vector_load %arg8[%swap3A_257, %swap3A_258] {strides = array<i32>} : memref<12x128xi32, #tpu.memory_space<vmem>>, vector<1x16xi32>,
    %swap3A_260 = vector.shape_cast %swap3A_259 : vector<1x16xi32> to vector<16xi32>
    %swap3A_261 = vector.shape_cast %add3A_255 : vector<16xi32> to vector<1x16xi32>
    tpu.vector_store %arg8[%swap3A_257, %swap3A_258], %swap3A_261 {strides = array<i32>} : memref<12x128xi32, #tpu.memory_space<vmem>>, vector<1x16xi32>,
    %add3A_262 = arith.constant 2000000 : i32
    %add3A_263 = vector.broadcast %add3A_262 : i32 to vector<16xi32>
    %add3A_264 = arith.addi %get3A_243, %add3A_263 : vector<16xi32>
    %swap3A_265 = arith.constant 9 : i32
    %swap3A_266 = arith.index_cast %swap3A_265 : i32 to index
    %swap3A_267 = arith.constant 0 : index
    %swap3A_268 = tpu.vector_load %arg8[%swap3A_266, %swap3A_267] {strides = array<i32>} : memref<12x128xi32, #tpu.memory_space<vmem>>, vector<1x16xi32>,
    %swap3A_269 = vector.shape_cast %swap3A_268 : vector<1x16xi32> to vector<16xi32>
    %swap3A_270 = vector.shape_cast %add3A_264 : vector<16xi32> to vector<1x16xi32>
    tpu.vector_store %arg8[%swap3A_266, %swap3A_267], %swap3A_270 {strides = array<i32>} : memref<12x128xi32, #tpu.memory_space<vmem>>, vector<1x16xi32>,
    %get3A_271 = arith.constant 144 : index
    %get3A_272 = tpu.vector_load %arg7[%get3A_271] {strides = array<i32>} : memref<512xi32, #tpu.memory_space<vmem>>, vector<16xi32>,
    %get3A_273 = vector.shape_cast %get3A_272 : vector<16xi32> to vector<16xi32>
    %add3A_274 = arith.constant 0 : i32
    %add3A_275 = vector.broadcast %add3A_274 : i32 to vector<16xi32>
    %add3A_276 = arith.addi %get3A_273, %add3A_275 : vector<16xi32>
    %swap3A_277 = arith.constant 1 : i32
    %swap3A_278 = arith.index_cast %swap3A_277 : i32 to index
    %swap3A_279 = arith.constant 16 : index
    %swap3A_280 = tpu.vector_load %arg8[%swap3A_278, %swap3A_279] {strides = array<i32>} : memref<12x128xi32, #tpu.memory_space<vmem>>, vector<1x16xi32>,
    %swap3A_281 = vector.shape_cast %swap3A_280 : vector<1x16xi32> to vector<16xi32>
    %swap3A_282 = vector.shape_cast %add3A_276 : vector<16xi32> to vector<1x16xi32>
    tpu.vector_store %arg8[%swap3A_278, %swap3A_279], %swap3A_282 {strides = array<i32>} : memref<12x128xi32, #tpu.memory_space<vmem>>, vector<1x16xi32>,
    %add3A_283 = arith.constant 1000000 : i32
    %add3A_284 = vector.broadcast %add3A_283 : i32 to vector<16xi32>
    %add3A_285 = arith.addi %get3A_273, %add3A_284 : vector<16xi32>
    %swap3A_286 = arith.constant 5 : i32
    %swap3A_287 = arith.index_cast %swap3A_286 : i32 to index
    %swap3A_288 = arith.constant 16 : index
    %swap3A_289 = tpu.vector_load %arg8[%swap3A_287, %swap3A_288] {strides = array<i32>} : memref<12x128xi32, #tpu.memory_space<vmem>>, vector<1x16xi32>,
    %swap3A_290 = vector.shape_cast %swap3A_289 : vector<1x16xi32> to vector<16xi32>
    %swap3A_291 = vector.shape_cast %add3A_285 : vector<16xi32> to vector<1x16xi32>
    tpu.vector_store %arg8[%swap3A_287, %swap3A_288], %swap3A_291 {strides = array<i32>} : memref<12x128xi32, #tpu.memory_space<vmem>>, vector<1x16xi32>,
    %add3A_292 = arith.constant 2000000 : i32
    %add3A_293 = vector.broadcast %add3A_292 : i32 to vector<16xi32>
    %add3A_294 = arith.addi %get3A_273, %add3A_293 : vector<16xi32>
    %swap3A_295 = arith.constant 9 : i32
    %swap3A_296 = arith.index_cast %swap3A_295 : i32 to index
    %swap3A_297 = arith.constant 16 : index
    %swap3A_298 = tpu.vector_load %arg8[%swap3A_296, %swap3A_297] {strides = array<i32>} : memref<12x128xi32, #tpu.memory_space<vmem>>, vector<1x16xi32>,
    %swap3A_299 = vector.shape_cast %swap3A_298 : vector<1x16xi32> to vector<16xi32>
    %swap3A_300 = vector.shape_cast %add3A_294 : vector<16xi32> to vector<1x16xi32>
    tpu.vector_store %arg8[%swap3A_296, %swap3A_297], %swap3A_300 {strides = array<i32>} : memref<12x128xi32, #tpu.memory_space<vmem>>, vector<1x16xi32>,
    %get3A_301 = arith.constant 160 : index
    %get3A_302 = tpu.vector_load %arg7[%get3A_301] {strides = array<i32>} : memref<512xi32, #tpu.memory_space<vmem>>, vector<16xi32>,
    %get3A_303 = vector.shape_cast %get3A_302 : vector<16xi32> to vector<16xi32>
    %add3A_304 = arith.constant 0 : i32
    %add3A_305 = vector.broadcast %add3A_304 : i32 to vector<16xi32>
    %add3A_306 = arith.addi %get3A_303, %add3A_305 : vector<16xi32>
    %swap3A_307 = arith.constant 1 : i32
    %swap3A_308 = arith.index_cast %swap3A_307 : i32 to index
    %swap3A_309 = arith.constant 32 : index
    %swap3A_310 = tpu.vector_load %arg8[%swap3A_308, %swap3A_309] {strides = array<i32>} : memref<12x128xi32, #tpu.memory_space<vmem>>, vector<1x16xi32>,
    %swap3A_311 = vector.shape_cast %swap3A_310 : vector<1x16xi32> to vector<16xi32>
    %swap3A_312 = vector.shape_cast %add3A_306 : vector<16xi32> to vector<1x16xi32>
    tpu.vector_store %arg8[%swap3A_308, %swap3A_309], %swap3A_312 {strides = array<i32>} : memref<12x128xi32, #tpu.memory_space<vmem>>, vector<1x16xi32>,
    %add3A_313 = arith.constant 1000000 : i32
    %add3A_314 = vector.broadcast %add3A_313 : i32 to vector<16xi32>
    %add3A_315 = arith.addi %get3A_303, %add3A_314 : vector<16xi32>
    %swap3A_316 = arith.constant 5 : i32
    %swap3A_317 = arith.index_cast %swap3A_316 : i32 to index
    %swap3A_318 = arith.constant 32 : index
    %swap3A_319 = tpu.vector_load %arg8[%swap3A_317, %swap3A_318] {strides = array<i32>} : memref<12x128xi32, #tpu.memory_space<vmem>>, vector<1x16xi32>,
    %swap3A_320 = vector.shape_cast %swap3A_319 : vector<1x16xi32> to vector<16xi32>
    %swap3A_321 = vector.shape_cast %add3A_315 : vector<16xi32> to vector<1x16xi32>
    tpu.vector_store %arg8[%swap3A_317, %swap3A_318], %swap3A_321 {strides = array<i32>} : memref<12x128xi32, #tpu.memory_space<vmem>>, vector<1x16xi32>,
    %add3A_322 = arith.constant 2000000 : i32
    %add3A_323 = vector.broadcast %add3A_322 : i32 to vector<16xi32>
    %add3A_324 = arith.addi %get3A_303, %add3A_323 : vector<16xi32>
    %swap3A_325 = arith.constant 9 : i32
    %swap3A_326 = arith.index_cast %swap3A_325 : i32 to index
    %swap3A_327 = arith.constant 32 : index
    %swap3A_328 = tpu.vector_load %arg8[%swap3A_326, %swap3A_327] {strides = array<i32>} : memref<12x128xi32, #tpu.memory_space<vmem>>, vector<1x16xi32>,
    %swap3A_329 = vector.shape_cast %swap3A_328 : vector<1x16xi32> to vector<16xi32>
    %swap3A_330 = vector.shape_cast %add3A_324 : vector<16xi32> to vector<1x16xi32>
    tpu.vector_store %arg8[%swap3A_326, %swap3A_327], %swap3A_330 {strides = array<i32>} : memref<12x128xi32, #tpu.memory_space<vmem>>, vector<1x16xi32>,
    %get3A_331 = arith.constant 176 : index
    %get3A_332 = tpu.vector_load %arg7[%get3A_331] {strides = array<i32>} : memref<512xi32, #tpu.memory_space<vmem>>, vector<16xi32>,
    %get3A_333 = vector.shape_cast %get3A_332 : vector<16xi32> to vector<16xi32>
    %add3A_334 = arith.constant 0 : i32
    %add3A_335 = vector.broadcast %add3A_334 : i32 to vector<16xi32>
    %add3A_336 = arith.addi %get3A_333, %add3A_335 : vector<16xi32>
    %swap3A_337 = arith.constant 1 : i32
    %swap3A_338 = arith.index_cast %swap3A_337 : i32 to index
    %swap3A_339 = arith.constant 48 : index
    %swap3A_340 = tpu.vector_load %arg8[%swap3A_338, %swap3A_339] {strides = array<i32>} : memref<12x128xi32, #tpu.memory_space<vmem>>, vector<1x16xi32>,
    %swap3A_341 = vector.shape_cast %swap3A_340 : vector<1x16xi32> to vector<16xi32>
    %swap3A_342 = vector.shape_cast %add3A_336 : vector<16xi32> to vector<1x16xi32>
    tpu.vector_store %arg8[%swap3A_338, %swap3A_339], %swap3A_342 {strides = array<i32>} : memref<12x128xi32, #tpu.memory_space<vmem>>, vector<1x16xi32>,
    %add3A_343 = arith.constant 1000000 : i32
    %add3A_344 = vector.broadcast %add3A_343 : i32 to vector<16xi32>
    %add3A_345 = arith.addi %get3A_333, %add3A_344 : vector<16xi32>
    %swap3A_346 = arith.constant 5 : i32
    %swap3A_347 = arith.index_cast %swap3A_346 : i32 to index
    %swap3A_348 = arith.constant 48 : index
    %swap3A_349 = tpu.vector_load %arg8[%swap3A_347, %swap3A_348] {strides = array<i32>} : memref<12x128xi32, #tpu.memory_space<vmem>>, vector<1x16xi32>,
    %swap3A_350 = vector.shape_cast %swap3A_349 : vector<1x16xi32> to vector<16xi32>
    %swap3A_351 = vector.shape_cast %add3A_345 : vector<16xi32> to vector<1x16xi32>
    tpu.vector_store %arg8[%swap3A_347, %swap3A_348], %swap3A_351 {strides = array<i32>} : memref<12x128xi32, #tpu.memory_space<vmem>>, vector<1x16xi32>,
    %add3A_352 = arith.constant 2000000 : i32
    %add3A_353 = vector.broadcast %add3A_352 : i32 to vector<16xi32>
    %add3A_354 = arith.addi %get3A_333, %add3A_353 : vector<16xi32>
    %swap3A_355 = arith.constant 9 : i32
    %swap3A_356 = arith.index_cast %swap3A_355 : i32 to index
    %swap3A_357 = arith.constant 48 : index
    %swap3A_358 = tpu.vector_load %arg8[%swap3A_356, %swap3A_357] {strides = array<i32>} : memref<12x128xi32, #tpu.memory_space<vmem>>, vector<1x16xi32>,
    %swap3A_359 = vector.shape_cast %swap3A_358 : vector<1x16xi32> to vector<16xi32>
    %swap3A_360 = vector.shape_cast %add3A_354 : vector<16xi32> to vector<1x16xi32>
    tpu.vector_store %arg8[%swap3A_356, %swap3A_357], %swap3A_360 {strides = array<i32>} : memref<12x128xi32, #tpu.memory_space<vmem>>, vector<1x16xi32>,
    %get3A_361 = arith.constant 192 : index
    %get3A_362 = tpu.vector_load %arg7[%get3A_361] {strides = array<i32>} : memref<512xi32, #tpu.memory_space<vmem>>, vector<16xi32>,
    %get3A_363 = vector.shape_cast %get3A_362 : vector<16xi32> to vector<16xi32>
    %add3A_364 = arith.constant 0 : i32
    %add3A_365 = vector.broadcast %add3A_364 : i32 to vector<16xi32>
    %add3A_366 = arith.addi %get3A_363, %add3A_365 : vector<16xi32>
    %swap3A_367 = arith.constant 1 : i32
    %swap3A_368 = arith.index_cast %swap3A_367 : i32 to index
    %swap3A_369 = arith.constant 64 : index
    %swap3A_370 = tpu.vector_load %arg8[%swap3A_368, %swap3A_369] {strides = array<i32>} : memref<12x128xi32, #tpu.memory_space<vmem>>, vector<1x16xi32>,
    %swap3A_371 = vector.shape_cast %swap3A_370 : vector<1x16xi32> to vector<16xi32>
    %swap3A_372 = vector.shape_cast %add3A_366 : vector<16xi32> to vector<1x16xi32>
    tpu.vector_store %arg8[%swap3A_368, %swap3A_369], %swap3A_372 {strides = array<i32>} : memref<12x128xi32, #tpu.memory_space<vmem>>, vector<1x16xi32>,
    %add3A_373 = arith.constant 1000000 : i32
    %add3A_374 = vector.broadcast %add3A_373 : i32 to vector<16xi32>
    %add3A_375 = arith.addi %get3A_363, %add3A_374 : vector<16xi32>
    %swap3A_376 = arith.constant 5 : i32
    %swap3A_377 = arith.index_cast %swap3A_376 : i32 to index
    %swap3A_378 = arith.constant 64 : index
    %swap3A_379 = tpu.vector_load %arg8[%swap3A_377, %swap3A_378] {strides = array<i32>} : memref<12x128xi32, #tpu.memory_space<vmem>>, vector<1x16xi32>,
    %swap3A_380 = vector.shape_cast %swap3A_379 : vector<1x16xi32> to vector<16xi32>
    %swap3A_381 = vector.shape_cast %add3A_375 : vector<16xi32> to vector<1x16xi32>
    tpu.vector_store %arg8[%swap3A_377, %swap3A_378], %swap3A_381 {strides = array<i32>} : memref<12x128xi32, #tpu.memory_space<vmem>>, vector<1x16xi32>,
    %add3A_382 = arith.constant 2000000 : i32
    %add3A_383 = vector.broadcast %add3A_382 : i32 to vector<16xi32>
    %add3A_384 = arith.addi %get3A_363, %add3A_383 : vector<16xi32>
    %swap3A_385 = arith.constant 9 : i32
    %swap3A_386 = arith.index_cast %swap3A_385 : i32 to index
    %swap3A_387 = arith.constant 64 : index
    %swap3A_388 = tpu.vector_load %arg8[%swap3A_386, %swap3A_387] {strides = array<i32>} : memref<12x128xi32, #tpu.memory_space<vmem>>, vector<1x16xi32>,
    %swap3A_389 = vector.shape_cast %swap3A_388 : vector<1x16xi32> to vector<16xi32>
    %swap3A_390 = vector.shape_cast %add3A_384 : vector<16xi32> to vector<1x16xi32>
    tpu.vector_store %arg8[%swap3A_386, %swap3A_387], %swap3A_390 {strides = array<i32>} : memref<12x128xi32, #tpu.memory_space<vmem>>, vector<1x16xi32>,
    %get3A_391 = arith.constant 208 : index
    %get3A_392 = tpu.vector_load %arg7[%get3A_391] {strides = array<i32>} : memref<512xi32, #tpu.memory_space<vmem>>, vector<16xi32>,
    %get3A_393 = vector.shape_cast %get3A_392 : vector<16xi32> to vector<16xi32>
    %add3A_394 = arith.constant 0 : i32
    %add3A_395 = vector.broadcast %add3A_394 : i32 to vector<16xi32>
    %add3A_396 = arith.addi %get3A_393, %add3A_395 : vector<16xi32>
    %swap3A_397 = arith.constant 1 : i32
    %swap3A_398 = arith.index_cast %swap3A_397 : i32 to index
    %swap3A_399 = arith.constant 80 : index
    %swap3A_400 = tpu.vector_load %arg8[%swap3A_398, %swap3A_399] {strides = array<i32>} : memref<12x128xi32, #tpu.memory_space<vmem>>, vector<1x16xi32>,
    %swap3A_401 = vector.shape_cast %swap3A_400 : vector<1x16xi32> to vector<16xi32>
    %swap3A_402 = vector.shape_cast %add3A_396 : vector<16xi32> to vector<1x16xi32>
    tpu.vector_store %arg8[%swap3A_398, %swap3A_399], %swap3A_402 {strides = array<i32>} : memref<12x128xi32, #tpu.memory_space<vmem>>, vector<1x16xi32>,
    %add3A_403 = arith.constant 1000000 : i32
    %add3A_404 = vector.broadcast %add3A_403 : i32 to vector<16xi32>
    %add3A_405 = arith.addi %get3A_393, %add3A_404 : vector<16xi32>
    %swap3A_406 = arith.constant 5 : i32
    %swap3A_407 = arith.index_cast %swap3A_406 : i32 to index
    %swap3A_408 = arith.constant 80 : index
    %swap3A_409 = tpu.vector_load %arg8[%swap3A_407, %swap3A_408] {strides = array<i32>} : memref<12x128xi32, #tpu.memory_space<vmem>>, vector<1x16xi32>,
    %swap3A_410 = vector.shape_cast %swap3A_409 : vector<1x16xi32> to vector<16xi32>
    %swap3A_411 = vector.shape_cast %add3A_405 : vector<16xi32> to vector<1x16xi32>
    tpu.vector_store %arg8[%swap3A_407, %swap3A_408], %swap3A_411 {strides = array<i32>} : memref<12x128xi32, #tpu.memory_space<vmem>>, vector<1x16xi32>,
    %add3A_412 = arith.constant 2000000 : i32
    %add3A_413 = vector.broadcast %add3A_412 : i32 to vector<16xi32>
    %add3A_414 = arith.addi %get3A_393, %add3A_413 : vector<16xi32>
    %swap3A_415 = arith.constant 9 : i32
    %swap3A_416 = arith.index_cast %swap3A_415 : i32 to index
    %swap3A_417 = arith.constant 80 : index
    %swap3A_418 = tpu.vector_load %arg8[%swap3A_416, %swap3A_417] {strides = array<i32>} : memref<12x128xi32, #tpu.memory_space<vmem>>, vector<1x16xi32>,
    %swap3A_419 = vector.shape_cast %swap3A_418 : vector<1x16xi32> to vector<16xi32>
    %swap3A_420 = vector.shape_cast %add3A_414 : vector<16xi32> to vector<1x16xi32>
    tpu.vector_store %arg8[%swap3A_416, %swap3A_417], %swap3A_420 {strides = array<i32>} : memref<12x128xi32, #tpu.memory_space<vmem>>, vector<1x16xi32>,
    %get3A_421 = arith.constant 224 : index
    %get3A_422 = tpu.vector_load %arg7[%get3A_421] {strides = array<i32>} : memref<512xi32, #tpu.memory_space<vmem>>, vector<16xi32>,
    %get3A_423 = vector.shape_cast %get3A_422 : vector<16xi32> to vector<16xi32>
    %add3A_424 = arith.constant 0 : i32
    %add3A_425 = vector.broadcast %add3A_424 : i32 to vector<16xi32>
    %add3A_426 = arith.addi %get3A_423, %add3A_425 : vector<16xi32>
    %swap3A_427 = arith.constant 1 : i32
    %swap3A_428 = arith.index_cast %swap3A_427 : i32 to index
    %swap3A_429 = arith.constant 96 : index
    %swap3A_430 = tpu.vector_load %arg8[%swap3A_428, %swap3A_429] {strides = array<i32>} : memref<12x128xi32, #tpu.memory_space<vmem>>, vector<1x16xi32>,
    %swap3A_431 = vector.shape_cast %swap3A_430 : vector<1x16xi32> to vector<16xi32>
    %swap3A_432 = vector.shape_cast %add3A_426 : vector<16xi32> to vector<1x16xi32>
    tpu.vector_store %arg8[%swap3A_428, %swap3A_429], %swap3A_432 {strides = array<i32>} : memref<12x128xi32, #tpu.memory_space<vmem>>, vector<1x16xi32>,
    %add3A_433 = arith.constant 1000000 : i32
    %add3A_434 = vector.broadcast %add3A_433 : i32 to vector<16xi32>
    %add3A_435 = arith.addi %get3A_423, %add3A_434 : vector<16xi32>
    %swap3A_436 = arith.constant 5 : i32
    %swap3A_437 = arith.index_cast %swap3A_436 : i32 to index
    %swap3A_438 = arith.constant 96 : index
    %swap3A_439 = tpu.vector_load %arg8[%swap3A_437, %swap3A_438] {strides = array<i32>} : memref<12x128xi32, #tpu.memory_space<vmem>>, vector<1x16xi32>,
    %swap3A_440 = vector.shape_cast %swap3A_439 : vector<1x16xi32> to vector<16xi32>
    %swap3A_441 = vector.shape_cast %add3A_435 : vector<16xi32> to vector<1x16xi32>
    tpu.vector_store %arg8[%swap3A_437, %swap3A_438], %swap3A_441 {strides = array<i32>} : memref<12x128xi32, #tpu.memory_space<vmem>>, vector<1x16xi32>,
    %add3A_442 = arith.constant 2000000 : i32
    %add3A_443 = vector.broadcast %add3A_442 : i32 to vector<16xi32>
    %add3A_444 = arith.addi %get3A_423, %add3A_443 : vector<16xi32>
    %swap3A_445 = arith.constant 9 : i32
    %swap3A_446 = arith.index_cast %swap3A_445 : i32 to index
    %swap3A_447 = arith.constant 96 : index
    %swap3A_448 = tpu.vector_load %arg8[%swap3A_446, %swap3A_447] {strides = array<i32>} : memref<12x128xi32, #tpu.memory_space<vmem>>, vector<1x16xi32>,
    %swap3A_449 = vector.shape_cast %swap3A_448 : vector<1x16xi32> to vector<16xi32>
    %swap3A_450 = vector.shape_cast %add3A_444 : vector<16xi32> to vector<1x16xi32>
    tpu.vector_store %arg8[%swap3A_446, %swap3A_447], %swap3A_450 {strides = array<i32>} : memref<12x128xi32, #tpu.memory_space<vmem>>, vector<1x16xi32>,
    %get3A_451 = arith.constant 240 : index
    %get3A_452 = tpu.vector_load %arg7[%get3A_451] {strides = array<i32>} : memref<512xi32, #tpu.memory_space<vmem>>, vector<16xi32>,
    %get3A_453 = vector.shape_cast %get3A_452 : vector<16xi32> to vector<16xi32>
    %add3A_454 = arith.constant 0 : i32
    %add3A_455 = vector.broadcast %add3A_454 : i32 to vector<16xi32>
    %add3A_456 = arith.addi %get3A_453, %add3A_455 : vector<16xi32>
    %swap3A_457 = arith.constant 1 : i32
    %swap3A_458 = arith.index_cast %swap3A_457 : i32 to index
    %swap3A_459 = arith.constant 112 : index
    %swap3A_460 = tpu.vector_load %arg8[%swap3A_458, %swap3A_459] {strides = array<i32>} : memref<12x128xi32, #tpu.memory_space<vmem>>, vector<1x16xi32>,
    %swap3A_461 = vector.shape_cast %swap3A_460 : vector<1x16xi32> to vector<16xi32>
    %swap3A_462 = vector.shape_cast %add3A_456 : vector<16xi32> to vector<1x16xi32>
    tpu.vector_store %arg8[%swap3A_458, %swap3A_459], %swap3A_462 {strides = array<i32>} : memref<12x128xi32, #tpu.memory_space<vmem>>, vector<1x16xi32>,
    %add3A_463 = arith.constant 1000000 : i32
    %add3A_464 = vector.broadcast %add3A_463 : i32 to vector<16xi32>
    %add3A_465 = arith.addi %get3A_453, %add3A_464 : vector<16xi32>
    %swap3A_466 = arith.constant 5 : i32
    %swap3A_467 = arith.index_cast %swap3A_466 : i32 to index
    %swap3A_468 = arith.constant 112 : index
    %swap3A_469 = tpu.vector_load %arg8[%swap3A_467, %swap3A_468] {strides = array<i32>} : memref<12x128xi32, #tpu.memory_space<vmem>>, vector<1x16xi32>,
    %swap3A_470 = vector.shape_cast %swap3A_469 : vector<1x16xi32> to vector<16xi32>
    %swap3A_471 = vector.shape_cast %add3A_465 : vector<16xi32> to vector<1x16xi32>
    tpu.vector_store %arg8[%swap3A_467, %swap3A_468], %swap3A_471 {strides = array<i32>} : memref<12x128xi32, #tpu.memory_space<vmem>>, vector<1x16xi32>,
    %add3A_472 = arith.constant 2000000 : i32
    %add3A_473 = vector.broadcast %add3A_472 : i32 to vector<16xi32>
    %add3A_474 = arith.addi %get3A_453, %add3A_473 : vector<16xi32>
    %swap3A_475 = arith.constant 9 : i32
    %swap3A_476 = arith.index_cast %swap3A_475 : i32 to index
    %swap3A_477 = arith.constant 112 : index
    %swap3A_478 = tpu.vector_load %arg8[%swap3A_476, %swap3A_477] {strides = array<i32>} : memref<12x128xi32, #tpu.memory_space<vmem>>, vector<1x16xi32>,
    %swap3A_479 = vector.shape_cast %swap3A_478 : vector<1x16xi32> to vector<16xi32>
    %swap3A_480 = vector.shape_cast %add3A_474 : vector<16xi32> to vector<1x16xi32>
    tpu.vector_store %arg8[%swap3A_476, %swap3A_477], %swap3A_480 {strides = array<i32>} : memref<12x128xi32, #tpu.memory_space<vmem>>, vector<1x16xi32>,
    %get3A_481 = arith.constant 256 : index
    %get3A_482 = tpu.vector_load %arg7[%get3A_481] {strides = array<i32>} : memref<512xi32, #tpu.memory_space<vmem>>, vector<16xi32>,
    %get3A_483 = vector.shape_cast %get3A_482 : vector<16xi32> to vector<16xi32>
    %add3A_484 = arith.constant 0 : i32
    %add3A_485 = vector.broadcast %add3A_484 : i32 to vector<16xi32>
    %add3A_486 = arith.addi %get3A_483, %add3A_485 : vector<16xi32>
    %swap3A_487 = arith.constant 2 : i32
    %swap3A_488 = arith.index_cast %swap3A_487 : i32 to index
    %swap3A_489 = arith.constant 0 : index
    %swap3A_490 = tpu.vector_load %arg8[%swap3A_488, %swap3A_489] {strides = array<i32>} : memref<12x128xi32, #tpu.memory_space<vmem>>, vector<1x16xi32>,
    %swap3A_491 = vector.shape_cast %swap3A_490 : vector<1x16xi32> to vector<16xi32>
    %swap3A_492 = vector.shape_cast %add3A_486 : vector<16xi32> to vector<1x16xi32>
    tpu.vector_store %arg8[%swap3A_488, %swap3A_489], %swap3A_492 {strides = array<i32>} : memref<12x128xi32, #tpu.memory_space<vmem>>, vector<1x16xi32>,
    %add3A_493 = arith.constant 1000000 : i32
    %add3A_494 = vector.broadcast %add3A_493 : i32 to vector<16xi32>
    %add3A_495 = arith.addi %get3A_483, %add3A_494 : vector<16xi32>
    %swap3A_496 = arith.constant 6 : i32
    %swap3A_497 = arith.index_cast %swap3A_496 : i32 to index
    %swap3A_498 = arith.constant 0 : index
    %swap3A_499 = tpu.vector_load %arg8[%swap3A_497, %swap3A_498] {strides = array<i32>} : memref<12x128xi32, #tpu.memory_space<vmem>>, vector<1x16xi32>,
    %swap3A_500 = vector.shape_cast %swap3A_499 : vector<1x16xi32> to vector<16xi32>
    %swap3A_501 = vector.shape_cast %add3A_495 : vector<16xi32> to vector<1x16xi32>
    tpu.vector_store %arg8[%swap3A_497, %swap3A_498], %swap3A_501 {strides = array<i32>} : memref<12x128xi32, #tpu.memory_space<vmem>>, vector<1x16xi32>,
    %add3A_502 = arith.constant 2000000 : i32
    %add3A_503 = vector.broadcast %add3A_502 : i32 to vector<16xi32>
    %add3A_504 = arith.addi %get3A_483, %add3A_503 : vector<16xi32>
    %swap3A_505 = arith.constant 10 : i32
    %swap3A_506 = arith.index_cast %swap3A_505 : i32 to index
    %swap3A_507 = arith.constant 0 : index
    %swap3A_508 = tpu.vector_load %arg8[%swap3A_506, %swap3A_507] {strides = array<i32>} : memref<12x128xi32, #tpu.memory_space<vmem>>, vector<1x16xi32>,
    %swap3A_509 = vector.shape_cast %swap3A_508 : vector<1x16xi32> to vector<16xi32>
    %swap3A_510 = vector.shape_cast %add3A_504 : vector<16xi32> to vector<1x16xi32>
    tpu.vector_store %arg8[%swap3A_506, %swap3A_507], %swap3A_510 {strides = array<i32>} : memref<12x128xi32, #tpu.memory_space<vmem>>, vector<1x16xi32>,
    %get3A_511 = arith.constant 272 : index
    %get3A_512 = tpu.vector_load %arg7[%get3A_511] {strides = array<i32>} : memref<512xi32, #tpu.memory_space<vmem>>, vector<16xi32>,
    %get3A_513 = vector.shape_cast %get3A_512 : vector<16xi32> to vector<16xi32>
    %add3A_514 = arith.constant 0 : i32
    %add3A_515 = vector.broadcast %add3A_514 : i32 to vector<16xi32>
    %add3A_516 = arith.addi %get3A_513, %add3A_515 : vector<16xi32>
    %swap3A_517 = arith.constant 2 : i32
    %swap3A_518 = arith.index_cast %swap3A_517 : i32 to index
    %swap3A_519 = arith.constant 16 : index
    %swap3A_520 = tpu.vector_load %arg8[%swap3A_518, %swap3A_519] {strides = array<i32>} : memref<12x128xi32, #tpu.memory_space<vmem>>, vector<1x16xi32>,
    %swap3A_521 = vector.shape_cast %swap3A_520 : vector<1x16xi32> to vector<16xi32>
    %swap3A_522 = vector.shape_cast %add3A_516 : vector<16xi32> to vector<1x16xi32>
    tpu.vector_store %arg8[%swap3A_518, %swap3A_519], %swap3A_522 {strides = array<i32>} : memref<12x128xi32, #tpu.memory_space<vmem>>, vector<1x16xi32>,
    %add3A_523 = arith.constant 1000000 : i32
    %add3A_524 = vector.broadcast %add3A_523 : i32 to vector<16xi32>
    %add3A_525 = arith.addi %get3A_513, %add3A_524 : vector<16xi32>
    %swap3A_526 = arith.constant 6 : i32
    %swap3A_527 = arith.index_cast %swap3A_526 : i32 to index
    %swap3A_528 = arith.constant 16 : index
    %swap3A_529 = tpu.vector_load %arg8[%swap3A_527, %swap3A_528] {strides = array<i32>} : memref<12x128xi32, #tpu.memory_space<vmem>>, vector<1x16xi32>,
    %swap3A_530 = vector.shape_cast %swap3A_529 : vector<1x16xi32> to vector<16xi32>
    %swap3A_531 = vector.shape_cast %add3A_525 : vector<16xi32> to vector<1x16xi32>
    tpu.vector_store %arg8[%swap3A_527, %swap3A_528], %swap3A_531 {strides = array<i32>} : memref<12x128xi32, #tpu.memory_space<vmem>>, vector<1x16xi32>,
    %add3A_532 = arith.constant 2000000 : i32
    %add3A_533 = vector.broadcast %add3A_532 : i32 to vector<16xi32>
    %add3A_534 = arith.addi %get3A_513, %add3A_533 : vector<16xi32>
    %swap3A_535 = arith.constant 10 : i32
    %swap3A_536 = arith.index_cast %swap3A_535 : i32 to index
    %swap3A_537 = arith.constant 16 : index
    %swap3A_538 = tpu.vector_load %arg8[%swap3A_536, %swap3A_537] {strides = array<i32>} : memref<12x128xi32, #tpu.memory_space<vmem>>, vector<1x16xi32>,
    %swap3A_539 = vector.shape_cast %swap3A_538 : vector<1x16xi32> to vector<16xi32>
    %swap3A_540 = vector.shape_cast %add3A_534 : vector<16xi32> to vector<1x16xi32>
    tpu.vector_store %arg8[%swap3A_536, %swap3A_537], %swap3A_540 {strides = array<i32>} : memref<12x128xi32, #tpu.memory_space<vmem>>, vector<1x16xi32>,
    %get3A_541 = arith.constant 288 : index
    %get3A_542 = tpu.vector_load %arg7[%get3A_541] {strides = array<i32>} : memref<512xi32, #tpu.memory_space<vmem>>, vector<16xi32>,
    %get3A_543 = vector.shape_cast %get3A_542 : vector<16xi32> to vector<16xi32>
    %add3A_544 = arith.constant 0 : i32
    %add3A_545 = vector.broadcast %add3A_544 : i32 to vector<16xi32>
    %add3A_546 = arith.addi %get3A_543, %add3A_545 : vector<16xi32>
    %swap3A_547 = arith.constant 2 : i32
    %swap3A_548 = arith.index_cast %swap3A_547 : i32 to index
    %swap3A_549 = arith.constant 32 : index
    %swap3A_550 = tpu.vector_load %arg8[%swap3A_548, %swap3A_549] {strides = array<i32>} : memref<12x128xi32, #tpu.memory_space<vmem>>, vector<1x16xi32>,
    %swap3A_551 = vector.shape_cast %swap3A_550 : vector<1x16xi32> to vector<16xi32>
    %swap3A_552 = vector.shape_cast %add3A_546 : vector<16xi32> to vector<1x16xi32>
    tpu.vector_store %arg8[%swap3A_548, %swap3A_549], %swap3A_552 {strides = array<i32>} : memref<12x128xi32, #tpu.memory_space<vmem>>, vector<1x16xi32>,
    %add3A_553 = arith.constant 1000000 : i32
    %add3A_554 = vector.broadcast %add3A_553 : i32 to vector<16xi32>
    %add3A_555 = arith.addi %get3A_543, %add3A_554 : vector<16xi32>
    %swap3A_556 = arith.constant 6 : i32
    %swap3A_557 = arith.index_cast %swap3A_556 : i32 to index
    %swap3A_558 = arith.constant 32 : index
    %swap3A_559 = tpu.vector_load %arg8[%swap3A_557, %swap3A_558] {strides = array<i32>} : memref<12x128xi32, #tpu.memory_space<vmem>>, vector<1x16xi32>,
    %swap3A_560 = vector.shape_cast %swap3A_559 : vector<1x16xi32> to vector<16xi32>
    %swap3A_561 = vector.shape_cast %add3A_555 : vector<16xi32> to vector<1x16xi32>
    tpu.vector_store %arg8[%swap3A_557, %swap3A_558], %swap3A_561 {strides = array<i32>} : memref<12x128xi32, #tpu.memory_space<vmem>>, vector<1x16xi32>,
    %add3A_562 = arith.constant 2000000 : i32
    %add3A_563 = vector.broadcast %add3A_562 : i32 to vector<16xi32>
    %add3A_564 = arith.addi %get3A_543, %add3A_563 : vector<16xi32>
    %swap3A_565 = arith.constant 10 : i32
    %swap3A_566 = arith.index_cast %swap3A_565 : i32 to index
    %swap3A_567 = arith.constant 32 : index
    %swap3A_568 = tpu.vector_load %arg8[%swap3A_566, %swap3A_567] {strides = array<i32>} : memref<12x128xi32, #tpu.memory_space<vmem>>, vector<1x16xi32>,
    %swap3A_569 = vector.shape_cast %swap3A_568 : vector<1x16xi32> to vector<16xi32>
    %swap3A_570 = vector.shape_cast %add3A_564 : vector<16xi32> to vector<1x16xi32>
    tpu.vector_store %arg8[%swap3A_566, %swap3A_567], %swap3A_570 {strides = array<i32>} : memref<12x128xi32, #tpu.memory_space<vmem>>, vector<1x16xi32>,
    %get3A_571 = arith.constant 304 : index
    %get3A_572 = tpu.vector_load %arg7[%get3A_571] {strides = array<i32>} : memref<512xi32, #tpu.memory_space<vmem>>, vector<16xi32>,
    %get3A_573 = vector.shape_cast %get3A_572 : vector<16xi32> to vector<16xi32>
    %add3A_574 = arith.constant 0 : i32
    %add3A_575 = vector.broadcast %add3A_574 : i32 to vector<16xi32>
    %add3A_576 = arith.addi %get3A_573, %add3A_575 : vector<16xi32>
    %swap3A_577 = arith.constant 2 : i32
    %swap3A_578 = arith.index_cast %swap3A_577 : i32 to index
    %swap3A_579 = arith.constant 48 : index
    %swap3A_580 = tpu.vector_load %arg8[%swap3A_578, %swap3A_579] {strides = array<i32>} : memref<12x128xi32, #tpu.memory_space<vmem>>, vector<1x16xi32>,
    %swap3A_581 = vector.shape_cast %swap3A_580 : vector<1x16xi32> to vector<16xi32>
    %swap3A_582 = vector.shape_cast %add3A_576 : vector<16xi32> to vector<1x16xi32>
    tpu.vector_store %arg8[%swap3A_578, %swap3A_579], %swap3A_582 {strides = array<i32>} : memref<12x128xi32, #tpu.memory_space<vmem>>, vector<1x16xi32>,
    %add3A_583 = arith.constant 1000000 : i32
    %add3A_584 = vector.broadcast %add3A_583 : i32 to vector<16xi32>
    %add3A_585 = arith.addi %get3A_573, %add3A_584 : vector<16xi32>
    %swap3A_586 = arith.constant 6 : i32
    %swap3A_587 = arith.index_cast %swap3A_586 : i32 to index
    %swap3A_588 = arith.constant 48 : index
    %swap3A_589 = tpu.vector_load %arg8[%swap3A_587, %swap3A_588] {strides = array<i32>} : memref<12x128xi32, #tpu.memory_space<vmem>>, vector<1x16xi32>,
    %swap3A_590 = vector.shape_cast %swap3A_589 : vector<1x16xi32> to vector<16xi32>
    %swap3A_591 = vector.shape_cast %add3A_585 : vector<16xi32> to vector<1x16xi32>
    tpu.vector_store %arg8[%swap3A_587, %swap3A_588], %swap3A_591 {strides = array<i32>} : memref<12x128xi32, #tpu.memory_space<vmem>>, vector<1x16xi32>,
    %add3A_592 = arith.constant 2000000 : i32
    %add3A_593 = vector.broadcast %add3A_592 : i32 to vector<16xi32>
    %add3A_594 = arith.addi %get3A_573, %add3A_593 : vector<16xi32>
    %swap3A_595 = arith.constant 10 : i32
    %swap3A_596 = arith.index_cast %swap3A_595 : i32 to index
    %swap3A_597 = arith.constant 48 : index
    %swap3A_598 = tpu.vector_load %arg8[%swap3A_596, %swap3A_597] {strides = array<i32>} : memref<12x128xi32, #tpu.memory_space<vmem>>, vector<1x16xi32>,
    %swap3A_599 = vector.shape_cast %swap3A_598 : vector<1x16xi32> to vector<16xi32>
    %swap3A_600 = vector.shape_cast %add3A_594 : vector<16xi32> to vector<1x16xi32>
    tpu.vector_store %arg8[%swap3A_596, %swap3A_597], %swap3A_600 {strides = array<i32>} : memref<12x128xi32, #tpu.memory_space<vmem>>, vector<1x16xi32>,
    %get3A_601 = arith.constant 320 : index
    %get3A_602 = tpu.vector_load %arg7[%get3A_601] {strides = array<i32>} : memref<512xi32, #tpu.memory_space<vmem>>, vector<16xi32>,
    %get3A_603 = vector.shape_cast %get3A_602 : vector<16xi32> to vector<16xi32>
    %add3A_604 = arith.constant 0 : i32
    %add3A_605 = vector.broadcast %add3A_604 : i32 to vector<16xi32>
    %add3A_606 = arith.addi %get3A_603, %add3A_605 : vector<16xi32>
    %swap3A_607 = arith.constant 2 : i32
    %swap3A_608 = arith.index_cast %swap3A_607 : i32 to index
    %swap3A_609 = arith.constant 64 : index
    %swap3A_610 = tpu.vector_load %arg8[%swap3A_608, %swap3A_609] {strides = array<i32>} : memref<12x128xi32, #tpu.memory_space<vmem>>, vector<1x16xi32>,
    %swap3A_611 = vector.shape_cast %swap3A_610 : vector<1x16xi32> to vector<16xi32>
    %swap3A_612 = vector.shape_cast %add3A_606 : vector<16xi32> to vector<1x16xi32>
    tpu.vector_store %arg8[%swap3A_608, %swap3A_609], %swap3A_612 {strides = array<i32>} : memref<12x128xi32, #tpu.memory_space<vmem>>, vector<1x16xi32>,
    %add3A_613 = arith.constant 1000000 : i32
    %add3A_614 = vector.broadcast %add3A_613 : i32 to vector<16xi32>
    %add3A_615 = arith.addi %get3A_603, %add3A_614 : vector<16xi32>
    %swap3A_616 = arith.constant 6 : i32
    %swap3A_617 = arith.index_cast %swap3A_616 : i32 to index
    %swap3A_618 = arith.constant 64 : index
    %swap3A_619 = tpu.vector_load %arg8[%swap3A_617, %swap3A_618] {strides = array<i32>} : memref<12x128xi32, #tpu.memory_space<vmem>>, vector<1x16xi32>,
    %swap3A_620 = vector.shape_cast %swap3A_619 : vector<1x16xi32> to vector<16xi32>
    %swap3A_621 = vector.shape_cast %add3A_615 : vector<16xi32> to vector<1x16xi32>
    tpu.vector_store %arg8[%swap3A_617, %swap3A_618], %swap3A_621 {strides = array<i32>} : memref<12x128xi32, #tpu.memory_space<vmem>>, vector<1x16xi32>,
    %add3A_622 = arith.constant 2000000 : i32
    %add3A_623 = vector.broadcast %add3A_622 : i32 to vector<16xi32>
    %add3A_624 = arith.addi %get3A_603, %add3A_623 : vector<16xi32>
    %swap3A_625 = arith.constant 10 : i32
    %swap3A_626 = arith.index_cast %swap3A_625 : i32 to index
    %swap3A_627 = arith.constant 64 : index
    %swap3A_628 = tpu.vector_load %arg8[%swap3A_626, %swap3A_627] {strides = array<i32>} : memref<12x128xi32, #tpu.memory_space<vmem>>, vector<1x16xi32>,
    %swap3A_629 = vector.shape_cast %swap3A_628 : vector<1x16xi32> to vector<16xi32>
    %swap3A_630 = vector.shape_cast %add3A_624 : vector<16xi32> to vector<1x16xi32>
    tpu.vector_store %arg8[%swap3A_626, %swap3A_627], %swap3A_630 {strides = array<i32>} : memref<12x128xi32, #tpu.memory_space<vmem>>, vector<1x16xi32>,
    %get3A_631 = arith.constant 336 : index
    %get3A_632 = tpu.vector_load %arg7[%get3A_631] {strides = array<i32>} : memref<512xi32, #tpu.memory_space<vmem>>, vector<16xi32>,
    %get3A_633 = vector.shape_cast %get3A_632 : vector<16xi32> to vector<16xi32>
    %add3A_634 = arith.constant 0 : i32
    %add3A_635 = vector.broadcast %add3A_634 : i32 to vector<16xi32>
    %add3A_636 = arith.addi %get3A_633, %add3A_635 : vector<16xi32>
    %swap3A_637 = arith.constant 2 : i32
    %swap3A_638 = arith.index_cast %swap3A_637 : i32 to index
    %swap3A_639 = arith.constant 80 : index
    %swap3A_640 = tpu.vector_load %arg8[%swap3A_638, %swap3A_639] {strides = array<i32>} : memref<12x128xi32, #tpu.memory_space<vmem>>, vector<1x16xi32>,
    %swap3A_641 = vector.shape_cast %swap3A_640 : vector<1x16xi32> to vector<16xi32>
    %swap3A_642 = vector.shape_cast %add3A_636 : vector<16xi32> to vector<1x16xi32>
    tpu.vector_store %arg8[%swap3A_638, %swap3A_639], %swap3A_642 {strides = array<i32>} : memref<12x128xi32, #tpu.memory_space<vmem>>, vector<1x16xi32>,
    %add3A_643 = arith.constant 1000000 : i32
    %add3A_644 = vector.broadcast %add3A_643 : i32 to vector<16xi32>
    %add3A_645 = arith.addi %get3A_633, %add3A_644 : vector<16xi32>
    %swap3A_646 = arith.constant 6 : i32
    %swap3A_647 = arith.index_cast %swap3A_646 : i32 to index
    %swap3A_648 = arith.constant 80 : index
    %swap3A_649 = tpu.vector_load %arg8[%swap3A_647, %swap3A_648] {strides = array<i32>} : memref<12x128xi32, #tpu.memory_space<vmem>>, vector<1x16xi32>,
    %swap3A_650 = vector.shape_cast %swap3A_649 : vector<1x16xi32> to vector<16xi32>
    %swap3A_651 = vector.shape_cast %add3A_645 : vector<16xi32> to vector<1x16xi32>
    tpu.vector_store %arg8[%swap3A_647, %swap3A_648], %swap3A_651 {strides = array<i32>} : memref<12x128xi32, #tpu.memory_space<vmem>>, vector<1x16xi32>,
    %add3A_652 = arith.constant 2000000 : i32
    %add3A_653 = vector.broadcast %add3A_652 : i32 to vector<16xi32>
    %add3A_654 = arith.addi %get3A_633, %add3A_653 : vector<16xi32>
    %swap3A_655 = arith.constant 10 : i32
    %swap3A_656 = arith.index_cast %swap3A_655 : i32 to index
    %swap3A_657 = arith.constant 80 : index
    %swap3A_658 = tpu.vector_load %arg8[%swap3A_656, %swap3A_657] {strides = array<i32>} : memref<12x128xi32, #tpu.memory_space<vmem>>, vector<1x16xi32>,
    %swap3A_659 = vector.shape_cast %swap3A_658 : vector<1x16xi32> to vector<16xi32>
    %swap3A_660 = vector.shape_cast %add3A_654 : vector<16xi32> to vector<1x16xi32>
    tpu.vector_store %arg8[%swap3A_656, %swap3A_657], %swap3A_660 {strides = array<i32>} : memref<12x128xi32, #tpu.memory_space<vmem>>, vector<1x16xi32>,
    %get3A_661 = arith.constant 352 : index
    %get3A_662 = tpu.vector_load %arg7[%get3A_661] {strides = array<i32>} : memref<512xi32, #tpu.memory_space<vmem>>, vector<16xi32>,
    %get3A_663 = vector.shape_cast %get3A_662 : vector<16xi32> to vector<16xi32>
    %add3A_664 = arith.constant 0 : i32
    %add3A_665 = vector.broadcast %add3A_664 : i32 to vector<16xi32>
    %add3A_666 = arith.addi %get3A_663, %add3A_665 : vector<16xi32>
    %swap3A_667 = arith.constant 2 : i32
    %swap3A_668 = arith.index_cast %swap3A_667 : i32 to index
    %swap3A_669 = arith.constant 96 : index
    %swap3A_670 = tpu.vector_load %arg8[%swap3A_668, %swap3A_669] {strides = array<i32>} : memref<12x128xi32, #tpu.memory_space<vmem>>, vector<1x16xi32>,
    %swap3A_671 = vector.shape_cast %swap3A_670 : vector<1x16xi32> to vector<16xi32>
    %swap3A_672 = vector.shape_cast %add3A_666 : vector<16xi32> to vector<1x16xi32>
    tpu.vector_store %arg8[%swap3A_668, %swap3A_669], %swap3A_672 {strides = array<i32>} : memref<12x128xi32, #tpu.memory_space<vmem>>, vector<1x16xi32>,
    %add3A_673 = arith.constant 1000000 : i32
    %add3A_674 = vector.broadcast %add3A_673 : i32 to vector<16xi32>
    %add3A_675 = arith.addi %get3A_663, %add3A_674 : vector<16xi32>
    %swap3A_676 = arith.constant 6 : i32
    %swap3A_677 = arith.index_cast %swap3A_676 : i32 to index
    %swap3A_678 = arith.constant 96 : index
    %swap3A_679 = tpu.vector_load %arg8[%swap3A_677, %swap3A_678] {strides = array<i32>} : memref<12x128xi32, #tpu.memory_space<vmem>>, vector<1x16xi32>,
    %swap3A_680 = vector.shape_cast %swap3A_679 : vector<1x16xi32> to vector<16xi32>
    %swap3A_681 = vector.shape_cast %add3A_675 : vector<16xi32> to vector<1x16xi32>
    tpu.vector_store %arg8[%swap3A_677, %swap3A_678], %swap3A_681 {strides = array<i32>} : memref<12x128xi32, #tpu.memory_space<vmem>>, vector<1x16xi32>,
    %add3A_682 = arith.constant 2000000 : i32
    %add3A_683 = vector.broadcast %add3A_682 : i32 to vector<16xi32>
    %add3A_684 = arith.addi %get3A_663, %add3A_683 : vector<16xi32>
    %swap3A_685 = arith.constant 10 : i32
    %swap3A_686 = arith.index_cast %swap3A_685 : i32 to index
    %swap3A_687 = arith.constant 96 : index
    %swap3A_688 = tpu.vector_load %arg8[%swap3A_686, %swap3A_687] {strides = array<i32>} : memref<12x128xi32, #tpu.memory_space<vmem>>, vector<1x16xi32>,
    %swap3A_689 = vector.shape_cast %swap3A_688 : vector<1x16xi32> to vector<16xi32>
    %swap3A_690 = vector.shape_cast %add3A_684 : vector<16xi32> to vector<1x16xi32>
    tpu.vector_store %arg8[%swap3A_686, %swap3A_687], %swap3A_690 {strides = array<i32>} : memref<12x128xi32, #tpu.memory_space<vmem>>, vector<1x16xi32>,
    %get3A_691 = arith.constant 368 : index
    %get3A_692 = tpu.vector_load %arg7[%get3A_691] {strides = array<i32>} : memref<512xi32, #tpu.memory_space<vmem>>, vector<16xi32>,
    %get3A_693 = vector.shape_cast %get3A_692 : vector<16xi32> to vector<16xi32>
    %add3A_694 = arith.constant 0 : i32
    %add3A_695 = vector.broadcast %add3A_694 : i32 to vector<16xi32>
    %add3A_696 = arith.addi %get3A_693, %add3A_695 : vector<16xi32>
    %swap3A_697 = arith.constant 2 : i32
    %swap3A_698 = arith.index_cast %swap3A_697 : i32 to index
    %swap3A_699 = arith.constant 112 : index
    %swap3A_700 = tpu.vector_load %arg8[%swap3A_698, %swap3A_699] {strides = array<i32>} : memref<12x128xi32, #tpu.memory_space<vmem>>, vector<1x16xi32>,
    %swap3A_701 = vector.shape_cast %swap3A_700 : vector<1x16xi32> to vector<16xi32>
    %swap3A_702 = vector.shape_cast %add3A_696 : vector<16xi32> to vector<1x16xi32>
    tpu.vector_store %arg8[%swap3A_698, %swap3A_699], %swap3A_702 {strides = array<i32>} : memref<12x128xi32, #tpu.memory_space<vmem>>, vector<1x16xi32>,
    %add3A_703 = arith.constant 1000000 : i32
    %add3A_704 = vector.broadcast %add3A_703 : i32 to vector<16xi32>
    %add3A_705 = arith.addi %get3A_693, %add3A_704 : vector<16xi32>
    %swap3A_706 = arith.constant 6 : i32
    %swap3A_707 = arith.index_cast %swap3A_706 : i32 to index
    %swap3A_708 = arith.constant 112 : index
    %swap3A_709 = tpu.vector_load %arg8[%swap3A_707, %swap3A_708] {strides = array<i32>} : memref<12x128xi32, #tpu.memory_space<vmem>>, vector<1x16xi32>,
    %swap3A_710 = vector.shape_cast %swap3A_709 : vector<1x16xi32> to vector<16xi32>
    %swap3A_711 = vector.shape_cast %add3A_705 : vector<16xi32> to vector<1x16xi32>
    tpu.vector_store %arg8[%swap3A_707, %swap3A_708], %swap3A_711 {strides = array<i32>} : memref<12x128xi32, #tpu.memory_space<vmem>>, vector<1x16xi32>,
    %add3A_712 = arith.constant 2000000 : i32
    %add3A_713 = vector.broadcast %add3A_712 : i32 to vector<16xi32>
    %add3A_714 = arith.addi %get3A_693, %add3A_713 : vector<16xi32>
    %swap3A_715 = arith.constant 10 : i32
    %swap3A_716 = arith.index_cast %swap3A_715 : i32 to index
    %swap3A_717 = arith.constant 112 : index
    %swap3A_718 = tpu.vector_load %arg8[%swap3A_716, %swap3A_717] {strides = array<i32>} : memref<12x128xi32, #tpu.memory_space<vmem>>, vector<1x16xi32>,
    %swap3A_719 = vector.shape_cast %swap3A_718 : vector<1x16xi32> to vector<16xi32>
    %swap3A_720 = vector.shape_cast %add3A_714 : vector<16xi32> to vector<1x16xi32>
    tpu.vector_store %arg8[%swap3A_716, %swap3A_717], %swap3A_720 {strides = array<i32>} : memref<12x128xi32, #tpu.memory_space<vmem>>, vector<1x16xi32>,
    %get3A_721 = arith.constant 384 : index
    %get3A_722 = tpu.vector_load %arg7[%get3A_721] {strides = array<i32>} : memref<512xi32, #tpu.memory_space<vmem>>, vector<16xi32>,
    %get3A_723 = vector.shape_cast %get3A_722 : vector<16xi32> to vector<16xi32>
    %add3A_724 = arith.constant 0 : i32
    %add3A_725 = vector.broadcast %add3A_724 : i32 to vector<16xi32>
    %add3A_726 = arith.addi %get3A_723, %add3A_725 : vector<16xi32>
    %swap3A_727 = arith.constant 3 : i32
    %swap3A_728 = arith.index_cast %swap3A_727 : i32 to index
    %swap3A_729 = arith.constant 0 : index
    %swap3A_730 = tpu.vector_load %arg8[%swap3A_728, %swap3A_729] {strides = array<i32>} : memref<12x128xi32, #tpu.memory_space<vmem>>, vector<1x16xi32>,
    %swap3A_731 = vector.shape_cast %swap3A_730 : vector<1x16xi32> to vector<16xi32>
    %swap3A_732 = vector.shape_cast %add3A_726 : vector<16xi32> to vector<1x16xi32>
    tpu.vector_store %arg8[%swap3A_728, %swap3A_729], %swap3A_732 {strides = array<i32>} : memref<12x128xi32, #tpu.memory_space<vmem>>, vector<1x16xi32>,
    %add3A_733 = arith.constant 1000000 : i32
    %add3A_734 = vector.broadcast %add3A_733 : i32 to vector<16xi32>
    %add3A_735 = arith.addi %get3A_723, %add3A_734 : vector<16xi32>
    %swap3A_736 = arith.constant 7 : i32
    %swap3A_737 = arith.index_cast %swap3A_736 : i32 to index
    %swap3A_738 = arith.constant 0 : index
    %swap3A_739 = tpu.vector_load %arg8[%swap3A_737, %swap3A_738] {strides = array<i32>} : memref<12x128xi32, #tpu.memory_space<vmem>>, vector<1x16xi32>,
    %swap3A_740 = vector.shape_cast %swap3A_739 : vector<1x16xi32> to vector<16xi32>
    %swap3A_741 = vector.shape_cast %add3A_735 : vector<16xi32> to vector<1x16xi32>
    tpu.vector_store %arg8[%swap3A_737, %swap3A_738], %swap3A_741 {strides = array<i32>} : memref<12x128xi32, #tpu.memory_space<vmem>>, vector<1x16xi32>,
    %add3A_742 = arith.constant 2000000 : i32
    %add3A_743 = vector.broadcast %add3A_742 : i32 to vector<16xi32>
    %add3A_744 = arith.addi %get3A_723, %add3A_743 : vector<16xi32>
    %swap3A_745 = arith.constant 11 : i32
    %swap3A_746 = arith.index_cast %swap3A_745 : i32 to index
    %swap3A_747 = arith.constant 0 : index
    %swap3A_748 = tpu.vector_load %arg8[%swap3A_746, %swap3A_747] {strides = array<i32>} : memref<12x128xi32, #tpu.memory_space<vmem>>, vector<1x16xi32>,
    %swap3A_749 = vector.shape_cast %swap3A_748 : vector<1x16xi32> to vector<16xi32>
    %swap3A_750 = vector.shape_cast %add3A_744 : vector<16xi32> to vector<1x16xi32>
    tpu.vector_store %arg8[%swap3A_746, %swap3A_747], %swap3A_750 {strides = array<i32>} : memref<12x128xi32, #tpu.memory_space<vmem>>, vector<1x16xi32>,
    %get3A_751 = arith.constant 400 : index
    %get3A_752 = tpu.vector_load %arg7[%get3A_751] {strides = array<i32>} : memref<512xi32, #tpu.memory_space<vmem>>, vector<16xi32>,
    %get3A_753 = vector.shape_cast %get3A_752 : vector<16xi32> to vector<16xi32>
    %add3A_754 = arith.constant 0 : i32
    %add3A_755 = vector.broadcast %add3A_754 : i32 to vector<16xi32>
    %add3A_756 = arith.addi %get3A_753, %add3A_755 : vector<16xi32>
    %swap3A_757 = arith.constant 3 : i32
    %swap3A_758 = arith.index_cast %swap3A_757 : i32 to index
    %swap3A_759 = arith.constant 16 : index
    %swap3A_760 = tpu.vector_load %arg8[%swap3A_758, %swap3A_759] {strides = array<i32>} : memref<12x128xi32, #tpu.memory_space<vmem>>, vector<1x16xi32>,
    %swap3A_761 = vector.shape_cast %swap3A_760 : vector<1x16xi32> to vector<16xi32>
    %swap3A_762 = vector.shape_cast %add3A_756 : vector<16xi32> to vector<1x16xi32>
    tpu.vector_store %arg8[%swap3A_758, %swap3A_759], %swap3A_762 {strides = array<i32>} : memref<12x128xi32, #tpu.memory_space<vmem>>, vector<1x16xi32>,
    %add3A_763 = arith.constant 1000000 : i32
    %add3A_764 = vector.broadcast %add3A_763 : i32 to vector<16xi32>
    %add3A_765 = arith.addi %get3A_753, %add3A_764 : vector<16xi32>
    %swap3A_766 = arith.constant 7 : i32
    %swap3A_767 = arith.index_cast %swap3A_766 : i32 to index
    %swap3A_768 = arith.constant 16 : index
    %swap3A_769 = tpu.vector_load %arg8[%swap3A_767, %swap3A_768] {strides = array<i32>} : memref<12x128xi32, #tpu.memory_space<vmem>>, vector<1x16xi32>,
    %swap3A_770 = vector.shape_cast %swap3A_769 : vector<1x16xi32> to vector<16xi32>
    %swap3A_771 = vector.shape_cast %add3A_765 : vector<16xi32> to vector<1x16xi32>
    tpu.vector_store %arg8[%swap3A_767, %swap3A_768], %swap3A_771 {strides = array<i32>} : memref<12x128xi32, #tpu.memory_space<vmem>>, vector<1x16xi32>,
    %add3A_772 = arith.constant 2000000 : i32
    %add3A_773 = vector.broadcast %add3A_772 : i32 to vector<16xi32>
    %add3A_774 = arith.addi %get3A_753, %add3A_773 : vector<16xi32>
    %swap3A_775 = arith.constant 11 : i32
    %swap3A_776 = arith.index_cast %swap3A_775 : i32 to index
    %swap3A_777 = arith.constant 16 : index
    %swap3A_778 = tpu.vector_load %arg8[%swap3A_776, %swap3A_777] {strides = array<i32>} : memref<12x128xi32, #tpu.memory_space<vmem>>, vector<1x16xi32>,
    %swap3A_779 = vector.shape_cast %swap3A_778 : vector<1x16xi32> to vector<16xi32>
    %swap3A_780 = vector.shape_cast %add3A_774 : vector<16xi32> to vector<1x16xi32>
    tpu.vector_store %arg8[%swap3A_776, %swap3A_777], %swap3A_780 {strides = array<i32>} : memref<12x128xi32, #tpu.memory_space<vmem>>, vector<1x16xi32>,
    %get3A_781 = arith.constant 416 : index
    %get3A_782 = tpu.vector_load %arg7[%get3A_781] {strides = array<i32>} : memref<512xi32, #tpu.memory_space<vmem>>, vector<16xi32>,
    %get3A_783 = vector.shape_cast %get3A_782 : vector<16xi32> to vector<16xi32>
    %add3A_784 = arith.constant 0 : i32
    %add3A_785 = vector.broadcast %add3A_784 : i32 to vector<16xi32>
    %add3A_786 = arith.addi %get3A_783, %add3A_785 : vector<16xi32>
    %swap3A_787 = arith.constant 3 : i32
    %swap3A_788 = arith.index_cast %swap3A_787 : i32 to index
    %swap3A_789 = arith.constant 32 : index
    %swap3A_790 = tpu.vector_load %arg8[%swap3A_788, %swap3A_789] {strides = array<i32>} : memref<12x128xi32, #tpu.memory_space<vmem>>, vector<1x16xi32>,
    %swap3A_791 = vector.shape_cast %swap3A_790 : vector<1x16xi32> to vector<16xi32>
    %swap3A_792 = vector.shape_cast %add3A_786 : vector<16xi32> to vector<1x16xi32>
    tpu.vector_store %arg8[%swap3A_788, %swap3A_789], %swap3A_792 {strides = array<i32>} : memref<12x128xi32, #tpu.memory_space<vmem>>, vector<1x16xi32>,
    %add3A_793 = arith.constant 1000000 : i32
    %add3A_794 = vector.broadcast %add3A_793 : i32 to vector<16xi32>
    %add3A_795 = arith.addi %get3A_783, %add3A_794 : vector<16xi32>
    %swap3A_796 = arith.constant 7 : i32
    %swap3A_797 = arith.index_cast %swap3A_796 : i32 to index
    %swap3A_798 = arith.constant 32 : index
    %swap3A_799 = tpu.vector_load %arg8[%swap3A_797, %swap3A_798] {strides = array<i32>} : memref<12x128xi32, #tpu.memory_space<vmem>>, vector<1x16xi32>,
    %swap3A_800 = vector.shape_cast %swap3A_799 : vector<1x16xi32> to vector<16xi32>
    %swap3A_801 = vector.shape_cast %add3A_795 : vector<16xi32> to vector<1x16xi32>
    tpu.vector_store %arg8[%swap3A_797, %swap3A_798], %swap3A_801 {strides = array<i32>} : memref<12x128xi32, #tpu.memory_space<vmem>>, vector<1x16xi32>,
    %add3A_802 = arith.constant 2000000 : i32
    %add3A_803 = vector.broadcast %add3A_802 : i32 to vector<16xi32>
    %add3A_804 = arith.addi %get3A_783, %add3A_803 : vector<16xi32>
    %swap3A_805 = arith.constant 11 : i32
    %swap3A_806 = arith.index_cast %swap3A_805 : i32 to index
    %swap3A_807 = arith.constant 32 : index
    %swap3A_808 = tpu.vector_load %arg8[%swap3A_806, %swap3A_807] {strides = array<i32>} : memref<12x128xi32, #tpu.memory_space<vmem>>, vector<1x16xi32>,
    %swap3A_809 = vector.shape_cast %swap3A_808 : vector<1x16xi32> to vector<16xi32>
    %swap3A_810 = vector.shape_cast %add3A_804 : vector<16xi32> to vector<1x16xi32>
    tpu.vector_store %arg8[%swap3A_806, %swap3A_807], %swap3A_810 {strides = array<i32>} : memref<12x128xi32, #tpu.memory_space<vmem>>, vector<1x16xi32>,
    %get3A_811 = arith.constant 432 : index
    %get3A_812 = tpu.vector_load %arg7[%get3A_811] {strides = array<i32>} : memref<512xi32, #tpu.memory_space<vmem>>, vector<16xi32>,
    %get3A_813 = vector.shape_cast %get3A_812 : vector<16xi32> to vector<16xi32>
    %add3A_814 = arith.constant 0 : i32
    %add3A_815 = vector.broadcast %add3A_814 : i32 to vector<16xi32>
    %add3A_816 = arith.addi %get3A_813, %add3A_815 : vector<16xi32>
    %swap3A_817 = arith.constant 3 : i32
    %swap3A_818 = arith.index_cast %swap3A_817 : i32 to index
    %swap3A_819 = arith.constant 48 : index
    %swap3A_820 = tpu.vector_load %arg8[%swap3A_818, %swap3A_819] {strides = array<i32>} : memref<12x128xi32, #tpu.memory_space<vmem>>, vector<1x16xi32>,
    %swap3A_821 = vector.shape_cast %swap3A_820 : vector<1x16xi32> to vector<16xi32>
    %swap3A_822 = vector.shape_cast %add3A_816 : vector<16xi32> to vector<1x16xi32>
    tpu.vector_store %arg8[%swap3A_818, %swap3A_819], %swap3A_822 {strides = array<i32>} : memref<12x128xi32, #tpu.memory_space<vmem>>, vector<1x16xi32>,
    %add3A_823 = arith.constant 1000000 : i32
    %add3A_824 = vector.broadcast %add3A_823 : i32 to vector<16xi32>
    %add3A_825 = arith.addi %get3A_813, %add3A_824 : vector<16xi32>
    %swap3A_826 = arith.constant 7 : i32
    %swap3A_827 = arith.index_cast %swap3A_826 : i32 to index
    %swap3A_828 = arith.constant 48 : index
    %swap3A_829 = tpu.vector_load %arg8[%swap3A_827, %swap3A_828] {strides = array<i32>} : memref<12x128xi32, #tpu.memory_space<vmem>>, vector<1x16xi32>,
    %swap3A_830 = vector.shape_cast %swap3A_829 : vector<1x16xi32> to vector<16xi32>
    %swap3A_831 = vector.shape_cast %add3A_825 : vector<16xi32> to vector<1x16xi32>
    tpu.vector_store %arg8[%swap3A_827, %swap3A_828], %swap3A_831 {strides = array<i32>} : memref<12x128xi32, #tpu.memory_space<vmem>>, vector<1x16xi32>,
    %add3A_832 = arith.constant 2000000 : i32
    %add3A_833 = vector.broadcast %add3A_832 : i32 to vector<16xi32>
    %add3A_834 = arith.addi %get3A_813, %add3A_833 : vector<16xi32>
    %swap3A_835 = arith.constant 11 : i32
    %swap3A_836 = arith.index_cast %swap3A_835 : i32 to index
    %swap3A_837 = arith.constant 48 : index
    %swap3A_838 = tpu.vector_load %arg8[%swap3A_836, %swap3A_837] {strides = array<i32>} : memref<12x128xi32, #tpu.memory_space<vmem>>, vector<1x16xi32>,
    %swap3A_839 = vector.shape_cast %swap3A_838 : vector<1x16xi32> to vector<16xi32>
    %swap3A_840 = vector.shape_cast %add3A_834 : vector<16xi32> to vector<1x16xi32>
    tpu.vector_store %arg8[%swap3A_836, %swap3A_837], %swap3A_840 {strides = array<i32>} : memref<12x128xi32, #tpu.memory_space<vmem>>, vector<1x16xi32>,
    %get3A_841 = arith.constant 448 : index
    %get3A_842 = tpu.vector_load %arg7[%get3A_841] {strides = array<i32>} : memref<512xi32, #tpu.memory_space<vmem>>, vector<16xi32>,
    %get3A_843 = vector.shape_cast %get3A_842 : vector<16xi32> to vector<16xi32>
    %add3A_844 = arith.constant 0 : i32
    %add3A_845 = vector.broadcast %add3A_844 : i32 to vector<16xi32>
    %add3A_846 = arith.addi %get3A_843, %add3A_845 : vector<16xi32>
    %swap3A_847 = arith.constant 3 : i32
    %swap3A_848 = arith.index_cast %swap3A_847 : i32 to index
    %swap3A_849 = arith.constant 64 : index
    %swap3A_850 = tpu.vector_load %arg8[%swap3A_848, %swap3A_849] {strides = array<i32>} : memref<12x128xi32, #tpu.memory_space<vmem>>, vector<1x16xi32>,
    %swap3A_851 = vector.shape_cast %swap3A_850 : vector<1x16xi32> to vector<16xi32>
    %swap3A_852 = vector.shape_cast %add3A_846 : vector<16xi32> to vector<1x16xi32>
    tpu.vector_store %arg8[%swap3A_848, %swap3A_849], %swap3A_852 {strides = array<i32>} : memref<12x128xi32, #tpu.memory_space<vmem>>, vector<1x16xi32>,
    %add3A_853 = arith.constant 1000000 : i32
    %add3A_854 = vector.broadcast %add3A_853 : i32 to vector<16xi32>
    %add3A_855 = arith.addi %get3A_843, %add3A_854 : vector<16xi32>
    %swap3A_856 = arith.constant 7 : i32
    %swap3A_857 = arith.index_cast %swap3A_856 : i32 to index
    %swap3A_858 = arith.constant 64 : index
    %swap3A_859 = tpu.vector_load %arg8[%swap3A_857, %swap3A_858] {strides = array<i32>} : memref<12x128xi32, #tpu.memory_space<vmem>>, vector<1x16xi32>,
    %swap3A_860 = vector.shape_cast %swap3A_859 : vector<1x16xi32> to vector<16xi32>
    %swap3A_861 = vector.shape_cast %add3A_855 : vector<16xi32> to vector<1x16xi32>
    tpu.vector_store %arg8[%swap3A_857, %swap3A_858], %swap3A_861 {strides = array<i32>} : memref<12x128xi32, #tpu.memory_space<vmem>>, vector<1x16xi32>,
    %add3A_862 = arith.constant 2000000 : i32
    %add3A_863 = vector.broadcast %add3A_862 : i32 to vector<16xi32>
    %add3A_864 = arith.addi %get3A_843, %add3A_863 : vector<16xi32>
    %swap3A_865 = arith.constant 11 : i32
    %swap3A_866 = arith.index_cast %swap3A_865 : i32 to index
    %swap3A_867 = arith.constant 64 : index
    %swap3A_868 = tpu.vector_load %arg8[%swap3A_866, %swap3A_867] {strides = array<i32>} : memref<12x128xi32, #tpu.memory_space<vmem>>, vector<1x16xi32>,
    %swap3A_869 = vector.shape_cast %swap3A_868 : vector<1x16xi32> to vector<16xi32>
    %swap3A_870 = vector.shape_cast %add3A_864 : vector<16xi32> to vector<1x16xi32>
    tpu.vector_store %arg8[%swap3A_866, %swap3A_867], %swap3A_870 {strides = array<i32>} : memref<12x128xi32, #tpu.memory_space<vmem>>, vector<1x16xi32>,
    %get3A_871 = arith.constant 464 : index
    %get3A_872 = tpu.vector_load %arg7[%get3A_871] {strides = array<i32>} : memref<512xi32, #tpu.memory_space<vmem>>, vector<16xi32>,
    %get3A_873 = vector.shape_cast %get3A_872 : vector<16xi32> to vector<16xi32>
    %add3A_874 = arith.constant 0 : i32
    %add3A_875 = vector.broadcast %add3A_874 : i32 to vector<16xi32>
    %add3A_876 = arith.addi %get3A_873, %add3A_875 : vector<16xi32>
    %swap3A_877 = arith.constant 3 : i32
    %swap3A_878 = arith.index_cast %swap3A_877 : i32 to index
    %swap3A_879 = arith.constant 80 : index
    %swap3A_880 = tpu.vector_load %arg8[%swap3A_878, %swap3A_879] {strides = array<i32>} : memref<12x128xi32, #tpu.memory_space<vmem>>, vector<1x16xi32>,
    %swap3A_881 = vector.shape_cast %swap3A_880 : vector<1x16xi32> to vector<16xi32>
    %swap3A_882 = vector.shape_cast %add3A_876 : vector<16xi32> to vector<1x16xi32>
    tpu.vector_store %arg8[%swap3A_878, %swap3A_879], %swap3A_882 {strides = array<i32>} : memref<12x128xi32, #tpu.memory_space<vmem>>, vector<1x16xi32>,
    %add3A_883 = arith.constant 1000000 : i32
    %add3A_884 = vector.broadcast %add3A_883 : i32 to vector<16xi32>
    %add3A_885 = arith.addi %get3A_873, %add3A_884 : vector<16xi32>
    %swap3A_886 = arith.constant 7 : i32
    %swap3A_887 = arith.index_cast %swap3A_886 : i32 to index
    %swap3A_888 = arith.constant 80 : index
    %swap3A_889 = tpu.vector_load %arg8[%swap3A_887, %swap3A_888] {strides = array<i32>} : memref<12x128xi32, #tpu.memory_space<vmem>>, vector<1x16xi32>,
    %swap3A_890 = vector.shape_cast %swap3A_889 : vector<1x16xi32> to vector<16xi32>
    %swap3A_891 = vector.shape_cast %add3A_885 : vector<16xi32> to vector<1x16xi32>
    tpu.vector_store %arg8[%swap3A_887, %swap3A_888], %swap3A_891 {strides = array<i32>} : memref<12x128xi32, #tpu.memory_space<vmem>>, vector<1x16xi32>,
    %add3A_892 = arith.constant 2000000 : i32
    %add3A_893 = vector.broadcast %add3A_892 : i32 to vector<16xi32>
    %add3A_894 = arith.addi %get3A_873, %add3A_893 : vector<16xi32>
    %swap3A_895 = arith.constant 11 : i32
    %swap3A_896 = arith.index_cast %swap3A_895 : i32 to index
    %swap3A_897 = arith.constant 80 : index
    %swap3A_898 = tpu.vector_load %arg8[%swap3A_896, %swap3A_897] {strides = array<i32>} : memref<12x128xi32, #tpu.memory_space<vmem>>, vector<1x16xi32>,
    %swap3A_899 = vector.shape_cast %swap3A_898 : vector<1x16xi32> to vector<16xi32>
    %swap3A_900 = vector.shape_cast %add3A_894 : vector<16xi32> to vector<1x16xi32>
    tpu.vector_store %arg8[%swap3A_896, %swap3A_897], %swap3A_900 {strides = array<i32>} : memref<12x128xi32, #tpu.memory_space<vmem>>, vector<1x16xi32>,
    %get3A_901 = arith.constant 480 : index
    %get3A_902 = tpu.vector_load %arg7[%get3A_901] {strides = array<i32>} : memref<512xi32, #tpu.memory_space<vmem>>, vector<16xi32>,
    %get3A_903 = vector.shape_cast %get3A_902 : vector<16xi32> to vector<16xi32>
    %add3A_904 = arith.constant 0 : i32
    %add3A_905 = vector.broadcast %add3A_904 : i32 to vector<16xi32>
    %add3A_906 = arith.addi %get3A_903, %add3A_905 : vector<16xi32>
    %swap3A_907 = arith.constant 3 : i32
    %swap3A_908 = arith.index_cast %swap3A_907 : i32 to index
    %swap3A_909 = arith.constant 96 : index
    %swap3A_910 = tpu.vector_load %arg8[%swap3A_908, %swap3A_909] {strides = array<i32>} : memref<12x128xi32, #tpu.memory_space<vmem>>, vector<1x16xi32>,
    %swap3A_911 = vector.shape_cast %swap3A_910 : vector<1x16xi32> to vector<16xi32>
    %swap3A_912 = vector.shape_cast %add3A_906 : vector<16xi32> to vector<1x16xi32>
    tpu.vector_store %arg8[%swap3A_908, %swap3A_909], %swap3A_912 {strides = array<i32>} : memref<12x128xi32, #tpu.memory_space<vmem>>, vector<1x16xi32>,
    %add3A_913 = arith.constant 1000000 : i32
    %add3A_914 = vector.broadcast %add3A_913 : i32 to vector<16xi32>
    %add3A_915 = arith.addi %get3A_903, %add3A_914 : vector<16xi32>
    %swap3A_916 = arith.constant 7 : i32
    %swap3A_917 = arith.index_cast %swap3A_916 : i32 to index
    %swap3A_918 = arith.constant 96 : index
    %swap3A_919 = tpu.vector_load %arg8[%swap3A_917, %swap3A_918] {strides = array<i32>} : memref<12x128xi32, #tpu.memory_space<vmem>>, vector<1x16xi32>,
    %swap3A_920 = vector.shape_cast %swap3A_919 : vector<1x16xi32> to vector<16xi32>
    %swap3A_921 = vector.shape_cast %add3A_915 : vector<16xi32> to vector<1x16xi32>
    tpu.vector_store %arg8[%swap3A_917, %swap3A_918], %swap3A_921 {strides = array<i32>} : memref<12x128xi32, #tpu.memory_space<vmem>>, vector<1x16xi32>,
    %add3A_922 = arith.constant 2000000 : i32
    %add3A_923 = vector.broadcast %add3A_922 : i32 to vector<16xi32>
    %add3A_924 = arith.addi %get3A_903, %add3A_923 : vector<16xi32>
    %swap3A_925 = arith.constant 11 : i32
    %swap3A_926 = arith.index_cast %swap3A_925 : i32 to index
    %swap3A_927 = arith.constant 96 : index
    %swap3A_928 = tpu.vector_load %arg8[%swap3A_926, %swap3A_927] {strides = array<i32>} : memref<12x128xi32, #tpu.memory_space<vmem>>, vector<1x16xi32>,
    %swap3A_929 = vector.shape_cast %swap3A_928 : vector<1x16xi32> to vector<16xi32>
    %swap3A_930 = vector.shape_cast %add3A_924 : vector<16xi32> to vector<1x16xi32>
    tpu.vector_store %arg8[%swap3A_926, %swap3A_927], %swap3A_930 {strides = array<i32>} : memref<12x128xi32, #tpu.memory_space<vmem>>, vector<1x16xi32>,
    %get3A_931 = arith.constant 496 : index
    %get3A_932 = tpu.vector_load %arg7[%get3A_931] {strides = array<i32>} : memref<512xi32, #tpu.memory_space<vmem>>, vector<16xi32>,
    %get3A_933 = vector.shape_cast %get3A_932 : vector<16xi32> to vector<16xi32>
    %add3A_934 = arith.constant 0 : i32
    %add3A_935 = vector.broadcast %add3A_934 : i32 to vector<16xi32>
    %add3A_936 = arith.addi %get3A_933, %add3A_935 : vector<16xi32>
    %swap3A_937 = arith.constant 3 : i32
    %swap3A_938 = arith.index_cast %swap3A_937 : i32 to index
    %swap3A_939 = arith.constant 112 : index
    %swap3A_940 = tpu.vector_load %arg8[%swap3A_938, %swap3A_939] {strides = array<i32>} : memref<12x128xi32, #tpu.memory_space<vmem>>, vector<1x16xi32>,
    %swap3A_941 = vector.shape_cast %swap3A_940 : vector<1x16xi32> to vector<16xi32>
    %swap3A_942 = vector.shape_cast %add3A_936 : vector<16xi32> to vector<1x16xi32>
    tpu.vector_store %arg8[%swap3A_938, %swap3A_939], %swap3A_942 {strides = array<i32>} : memref<12x128xi32, #tpu.memory_space<vmem>>, vector<1x16xi32>,
    %add3A_943 = arith.constant 1000000 : i32
    %add3A_944 = vector.broadcast %add3A_943 : i32 to vector<16xi32>
    %add3A_945 = arith.addi %get3A_933, %add3A_944 : vector<16xi32>
    %swap3A_946 = arith.constant 7 : i32
    %swap3A_947 = arith.index_cast %swap3A_946 : i32 to index
    %swap3A_948 = arith.constant 112 : index
    %swap3A_949 = tpu.vector_load %arg8[%swap3A_947, %swap3A_948] {strides = array<i32>} : memref<12x128xi32, #tpu.memory_space<vmem>>, vector<1x16xi32>,
    %swap3A_950 = vector.shape_cast %swap3A_949 : vector<1x16xi32> to vector<16xi32>
    %swap3A_951 = vector.shape_cast %add3A_945 : vector<16xi32> to vector<1x16xi32>
    tpu.vector_store %arg8[%swap3A_947, %swap3A_948], %swap3A_951 {strides = array<i32>} : memref<12x128xi32, #tpu.memory_space<vmem>>, vector<1x16xi32>,
    %add3A_952 = arith.constant 2000000 : i32
    %add3A_953 = vector.broadcast %add3A_952 : i32 to vector<16xi32>
    %add3A_954 = arith.addi %get3A_933, %add3A_953 : vector<16xi32>
    %swap3A_955 = arith.constant 11 : i32
    %swap3A_956 = arith.index_cast %swap3A_955 : i32 to index
    %swap3A_957 = arith.constant 112 : index
    %swap3A_958 = tpu.vector_load %arg8[%swap3A_956, %swap3A_957] {strides = array<i32>} : memref<12x128xi32, #tpu.memory_space<vmem>>, vector<1x16xi32>,
    %swap3A_959 = vector.shape_cast %swap3A_958 : vector<1x16xi32> to vector<16xi32>
    %swap3A_960 = vector.shape_cast %add3A_954 : vector<16xi32> to vector<1x16xi32>
    tpu.vector_store %arg8[%swap3A_956, %swap3A_957], %swap3A_960 {strides = array<i32>} : memref<12x128xi32, #tpu.memory_space<vmem>>, vector<1x16xi32>,
    %dma_start3A = arith.constant 0 : i32
    %dma_start3A_961 = arith.constant 0 : i32
    %dma_start3A_962 = arith.constant 0 : i32
    %dma_start3A_963 = tpu.memref_slice %arg9[%dma_start3A_961, %dma_start3A_962] : memref<36x128xf32, #tpu.memory_space<vmem>> -> memref<1x128xf32, #tpu.memory_space<vmem>>
    %dma_start3A_964 = tpu.memref_squeeze %dma_start3A_963 : memref<1x128xf32, #tpu.memory_space<vmem>> -> memref<128xf32, #tpu.memory_space<vmem>>
    %dma_start3A_965 = arith.constant 0 : i32
    %dma_start3A_966 = tpu.memref_slice %arg8[%dma_start3A, %dma_start3A_965] : memref<12x128xi32, #tpu.memory_space<vmem>> -> memref<1x128xi32, #tpu.memory_space<vmem>>
    %dma_start3A_967 = tpu.memref_squeeze %dma_start3A_966 : memref<1x128xi32, #tpu.memory_space<vmem>> -> memref<128xi32, #tpu.memory_space<vmem>>
    %dma_start3A_968 = arith.constant 0 : i32
    %dma_start3A_969 = tpu.memref_slice %arg3[%dma_start3A_968] : memref<3000000xf32, #tpu.memory_space<hbm>> -> memref<3000000xf32, #tpu.memory_space<hbm>>
    tpu.enqueue_indirect_dma source(%dma_start3A_969 : memref<3000000xf32, #tpu.memory_space<hbm>>) target(%dma_start3A_964 : memref<128xf32, #tpu.memory_space<vmem>>) offsets(%dma_start3A_967 : memref<128xi32, #tpu.memory_space<vmem>>) semaphore(%arg11 : memref<!tpu.dma_semaphore, #tpu.memory_space<semaphore_mem>>)
    %dma_start3A_970 = arith.constant 1 : i32
    %dma_start3A_971 = arith.constant 1 : i32
    %dma_start3A_972 = arith.constant 0 : i32
    %dma_start3A_973 = tpu.memref_slice %arg9[%dma_start3A_971, %dma_start3A_972] : memref<36x128xf32, #tpu.memory_space<vmem>> -> memref<1x128xf32, #tpu.memory_space<vmem>>
    %dma_start3A_974 = tpu.memref_squeeze %dma_start3A_973 : memref<1x128xf32, #tpu.memory_space<vmem>> -> memref<128xf32, #tpu.memory_space<vmem>>
    %dma_start3A_975 = arith.constant 0 : i32
    %dma_start3A_976 = tpu.memref_slice %arg8[%dma_start3A_970, %dma_start3A_975] : memref<12x128xi32, #tpu.memory_space<vmem>> -> memref<1x128xi32, #tpu.memory_space<vmem>>
    %dma_start3A_977 = tpu.memref_squeeze %dma_start3A_976 : memref<1x128xi32, #tpu.memory_space<vmem>> -> memref<128xi32, #tpu.memory_space<vmem>>
    %dma_start3A_978 = arith.constant 0 : i32
    %dma_start3A_979 = tpu.memref_slice %arg3[%dma_start3A_978] : memref<3000000xf32, #tpu.memory_space<hbm>> -> memref<3000000xf32, #tpu.memory_space<hbm>>
    tpu.enqueue_indirect_dma source(%dma_start3A_979 : memref<3000000xf32, #tpu.memory_space<hbm>>) target(%dma_start3A_974 : memref<128xf32, #tpu.memory_space<vmem>>) offsets(%dma_start3A_977 : memref<128xi32, #tpu.memory_space<vmem>>) semaphore(%arg11 : memref<!tpu.dma_semaphore, #tpu.memory_space<semaphore_mem>>)
    %dma_start3A_980 = arith.constant 2 : i32
    %dma_start3A_981 = arith.constant 2 : i32
    %dma_start3A_982 = arith.constant 0 : i32
    %dma_start3A_983 = tpu.memref_slice %arg9[%dma_start3A_981, %dma_start3A_982] : memref<36x128xf32, #tpu.memory_space<vmem>> -> memref<1x128xf32, #tpu.memory_space<vmem>>
    %dma_start3A_984 = tpu.memref_squeeze %dma_start3A_983 : memref<1x128xf32, #tpu.memory_space<vmem>> -> memref<128xf32, #tpu.memory_space<vmem>>
    %dma_start3A_985 = arith.constant 0 : i32
    %dma_start3A_986 = tpu.memref_slice %arg8[%dma_start3A_980, %dma_start3A_985] : memref<12x128xi32, #tpu.memory_space<vmem>> -> memref<1x128xi32, #tpu.memory_space<vmem>>
    %dma_start3A_987 = tpu.memref_squeeze %dma_start3A_986 : memref<1x128xi32, #tpu.memory_space<vmem>> -> memref<128xi32, #tpu.memory_space<vmem>>
    %dma_start3A_988 = arith.constant 0 : i32
    %dma_start3A_989 = tpu.memref_slice %arg3[%dma_start3A_988] : memref<3000000xf32, #tpu.memory_space<hbm>> -> memref<3000000xf32, #tpu.memory_space<hbm>>
    tpu.enqueue_indirect_dma source(%dma_start3A_989 : memref<3000000xf32, #tpu.memory_space<hbm>>) target(%dma_start3A_984 : memref<128xf32, #tpu.memory_space<vmem>>) offsets(%dma_start3A_987 : memref<128xi32, #tpu.memory_space<vmem>>) semaphore(%arg11 : memref<!tpu.dma_semaphore, #tpu.memory_space<semaphore_mem>>)
    %dma_start3A_990 = arith.constant 3 : i32
    %dma_start3A_991 = arith.constant 3 : i32
    %dma_start3A_992 = arith.constant 0 : i32
    %dma_start3A_993 = tpu.memref_slice %arg9[%dma_start3A_991, %dma_start3A_992] : memref<36x128xf32, #tpu.memory_space<vmem>> -> memref<1x128xf32, #tpu.memory_space<vmem>>
    %dma_start3A_994 = tpu.memref_squeeze %dma_start3A_993 : memref<1x128xf32, #tpu.memory_space<vmem>> -> memref<128xf32, #tpu.memory_space<vmem>>
    %dma_start3A_995 = arith.constant 0 : i32
    %dma_start3A_996 = tpu.memref_slice %arg8[%dma_start3A_990, %dma_start3A_995] : memref<12x128xi32, #tpu.memory_space<vmem>> -> memref<1x128xi32, #tpu.memory_space<vmem>>
    %dma_start3A_997 = tpu.memref_squeeze %dma_start3A_996 : memref<1x128xi32, #tpu.memory_space<vmem>> -> memref<128xi32, #tpu.memory_space<vmem>>
    %dma_start3A_998 = arith.constant 0 : i32
    %dma_start3A_999 = tpu.memref_slice %arg3[%dma_start3A_998] : memref<3000000xf32, #tpu.memory_space<hbm>> -> memref<3000000xf32, #tpu.memory_space<hbm>>
    tpu.enqueue_indirect_dma source(%dma_start3A_999 : memref<3000000xf32, #tpu.memory_space<hbm>>) target(%dma_start3A_994 : memref<128xf32, #tpu.memory_space<vmem>>) offsets(%dma_start3A_997 : memref<128xi32, #tpu.memory_space<vmem>>) semaphore(%arg11 : memref<!tpu.dma_semaphore, #tpu.memory_space<semaphore_mem>>)
    %dma_start3A_1000 = arith.constant 4 : i32
    %dma_start3A_1001 = arith.constant 4 : i32
    %dma_start3A_1002 = arith.constant 0 : i32
    %dma_start3A_1003 = tpu.memref_slice %arg9[%dma_start3A_1001, %dma_start3A_1002] : memref<36x128xf32, #tpu.memory_space<vmem>> -> memref<1x128xf32, #tpu.memory_space<vmem>>
    %dma_start3A_1004 = tpu.memref_squeeze %dma_start3A_1003 : memref<1x128xf32, #tpu.memory_space<vmem>> -> memref<128xf32, #tpu.memory_space<vmem>>
    %dma_start3A_1005 = arith.constant 0 : i32
    %dma_start3A_1006 = tpu.memref_slice %arg8[%dma_start3A_1000, %dma_start3A_1005] : memref<12x128xi32, #tpu.memory_space<vmem>> -> memref<1x128xi32, #tpu.memory_space<vmem>>
    %dma_start3A_1007 = tpu.memref_squeeze %dma_start3A_1006 : memref<1x128xi32, #tpu.memory_space<vmem>> -> memref<128xi32, #tpu.memory_space<vmem>>
    %dma_start3A_1008 = arith.constant 0 : i32
    %dma_start3A_1009 = tpu.memref_slice %arg3[%dma_start3A_1008] : memref<3000000xf32, #tpu.memory_space<hbm>> -> memref<3000000xf32, #tpu.memory_space<hbm>>
    tpu.enqueue_indirect_dma source(%dma_start3A_1009 : memref<3000000xf32, #tpu.memory_space<hbm>>) target(%dma_start3A_1004 : memref<128xf32, #tpu.memory_space<vmem>>) offsets(%dma_start3A_1007 : memref<128xi32, #tpu.memory_space<vmem>>) semaphore(%arg11 : memref<!tpu.dma_semaphore, #tpu.memory_space<semaphore_mem>>)
    %dma_start3A_1010 = arith.constant 5 : i32
    %dma_start3A_1011 = arith.constant 5 : i32
    %dma_start3A_1012 = arith.constant 0 : i32
    %dma_start3A_1013 = tpu.memref_slice %arg9[%dma_start3A_1011, %dma_start3A_1012] : memref<36x128xf32, #tpu.memory_space<vmem>> -> memref<1x128xf32, #tpu.memory_space<vmem>>
    %dma_start3A_1014 = tpu.memref_squeeze %dma_start3A_1013 : memref<1x128xf32, #tpu.memory_space<vmem>> -> memref<128xf32, #tpu.memory_space<vmem>>
    %dma_start3A_1015 = arith.constant 0 : i32
    %dma_start3A_1016 = tpu.memref_slice %arg8[%dma_start3A_1010, %dma_start3A_1015] : memref<12x128xi32, #tpu.memory_space<vmem>> -> memref<1x128xi32, #tpu.memory_space<vmem>>
    %dma_start3A_1017 = tpu.memref_squeeze %dma_start3A_1016 : memref<1x128xi32, #tpu.memory_space<vmem>> -> memref<128xi32, #tpu.memory_space<vmem>>
    %dma_start3A_1018 = arith.constant 0 : i32
    %dma_start3A_1019 = tpu.memref_slice %arg3[%dma_start3A_1018] : memref<3000000xf32, #tpu.memory_space<hbm>> -> memref<3000000xf32, #tpu.memory_space<hbm>>
    tpu.enqueue_indirect_dma source(%dma_start3A_1019 : memref<3000000xf32, #tpu.memory_space<hbm>>) target(%dma_start3A_1014 : memref<128xf32, #tpu.memory_space<vmem>>) offsets(%dma_start3A_1017 : memref<128xi32, #tpu.memory_space<vmem>>) semaphore(%arg11 : memref<!tpu.dma_semaphore, #tpu.memory_space<semaphore_mem>>)
    %dma_start3A_1020 = arith.constant 6 : i32
    %dma_start3A_1021 = arith.constant 6 : i32
    %dma_start3A_1022 = arith.constant 0 : i32
    %dma_start3A_1023 = tpu.memref_slice %arg9[%dma_start3A_1021, %dma_start3A_1022] : memref<36x128xf32, #tpu.memory_space<vmem>> -> memref<1x128xf32, #tpu.memory_space<vmem>>
    %dma_start3A_1024 = tpu.memref_squeeze %dma_start3A_1023 : memref<1x128xf32, #tpu.memory_space<vmem>> -> memref<128xf32, #tpu.memory_space<vmem>>
    %dma_start3A_1025 = arith.constant 0 : i32
    %dma_start3A_1026 = tpu.memref_slice %arg8[%dma_start3A_1020, %dma_start3A_1025] : memref<12x128xi32, #tpu.memory_space<vmem>> -> memref<1x128xi32, #tpu.memory_space<vmem>>
    %dma_start3A_1027 = tpu.memref_squeeze %dma_start3A_1026 : memref<1x128xi32, #tpu.memory_space<vmem>> -> memref<128xi32, #tpu.memory_space<vmem>>
    %dma_start3A_1028 = arith.constant 0 : i32
    %dma_start3A_1029 = tpu.memref_slice %arg3[%dma_start3A_1028] : memref<3000000xf32, #tpu.memory_space<hbm>> -> memref<3000000xf32, #tpu.memory_space<hbm>>
    tpu.enqueue_indirect_dma source(%dma_start3A_1029 : memref<3000000xf32, #tpu.memory_space<hbm>>) target(%dma_start3A_1024 : memref<128xf32, #tpu.memory_space<vmem>>) offsets(%dma_start3A_1027 : memref<128xi32, #tpu.memory_space<vmem>>) semaphore(%arg11 : memref<!tpu.dma_semaphore, #tpu.memory_space<semaphore_mem>>)
    %dma_start3A_1030 = arith.constant 7 : i32
    %dma_start3A_1031 = arith.constant 7 : i32
    %dma_start3A_1032 = arith.constant 0 : i32
    %dma_start3A_1033 = tpu.memref_slice %arg9[%dma_start3A_1031, %dma_start3A_1032] : memref<36x128xf32, #tpu.memory_space<vmem>> -> memref<1x128xf32, #tpu.memory_space<vmem>>
    %dma_start3A_1034 = tpu.memref_squeeze %dma_start3A_1033 : memref<1x128xf32, #tpu.memory_space<vmem>> -> memref<128xf32, #tpu.memory_space<vmem>>
    %dma_start3A_1035 = arith.constant 0 : i32
    %dma_start3A_1036 = tpu.memref_slice %arg8[%dma_start3A_1030, %dma_start3A_1035] : memref<12x128xi32, #tpu.memory_space<vmem>> -> memref<1x128xi32, #tpu.memory_space<vmem>>
    %dma_start3A_1037 = tpu.memref_squeeze %dma_start3A_1036 : memref<1x128xi32, #tpu.memory_space<vmem>> -> memref<128xi32, #tpu.memory_space<vmem>>
    %dma_start3A_1038 = arith.constant 0 : i32
    %dma_start3A_1039 = tpu.memref_slice %arg3[%dma_start3A_1038] : memref<3000000xf32, #tpu.memory_space<hbm>> -> memref<3000000xf32, #tpu.memory_space<hbm>>
    tpu.enqueue_indirect_dma source(%dma_start3A_1039 : memref<3000000xf32, #tpu.memory_space<hbm>>) target(%dma_start3A_1034 : memref<128xf32, #tpu.memory_space<vmem>>) offsets(%dma_start3A_1037 : memref<128xi32, #tpu.memory_space<vmem>>) semaphore(%arg11 : memref<!tpu.dma_semaphore, #tpu.memory_space<semaphore_mem>>)
    %dma_start3A_1040 = arith.constant 8 : i32
    %dma_start3A_1041 = arith.constant 8 : i32
    %dma_start3A_1042 = arith.constant 0 : i32
    %dma_start3A_1043 = tpu.memref_slice %arg9[%dma_start3A_1041, %dma_start3A_1042] : memref<36x128xf32, #tpu.memory_space<vmem>> -> memref<1x128xf32, #tpu.memory_space<vmem>>
    %dma_start3A_1044 = tpu.memref_squeeze %dma_start3A_1043 : memref<1x128xf32, #tpu.memory_space<vmem>> -> memref<128xf32, #tpu.memory_space<vmem>>
    %dma_start3A_1045 = arith.constant 0 : i32
    %dma_start3A_1046 = tpu.memref_slice %arg8[%dma_start3A_1040, %dma_start3A_1045] : memref<12x128xi32, #tpu.memory_space<vmem>> -> memref<1x128xi32, #tpu.memory_space<vmem>>
    %dma_start3A_1047 = tpu.memref_squeeze %dma_start3A_1046 : memref<1x128xi32, #tpu.memory_space<vmem>> -> memref<128xi32, #tpu.memory_space<vmem>>
    %dma_start3A_1048 = arith.constant 0 : i32
    %dma_start3A_1049 = tpu.memref_slice %arg3[%dma_start3A_1048] : memref<3000000xf32, #tpu.memory_space<hbm>> -> memref<3000000xf32, #tpu.memory_space<hbm>>
    tpu.enqueue_indirect_dma source(%dma_start3A_1049 : memref<3000000xf32, #tpu.memory_space<hbm>>) target(%dma_start3A_1044 : memref<128xf32, #tpu.memory_space<vmem>>) offsets(%dma_start3A_1047 : memref<128xi32, #tpu.memory_space<vmem>>) semaphore(%arg11 : memref<!tpu.dma_semaphore, #tpu.memory_space<semaphore_mem>>)
    %dma_start3A_1050 = arith.constant 9 : i32
    %dma_start3A_1051 = arith.constant 9 : i32
    %dma_start3A_1052 = arith.constant 0 : i32
    %dma_start3A_1053 = tpu.memref_slice %arg9[%dma_start3A_1051, %dma_start3A_1052] : memref<36x128xf32, #tpu.memory_space<vmem>> -> memref<1x128xf32, #tpu.memory_space<vmem>>
    %dma_start3A_1054 = tpu.memref_squeeze %dma_start3A_1053 : memref<1x128xf32, #tpu.memory_space<vmem>> -> memref<128xf32, #tpu.memory_space<vmem>>
    %dma_start3A_1055 = arith.constant 0 : i32
    %dma_start3A_1056 = tpu.memref_slice %arg8[%dma_start3A_1050, %dma_start3A_1055] : memref<12x128xi32, #tpu.memory_space<vmem>> -> memref<1x128xi32, #tpu.memory_space<vmem>>
    %dma_start3A_1057 = tpu.memref_squeeze %dma_start3A_1056 : memref<1x128xi32, #tpu.memory_space<vmem>> -> memref<128xi32, #tpu.memory_space<vmem>>
    %dma_start3A_1058 = arith.constant 0 : i32
    %dma_start3A_1059 = tpu.memref_slice %arg3[%dma_start3A_1058] : memref<3000000xf32, #tpu.memory_space<hbm>> -> memref<3000000xf32, #tpu.memory_space<hbm>>
    tpu.enqueue_indirect_dma source(%dma_start3A_1059 : memref<3000000xf32, #tpu.memory_space<hbm>>) target(%dma_start3A_1054 : memref<128xf32, #tpu.memory_space<vmem>>) offsets(%dma_start3A_1057 : memref<128xi32, #tpu.memory_space<vmem>>) semaphore(%arg11 : memref<!tpu.dma_semaphore, #tpu.memory_space<semaphore_mem>>)
    %dma_start3A_1060 = arith.constant 10 : i32
    %dma_start3A_1061 = arith.constant 10 : i32
    %dma_start3A_1062 = arith.constant 0 : i32
    %dma_start3A_1063 = tpu.memref_slice %arg9[%dma_start3A_1061, %dma_start3A_1062] : memref<36x128xf32, #tpu.memory_space<vmem>> -> memref<1x128xf32, #tpu.memory_space<vmem>>
    %dma_start3A_1064 = tpu.memref_squeeze %dma_start3A_1063 : memref<1x128xf32, #tpu.memory_space<vmem>> -> memref<128xf32, #tpu.memory_space<vmem>>
    %dma_start3A_1065 = arith.constant 0 : i32
    %dma_start3A_1066 = tpu.memref_slice %arg8[%dma_start3A_1060, %dma_start3A_1065] : memref<12x128xi32, #tpu.memory_space<vmem>> -> memref<1x128xi32, #tpu.memory_space<vmem>>
    %dma_start3A_1067 = tpu.memref_squeeze %dma_start3A_1066 : memref<1x128xi32, #tpu.memory_space<vmem>> -> memref<128xi32, #tpu.memory_space<vmem>>
    %dma_start3A_1068 = arith.constant 0 : i32
    %dma_start3A_1069 = tpu.memref_slice %arg3[%dma_start3A_1068] : memref<3000000xf32, #tpu.memory_space<hbm>> -> memref<3000000xf32, #tpu.memory_space<hbm>>
    tpu.enqueue_indirect_dma source(%dma_start3A_1069 : memref<3000000xf32, #tpu.memory_space<hbm>>) target(%dma_start3A_1064 : memref<128xf32, #tpu.memory_space<vmem>>) offsets(%dma_start3A_1067 : memref<128xi32, #tpu.memory_space<vmem>>) semaphore(%arg11 : memref<!tpu.dma_semaphore, #tpu.memory_space<semaphore_mem>>)
    %dma_start3A_1070 = arith.constant 11 : i32
    %dma_start3A_1071 = arith.constant 11 : i32
    %dma_start3A_1072 = arith.constant 0 : i32
    %dma_start3A_1073 = tpu.memref_slice %arg9[%dma_start3A_1071, %dma_start3A_1072] : memref<36x128xf32, #tpu.memory_space<vmem>> -> memref<1x128xf32, #tpu.memory_space<vmem>>
    %dma_start3A_1074 = tpu.memref_squeeze %dma_start3A_1073 : memref<1x128xf32, #tpu.memory_space<vmem>> -> memref<128xf32, #tpu.memory_space<vmem>>
    %dma_start3A_1075 = arith.constant 0 : i32
    %dma_start3A_1076 = tpu.memref_slice %arg8[%dma_start3A_1070, %dma_start3A_1075] : memref<12x128xi32, #tpu.memory_space<vmem>> -> memref<1x128xi32, #tpu.memory_space<vmem>>
    %dma_start3A_1077 = tpu.memref_squeeze %dma_start3A_1076 : memref<1x128xi32, #tpu.memory_space<vmem>> -> memref<128xi32, #tpu.memory_space<vmem>>
    %dma_start3A_1078 = arith.constant 0 : i32
    %dma_start3A_1079 = tpu.memref_slice %arg3[%dma_start3A_1078] : memref<3000000xf32, #tpu.memory_space<hbm>> -> memref<3000000xf32, #tpu.memory_space<hbm>>
    tpu.enqueue_indirect_dma source(%dma_start3A_1079 : memref<3000000xf32, #tpu.memory_space<hbm>>) target(%dma_start3A_1074 : memref<128xf32, #tpu.memory_space<vmem>>) offsets(%dma_start3A_1077 : memref<128xi32, #tpu.memory_space<vmem>>) semaphore(%arg11 : memref<!tpu.dma_semaphore, #tpu.memory_space<semaphore_mem>>)
    %dma_start3A_1080 = arith.constant 0 : i32
    %dma_start3A_1081 = arith.constant 12 : i32
    %dma_start3A_1082 = arith.constant 0 : i32
    %dma_start3A_1083 = tpu.memref_slice %arg9[%dma_start3A_1081, %dma_start3A_1082] : memref<36x128xf32, #tpu.memory_space<vmem>> -> memref<1x128xf32, #tpu.memory_space<vmem>>
    %dma_start3A_1084 = tpu.memref_squeeze %dma_start3A_1083 : memref<1x128xf32, #tpu.memory_space<vmem>> -> memref<128xf32, #tpu.memory_space<vmem>>
    %dma_start3A_1085 = arith.constant 0 : i32
    %dma_start3A_1086 = tpu.memref_slice %arg8[%dma_start3A_1080, %dma_start3A_1085] : memref<12x128xi32, #tpu.memory_space<vmem>> -> memref<1x128xi32, #tpu.memory_space<vmem>>
    %dma_start3A_1087 = tpu.memref_squeeze %dma_start3A_1086 : memref<1x128xi32, #tpu.memory_space<vmem>> -> memref<128xi32, #tpu.memory_space<vmem>>
    %dma_start3A_1088 = arith.constant 0 : i32
    %dma_start3A_1089 = tpu.memref_slice %arg4[%dma_start3A_1088] : memref<3000000xf32, #tpu.memory_space<hbm>> -> memref<3000000xf32, #tpu.memory_space<hbm>>
    tpu.enqueue_indirect_dma source(%dma_start3A_1089 : memref<3000000xf32, #tpu.memory_space<hbm>>) target(%dma_start3A_1084 : memref<128xf32, #tpu.memory_space<vmem>>) offsets(%dma_start3A_1087 : memref<128xi32, #tpu.memory_space<vmem>>) semaphore(%arg11 : memref<!tpu.dma_semaphore, #tpu.memory_space<semaphore_mem>>)
    %dma_start3A_1090 = arith.constant 1 : i32
    %dma_start3A_1091 = arith.constant 13 : i32
    %dma_start3A_1092 = arith.constant 0 : i32
    %dma_start3A_1093 = tpu.memref_slice %arg9[%dma_start3A_1091, %dma_start3A_1092] : memref<36x128xf32, #tpu.memory_space<vmem>> -> memref<1x128xf32, #tpu.memory_space<vmem>>
    %dma_start3A_1094 = tpu.memref_squeeze %dma_start3A_1093 : memref<1x128xf32, #tpu.memory_space<vmem>> -> memref<128xf32, #tpu.memory_space<vmem>>
    %dma_start3A_1095 = arith.constant 0 : i32
    %dma_start3A_1096 = tpu.memref_slice %arg8[%dma_start3A_1090, %dma_start3A_1095] : memref<12x128xi32, #tpu.memory_space<vmem>> -> memref<1x128xi32, #tpu.memory_space<vmem>>
    %dma_start3A_1097 = tpu.memref_squeeze %dma_start3A_1096 : memref<1x128xi32, #tpu.memory_space<vmem>> -> memref<128xi32, #tpu.memory_space<vmem>>
    %dma_start3A_1098 = arith.constant 0 : i32
    %dma_start3A_1099 = tpu.memref_slice %arg4[%dma_start3A_1098] : memref<3000000xf32, #tpu.memory_space<hbm>> -> memref<3000000xf32, #tpu.memory_space<hbm>>
    tpu.enqueue_indirect_dma source(%dma_start3A_1099 : memref<3000000xf32, #tpu.memory_space<hbm>>) target(%dma_start3A_1094 : memref<128xf32, #tpu.memory_space<vmem>>) offsets(%dma_start3A_1097 : memref<128xi32, #tpu.memory_space<vmem>>) semaphore(%arg11 : memref<!tpu.dma_semaphore, #tpu.memory_space<semaphore_mem>>)
    %dma_start3A_1100 = arith.constant 2 : i32
    %dma_start3A_1101 = arith.constant 14 : i32
    %dma_start3A_1102 = arith.constant 0 : i32
    %dma_start3A_1103 = tpu.memref_slice %arg9[%dma_start3A_1101, %dma_start3A_1102] : memref<36x128xf32, #tpu.memory_space<vmem>> -> memref<1x128xf32, #tpu.memory_space<vmem>>
    %dma_start3A_1104 = tpu.memref_squeeze %dma_start3A_1103 : memref<1x128xf32, #tpu.memory_space<vmem>> -> memref<128xf32, #tpu.memory_space<vmem>>
    %dma_start3A_1105 = arith.constant 0 : i32
    %dma_start3A_1106 = tpu.memref_slice %arg8[%dma_start3A_1100, %dma_start3A_1105] : memref<12x128xi32, #tpu.memory_space<vmem>> -> memref<1x128xi32, #tpu.memory_space<vmem>>
    %dma_start3A_1107 = tpu.memref_squeeze %dma_start3A_1106 : memref<1x128xi32, #tpu.memory_space<vmem>> -> memref<128xi32, #tpu.memory_space<vmem>>
    %dma_start3A_1108 = arith.constant 0 : i32
    %dma_start3A_1109 = tpu.memref_slice %arg4[%dma_start3A_1108] : memref<3000000xf32, #tpu.memory_space<hbm>> -> memref<3000000xf32, #tpu.memory_space<hbm>>
    tpu.enqueue_indirect_dma source(%dma_start3A_1109 : memref<3000000xf32, #tpu.memory_space<hbm>>) target(%dma_start3A_1104 : memref<128xf32, #tpu.memory_space<vmem>>) offsets(%dma_start3A_1107 : memref<128xi32, #tpu.memory_space<vmem>>) semaphore(%arg11 : memref<!tpu.dma_semaphore, #tpu.memory_space<semaphore_mem>>)
    %dma_start3A_1110 = arith.constant 3 : i32
    %dma_start3A_1111 = arith.constant 15 : i32
    %dma_start3A_1112 = arith.constant 0 : i32
    %dma_start3A_1113 = tpu.memref_slice %arg9[%dma_start3A_1111, %dma_start3A_1112] : memref<36x128xf32, #tpu.memory_space<vmem>> -> memref<1x128xf32, #tpu.memory_space<vmem>>
    %dma_start3A_1114 = tpu.memref_squeeze %dma_start3A_1113 : memref<1x128xf32, #tpu.memory_space<vmem>> -> memref<128xf32, #tpu.memory_space<vmem>>
    %dma_start3A_1115 = arith.constant 0 : i32
    %dma_start3A_1116 = tpu.memref_slice %arg8[%dma_start3A_1110, %dma_start3A_1115] : memref<12x128xi32, #tpu.memory_space<vmem>> -> memref<1x128xi32, #tpu.memory_space<vmem>>
    %dma_start3A_1117 = tpu.memref_squeeze %dma_start3A_1116 : memref<1x128xi32, #tpu.memory_space<vmem>> -> memref<128xi32, #tpu.memory_space<vmem>>
    %dma_start3A_1118 = arith.constant 0 : i32
    %dma_start3A_1119 = tpu.memref_slice %arg4[%dma_start3A_1118] : memref<3000000xf32, #tpu.memory_space<hbm>> -> memref<3000000xf32, #tpu.memory_space<hbm>>
    tpu.enqueue_indirect_dma source(%dma_start3A_1119 : memref<3000000xf32, #tpu.memory_space<hbm>>) target(%dma_start3A_1114 : memref<128xf32, #tpu.memory_space<vmem>>) offsets(%dma_start3A_1117 : memref<128xi32, #tpu.memory_space<vmem>>) semaphore(%arg11 : memref<!tpu.dma_semaphore, #tpu.memory_space<semaphore_mem>>)
    %dma_start3A_1120 = arith.constant 4 : i32
    %dma_start3A_1121 = arith.constant 16 : i32
    %dma_start3A_1122 = arith.constant 0 : i32
    %dma_start3A_1123 = tpu.memref_slice %arg9[%dma_start3A_1121, %dma_start3A_1122] : memref<36x128xf32, #tpu.memory_space<vmem>> -> memref<1x128xf32, #tpu.memory_space<vmem>>
    %dma_start3A_1124 = tpu.memref_squeeze %dma_start3A_1123 : memref<1x128xf32, #tpu.memory_space<vmem>> -> memref<128xf32, #tpu.memory_space<vmem>>
    %dma_start3A_1125 = arith.constant 0 : i32
    %dma_start3A_1126 = tpu.memref_slice %arg8[%dma_start3A_1120, %dma_start3A_1125] : memref<12x128xi32, #tpu.memory_space<vmem>> -> memref<1x128xi32, #tpu.memory_space<vmem>>
    %dma_start3A_1127 = tpu.memref_squeeze %dma_start3A_1126 : memref<1x128xi32, #tpu.memory_space<vmem>> -> memref<128xi32, #tpu.memory_space<vmem>>
    %dma_start3A_1128 = arith.constant 0 : i32
    %dma_start3A_1129 = tpu.memref_slice %arg4[%dma_start3A_1128] : memref<3000000xf32, #tpu.memory_space<hbm>> -> memref<3000000xf32, #tpu.memory_space<hbm>>
    tpu.enqueue_indirect_dma source(%dma_start3A_1129 : memref<3000000xf32, #tpu.memory_space<hbm>>) target(%dma_start3A_1124 : memref<128xf32, #tpu.memory_space<vmem>>) offsets(%dma_start3A_1127 : memref<128xi32, #tpu.memory_space<vmem>>) semaphore(%arg11 : memref<!tpu.dma_semaphore, #tpu.memory_space<semaphore_mem>>)
    %dma_start3A_1130 = arith.constant 5 : i32
    %dma_start3A_1131 = arith.constant 17 : i32
    %dma_start3A_1132 = arith.constant 0 : i32
    %dma_start3A_1133 = tpu.memref_slice %arg9[%dma_start3A_1131, %dma_start3A_1132] : memref<36x128xf32, #tpu.memory_space<vmem>> -> memref<1x128xf32, #tpu.memory_space<vmem>>
    %dma_start3A_1134 = tpu.memref_squeeze %dma_start3A_1133 : memref<1x128xf32, #tpu.memory_space<vmem>> -> memref<128xf32, #tpu.memory_space<vmem>>
    %dma_start3A_1135 = arith.constant 0 : i32
    %dma_start3A_1136 = tpu.memref_slice %arg8[%dma_start3A_1130, %dma_start3A_1135] : memref<12x128xi32, #tpu.memory_space<vmem>> -> memref<1x128xi32, #tpu.memory_space<vmem>>
    %dma_start3A_1137 = tpu.memref_squeeze %dma_start3A_1136 : memref<1x128xi32, #tpu.memory_space<vmem>> -> memref<128xi32, #tpu.memory_space<vmem>>
    %dma_start3A_1138 = arith.constant 0 : i32
    %dma_start3A_1139 = tpu.memref_slice %arg4[%dma_start3A_1138] : memref<3000000xf32, #tpu.memory_space<hbm>> -> memref<3000000xf32, #tpu.memory_space<hbm>>
    tpu.enqueue_indirect_dma source(%dma_start3A_1139 : memref<3000000xf32, #tpu.memory_space<hbm>>) target(%dma_start3A_1134 : memref<128xf32, #tpu.memory_space<vmem>>) offsets(%dma_start3A_1137 : memref<128xi32, #tpu.memory_space<vmem>>) semaphore(%arg11 : memref<!tpu.dma_semaphore, #tpu.memory_space<semaphore_mem>>)
    %dma_start3A_1140 = arith.constant 6 : i32
    %dma_start3A_1141 = arith.constant 18 : i32
    %dma_start3A_1142 = arith.constant 0 : i32
    %dma_start3A_1143 = tpu.memref_slice %arg9[%dma_start3A_1141, %dma_start3A_1142] : memref<36x128xf32, #tpu.memory_space<vmem>> -> memref<1x128xf32, #tpu.memory_space<vmem>>
    %dma_start3A_1144 = tpu.memref_squeeze %dma_start3A_1143 : memref<1x128xf32, #tpu.memory_space<vmem>> -> memref<128xf32, #tpu.memory_space<vmem>>
    %dma_start3A_1145 = arith.constant 0 : i32
    %dma_start3A_1146 = tpu.memref_slice %arg8[%dma_start3A_1140, %dma_start3A_1145] : memref<12x128xi32, #tpu.memory_space<vmem>> -> memref<1x128xi32, #tpu.memory_space<vmem>>
    %dma_start3A_1147 = tpu.memref_squeeze %dma_start3A_1146 : memref<1x128xi32, #tpu.memory_space<vmem>> -> memref<128xi32, #tpu.memory_space<vmem>>
    %dma_start3A_1148 = arith.constant 0 : i32
    %dma_start3A_1149 = tpu.memref_slice %arg4[%dma_start3A_1148] : memref<3000000xf32, #tpu.memory_space<hbm>> -> memref<3000000xf32, #tpu.memory_space<hbm>>
    tpu.enqueue_indirect_dma source(%dma_start3A_1149 : memref<3000000xf32, #tpu.memory_space<hbm>>) target(%dma_start3A_1144 : memref<128xf32, #tpu.memory_space<vmem>>) offsets(%dma_start3A_1147 : memref<128xi32, #tpu.memory_space<vmem>>) semaphore(%arg11 : memref<!tpu.dma_semaphore, #tpu.memory_space<semaphore_mem>>)
    %dma_start3A_1150 = arith.constant 7 : i32
    %dma_start3A_1151 = arith.constant 19 : i32
    %dma_start3A_1152 = arith.constant 0 : i32
    %dma_start3A_1153 = tpu.memref_slice %arg9[%dma_start3A_1151, %dma_start3A_1152] : memref<36x128xf32, #tpu.memory_space<vmem>> -> memref<1x128xf32, #tpu.memory_space<vmem>>
    %dma_start3A_1154 = tpu.memref_squeeze %dma_start3A_1153 : memref<1x128xf32, #tpu.memory_space<vmem>> -> memref<128xf32, #tpu.memory_space<vmem>>
    %dma_start3A_1155 = arith.constant 0 : i32
    %dma_start3A_1156 = tpu.memref_slice %arg8[%dma_start3A_1150, %dma_start3A_1155] : memref<12x128xi32, #tpu.memory_space<vmem>> -> memref<1x128xi32, #tpu.memory_space<vmem>>
    %dma_start3A_1157 = tpu.memref_squeeze %dma_start3A_1156 : memref<1x128xi32, #tpu.memory_space<vmem>> -> memref<128xi32, #tpu.memory_space<vmem>>
    %dma_start3A_1158 = arith.constant 0 : i32
    %dma_start3A_1159 = tpu.memref_slice %arg4[%dma_start3A_1158] : memref<3000000xf32, #tpu.memory_space<hbm>> -> memref<3000000xf32, #tpu.memory_space<hbm>>
    tpu.enqueue_indirect_dma source(%dma_start3A_1159 : memref<3000000xf32, #tpu.memory_space<hbm>>) target(%dma_start3A_1154 : memref<128xf32, #tpu.memory_space<vmem>>) offsets(%dma_start3A_1157 : memref<128xi32, #tpu.memory_space<vmem>>) semaphore(%arg11 : memref<!tpu.dma_semaphore, #tpu.memory_space<semaphore_mem>>)
    %dma_start3A_1160 = arith.constant 8 : i32
    %dma_start3A_1161 = arith.constant 20 : i32
    %dma_start3A_1162 = arith.constant 0 : i32
    %dma_start3A_1163 = tpu.memref_slice %arg9[%dma_start3A_1161, %dma_start3A_1162] : memref<36x128xf32, #tpu.memory_space<vmem>> -> memref<1x128xf32, #tpu.memory_space<vmem>>
    %dma_start3A_1164 = tpu.memref_squeeze %dma_start3A_1163 : memref<1x128xf32, #tpu.memory_space<vmem>> -> memref<128xf32, #tpu.memory_space<vmem>>
    %dma_start3A_1165 = arith.constant 0 : i32
    %dma_start3A_1166 = tpu.memref_slice %arg8[%dma_start3A_1160, %dma_start3A_1165] : memref<12x128xi32, #tpu.memory_space<vmem>> -> memref<1x128xi32, #tpu.memory_space<vmem>>
    %dma_start3A_1167 = tpu.memref_squeeze %dma_start3A_1166 : memref<1x128xi32, #tpu.memory_space<vmem>> -> memref<128xi32, #tpu.memory_space<vmem>>
    %dma_start3A_1168 = arith.constant 0 : i32
    %dma_start3A_1169 = tpu.memref_slice %arg4[%dma_start3A_1168] : memref<3000000xf32, #tpu.memory_space<hbm>> -> memref<3000000xf32, #tpu.memory_space<hbm>>
    tpu.enqueue_indirect_dma source(%dma_start3A_1169 : memref<3000000xf32, #tpu.memory_space<hbm>>) target(%dma_start3A_1164 : memref<128xf32, #tpu.memory_space<vmem>>) offsets(%dma_start3A_1167 : memref<128xi32, #tpu.memory_space<vmem>>) semaphore(%arg11 : memref<!tpu.dma_semaphore, #tpu.memory_space<semaphore_mem>>)
    %dma_start3A_1170 = arith.constant 9 : i32
    %dma_start3A_1171 = arith.constant 21 : i32
    %dma_start3A_1172 = arith.constant 0 : i32
    %dma_start3A_1173 = tpu.memref_slice %arg9[%dma_start3A_1171, %dma_start3A_1172] : memref<36x128xf32, #tpu.memory_space<vmem>> -> memref<1x128xf32, #tpu.memory_space<vmem>>
    %dma_start3A_1174 = tpu.memref_squeeze %dma_start3A_1173 : memref<1x128xf32, #tpu.memory_space<vmem>> -> memref<128xf32, #tpu.memory_space<vmem>>
    %dma_start3A_1175 = arith.constant 0 : i32
    %dma_start3A_1176 = tpu.memref_slice %arg8[%dma_start3A_1170, %dma_start3A_1175] : memref<12x128xi32, #tpu.memory_space<vmem>> -> memref<1x128xi32, #tpu.memory_space<vmem>>
    %dma_start3A_1177 = tpu.memref_squeeze %dma_start3A_1176 : memref<1x128xi32, #tpu.memory_space<vmem>> -> memref<128xi32, #tpu.memory_space<vmem>>
    %dma_start3A_1178 = arith.constant 0 : i32
    %dma_start3A_1179 = tpu.memref_slice %arg4[%dma_start3A_1178] : memref<3000000xf32, #tpu.memory_space<hbm>> -> memref<3000000xf32, #tpu.memory_space<hbm>>
    tpu.enqueue_indirect_dma source(%dma_start3A_1179 : memref<3000000xf32, #tpu.memory_space<hbm>>) target(%dma_start3A_1174 : memref<128xf32, #tpu.memory_space<vmem>>) offsets(%dma_start3A_1177 : memref<128xi32, #tpu.memory_space<vmem>>) semaphore(%arg11 : memref<!tpu.dma_semaphore, #tpu.memory_space<semaphore_mem>>)
    %dma_start3A_1180 = arith.constant 10 : i32
    %dma_start3A_1181 = arith.constant 22 : i32
    %dma_start3A_1182 = arith.constant 0 : i32
    %dma_start3A_1183 = tpu.memref_slice %arg9[%dma_start3A_1181, %dma_start3A_1182] : memref<36x128xf32, #tpu.memory_space<vmem>> -> memref<1x128xf32, #tpu.memory_space<vmem>>
    %dma_start3A_1184 = tpu.memref_squeeze %dma_start3A_1183 : memref<1x128xf32, #tpu.memory_space<vmem>> -> memref<128xf32, #tpu.memory_space<vmem>>
    %dma_start3A_1185 = arith.constant 0 : i32
    %dma_start3A_1186 = tpu.memref_slice %arg8[%dma_start3A_1180, %dma_start3A_1185] : memref<12x128xi32, #tpu.memory_space<vmem>> -> memref<1x128xi32, #tpu.memory_space<vmem>>
    %dma_start3A_1187 = tpu.memref_squeeze %dma_start3A_1186 : memref<1x128xi32, #tpu.memory_space<vmem>> -> memref<128xi32, #tpu.memory_space<vmem>>
    %dma_start3A_1188 = arith.constant 0 : i32
    %dma_start3A_1189 = tpu.memref_slice %arg4[%dma_start3A_1188] : memref<3000000xf32, #tpu.memory_space<hbm>> -> memref<3000000xf32, #tpu.memory_space<hbm>>
    tpu.enqueue_indirect_dma source(%dma_start3A_1189 : memref<3000000xf32, #tpu.memory_space<hbm>>) target(%dma_start3A_1184 : memref<128xf32, #tpu.memory_space<vmem>>) offsets(%dma_start3A_1187 : memref<128xi32, #tpu.memory_space<vmem>>) semaphore(%arg11 : memref<!tpu.dma_semaphore, #tpu.memory_space<semaphore_mem>>)
    %dma_start3A_1190 = arith.constant 11 : i32
    %dma_start3A_1191 = arith.constant 23 : i32
    %dma_start3A_1192 = arith.constant 0 : i32
    %dma_start3A_1193 = tpu.memref_slice %arg9[%dma_start3A_1191, %dma_start3A_1192] : memref<36x128xf32, #tpu.memory_space<vmem>> -> memref<1x128xf32, #tpu.memory_space<vmem>>
    %dma_start3A_1194 = tpu.memref_squeeze %dma_start3A_1193 : memref<1x128xf32, #tpu.memory_space<vmem>> -> memref<128xf32, #tpu.memory_space<vmem>>
    %dma_start3A_1195 = arith.constant 0 : i32
    %dma_start3A_1196 = tpu.memref_slice %arg8[%dma_start3A_1190, %dma_start3A_1195] : memref<12x128xi32, #tpu.memory_space<vmem>> -> memref<1x128xi32, #tpu.memory_space<vmem>>
    %dma_start3A_1197 = tpu.memref_squeeze %dma_start3A_1196 : memref<1x128xi32, #tpu.memory_space<vmem>> -> memref<128xi32, #tpu.memory_space<vmem>>
    %dma_start3A_1198 = arith.constant 0 : i32
    %dma_start3A_1199 = tpu.memref_slice %arg4[%dma_start3A_1198] : memref<3000000xf32, #tpu.memory_space<hbm>> -> memref<3000000xf32, #tpu.memory_space<hbm>>
    tpu.enqueue_indirect_dma source(%dma_start3A_1199 : memref<3000000xf32, #tpu.memory_space<hbm>>) target(%dma_start3A_1194 : memref<128xf32, #tpu.memory_space<vmem>>) offsets(%dma_start3A_1197 : memref<128xi32, #tpu.memory_space<vmem>>) semaphore(%arg11 : memref<!tpu.dma_semaphore, #tpu.memory_space<semaphore_mem>>)
    %dma_start3A_1200 = arith.constant 0 : i32
    %dma_start3A_1201 = arith.constant 24 : i32
    %dma_start3A_1202 = arith.constant 0 : i32
    %dma_start3A_1203 = tpu.memref_slice %arg9[%dma_start3A_1201, %dma_start3A_1202] : memref<36x128xf32, #tpu.memory_space<vmem>> -> memref<1x128xf32, #tpu.memory_space<vmem>>
    %dma_start3A_1204 = tpu.memref_squeeze %dma_start3A_1203 : memref<1x128xf32, #tpu.memory_space<vmem>> -> memref<128xf32, #tpu.memory_space<vmem>>
    %dma_start3A_1205 = arith.constant 0 : i32
    %dma_start3A_1206 = tpu.memref_slice %arg8[%dma_start3A_1200, %dma_start3A_1205] : memref<12x128xi32, #tpu.memory_space<vmem>> -> memref<1x128xi32, #tpu.memory_space<vmem>>
    %dma_start3A_1207 = tpu.memref_squeeze %dma_start3A_1206 : memref<1x128xi32, #tpu.memory_space<vmem>> -> memref<128xi32, #tpu.memory_space<vmem>>
    %dma_start3A_1208 = arith.constant 0 : i32
    %dma_start3A_1209 = tpu.memref_slice %arg5[%dma_start3A_1208] : memref<3000000xf32, #tpu.memory_space<hbm>> -> memref<3000000xf32, #tpu.memory_space<hbm>>
    tpu.enqueue_indirect_dma source(%dma_start3A_1209 : memref<3000000xf32, #tpu.memory_space<hbm>>) target(%dma_start3A_1204 : memref<128xf32, #tpu.memory_space<vmem>>) offsets(%dma_start3A_1207 : memref<128xi32, #tpu.memory_space<vmem>>) semaphore(%arg11 : memref<!tpu.dma_semaphore, #tpu.memory_space<semaphore_mem>>)
    %dma_start3A_1210 = arith.constant 1 : i32
    %dma_start3A_1211 = arith.constant 25 : i32
    %dma_start3A_1212 = arith.constant 0 : i32
    %dma_start3A_1213 = tpu.memref_slice %arg9[%dma_start3A_1211, %dma_start3A_1212] : memref<36x128xf32, #tpu.memory_space<vmem>> -> memref<1x128xf32, #tpu.memory_space<vmem>>
    %dma_start3A_1214 = tpu.memref_squeeze %dma_start3A_1213 : memref<1x128xf32, #tpu.memory_space<vmem>> -> memref<128xf32, #tpu.memory_space<vmem>>
    %dma_start3A_1215 = arith.constant 0 : i32
    %dma_start3A_1216 = tpu.memref_slice %arg8[%dma_start3A_1210, %dma_start3A_1215] : memref<12x128xi32, #tpu.memory_space<vmem>> -> memref<1x128xi32, #tpu.memory_space<vmem>>
    %dma_start3A_1217 = tpu.memref_squeeze %dma_start3A_1216 : memref<1x128xi32, #tpu.memory_space<vmem>> -> memref<128xi32, #tpu.memory_space<vmem>>
    %dma_start3A_1218 = arith.constant 0 : i32
    %dma_start3A_1219 = tpu.memref_slice %arg5[%dma_start3A_1218] : memref<3000000xf32, #tpu.memory_space<hbm>> -> memref<3000000xf32, #tpu.memory_space<hbm>>
    tpu.enqueue_indirect_dma source(%dma_start3A_1219 : memref<3000000xf32, #tpu.memory_space<hbm>>) target(%dma_start3A_1214 : memref<128xf32, #tpu.memory_space<vmem>>) offsets(%dma_start3A_1217 : memref<128xi32, #tpu.memory_space<vmem>>) semaphore(%arg11 : memref<!tpu.dma_semaphore, #tpu.memory_space<semaphore_mem>>)
    %dma_start3A_1220 = arith.constant 2 : i32
    %dma_start3A_1221 = arith.constant 26 : i32
    %dma_start3A_1222 = arith.constant 0 : i32
    %dma_start3A_1223 = tpu.memref_slice %arg9[%dma_start3A_1221, %dma_start3A_1222] : memref<36x128xf32, #tpu.memory_space<vmem>> -> memref<1x128xf32, #tpu.memory_space<vmem>>
    %dma_start3A_1224 = tpu.memref_squeeze %dma_start3A_1223 : memref<1x128xf32, #tpu.memory_space<vmem>> -> memref<128xf32, #tpu.memory_space<vmem>>
    %dma_start3A_1225 = arith.constant 0 : i32
    %dma_start3A_1226 = tpu.memref_slice %arg8[%dma_start3A_1220, %dma_start3A_1225] : memref<12x128xi32, #tpu.memory_space<vmem>> -> memref<1x128xi32, #tpu.memory_space<vmem>>
    %dma_start3A_1227 = tpu.memref_squeeze %dma_start3A_1226 : memref<1x128xi32, #tpu.memory_space<vmem>> -> memref<128xi32, #tpu.memory_space<vmem>>
    %dma_start3A_1228 = arith.constant 0 : i32
    %dma_start3A_1229 = tpu.memref_slice %arg5[%dma_start3A_1228] : memref<3000000xf32, #tpu.memory_space<hbm>> -> memref<3000000xf32, #tpu.memory_space<hbm>>
    tpu.enqueue_indirect_dma source(%dma_start3A_1229 : memref<3000000xf32, #tpu.memory_space<hbm>>) target(%dma_start3A_1224 : memref<128xf32, #tpu.memory_space<vmem>>) offsets(%dma_start3A_1227 : memref<128xi32, #tpu.memory_space<vmem>>) semaphore(%arg11 : memref<!tpu.dma_semaphore, #tpu.memory_space<semaphore_mem>>)
    %dma_start3A_1230 = arith.constant 3 : i32
    %dma_start3A_1231 = arith.constant 27 : i32
    %dma_start3A_1232 = arith.constant 0 : i32
    %dma_start3A_1233 = tpu.memref_slice %arg9[%dma_start3A_1231, %dma_start3A_1232] : memref<36x128xf32, #tpu.memory_space<vmem>> -> memref<1x128xf32, #tpu.memory_space<vmem>>
    %dma_start3A_1234 = tpu.memref_squeeze %dma_start3A_1233 : memref<1x128xf32, #tpu.memory_space<vmem>> -> memref<128xf32, #tpu.memory_space<vmem>>
    %dma_start3A_1235 = arith.constant 0 : i32
    %dma_start3A_1236 = tpu.memref_slice %arg8[%dma_start3A_1230, %dma_start3A_1235] : memref<12x128xi32, #tpu.memory_space<vmem>> -> memref<1x128xi32, #tpu.memory_space<vmem>>
    %dma_start3A_1237 = tpu.memref_squeeze %dma_start3A_1236 : memref<1x128xi32, #tpu.memory_space<vmem>> -> memref<128xi32, #tpu.memory_space<vmem>>
    %dma_start3A_1238 = arith.constant 0 : i32
    %dma_start3A_1239 = tpu.memref_slice %arg5[%dma_start3A_1238] : memref<3000000xf32, #tpu.memory_space<hbm>> -> memref<3000000xf32, #tpu.memory_space<hbm>>
    tpu.enqueue_indirect_dma source(%dma_start3A_1239 : memref<3000000xf32, #tpu.memory_space<hbm>>) target(%dma_start3A_1234 : memref<128xf32, #tpu.memory_space<vmem>>) offsets(%dma_start3A_1237 : memref<128xi32, #tpu.memory_space<vmem>>) semaphore(%arg11 : memref<!tpu.dma_semaphore, #tpu.memory_space<semaphore_mem>>)
    %dma_start3A_1240 = arith.constant 4 : i32
    %dma_start3A_1241 = arith.constant 28 : i32
    %dma_start3A_1242 = arith.constant 0 : i32
    %dma_start3A_1243 = tpu.memref_slice %arg9[%dma_start3A_1241, %dma_start3A_1242] : memref<36x128xf32, #tpu.memory_space<vmem>> -> memref<1x128xf32, #tpu.memory_space<vmem>>
    %dma_start3A_1244 = tpu.memref_squeeze %dma_start3A_1243 : memref<1x128xf32, #tpu.memory_space<vmem>> -> memref<128xf32, #tpu.memory_space<vmem>>
    %dma_start3A_1245 = arith.constant 0 : i32
    %dma_start3A_1246 = tpu.memref_slice %arg8[%dma_start3A_1240, %dma_start3A_1245] : memref<12x128xi32, #tpu.memory_space<vmem>> -> memref<1x128xi32, #tpu.memory_space<vmem>>
    %dma_start3A_1247 = tpu.memref_squeeze %dma_start3A_1246 : memref<1x128xi32, #tpu.memory_space<vmem>> -> memref<128xi32, #tpu.memory_space<vmem>>
    %dma_start3A_1248 = arith.constant 0 : i32
    %dma_start3A_1249 = tpu.memref_slice %arg5[%dma_start3A_1248] : memref<3000000xf32, #tpu.memory_space<hbm>> -> memref<3000000xf32, #tpu.memory_space<hbm>>
    tpu.enqueue_indirect_dma source(%dma_start3A_1249 : memref<3000000xf32, #tpu.memory_space<hbm>>) target(%dma_start3A_1244 : memref<128xf32, #tpu.memory_space<vmem>>) offsets(%dma_start3A_1247 : memref<128xi32, #tpu.memory_space<vmem>>) semaphore(%arg11 : memref<!tpu.dma_semaphore, #tpu.memory_space<semaphore_mem>>)
    %dma_start3A_1250 = arith.constant 5 : i32
    %dma_start3A_1251 = arith.constant 29 : i32
    %dma_start3A_1252 = arith.constant 0 : i32
    %dma_start3A_1253 = tpu.memref_slice %arg9[%dma_start3A_1251, %dma_start3A_1252] : memref<36x128xf32, #tpu.memory_space<vmem>> -> memref<1x128xf32, #tpu.memory_space<vmem>>
    %dma_start3A_1254 = tpu.memref_squeeze %dma_start3A_1253 : memref<1x128xf32, #tpu.memory_space<vmem>> -> memref<128xf32, #tpu.memory_space<vmem>>
    %dma_start3A_1255 = arith.constant 0 : i32
    %dma_start3A_1256 = tpu.memref_slice %arg8[%dma_start3A_1250, %dma_start3A_1255] : memref<12x128xi32, #tpu.memory_space<vmem>> -> memref<1x128xi32, #tpu.memory_space<vmem>>
    %dma_start3A_1257 = tpu.memref_squeeze %dma_start3A_1256 : memref<1x128xi32, #tpu.memory_space<vmem>> -> memref<128xi32, #tpu.memory_space<vmem>>
    %dma_start3A_1258 = arith.constant 0 : i32
    %dma_start3A_1259 = tpu.memref_slice %arg5[%dma_start3A_1258] : memref<3000000xf32, #tpu.memory_space<hbm>> -> memref<3000000xf32, #tpu.memory_space<hbm>>
    tpu.enqueue_indirect_dma source(%dma_start3A_1259 : memref<3000000xf32, #tpu.memory_space<hbm>>) target(%dma_start3A_1254 : memref<128xf32, #tpu.memory_space<vmem>>) offsets(%dma_start3A_1257 : memref<128xi32, #tpu.memory_space<vmem>>) semaphore(%arg11 : memref<!tpu.dma_semaphore, #tpu.memory_space<semaphore_mem>>)
    %dma_start3A_1260 = arith.constant 6 : i32
    %dma_start3A_1261 = arith.constant 30 : i32
    %dma_start3A_1262 = arith.constant 0 : i32
    %dma_start3A_1263 = tpu.memref_slice %arg9[%dma_start3A_1261, %dma_start3A_1262] : memref<36x128xf32, #tpu.memory_space<vmem>> -> memref<1x128xf32, #tpu.memory_space<vmem>>
    %dma_start3A_1264 = tpu.memref_squeeze %dma_start3A_1263 : memref<1x128xf32, #tpu.memory_space<vmem>> -> memref<128xf32, #tpu.memory_space<vmem>>
    %dma_start3A_1265 = arith.constant 0 : i32
    %dma_start3A_1266 = tpu.memref_slice %arg8[%dma_start3A_1260, %dma_start3A_1265] : memref<12x128xi32, #tpu.memory_space<vmem>> -> memref<1x128xi32, #tpu.memory_space<vmem>>
    %dma_start3A_1267 = tpu.memref_squeeze %dma_start3A_1266 : memref<1x128xi32, #tpu.memory_space<vmem>> -> memref<128xi32, #tpu.memory_space<vmem>>
    %dma_start3A_1268 = arith.constant 0 : i32
    %dma_start3A_1269 = tpu.memref_slice %arg5[%dma_start3A_1268] : memref<3000000xf32, #tpu.memory_space<hbm>> -> memref<3000000xf32, #tpu.memory_space<hbm>>
    tpu.enqueue_indirect_dma source(%dma_start3A_1269 : memref<3000000xf32, #tpu.memory_space<hbm>>) target(%dma_start3A_1264 : memref<128xf32, #tpu.memory_space<vmem>>) offsets(%dma_start3A_1267 : memref<128xi32, #tpu.memory_space<vmem>>) semaphore(%arg11 : memref<!tpu.dma_semaphore, #tpu.memory_space<semaphore_mem>>)
    %dma_start3A_1270 = arith.constant 7 : i32
    %dma_start3A_1271 = arith.constant 31 : i32
    %dma_start3A_1272 = arith.constant 0 : i32
    %dma_start3A_1273 = tpu.memref_slice %arg9[%dma_start3A_1271, %dma_start3A_1272] : memref<36x128xf32, #tpu.memory_space<vmem>> -> memref<1x128xf32, #tpu.memory_space<vmem>>
    %dma_start3A_1274 = tpu.memref_squeeze %dma_start3A_1273 : memref<1x128xf32, #tpu.memory_space<vmem>> -> memref<128xf32, #tpu.memory_space<vmem>>
    %dma_start3A_1275 = arith.constant 0 : i32
    %dma_start3A_1276 = tpu.memref_slice %arg8[%dma_start3A_1270, %dma_start3A_1275] : memref<12x128xi32, #tpu.memory_space<vmem>> -> memref<1x128xi32, #tpu.memory_space<vmem>>
    %dma_start3A_1277 = tpu.memref_squeeze %dma_start3A_1276 : memref<1x128xi32, #tpu.memory_space<vmem>> -> memref<128xi32, #tpu.memory_space<vmem>>
    %dma_start3A_1278 = arith.constant 0 : i32
    %dma_start3A_1279 = tpu.memref_slice %arg5[%dma_start3A_1278] : memref<3000000xf32, #tpu.memory_space<hbm>> -> memref<3000000xf32, #tpu.memory_space<hbm>>
    tpu.enqueue_indirect_dma source(%dma_start3A_1279 : memref<3000000xf32, #tpu.memory_space<hbm>>) target(%dma_start3A_1274 : memref<128xf32, #tpu.memory_space<vmem>>) offsets(%dma_start3A_1277 : memref<128xi32, #tpu.memory_space<vmem>>) semaphore(%arg11 : memref<!tpu.dma_semaphore, #tpu.memory_space<semaphore_mem>>)
    %dma_start3A_1280 = arith.constant 8 : i32
    %dma_start3A_1281 = arith.constant 32 : i32
    %dma_start3A_1282 = arith.constant 0 : i32
    %dma_start3A_1283 = tpu.memref_slice %arg9[%dma_start3A_1281, %dma_start3A_1282] : memref<36x128xf32, #tpu.memory_space<vmem>> -> memref<1x128xf32, #tpu.memory_space<vmem>>
    %dma_start3A_1284 = tpu.memref_squeeze %dma_start3A_1283 : memref<1x128xf32, #tpu.memory_space<vmem>> -> memref<128xf32, #tpu.memory_space<vmem>>
    %dma_start3A_1285 = arith.constant 0 : i32
    %dma_start3A_1286 = tpu.memref_slice %arg8[%dma_start3A_1280, %dma_start3A_1285] : memref<12x128xi32, #tpu.memory_space<vmem>> -> memref<1x128xi32, #tpu.memory_space<vmem>>
    %dma_start3A_1287 = tpu.memref_squeeze %dma_start3A_1286 : memref<1x128xi32, #tpu.memory_space<vmem>> -> memref<128xi32, #tpu.memory_space<vmem>>
    %dma_start3A_1288 = arith.constant 0 : i32
    %dma_start3A_1289 = tpu.memref_slice %arg5[%dma_start3A_1288] : memref<3000000xf32, #tpu.memory_space<hbm>> -> memref<3000000xf32, #tpu.memory_space<hbm>>
    tpu.enqueue_indirect_dma source(%dma_start3A_1289 : memref<3000000xf32, #tpu.memory_space<hbm>>) target(%dma_start3A_1284 : memref<128xf32, #tpu.memory_space<vmem>>) offsets(%dma_start3A_1287 : memref<128xi32, #tpu.memory_space<vmem>>) semaphore(%arg11 : memref<!tpu.dma_semaphore, #tpu.memory_space<semaphore_mem>>)
    %dma_start3A_1290 = arith.constant 9 : i32
    %dma_start3A_1291 = arith.constant 33 : i32
    %dma_start3A_1292 = arith.constant 0 : i32
    %dma_start3A_1293 = tpu.memref_slice %arg9[%dma_start3A_1291, %dma_start3A_1292] : memref<36x128xf32, #tpu.memory_space<vmem>> -> memref<1x128xf32, #tpu.memory_space<vmem>>
    %dma_start3A_1294 = tpu.memref_squeeze %dma_start3A_1293 : memref<1x128xf32, #tpu.memory_space<vmem>> -> memref<128xf32, #tpu.memory_space<vmem>>
    %dma_start3A_1295 = arith.constant 0 : i32
    %dma_start3A_1296 = tpu.memref_slice %arg8[%dma_start3A_1290, %dma_start3A_1295] : memref<12x128xi32, #tpu.memory_space<vmem>> -> memref<1x128xi32, #tpu.memory_space<vmem>>
    %dma_start3A_1297 = tpu.memref_squeeze %dma_start3A_1296 : memref<1x128xi32, #tpu.memory_space<vmem>> -> memref<128xi32, #tpu.memory_space<vmem>>
    %dma_start3A_1298 = arith.constant 0 : i32
    %dma_start3A_1299 = tpu.memref_slice %arg5[%dma_start3A_1298] : memref<3000000xf32, #tpu.memory_space<hbm>> -> memref<3000000xf32, #tpu.memory_space<hbm>>
    tpu.enqueue_indirect_dma source(%dma_start3A_1299 : memref<3000000xf32, #tpu.memory_space<hbm>>) target(%dma_start3A_1294 : memref<128xf32, #tpu.memory_space<vmem>>) offsets(%dma_start3A_1297 : memref<128xi32, #tpu.memory_space<vmem>>) semaphore(%arg11 : memref<!tpu.dma_semaphore, #tpu.memory_space<semaphore_mem>>)
    %dma_start3A_1300 = arith.constant 10 : i32
    %dma_start3A_1301 = arith.constant 34 : i32
    %dma_start3A_1302 = arith.constant 0 : i32
    %dma_start3A_1303 = tpu.memref_slice %arg9[%dma_start3A_1301, %dma_start3A_1302] : memref<36x128xf32, #tpu.memory_space<vmem>> -> memref<1x128xf32, #tpu.memory_space<vmem>>
    %dma_start3A_1304 = tpu.memref_squeeze %dma_start3A_1303 : memref<1x128xf32, #tpu.memory_space<vmem>> -> memref<128xf32, #tpu.memory_space<vmem>>
    %dma_start3A_1305 = arith.constant 0 : i32
    %dma_start3A_1306 = tpu.memref_slice %arg8[%dma_start3A_1300, %dma_start3A_1305] : memref<12x128xi32, #tpu.memory_space<vmem>> -> memref<1x128xi32, #tpu.memory_space<vmem>>
    %dma_start3A_1307 = tpu.memref_squeeze %dma_start3A_1306 : memref<1x128xi32, #tpu.memory_space<vmem>> -> memref<128xi32, #tpu.memory_space<vmem>>
    %dma_start3A_1308 = arith.constant 0 : i32
    %dma_start3A_1309 = tpu.memref_slice %arg5[%dma_start3A_1308] : memref<3000000xf32, #tpu.memory_space<hbm>> -> memref<3000000xf32, #tpu.memory_space<hbm>>
    tpu.enqueue_indirect_dma source(%dma_start3A_1309 : memref<3000000xf32, #tpu.memory_space<hbm>>) target(%dma_start3A_1304 : memref<128xf32, #tpu.memory_space<vmem>>) offsets(%dma_start3A_1307 : memref<128xi32, #tpu.memory_space<vmem>>) semaphore(%arg11 : memref<!tpu.dma_semaphore, #tpu.memory_space<semaphore_mem>>)
    %dma_start3A_1310 = arith.constant 11 : i32
    %dma_start3A_1311 = arith.constant 35 : i32
    %dma_start3A_1312 = arith.constant 0 : i32
    %dma_start3A_1313 = tpu.memref_slice %arg9[%dma_start3A_1311, %dma_start3A_1312] : memref<36x128xf32, #tpu.memory_space<vmem>> -> memref<1x128xf32, #tpu.memory_space<vmem>>
    %dma_start3A_1314 = tpu.memref_squeeze %dma_start3A_1313 : memref<1x128xf32, #tpu.memory_space<vmem>> -> memref<128xf32, #tpu.memory_space<vmem>>
    %dma_start3A_1315 = arith.constant 0 : i32
    %dma_start3A_1316 = tpu.memref_slice %arg8[%dma_start3A_1310, %dma_start3A_1315] : memref<12x128xi32, #tpu.memory_space<vmem>> -> memref<1x128xi32, #tpu.memory_space<vmem>>
    %dma_start3A_1317 = tpu.memref_squeeze %dma_start3A_1316 : memref<1x128xi32, #tpu.memory_space<vmem>> -> memref<128xi32, #tpu.memory_space<vmem>>
    %dma_start3A_1318 = arith.constant 0 : i32
    %dma_start3A_1319 = tpu.memref_slice %arg5[%dma_start3A_1318] : memref<3000000xf32, #tpu.memory_space<hbm>> -> memref<3000000xf32, #tpu.memory_space<hbm>>
    tpu.enqueue_indirect_dma source(%dma_start3A_1319 : memref<3000000xf32, #tpu.memory_space<hbm>>) target(%dma_start3A_1314 : memref<128xf32, #tpu.memory_space<vmem>>) offsets(%dma_start3A_1317 : memref<128xi32, #tpu.memory_space<vmem>>) semaphore(%arg11 : memref<!tpu.dma_semaphore, #tpu.memory_space<semaphore_mem>>)
    %dma_wait3A = arith.constant 0 : i32
    %dma_wait3A_1320 = arith.constant 0 : i32
    %dma_wait3A_1321 = arith.constant 0 : i32
    %dma_wait3A_1322 = tpu.memref_slice %arg9[%dma_wait3A_1320, %dma_wait3A_1321] : memref<36x128xf32, #tpu.memory_space<vmem>> -> memref<1x128xf32, #tpu.memory_space<vmem>>
    %dma_wait3A_1323 = tpu.memref_squeeze %dma_wait3A_1322 : memref<1x128xf32, #tpu.memory_space<vmem>> -> memref<128xf32, #tpu.memory_space<vmem>>
    %dma_wait3A_1324 = arith.constant 0 : i32
    %dma_wait3A_1325 = tpu.memref_slice %arg8[%dma_wait3A, %dma_wait3A_1324] : memref<12x128xi32, #tpu.memory_space<vmem>> -> memref<1x128xi32, #tpu.memory_space<vmem>>
    %dma_wait3A_1326 = tpu.memref_squeeze %dma_wait3A_1325 : memref<1x128xi32, #tpu.memory_space<vmem>> -> memref<128xi32, #tpu.memory_space<vmem>>
    %dma_wait3A_1327 = arith.constant 0 : i32
    %dma_wait3A_1328 = tpu.memref_slice %arg3[%dma_wait3A_1327] : memref<3000000xf32, #tpu.memory_space<hbm>> -> memref<3000000xf32, #tpu.memory_space<hbm>>
    tpu.wait_indirect_dma semaphore(%arg11 : memref<!tpu.dma_semaphore, #tpu.memory_space<semaphore_mem>>) src(%dma_wait3A_1328 : memref<3000000xf32, #tpu.memory_space<hbm>>) dst(%dma_wait3A_1323 : memref<128xf32, #tpu.memory_space<vmem>>)
    %dma_wait3A_1329 = arith.constant 1 : i32
    %dma_wait3A_1330 = arith.constant 1 : i32
    %dma_wait3A_1331 = arith.constant 0 : i32
    %dma_wait3A_1332 = tpu.memref_slice %arg9[%dma_wait3A_1330, %dma_wait3A_1331] : memref<36x128xf32, #tpu.memory_space<vmem>> -> memref<1x128xf32, #tpu.memory_space<vmem>>
    %dma_wait3A_1333 = tpu.memref_squeeze %dma_wait3A_1332 : memref<1x128xf32, #tpu.memory_space<vmem>> -> memref<128xf32, #tpu.memory_space<vmem>>
    %dma_wait3A_1334 = arith.constant 0 : i32
    %dma_wait3A_1335 = tpu.memref_slice %arg8[%dma_wait3A_1329, %dma_wait3A_1334] : memref<12x128xi32, #tpu.memory_space<vmem>> -> memref<1x128xi32, #tpu.memory_space<vmem>>
    %dma_wait3A_1336 = tpu.memref_squeeze %dma_wait3A_1335 : memref<1x128xi32, #tpu.memory_space<vmem>> -> memref<128xi32, #tpu.memory_space<vmem>>
    %dma_wait3A_1337 = arith.constant 0 : i32
    %dma_wait3A_1338 = tpu.memref_slice %arg3[%dma_wait3A_1337] : memref<3000000xf32, #tpu.memory_space<hbm>> -> memref<3000000xf32, #tpu.memory_space<hbm>>
    tpu.wait_indirect_dma semaphore(%arg11 : memref<!tpu.dma_semaphore, #tpu.memory_space<semaphore_mem>>) src(%dma_wait3A_1338 : memref<3000000xf32, #tpu.memory_space<hbm>>) dst(%dma_wait3A_1333 : memref<128xf32, #tpu.memory_space<vmem>>)
    %dma_wait3A_1339 = arith.constant 2 : i32
    %dma_wait3A_1340 = arith.constant 2 : i32
    %dma_wait3A_1341 = arith.constant 0 : i32
    %dma_wait3A_1342 = tpu.memref_slice %arg9[%dma_wait3A_1340, %dma_wait3A_1341] : memref<36x128xf32, #tpu.memory_space<vmem>> -> memref<1x128xf32, #tpu.memory_space<vmem>>
    %dma_wait3A_1343 = tpu.memref_squeeze %dma_wait3A_1342 : memref<1x128xf32, #tpu.memory_space<vmem>> -> memref<128xf32, #tpu.memory_space<vmem>>
    %dma_wait3A_1344 = arith.constant 0 : i32
    %dma_wait3A_1345 = tpu.memref_slice %arg8[%dma_wait3A_1339, %dma_wait3A_1344] : memref<12x128xi32, #tpu.memory_space<vmem>> -> memref<1x128xi32, #tpu.memory_space<vmem>>
    %dma_wait3A_1346 = tpu.memref_squeeze %dma_wait3A_1345 : memref<1x128xi32, #tpu.memory_space<vmem>> -> memref<128xi32, #tpu.memory_space<vmem>>
    %dma_wait3A_1347 = arith.constant 0 : i32
    %dma_wait3A_1348 = tpu.memref_slice %arg3[%dma_wait3A_1347] : memref<3000000xf32, #tpu.memory_space<hbm>> -> memref<3000000xf32, #tpu.memory_space<hbm>>
    tpu.wait_indirect_dma semaphore(%arg11 : memref<!tpu.dma_semaphore, #tpu.memory_space<semaphore_mem>>) src(%dma_wait3A_1348 : memref<3000000xf32, #tpu.memory_space<hbm>>) dst(%dma_wait3A_1343 : memref<128xf32, #tpu.memory_space<vmem>>)
    %dma_wait3A_1349 = arith.constant 3 : i32
    %dma_wait3A_1350 = arith.constant 3 : i32
    %dma_wait3A_1351 = arith.constant 0 : i32
    %dma_wait3A_1352 = tpu.memref_slice %arg9[%dma_wait3A_1350, %dma_wait3A_1351] : memref<36x128xf32, #tpu.memory_space<vmem>> -> memref<1x128xf32, #tpu.memory_space<vmem>>
    %dma_wait3A_1353 = tpu.memref_squeeze %dma_wait3A_1352 : memref<1x128xf32, #tpu.memory_space<vmem>> -> memref<128xf32, #tpu.memory_space<vmem>>
    %dma_wait3A_1354 = arith.constant 0 : i32
    %dma_wait3A_1355 = tpu.memref_slice %arg8[%dma_wait3A_1349, %dma_wait3A_1354] : memref<12x128xi32, #tpu.memory_space<vmem>> -> memref<1x128xi32, #tpu.memory_space<vmem>>
    %dma_wait3A_1356 = tpu.memref_squeeze %dma_wait3A_1355 : memref<1x128xi32, #tpu.memory_space<vmem>> -> memref<128xi32, #tpu.memory_space<vmem>>
    %dma_wait3A_1357 = arith.constant 0 : i32
    %dma_wait3A_1358 = tpu.memref_slice %arg3[%dma_wait3A_1357] : memref<3000000xf32, #tpu.memory_space<hbm>> -> memref<3000000xf32, #tpu.memory_space<hbm>>
    tpu.wait_indirect_dma semaphore(%arg11 : memref<!tpu.dma_semaphore, #tpu.memory_space<semaphore_mem>>) src(%dma_wait3A_1358 : memref<3000000xf32, #tpu.memory_space<hbm>>) dst(%dma_wait3A_1353 : memref<128xf32, #tpu.memory_space<vmem>>)
    %dma_wait3A_1359 = arith.constant 4 : i32
    %dma_wait3A_1360 = arith.constant 4 : i32
    %dma_wait3A_1361 = arith.constant 0 : i32
    %dma_wait3A_1362 = tpu.memref_slice %arg9[%dma_wait3A_1360, %dma_wait3A_1361] : memref<36x128xf32, #tpu.memory_space<vmem>> -> memref<1x128xf32, #tpu.memory_space<vmem>>
    %dma_wait3A_1363 = tpu.memref_squeeze %dma_wait3A_1362 : memref<1x128xf32, #tpu.memory_space<vmem>> -> memref<128xf32, #tpu.memory_space<vmem>>
    %dma_wait3A_1364 = arith.constant 0 : i32
    %dma_wait3A_1365 = tpu.memref_slice %arg8[%dma_wait3A_1359, %dma_wait3A_1364] : memref<12x128xi32, #tpu.memory_space<vmem>> -> memref<1x128xi32, #tpu.memory_space<vmem>>
    %dma_wait3A_1366 = tpu.memref_squeeze %dma_wait3A_1365 : memref<1x128xi32, #tpu.memory_space<vmem>> -> memref<128xi32, #tpu.memory_space<vmem>>
    %dma_wait3A_1367 = arith.constant 0 : i32
    %dma_wait3A_1368 = tpu.memref_slice %arg3[%dma_wait3A_1367] : memref<3000000xf32, #tpu.memory_space<hbm>> -> memref<3000000xf32, #tpu.memory_space<hbm>>
    tpu.wait_indirect_dma semaphore(%arg11 : memref<!tpu.dma_semaphore, #tpu.memory_space<semaphore_mem>>) src(%dma_wait3A_1368 : memref<3000000xf32, #tpu.memory_space<hbm>>) dst(%dma_wait3A_1363 : memref<128xf32, #tpu.memory_space<vmem>>)
    %dma_wait3A_1369 = arith.constant 5 : i32
    %dma_wait3A_1370 = arith.constant 5 : i32
    %dma_wait3A_1371 = arith.constant 0 : i32
    %dma_wait3A_1372 = tpu.memref_slice %arg9[%dma_wait3A_1370, %dma_wait3A_1371] : memref<36x128xf32, #tpu.memory_space<vmem>> -> memref<1x128xf32, #tpu.memory_space<vmem>>
    %dma_wait3A_1373 = tpu.memref_squeeze %dma_wait3A_1372 : memref<1x128xf32, #tpu.memory_space<vmem>> -> memref<128xf32, #tpu.memory_space<vmem>>
    %dma_wait3A_1374 = arith.constant 0 : i32
    %dma_wait3A_1375 = tpu.memref_slice %arg8[%dma_wait3A_1369, %dma_wait3A_1374] : memref<12x128xi32, #tpu.memory_space<vmem>> -> memref<1x128xi32, #tpu.memory_space<vmem>>
    %dma_wait3A_1376 = tpu.memref_squeeze %dma_wait3A_1375 : memref<1x128xi32, #tpu.memory_space<vmem>> -> memref<128xi32, #tpu.memory_space<vmem>>
    %dma_wait3A_1377 = arith.constant 0 : i32
    %dma_wait3A_1378 = tpu.memref_slice %arg3[%dma_wait3A_1377] : memref<3000000xf32, #tpu.memory_space<hbm>> -> memref<3000000xf32, #tpu.memory_space<hbm>>
    tpu.wait_indirect_dma semaphore(%arg11 : memref<!tpu.dma_semaphore, #tpu.memory_space<semaphore_mem>>) src(%dma_wait3A_1378 : memref<3000000xf32, #tpu.memory_space<hbm>>) dst(%dma_wait3A_1373 : memref<128xf32, #tpu.memory_space<vmem>>)
    %dma_wait3A_1379 = arith.constant 6 : i32
    %dma_wait3A_1380 = arith.constant 6 : i32
    %dma_wait3A_1381 = arith.constant 0 : i32
    %dma_wait3A_1382 = tpu.memref_slice %arg9[%dma_wait3A_1380, %dma_wait3A_1381] : memref<36x128xf32, #tpu.memory_space<vmem>> -> memref<1x128xf32, #tpu.memory_space<vmem>>
    %dma_wait3A_1383 = tpu.memref_squeeze %dma_wait3A_1382 : memref<1x128xf32, #tpu.memory_space<vmem>> -> memref<128xf32, #tpu.memory_space<vmem>>
    %dma_wait3A_1384 = arith.constant 0 : i32
    %dma_wait3A_1385 = tpu.memref_slice %arg8[%dma_wait3A_1379, %dma_wait3A_1384] : memref<12x128xi32, #tpu.memory_space<vmem>> -> memref<1x128xi32, #tpu.memory_space<vmem>>
    %dma_wait3A_1386 = tpu.memref_squeeze %dma_wait3A_1385 : memref<1x128xi32, #tpu.memory_space<vmem>> -> memref<128xi32, #tpu.memory_space<vmem>>
    %dma_wait3A_1387 = arith.constant 0 : i32
    %dma_wait3A_1388 = tpu.memref_slice %arg3[%dma_wait3A_1387] : memref<3000000xf32, #tpu.memory_space<hbm>> -> memref<3000000xf32, #tpu.memory_space<hbm>>
    tpu.wait_indirect_dma semaphore(%arg11 : memref<!tpu.dma_semaphore, #tpu.memory_space<semaphore_mem>>) src(%dma_wait3A_1388 : memref<3000000xf32, #tpu.memory_space<hbm>>) dst(%dma_wait3A_1383 : memref<128xf32, #tpu.memory_space<vmem>>)
    %dma_wait3A_1389 = arith.constant 7 : i32
    %dma_wait3A_1390 = arith.constant 7 : i32
    %dma_wait3A_1391 = arith.constant 0 : i32
    %dma_wait3A_1392 = tpu.memref_slice %arg9[%dma_wait3A_1390, %dma_wait3A_1391] : memref<36x128xf32, #tpu.memory_space<vmem>> -> memref<1x128xf32, #tpu.memory_space<vmem>>
    %dma_wait3A_1393 = tpu.memref_squeeze %dma_wait3A_1392 : memref<1x128xf32, #tpu.memory_space<vmem>> -> memref<128xf32, #tpu.memory_space<vmem>>
    %dma_wait3A_1394 = arith.constant 0 : i32
    %dma_wait3A_1395 = tpu.memref_slice %arg8[%dma_wait3A_1389, %dma_wait3A_1394] : memref<12x128xi32, #tpu.memory_space<vmem>> -> memref<1x128xi32, #tpu.memory_space<vmem>>
    %dma_wait3A_1396 = tpu.memref_squeeze %dma_wait3A_1395 : memref<1x128xi32, #tpu.memory_space<vmem>> -> memref<128xi32, #tpu.memory_space<vmem>>
    %dma_wait3A_1397 = arith.constant 0 : i32
    %dma_wait3A_1398 = tpu.memref_slice %arg3[%dma_wait3A_1397] : memref<3000000xf32, #tpu.memory_space<hbm>> -> memref<3000000xf32, #tpu.memory_space<hbm>>
    tpu.wait_indirect_dma semaphore(%arg11 : memref<!tpu.dma_semaphore, #tpu.memory_space<semaphore_mem>>) src(%dma_wait3A_1398 : memref<3000000xf32, #tpu.memory_space<hbm>>) dst(%dma_wait3A_1393 : memref<128xf32, #tpu.memory_space<vmem>>)
    %dma_wait3A_1399 = arith.constant 8 : i32
    %dma_wait3A_1400 = arith.constant 8 : i32
    %dma_wait3A_1401 = arith.constant 0 : i32
    %dma_wait3A_1402 = tpu.memref_slice %arg9[%dma_wait3A_1400, %dma_wait3A_1401] : memref<36x128xf32, #tpu.memory_space<vmem>> -> memref<1x128xf32, #tpu.memory_space<vmem>>
    %dma_wait3A_1403 = tpu.memref_squeeze %dma_wait3A_1402 : memref<1x128xf32, #tpu.memory_space<vmem>> -> memref<128xf32, #tpu.memory_space<vmem>>
    %dma_wait3A_1404 = arith.constant 0 : i32
    %dma_wait3A_1405 = tpu.memref_slice %arg8[%dma_wait3A_1399, %dma_wait3A_1404] : memref<12x128xi32, #tpu.memory_space<vmem>> -> memref<1x128xi32, #tpu.memory_space<vmem>>
    %dma_wait3A_1406 = tpu.memref_squeeze %dma_wait3A_1405 : memref<1x128xi32, #tpu.memory_space<vmem>> -> memref<128xi32, #tpu.memory_space<vmem>>
    %dma_wait3A_1407 = arith.constant 0 : i32
    %dma_wait3A_1408 = tpu.memref_slice %arg3[%dma_wait3A_1407] : memref<3000000xf32, #tpu.memory_space<hbm>> -> memref<3000000xf32, #tpu.memory_space<hbm>>
    tpu.wait_indirect_dma semaphore(%arg11 : memref<!tpu.dma_semaphore, #tpu.memory_space<semaphore_mem>>) src(%dma_wait3A_1408 : memref<3000000xf32, #tpu.memory_space<hbm>>) dst(%dma_wait3A_1403 : memref<128xf32, #tpu.memory_space<vmem>>)
    %dma_wait3A_1409 = arith.constant 9 : i32
    %dma_wait3A_1410 = arith.constant 9 : i32
    %dma_wait3A_1411 = arith.constant 0 : i32
    %dma_wait3A_1412 = tpu.memref_slice %arg9[%dma_wait3A_1410, %dma_wait3A_1411] : memref<36x128xf32, #tpu.memory_space<vmem>> -> memref<1x128xf32, #tpu.memory_space<vmem>>
    %dma_wait3A_1413 = tpu.memref_squeeze %dma_wait3A_1412 : memref<1x128xf32, #tpu.memory_space<vmem>> -> memref<128xf32, #tpu.memory_space<vmem>>
    %dma_wait3A_1414 = arith.constant 0 : i32
    %dma_wait3A_1415 = tpu.memref_slice %arg8[%dma_wait3A_1409, %dma_wait3A_1414] : memref<12x128xi32, #tpu.memory_space<vmem>> -> memref<1x128xi32, #tpu.memory_space<vmem>>
    %dma_wait3A_1416 = tpu.memref_squeeze %dma_wait3A_1415 : memref<1x128xi32, #tpu.memory_space<vmem>> -> memref<128xi32, #tpu.memory_space<vmem>>
    %dma_wait3A_1417 = arith.constant 0 : i32
    %dma_wait3A_1418 = tpu.memref_slice %arg3[%dma_wait3A_1417] : memref<3000000xf32, #tpu.memory_space<hbm>> -> memref<3000000xf32, #tpu.memory_space<hbm>>
    tpu.wait_indirect_dma semaphore(%arg11 : memref<!tpu.dma_semaphore, #tpu.memory_space<semaphore_mem>>) src(%dma_wait3A_1418 : memref<3000000xf32, #tpu.memory_space<hbm>>) dst(%dma_wait3A_1413 : memref<128xf32, #tpu.memory_space<vmem>>)
    %dma_wait3A_1419 = arith.constant 10 : i32
    %dma_wait3A_1420 = arith.constant 10 : i32
    %dma_wait3A_1421 = arith.constant 0 : i32
    %dma_wait3A_1422 = tpu.memref_slice %arg9[%dma_wait3A_1420, %dma_wait3A_1421] : memref<36x128xf32, #tpu.memory_space<vmem>> -> memref<1x128xf32, #tpu.memory_space<vmem>>
    %dma_wait3A_1423 = tpu.memref_squeeze %dma_wait3A_1422 : memref<1x128xf32, #tpu.memory_space<vmem>> -> memref<128xf32, #tpu.memory_space<vmem>>
    %dma_wait3A_1424 = arith.constant 0 : i32
    %dma_wait3A_1425 = tpu.memref_slice %arg8[%dma_wait3A_1419, %dma_wait3A_1424] : memref<12x128xi32, #tpu.memory_space<vmem>> -> memref<1x128xi32, #tpu.memory_space<vmem>>
    %dma_wait3A_1426 = tpu.memref_squeeze %dma_wait3A_1425 : memref<1x128xi32, #tpu.memory_space<vmem>> -> memref<128xi32, #tpu.memory_space<vmem>>
    %dma_wait3A_1427 = arith.constant 0 : i32
    %dma_wait3A_1428 = tpu.memref_slice %arg3[%dma_wait3A_1427] : memref<3000000xf32, #tpu.memory_space<hbm>> -> memref<3000000xf32, #tpu.memory_space<hbm>>
    tpu.wait_indirect_dma semaphore(%arg11 : memref<!tpu.dma_semaphore, #tpu.memory_space<semaphore_mem>>) src(%dma_wait3A_1428 : memref<3000000xf32, #tpu.memory_space<hbm>>) dst(%dma_wait3A_1423 : memref<128xf32, #tpu.memory_space<vmem>>)
    %dma_wait3A_1429 = arith.constant 11 : i32
    %dma_wait3A_1430 = arith.constant 11 : i32
    %dma_wait3A_1431 = arith.constant 0 : i32
    %dma_wait3A_1432 = tpu.memref_slice %arg9[%dma_wait3A_1430, %dma_wait3A_1431] : memref<36x128xf32, #tpu.memory_space<vmem>> -> memref<1x128xf32, #tpu.memory_space<vmem>>
    %dma_wait3A_1433 = tpu.memref_squeeze %dma_wait3A_1432 : memref<1x128xf32, #tpu.memory_space<vmem>> -> memref<128xf32, #tpu.memory_space<vmem>>
    %dma_wait3A_1434 = arith.constant 0 : i32
    %dma_wait3A_1435 = tpu.memref_slice %arg8[%dma_wait3A_1429, %dma_wait3A_1434] : memref<12x128xi32, #tpu.memory_space<vmem>> -> memref<1x128xi32, #tpu.memory_space<vmem>>
    %dma_wait3A_1436 = tpu.memref_squeeze %dma_wait3A_1435 : memref<1x128xi32, #tpu.memory_space<vmem>> -> memref<128xi32, #tpu.memory_space<vmem>>
    %dma_wait3A_1437 = arith.constant 0 : i32
    %dma_wait3A_1438 = tpu.memref_slice %arg3[%dma_wait3A_1437] : memref<3000000xf32, #tpu.memory_space<hbm>> -> memref<3000000xf32, #tpu.memory_space<hbm>>
    tpu.wait_indirect_dma semaphore(%arg11 : memref<!tpu.dma_semaphore, #tpu.memory_space<semaphore_mem>>) src(%dma_wait3A_1438 : memref<3000000xf32, #tpu.memory_space<hbm>>) dst(%dma_wait3A_1433 : memref<128xf32, #tpu.memory_space<vmem>>)
    %dma_wait3A_1439 = arith.constant 0 : i32
    %dma_wait3A_1440 = arith.constant 12 : i32
    %dma_wait3A_1441 = arith.constant 0 : i32
    %dma_wait3A_1442 = tpu.memref_slice %arg9[%dma_wait3A_1440, %dma_wait3A_1441] : memref<36x128xf32, #tpu.memory_space<vmem>> -> memref<1x128xf32, #tpu.memory_space<vmem>>
    %dma_wait3A_1443 = tpu.memref_squeeze %dma_wait3A_1442 : memref<1x128xf32, #tpu.memory_space<vmem>> -> memref<128xf32, #tpu.memory_space<vmem>>
    %dma_wait3A_1444 = arith.constant 0 : i32
    %dma_wait3A_1445 = tpu.memref_slice %arg8[%dma_wait3A_1439, %dma_wait3A_1444] : memref<12x128xi32, #tpu.memory_space<vmem>> -> memref<1x128xi32, #tpu.memory_space<vmem>>
    %dma_wait3A_1446 = tpu.memref_squeeze %dma_wait3A_1445 : memref<1x128xi32, #tpu.memory_space<vmem>> -> memref<128xi32, #tpu.memory_space<vmem>>
    %dma_wait3A_1447 = arith.constant 0 : i32
    %dma_wait3A_1448 = tpu.memref_slice %arg4[%dma_wait3A_1447] : memref<3000000xf32, #tpu.memory_space<hbm>> -> memref<3000000xf32, #tpu.memory_space<hbm>>
    tpu.wait_indirect_dma semaphore(%arg11 : memref<!tpu.dma_semaphore, #tpu.memory_space<semaphore_mem>>) src(%dma_wait3A_1448 : memref<3000000xf32, #tpu.memory_space<hbm>>) dst(%dma_wait3A_1443 : memref<128xf32, #tpu.memory_space<vmem>>)
    %dma_wait3A_1449 = arith.constant 1 : i32
    %dma_wait3A_1450 = arith.constant 13 : i32
    %dma_wait3A_1451 = arith.constant 0 : i32
    %dma_wait3A_1452 = tpu.memref_slice %arg9[%dma_wait3A_1450, %dma_wait3A_1451] : memref<36x128xf32, #tpu.memory_space<vmem>> -> memref<1x128xf32, #tpu.memory_space<vmem>>
    %dma_wait3A_1453 = tpu.memref_squeeze %dma_wait3A_1452 : memref<1x128xf32, #tpu.memory_space<vmem>> -> memref<128xf32, #tpu.memory_space<vmem>>
    %dma_wait3A_1454 = arith.constant 0 : i32
    %dma_wait3A_1455 = tpu.memref_slice %arg8[%dma_wait3A_1449, %dma_wait3A_1454] : memref<12x128xi32, #tpu.memory_space<vmem>> -> memref<1x128xi32, #tpu.memory_space<vmem>>
    %dma_wait3A_1456 = tpu.memref_squeeze %dma_wait3A_1455 : memref<1x128xi32, #tpu.memory_space<vmem>> -> memref<128xi32, #tpu.memory_space<vmem>>
    %dma_wait3A_1457 = arith.constant 0 : i32
    %dma_wait3A_1458 = tpu.memref_slice %arg4[%dma_wait3A_1457] : memref<3000000xf32, #tpu.memory_space<hbm>> -> memref<3000000xf32, #tpu.memory_space<hbm>>
    tpu.wait_indirect_dma semaphore(%arg11 : memref<!tpu.dma_semaphore, #tpu.memory_space<semaphore_mem>>) src(%dma_wait3A_1458 : memref<3000000xf32, #tpu.memory_space<hbm>>) dst(%dma_wait3A_1453 : memref<128xf32, #tpu.memory_space<vmem>>)
    %dma_wait3A_1459 = arith.constant 2 : i32
    %dma_wait3A_1460 = arith.constant 14 : i32
    %dma_wait3A_1461 = arith.constant 0 : i32
    %dma_wait3A_1462 = tpu.memref_slice %arg9[%dma_wait3A_1460, %dma_wait3A_1461] : memref<36x128xf32, #tpu.memory_space<vmem>> -> memref<1x128xf32, #tpu.memory_space<vmem>>
    %dma_wait3A_1463 = tpu.memref_squeeze %dma_wait3A_1462 : memref<1x128xf32, #tpu.memory_space<vmem>> -> memref<128xf32, #tpu.memory_space<vmem>>
    %dma_wait3A_1464 = arith.constant 0 : i32
    %dma_wait3A_1465 = tpu.memref_slice %arg8[%dma_wait3A_1459, %dma_wait3A_1464] : memref<12x128xi32, #tpu.memory_space<vmem>> -> memref<1x128xi32, #tpu.memory_space<vmem>>
    %dma_wait3A_1466 = tpu.memref_squeeze %dma_wait3A_1465 : memref<1x128xi32, #tpu.memory_space<vmem>> -> memref<128xi32, #tpu.memory_space<vmem>>
    %dma_wait3A_1467 = arith.constant 0 : i32
    %dma_wait3A_1468 = tpu.memref_slice %arg4[%dma_wait3A_1467] : memref<3000000xf32, #tpu.memory_space<hbm>> -> memref<3000000xf32, #tpu.memory_space<hbm>>
    tpu.wait_indirect_dma semaphore(%arg11 : memref<!tpu.dma_semaphore, #tpu.memory_space<semaphore_mem>>) src(%dma_wait3A_1468 : memref<3000000xf32, #tpu.memory_space<hbm>>) dst(%dma_wait3A_1463 : memref<128xf32, #tpu.memory_space<vmem>>)
    %dma_wait3A_1469 = arith.constant 3 : i32
    %dma_wait3A_1470 = arith.constant 15 : i32
    %dma_wait3A_1471 = arith.constant 0 : i32
    %dma_wait3A_1472 = tpu.memref_slice %arg9[%dma_wait3A_1470, %dma_wait3A_1471] : memref<36x128xf32, #tpu.memory_space<vmem>> -> memref<1x128xf32, #tpu.memory_space<vmem>>
    %dma_wait3A_1473 = tpu.memref_squeeze %dma_wait3A_1472 : memref<1x128xf32, #tpu.memory_space<vmem>> -> memref<128xf32, #tpu.memory_space<vmem>>
    %dma_wait3A_1474 = arith.constant 0 : i32
    %dma_wait3A_1475 = tpu.memref_slice %arg8[%dma_wait3A_1469, %dma_wait3A_1474] : memref<12x128xi32, #tpu.memory_space<vmem>> -> memref<1x128xi32, #tpu.memory_space<vmem>>
    %dma_wait3A_1476 = tpu.memref_squeeze %dma_wait3A_1475 : memref<1x128xi32, #tpu.memory_space<vmem>> -> memref<128xi32, #tpu.memory_space<vmem>>
    %dma_wait3A_1477 = arith.constant 0 : i32
    %dma_wait3A_1478 = tpu.memref_slice %arg4[%dma_wait3A_1477] : memref<3000000xf32, #tpu.memory_space<hbm>> -> memref<3000000xf32, #tpu.memory_space<hbm>>
    tpu.wait_indirect_dma semaphore(%arg11 : memref<!tpu.dma_semaphore, #tpu.memory_space<semaphore_mem>>) src(%dma_wait3A_1478 : memref<3000000xf32, #tpu.memory_space<hbm>>) dst(%dma_wait3A_1473 : memref<128xf32, #tpu.memory_space<vmem>>)
    %dma_wait3A_1479 = arith.constant 4 : i32
    %dma_wait3A_1480 = arith.constant 16 : i32
    %dma_wait3A_1481 = arith.constant 0 : i32
    %dma_wait3A_1482 = tpu.memref_slice %arg9[%dma_wait3A_1480, %dma_wait3A_1481] : memref<36x128xf32, #tpu.memory_space<vmem>> -> memref<1x128xf32, #tpu.memory_space<vmem>>
    %dma_wait3A_1483 = tpu.memref_squeeze %dma_wait3A_1482 : memref<1x128xf32, #tpu.memory_space<vmem>> -> memref<128xf32, #tpu.memory_space<vmem>>
    %dma_wait3A_1484 = arith.constant 0 : i32
    %dma_wait3A_1485 = tpu.memref_slice %arg8[%dma_wait3A_1479, %dma_wait3A_1484] : memref<12x128xi32, #tpu.memory_space<vmem>> -> memref<1x128xi32, #tpu.memory_space<vmem>>
    %dma_wait3A_1486 = tpu.memref_squeeze %dma_wait3A_1485 : memref<1x128xi32, #tpu.memory_space<vmem>> -> memref<128xi32, #tpu.memory_space<vmem>>
    %dma_wait3A_1487 = arith.constant 0 : i32
    %dma_wait3A_1488 = tpu.memref_slice %arg4[%dma_wait3A_1487] : memref<3000000xf32, #tpu.memory_space<hbm>> -> memref<3000000xf32, #tpu.memory_space<hbm>>
    tpu.wait_indirect_dma semaphore(%arg11 : memref<!tpu.dma_semaphore, #tpu.memory_space<semaphore_mem>>) src(%dma_wait3A_1488 : memref<3000000xf32, #tpu.memory_space<hbm>>) dst(%dma_wait3A_1483 : memref<128xf32, #tpu.memory_space<vmem>>)
    %dma_wait3A_1489 = arith.constant 5 : i32
    %dma_wait3A_1490 = arith.constant 17 : i32
    %dma_wait3A_1491 = arith.constant 0 : i32
    %dma_wait3A_1492 = tpu.memref_slice %arg9[%dma_wait3A_1490, %dma_wait3A_1491] : memref<36x128xf32, #tpu.memory_space<vmem>> -> memref<1x128xf32, #tpu.memory_space<vmem>>
    %dma_wait3A_1493 = tpu.memref_squeeze %dma_wait3A_1492 : memref<1x128xf32, #tpu.memory_space<vmem>> -> memref<128xf32, #tpu.memory_space<vmem>>
    %dma_wait3A_1494 = arith.constant 0 : i32
    %dma_wait3A_1495 = tpu.memref_slice %arg8[%dma_wait3A_1489, %dma_wait3A_1494] : memref<12x128xi32, #tpu.memory_space<vmem>> -> memref<1x128xi32, #tpu.memory_space<vmem>>
    %dma_wait3A_1496 = tpu.memref_squeeze %dma_wait3A_1495 : memref<1x128xi32, #tpu.memory_space<vmem>> -> memref<128xi32, #tpu.memory_space<vmem>>
    %dma_wait3A_1497 = arith.constant 0 : i32
    %dma_wait3A_1498 = tpu.memref_slice %arg4[%dma_wait3A_1497] : memref<3000000xf32, #tpu.memory_space<hbm>> -> memref<3000000xf32, #tpu.memory_space<hbm>>
    tpu.wait_indirect_dma semaphore(%arg11 : memref<!tpu.dma_semaphore, #tpu.memory_space<semaphore_mem>>) src(%dma_wait3A_1498 : memref<3000000xf32, #tpu.memory_space<hbm>>) dst(%dma_wait3A_1493 : memref<128xf32, #tpu.memory_space<vmem>>)
    %dma_wait3A_1499 = arith.constant 6 : i32
    %dma_wait3A_1500 = arith.constant 18 : i32
    %dma_wait3A_1501 = arith.constant 0 : i32
    %dma_wait3A_1502 = tpu.memref_slice %arg9[%dma_wait3A_1500, %dma_wait3A_1501] : memref<36x128xf32, #tpu.memory_space<vmem>> -> memref<1x128xf32, #tpu.memory_space<vmem>>
    %dma_wait3A_1503 = tpu.memref_squeeze %dma_wait3A_1502 : memref<1x128xf32, #tpu.memory_space<vmem>> -> memref<128xf32, #tpu.memory_space<vmem>>
    %dma_wait3A_1504 = arith.constant 0 : i32
    %dma_wait3A_1505 = tpu.memref_slice %arg8[%dma_wait3A_1499, %dma_wait3A_1504] : memref<12x128xi32, #tpu.memory_space<vmem>> -> memref<1x128xi32, #tpu.memory_space<vmem>>
    %dma_wait3A_1506 = tpu.memref_squeeze %dma_wait3A_1505 : memref<1x128xi32, #tpu.memory_space<vmem>> -> memref<128xi32, #tpu.memory_space<vmem>>
    %dma_wait3A_1507 = arith.constant 0 : i32
    %dma_wait3A_1508 = tpu.memref_slice %arg4[%dma_wait3A_1507] : memref<3000000xf32, #tpu.memory_space<hbm>> -> memref<3000000xf32, #tpu.memory_space<hbm>>
    tpu.wait_indirect_dma semaphore(%arg11 : memref<!tpu.dma_semaphore, #tpu.memory_space<semaphore_mem>>) src(%dma_wait3A_1508 : memref<3000000xf32, #tpu.memory_space<hbm>>) dst(%dma_wait3A_1503 : memref<128xf32, #tpu.memory_space<vmem>>)
    %dma_wait3A_1509 = arith.constant 7 : i32
    %dma_wait3A_1510 = arith.constant 19 : i32
    %dma_wait3A_1511 = arith.constant 0 : i32
    %dma_wait3A_1512 = tpu.memref_slice %arg9[%dma_wait3A_1510, %dma_wait3A_1511] : memref<36x128xf32, #tpu.memory_space<vmem>> -> memref<1x128xf32, #tpu.memory_space<vmem>>
    %dma_wait3A_1513 = tpu.memref_squeeze %dma_wait3A_1512 : memref<1x128xf32, #tpu.memory_space<vmem>> -> memref<128xf32, #tpu.memory_space<vmem>>
    %dma_wait3A_1514 = arith.constant 0 : i32
    %dma_wait3A_1515 = tpu.memref_slice %arg8[%dma_wait3A_1509, %dma_wait3A_1514] : memref<12x128xi32, #tpu.memory_space<vmem>> -> memref<1x128xi32, #tpu.memory_space<vmem>>
    %dma_wait3A_1516 = tpu.memref_squeeze %dma_wait3A_1515 : memref<1x128xi32, #tpu.memory_space<vmem>> -> memref<128xi32, #tpu.memory_space<vmem>>
    %dma_wait3A_1517 = arith.constant 0 : i32
    %dma_wait3A_1518 = tpu.memref_slice %arg4[%dma_wait3A_1517] : memref<3000000xf32, #tpu.memory_space<hbm>> -> memref<3000000xf32, #tpu.memory_space<hbm>>
    tpu.wait_indirect_dma semaphore(%arg11 : memref<!tpu.dma_semaphore, #tpu.memory_space<semaphore_mem>>) src(%dma_wait3A_1518 : memref<3000000xf32, #tpu.memory_space<hbm>>) dst(%dma_wait3A_1513 : memref<128xf32, #tpu.memory_space<vmem>>)
    %dma_wait3A_1519 = arith.constant 8 : i32
    %dma_wait3A_1520 = arith.constant 20 : i32
    %dma_wait3A_1521 = arith.constant 0 : i32
    %dma_wait3A_1522 = tpu.memref_slice %arg9[%dma_wait3A_1520, %dma_wait3A_1521] : memref<36x128xf32, #tpu.memory_space<vmem>> -> memref<1x128xf32, #tpu.memory_space<vmem>>
    %dma_wait3A_1523 = tpu.memref_squeeze %dma_wait3A_1522 : memref<1x128xf32, #tpu.memory_space<vmem>> -> memref<128xf32, #tpu.memory_space<vmem>>
    %dma_wait3A_1524 = arith.constant 0 : i32
    %dma_wait3A_1525 = tpu.memref_slice %arg8[%dma_wait3A_1519, %dma_wait3A_1524] : memref<12x128xi32, #tpu.memory_space<vmem>> -> memref<1x128xi32, #tpu.memory_space<vmem>>
    %dma_wait3A_1526 = tpu.memref_squeeze %dma_wait3A_1525 : memref<1x128xi32, #tpu.memory_space<vmem>> -> memref<128xi32, #tpu.memory_space<vmem>>
    %dma_wait3A_1527 = arith.constant 0 : i32
    %dma_wait3A_1528 = tpu.memref_slice %arg4[%dma_wait3A_1527] : memref<3000000xf32, #tpu.memory_space<hbm>> -> memref<3000000xf32, #tpu.memory_space<hbm>>
    tpu.wait_indirect_dma semaphore(%arg11 : memref<!tpu.dma_semaphore, #tpu.memory_space<semaphore_mem>>) src(%dma_wait3A_1528 : memref<3000000xf32, #tpu.memory_space<hbm>>) dst(%dma_wait3A_1523 : memref<128xf32, #tpu.memory_space<vmem>>)
    %dma_wait3A_1529 = arith.constant 9 : i32
    %dma_wait3A_1530 = arith.constant 21 : i32
    %dma_wait3A_1531 = arith.constant 0 : i32
    %dma_wait3A_1532 = tpu.memref_slice %arg9[%dma_wait3A_1530, %dma_wait3A_1531] : memref<36x128xf32, #tpu.memory_space<vmem>> -> memref<1x128xf32, #tpu.memory_space<vmem>>
    %dma_wait3A_1533 = tpu.memref_squeeze %dma_wait3A_1532 : memref<1x128xf32, #tpu.memory_space<vmem>> -> memref<128xf32, #tpu.memory_space<vmem>>
    %dma_wait3A_1534 = arith.constant 0 : i32
    %dma_wait3A_1535 = tpu.memref_slice %arg8[%dma_wait3A_1529, %dma_wait3A_1534] : memref<12x128xi32, #tpu.memory_space<vmem>> -> memref<1x128xi32, #tpu.memory_space<vmem>>
    %dma_wait3A_1536 = tpu.memref_squeeze %dma_wait3A_1535 : memref<1x128xi32, #tpu.memory_space<vmem>> -> memref<128xi32, #tpu.memory_space<vmem>>
    %dma_wait3A_1537 = arith.constant 0 : i32
    %dma_wait3A_1538 = tpu.memref_slice %arg4[%dma_wait3A_1537] : memref<3000000xf32, #tpu.memory_space<hbm>> -> memref<3000000xf32, #tpu.memory_space<hbm>>
    tpu.wait_indirect_dma semaphore(%arg11 : memref<!tpu.dma_semaphore, #tpu.memory_space<semaphore_mem>>) src(%dma_wait3A_1538 : memref<3000000xf32, #tpu.memory_space<hbm>>) dst(%dma_wait3A_1533 : memref<128xf32, #tpu.memory_space<vmem>>)
    %dma_wait3A_1539 = arith.constant 10 : i32
    %dma_wait3A_1540 = arith.constant 22 : i32
    %dma_wait3A_1541 = arith.constant 0 : i32
    %dma_wait3A_1542 = tpu.memref_slice %arg9[%dma_wait3A_1540, %dma_wait3A_1541] : memref<36x128xf32, #tpu.memory_space<vmem>> -> memref<1x128xf32, #tpu.memory_space<vmem>>
    %dma_wait3A_1543 = tpu.memref_squeeze %dma_wait3A_1542 : memref<1x128xf32, #tpu.memory_space<vmem>> -> memref<128xf32, #tpu.memory_space<vmem>>
    %dma_wait3A_1544 = arith.constant 0 : i32
    %dma_wait3A_1545 = tpu.memref_slice %arg8[%dma_wait3A_1539, %dma_wait3A_1544] : memref<12x128xi32, #tpu.memory_space<vmem>> -> memref<1x128xi32, #tpu.memory_space<vmem>>
    %dma_wait3A_1546 = tpu.memref_squeeze %dma_wait3A_1545 : memref<1x128xi32, #tpu.memory_space<vmem>> -> memref<128xi32, #tpu.memory_space<vmem>>
    %dma_wait3A_1547 = arith.constant 0 : i32
    %dma_wait3A_1548 = tpu.memref_slice %arg4[%dma_wait3A_1547] : memref<3000000xf32, #tpu.memory_space<hbm>> -> memref<3000000xf32, #tpu.memory_space<hbm>>
    tpu.wait_indirect_dma semaphore(%arg11 : memref<!tpu.dma_semaphore, #tpu.memory_space<semaphore_mem>>) src(%dma_wait3A_1548 : memref<3000000xf32, #tpu.memory_space<hbm>>) dst(%dma_wait3A_1543 : memref<128xf32, #tpu.memory_space<vmem>>)
    %dma_wait3A_1549 = arith.constant 11 : i32
    %dma_wait3A_1550 = arith.constant 23 : i32
    %dma_wait3A_1551 = arith.constant 0 : i32
    %dma_wait3A_1552 = tpu.memref_slice %arg9[%dma_wait3A_1550, %dma_wait3A_1551] : memref<36x128xf32, #tpu.memory_space<vmem>> -> memref<1x128xf32, #tpu.memory_space<vmem>>
    %dma_wait3A_1553 = tpu.memref_squeeze %dma_wait3A_1552 : memref<1x128xf32, #tpu.memory_space<vmem>> -> memref<128xf32, #tpu.memory_space<vmem>>
    %dma_wait3A_1554 = arith.constant 0 : i32
    %dma_wait3A_1555 = tpu.memref_slice %arg8[%dma_wait3A_1549, %dma_wait3A_1554] : memref<12x128xi32, #tpu.memory_space<vmem>> -> memref<1x128xi32, #tpu.memory_space<vmem>>
    %dma_wait3A_1556 = tpu.memref_squeeze %dma_wait3A_1555 : memref<1x128xi32, #tpu.memory_space<vmem>> -> memref<128xi32, #tpu.memory_space<vmem>>
    %dma_wait3A_1557 = arith.constant 0 : i32
    %dma_wait3A_1558 = tpu.memref_slice %arg4[%dma_wait3A_1557] : memref<3000000xf32, #tpu.memory_space<hbm>> -> memref<3000000xf32, #tpu.memory_space<hbm>>
    tpu.wait_indirect_dma semaphore(%arg11 : memref<!tpu.dma_semaphore, #tpu.memory_space<semaphore_mem>>) src(%dma_wait3A_1558 : memref<3000000xf32, #tpu.memory_space<hbm>>) dst(%dma_wait3A_1553 : memref<128xf32, #tpu.memory_space<vmem>>)
    %dma_wait3A_1559 = arith.constant 0 : i32
    %dma_wait3A_1560 = arith.constant 24 : i32
    %dma_wait3A_1561 = arith.constant 0 : i32
    %dma_wait3A_1562 = tpu.memref_slice %arg9[%dma_wait3A_1560, %dma_wait3A_1561] : memref<36x128xf32, #tpu.memory_space<vmem>> -> memref<1x128xf32, #tpu.memory_space<vmem>>
    %dma_wait3A_1563 = tpu.memref_squeeze %dma_wait3A_1562 : memref<1x128xf32, #tpu.memory_space<vmem>> -> memref<128xf32, #tpu.memory_space<vmem>>
    %dma_wait3A_1564 = arith.constant 0 : i32
    %dma_wait3A_1565 = tpu.memref_slice %arg8[%dma_wait3A_1559, %dma_wait3A_1564] : memref<12x128xi32, #tpu.memory_space<vmem>> -> memref<1x128xi32, #tpu.memory_space<vmem>>
    %dma_wait3A_1566 = tpu.memref_squeeze %dma_wait3A_1565 : memref<1x128xi32, #tpu.memory_space<vmem>> -> memref<128xi32, #tpu.memory_space<vmem>>
    %dma_wait3A_1567 = arith.constant 0 : i32
    %dma_wait3A_1568 = tpu.memref_slice %arg5[%dma_wait3A_1567] : memref<3000000xf32, #tpu.memory_space<hbm>> -> memref<3000000xf32, #tpu.memory_space<hbm>>
    tpu.wait_indirect_dma semaphore(%arg11 : memref<!tpu.dma_semaphore, #tpu.memory_space<semaphore_mem>>) src(%dma_wait3A_1568 : memref<3000000xf32, #tpu.memory_space<hbm>>) dst(%dma_wait3A_1563 : memref<128xf32, #tpu.memory_space<vmem>>)
    %dma_wait3A_1569 = arith.constant 1 : i32
    %dma_wait3A_1570 = arith.constant 25 : i32
    %dma_wait3A_1571 = arith.constant 0 : i32
    %dma_wait3A_1572 = tpu.memref_slice %arg9[%dma_wait3A_1570, %dma_wait3A_1571] : memref<36x128xf32, #tpu.memory_space<vmem>> -> memref<1x128xf32, #tpu.memory_space<vmem>>
    %dma_wait3A_1573 = tpu.memref_squeeze %dma_wait3A_1572 : memref<1x128xf32, #tpu.memory_space<vmem>> -> memref<128xf32, #tpu.memory_space<vmem>>
    %dma_wait3A_1574 = arith.constant 0 : i32
    %dma_wait3A_1575 = tpu.memref_slice %arg8[%dma_wait3A_1569, %dma_wait3A_1574] : memref<12x128xi32, #tpu.memory_space<vmem>> -> memref<1x128xi32, #tpu.memory_space<vmem>>
    %dma_wait3A_1576 = tpu.memref_squeeze %dma_wait3A_1575 : memref<1x128xi32, #tpu.memory_space<vmem>> -> memref<128xi32, #tpu.memory_space<vmem>>
    %dma_wait3A_1577 = arith.constant 0 : i32
    %dma_wait3A_1578 = tpu.memref_slice %arg5[%dma_wait3A_1577] : memref<3000000xf32, #tpu.memory_space<hbm>> -> memref<3000000xf32, #tpu.memory_space<hbm>>
    tpu.wait_indirect_dma semaphore(%arg11 : memref<!tpu.dma_semaphore, #tpu.memory_space<semaphore_mem>>) src(%dma_wait3A_1578 : memref<3000000xf32, #tpu.memory_space<hbm>>) dst(%dma_wait3A_1573 : memref<128xf32, #tpu.memory_space<vmem>>)
    %dma_wait3A_1579 = arith.constant 2 : i32
    %dma_wait3A_1580 = arith.constant 26 : i32
    %dma_wait3A_1581 = arith.constant 0 : i32
    %dma_wait3A_1582 = tpu.memref_slice %arg9[%dma_wait3A_1580, %dma_wait3A_1581] : memref<36x128xf32, #tpu.memory_space<vmem>> -> memref<1x128xf32, #tpu.memory_space<vmem>>
    %dma_wait3A_1583 = tpu.memref_squeeze %dma_wait3A_1582 : memref<1x128xf32, #tpu.memory_space<vmem>> -> memref<128xf32, #tpu.memory_space<vmem>>
    %dma_wait3A_1584 = arith.constant 0 : i32
    %dma_wait3A_1585 = tpu.memref_slice %arg8[%dma_wait3A_1579, %dma_wait3A_1584] : memref<12x128xi32, #tpu.memory_space<vmem>> -> memref<1x128xi32, #tpu.memory_space<vmem>>
    %dma_wait3A_1586 = tpu.memref_squeeze %dma_wait3A_1585 : memref<1x128xi32, #tpu.memory_space<vmem>> -> memref<128xi32, #tpu.memory_space<vmem>>
    %dma_wait3A_1587 = arith.constant 0 : i32
    %dma_wait3A_1588 = tpu.memref_slice %arg5[%dma_wait3A_1587] : memref<3000000xf32, #tpu.memory_space<hbm>> -> memref<3000000xf32, #tpu.memory_space<hbm>>
    tpu.wait_indirect_dma semaphore(%arg11 : memref<!tpu.dma_semaphore, #tpu.memory_space<semaphore_mem>>) src(%dma_wait3A_1588 : memref<3000000xf32, #tpu.memory_space<hbm>>) dst(%dma_wait3A_1583 : memref<128xf32, #tpu.memory_space<vmem>>)
    %dma_wait3A_1589 = arith.constant 3 : i32
    %dma_wait3A_1590 = arith.constant 27 : i32
    %dma_wait3A_1591 = arith.constant 0 : i32
    %dma_wait3A_1592 = tpu.memref_slice %arg9[%dma_wait3A_1590, %dma_wait3A_1591] : memref<36x128xf32, #tpu.memory_space<vmem>> -> memref<1x128xf32, #tpu.memory_space<vmem>>
    %dma_wait3A_1593 = tpu.memref_squeeze %dma_wait3A_1592 : memref<1x128xf32, #tpu.memory_space<vmem>> -> memref<128xf32, #tpu.memory_space<vmem>>
    %dma_wait3A_1594 = arith.constant 0 : i32
    %dma_wait3A_1595 = tpu.memref_slice %arg8[%dma_wait3A_1589, %dma_wait3A_1594] : memref<12x128xi32, #tpu.memory_space<vmem>> -> memref<1x128xi32, #tpu.memory_space<vmem>>
    %dma_wait3A_1596 = tpu.memref_squeeze %dma_wait3A_1595 : memref<1x128xi32, #tpu.memory_space<vmem>> -> memref<128xi32, #tpu.memory_space<vmem>>
    %dma_wait3A_1597 = arith.constant 0 : i32
    %dma_wait3A_1598 = tpu.memref_slice %arg5[%dma_wait3A_1597] : memref<3000000xf32, #tpu.memory_space<hbm>> -> memref<3000000xf32, #tpu.memory_space<hbm>>
    tpu.wait_indirect_dma semaphore(%arg11 : memref<!tpu.dma_semaphore, #tpu.memory_space<semaphore_mem>>) src(%dma_wait3A_1598 : memref<3000000xf32, #tpu.memory_space<hbm>>) dst(%dma_wait3A_1593 : memref<128xf32, #tpu.memory_space<vmem>>)
    %dma_wait3A_1599 = arith.constant 4 : i32
    %dma_wait3A_1600 = arith.constant 28 : i32
    %dma_wait3A_1601 = arith.constant 0 : i32
    %dma_wait3A_1602 = tpu.memref_slice %arg9[%dma_wait3A_1600, %dma_wait3A_1601] : memref<36x128xf32, #tpu.memory_space<vmem>> -> memref<1x128xf32, #tpu.memory_space<vmem>>
    %dma_wait3A_1603 = tpu.memref_squeeze %dma_wait3A_1602 : memref<1x128xf32, #tpu.memory_space<vmem>> -> memref<128xf32, #tpu.memory_space<vmem>>
    %dma_wait3A_1604 = arith.constant 0 : i32
    %dma_wait3A_1605 = tpu.memref_slice %arg8[%dma_wait3A_1599, %dma_wait3A_1604] : memref<12x128xi32, #tpu.memory_space<vmem>> -> memref<1x128xi32, #tpu.memory_space<vmem>>
    %dma_wait3A_1606 = tpu.memref_squeeze %dma_wait3A_1605 : memref<1x128xi32, #tpu.memory_space<vmem>> -> memref<128xi32, #tpu.memory_space<vmem>>
    %dma_wait3A_1607 = arith.constant 0 : i32
    %dma_wait3A_1608 = tpu.memref_slice %arg5[%dma_wait3A_1607] : memref<3000000xf32, #tpu.memory_space<hbm>> -> memref<3000000xf32, #tpu.memory_space<hbm>>
    tpu.wait_indirect_dma semaphore(%arg11 : memref<!tpu.dma_semaphore, #tpu.memory_space<semaphore_mem>>) src(%dma_wait3A_1608 : memref<3000000xf32, #tpu.memory_space<hbm>>) dst(%dma_wait3A_1603 : memref<128xf32, #tpu.memory_space<vmem>>)
    %dma_wait3A_1609 = arith.constant 5 : i32
    %dma_wait3A_1610 = arith.constant 29 : i32
    %dma_wait3A_1611 = arith.constant 0 : i32
    %dma_wait3A_1612 = tpu.memref_slice %arg9[%dma_wait3A_1610, %dma_wait3A_1611] : memref<36x128xf32, #tpu.memory_space<vmem>> -> memref<1x128xf32, #tpu.memory_space<vmem>>
    %dma_wait3A_1613 = tpu.memref_squeeze %dma_wait3A_1612 : memref<1x128xf32, #tpu.memory_space<vmem>> -> memref<128xf32, #tpu.memory_space<vmem>>
    %dma_wait3A_1614 = arith.constant 0 : i32
    %dma_wait3A_1615 = tpu.memref_slice %arg8[%dma_wait3A_1609, %dma_wait3A_1614] : memref<12x128xi32, #tpu.memory_space<vmem>> -> memref<1x128xi32, #tpu.memory_space<vmem>>
    %dma_wait3A_1616 = tpu.memref_squeeze %dma_wait3A_1615 : memref<1x128xi32, #tpu.memory_space<vmem>> -> memref<128xi32, #tpu.memory_space<vmem>>
    %dma_wait3A_1617 = arith.constant 0 : i32
    %dma_wait3A_1618 = tpu.memref_slice %arg5[%dma_wait3A_1617] : memref<3000000xf32, #tpu.memory_space<hbm>> -> memref<3000000xf32, #tpu.memory_space<hbm>>
    tpu.wait_indirect_dma semaphore(%arg11 : memref<!tpu.dma_semaphore, #tpu.memory_space<semaphore_mem>>) src(%dma_wait3A_1618 : memref<3000000xf32, #tpu.memory_space<hbm>>) dst(%dma_wait3A_1613 : memref<128xf32, #tpu.memory_space<vmem>>)
    %dma_wait3A_1619 = arith.constant 6 : i32
    %dma_wait3A_1620 = arith.constant 30 : i32
    %dma_wait3A_1621 = arith.constant 0 : i32
    %dma_wait3A_1622 = tpu.memref_slice %arg9[%dma_wait3A_1620, %dma_wait3A_1621] : memref<36x128xf32, #tpu.memory_space<vmem>> -> memref<1x128xf32, #tpu.memory_space<vmem>>
    %dma_wait3A_1623 = tpu.memref_squeeze %dma_wait3A_1622 : memref<1x128xf32, #tpu.memory_space<vmem>> -> memref<128xf32, #tpu.memory_space<vmem>>
    %dma_wait3A_1624 = arith.constant 0 : i32
    %dma_wait3A_1625 = tpu.memref_slice %arg8[%dma_wait3A_1619, %dma_wait3A_1624] : memref<12x128xi32, #tpu.memory_space<vmem>> -> memref<1x128xi32, #tpu.memory_space<vmem>>
    %dma_wait3A_1626 = tpu.memref_squeeze %dma_wait3A_1625 : memref<1x128xi32, #tpu.memory_space<vmem>> -> memref<128xi32, #tpu.memory_space<vmem>>
    %dma_wait3A_1627 = arith.constant 0 : i32
    %dma_wait3A_1628 = tpu.memref_slice %arg5[%dma_wait3A_1627] : memref<3000000xf32, #tpu.memory_space<hbm>> -> memref<3000000xf32, #tpu.memory_space<hbm>>
    tpu.wait_indirect_dma semaphore(%arg11 : memref<!tpu.dma_semaphore, #tpu.memory_space<semaphore_mem>>) src(%dma_wait3A_1628 : memref<3000000xf32, #tpu.memory_space<hbm>>) dst(%dma_wait3A_1623 : memref<128xf32, #tpu.memory_space<vmem>>)
    %dma_wait3A_1629 = arith.constant 7 : i32
    %dma_wait3A_1630 = arith.constant 31 : i32
    %dma_wait3A_1631 = arith.constant 0 : i32
    %dma_wait3A_1632 = tpu.memref_slice %arg9[%dma_wait3A_1630, %dma_wait3A_1631] : memref<36x128xf32, #tpu.memory_space<vmem>> -> memref<1x128xf32, #tpu.memory_space<vmem>>
    %dma_wait3A_1633 = tpu.memref_squeeze %dma_wait3A_1632 : memref<1x128xf32, #tpu.memory_space<vmem>> -> memref<128xf32, #tpu.memory_space<vmem>>
    %dma_wait3A_1634 = arith.constant 0 : i32
    %dma_wait3A_1635 = tpu.memref_slice %arg8[%dma_wait3A_1629, %dma_wait3A_1634] : memref<12x128xi32, #tpu.memory_space<vmem>> -> memref<1x128xi32, #tpu.memory_space<vmem>>
    %dma_wait3A_1636 = tpu.memref_squeeze %dma_wait3A_1635 : memref<1x128xi32, #tpu.memory_space<vmem>> -> memref<128xi32, #tpu.memory_space<vmem>>
    %dma_wait3A_1637 = arith.constant 0 : i32
    %dma_wait3A_1638 = tpu.memref_slice %arg5[%dma_wait3A_1637] : memref<3000000xf32, #tpu.memory_space<hbm>> -> memref<3000000xf32, #tpu.memory_space<hbm>>
    tpu.wait_indirect_dma semaphore(%arg11 : memref<!tpu.dma_semaphore, #tpu.memory_space<semaphore_mem>>) src(%dma_wait3A_1638 : memref<3000000xf32, #tpu.memory_space<hbm>>) dst(%dma_wait3A_1633 : memref<128xf32, #tpu.memory_space<vmem>>)
    %dma_wait3A_1639 = arith.constant 8 : i32
    %dma_wait3A_1640 = arith.constant 32 : i32
    %dma_wait3A_1641 = arith.constant 0 : i32
    %dma_wait3A_1642 = tpu.memref_slice %arg9[%dma_wait3A_1640, %dma_wait3A_1641] : memref<36x128xf32, #tpu.memory_space<vmem>> -> memref<1x128xf32, #tpu.memory_space<vmem>>
    %dma_wait3A_1643 = tpu.memref_squeeze %dma_wait3A_1642 : memref<1x128xf32, #tpu.memory_space<vmem>> -> memref<128xf32, #tpu.memory_space<vmem>>
    %dma_wait3A_1644 = arith.constant 0 : i32
    %dma_wait3A_1645 = tpu.memref_slice %arg8[%dma_wait3A_1639, %dma_wait3A_1644] : memref<12x128xi32, #tpu.memory_space<vmem>> -> memref<1x128xi32, #tpu.memory_space<vmem>>
    %dma_wait3A_1646 = tpu.memref_squeeze %dma_wait3A_1645 : memref<1x128xi32, #tpu.memory_space<vmem>> -> memref<128xi32, #tpu.memory_space<vmem>>
    %dma_wait3A_1647 = arith.constant 0 : i32
    %dma_wait3A_1648 = tpu.memref_slice %arg5[%dma_wait3A_1647] : memref<3000000xf32, #tpu.memory_space<hbm>> -> memref<3000000xf32, #tpu.memory_space<hbm>>
    tpu.wait_indirect_dma semaphore(%arg11 : memref<!tpu.dma_semaphore, #tpu.memory_space<semaphore_mem>>) src(%dma_wait3A_1648 : memref<3000000xf32, #tpu.memory_space<hbm>>) dst(%dma_wait3A_1643 : memref<128xf32, #tpu.memory_space<vmem>>)
    %dma_wait3A_1649 = arith.constant 9 : i32
    %dma_wait3A_1650 = arith.constant 33 : i32
    %dma_wait3A_1651 = arith.constant 0 : i32
    %dma_wait3A_1652 = tpu.memref_slice %arg9[%dma_wait3A_1650, %dma_wait3A_1651] : memref<36x128xf32, #tpu.memory_space<vmem>> -> memref<1x128xf32, #tpu.memory_space<vmem>>
    %dma_wait3A_1653 = tpu.memref_squeeze %dma_wait3A_1652 : memref<1x128xf32, #tpu.memory_space<vmem>> -> memref<128xf32, #tpu.memory_space<vmem>>
    %dma_wait3A_1654 = arith.constant 0 : i32
    %dma_wait3A_1655 = tpu.memref_slice %arg8[%dma_wait3A_1649, %dma_wait3A_1654] : memref<12x128xi32, #tpu.memory_space<vmem>> -> memref<1x128xi32, #tpu.memory_space<vmem>>
    %dma_wait3A_1656 = tpu.memref_squeeze %dma_wait3A_1655 : memref<1x128xi32, #tpu.memory_space<vmem>> -> memref<128xi32, #tpu.memory_space<vmem>>
    %dma_wait3A_1657 = arith.constant 0 : i32
    %dma_wait3A_1658 = tpu.memref_slice %arg5[%dma_wait3A_1657] : memref<3000000xf32, #tpu.memory_space<hbm>> -> memref<3000000xf32, #tpu.memory_space<hbm>>
    tpu.wait_indirect_dma semaphore(%arg11 : memref<!tpu.dma_semaphore, #tpu.memory_space<semaphore_mem>>) src(%dma_wait3A_1658 : memref<3000000xf32, #tpu.memory_space<hbm>>) dst(%dma_wait3A_1653 : memref<128xf32, #tpu.memory_space<vmem>>)
    %dma_wait3A_1659 = arith.constant 10 : i32
    %dma_wait3A_1660 = arith.constant 34 : i32
    %dma_wait3A_1661 = arith.constant 0 : i32
    %dma_wait3A_1662 = tpu.memref_slice %arg9[%dma_wait3A_1660, %dma_wait3A_1661] : memref<36x128xf32, #tpu.memory_space<vmem>> -> memref<1x128xf32, #tpu.memory_space<vmem>>
    %dma_wait3A_1663 = tpu.memref_squeeze %dma_wait3A_1662 : memref<1x128xf32, #tpu.memory_space<vmem>> -> memref<128xf32, #tpu.memory_space<vmem>>
    %dma_wait3A_1664 = arith.constant 0 : i32
    %dma_wait3A_1665 = tpu.memref_slice %arg8[%dma_wait3A_1659, %dma_wait3A_1664] : memref<12x128xi32, #tpu.memory_space<vmem>> -> memref<1x128xi32, #tpu.memory_space<vmem>>
    %dma_wait3A_1666 = tpu.memref_squeeze %dma_wait3A_1665 : memref<1x128xi32, #tpu.memory_space<vmem>> -> memref<128xi32, #tpu.memory_space<vmem>>
    %dma_wait3A_1667 = arith.constant 0 : i32
    %dma_wait3A_1668 = tpu.memref_slice %arg5[%dma_wait3A_1667] : memref<3000000xf32, #tpu.memory_space<hbm>> -> memref<3000000xf32, #tpu.memory_space<hbm>>
    tpu.wait_indirect_dma semaphore(%arg11 : memref<!tpu.dma_semaphore, #tpu.memory_space<semaphore_mem>>) src(%dma_wait3A_1668 : memref<3000000xf32, #tpu.memory_space<hbm>>) dst(%dma_wait3A_1663 : memref<128xf32, #tpu.memory_space<vmem>>)
    %dma_wait3A_1669 = arith.constant 11 : i32
    %dma_wait3A_1670 = arith.constant 35 : i32
    %dma_wait3A_1671 = arith.constant 0 : i32
    %dma_wait3A_1672 = tpu.memref_slice %arg9[%dma_wait3A_1670, %dma_wait3A_1671] : memref<36x128xf32, #tpu.memory_space<vmem>> -> memref<1x128xf32, #tpu.memory_space<vmem>>
    %dma_wait3A_1673 = tpu.memref_squeeze %dma_wait3A_1672 : memref<1x128xf32, #tpu.memory_space<vmem>> -> memref<128xf32, #tpu.memory_space<vmem>>
    %dma_wait3A_1674 = arith.constant 0 : i32
    %dma_wait3A_1675 = tpu.memref_slice %arg8[%dma_wait3A_1669, %dma_wait3A_1674] : memref<12x128xi32, #tpu.memory_space<vmem>> -> memref<1x128xi32, #tpu.memory_space<vmem>>
    %dma_wait3A_1676 = tpu.memref_squeeze %dma_wait3A_1675 : memref<1x128xi32, #tpu.memory_space<vmem>> -> memref<128xi32, #tpu.memory_space<vmem>>
    %dma_wait3A_1677 = arith.constant 0 : i32
    %dma_wait3A_1678 = tpu.memref_slice %arg5[%dma_wait3A_1677] : memref<3000000xf32, #tpu.memory_space<hbm>> -> memref<3000000xf32, #tpu.memory_space<hbm>>
    tpu.wait_indirect_dma semaphore(%arg11 : memref<!tpu.dma_semaphore, #tpu.memory_space<semaphore_mem>>) src(%dma_wait3A_1678 : memref<3000000xf32, #tpu.memory_space<hbm>>) dst(%dma_wait3A_1673 : memref<128xf32, #tpu.memory_space<vmem>>)
    %broadcast_in_dim3A = arith.constant 0.000000e+00 : f32
    %broadcast_in_dim3A_1679 = vector.broadcast %broadcast_in_dim3A : f32 to vector<16xf32>
    %broadcast_in_dim3A_1680 = arith.constant 0.000000e+00 : f32
    %broadcast_in_dim3A_1681 = vector.broadcast %broadcast_in_dim3A_1680 : f32 to vector<16xf32>
    %broadcast_in_dim3A_1682 = arith.constant 0.000000e+00 : f32
    %broadcast_in_dim3A_1683 = vector.broadcast %broadcast_in_dim3A_1682 : f32 to vector<16xf32>
    %broadcast_in_dim3A_1684 = arith.constant 0.000000e+00 : f32
    %broadcast_in_dim3A_1685 = vector.broadcast %broadcast_in_dim3A_1684 : f32 to vector<16xf32>
    %broadcast_in_dim3A_1686 = arith.constant 0.000000e+00 : f32
    %broadcast_in_dim3A_1687 = vector.broadcast %broadcast_in_dim3A_1686 : f32 to vector<16xf32>
    %broadcast_in_dim3A_1688 = arith.constant 0.000000e+00 : f32
    %broadcast_in_dim3A_1689 = vector.broadcast %broadcast_in_dim3A_1688 : f32 to vector<16xf32>
    %broadcast_in_dim3A_1690 = arith.constant 0.000000e+00 : f32
    %broadcast_in_dim3A_1691 = vector.broadcast %broadcast_in_dim3A_1690 : f32 to vector<16xf32>
    %broadcast_in_dim3A_1692 = arith.constant 0.000000e+00 : f32
    %broadcast_in_dim3A_1693 = vector.broadcast %broadcast_in_dim3A_1692 : f32 to vector<16xf32>
    %broadcast_in_dim3A_1694 = arith.constant 0.000000e+00 : f32
    %broadcast_in_dim3A_1695 = vector.broadcast %broadcast_in_dim3A_1694 : f32 to vector<16xf32>
    %get3A_1696 = arith.constant 0 : i32
    %get3A_1697 = arith.index_cast %get3A_1696 : i32 to index
    %get3A_1698 = arith.constant 0 : index
    %get3A_1699 = tpu.vector_load %arg9[%get3A_1697, %get3A_1698] {strides = array<i32>} : memref<36x128xf32, #tpu.memory_space<vmem>>, vector<1x16xf32>,
    %get3A_1700 = vector.shape_cast %get3A_1699 : vector<1x16xf32> to vector<16xf32>
    %add3A_1701 = arith.addf %broadcast_in_dim3A_1679, %get3A_1700 : vector<16xf32>
    %get3A_1702 = arith.constant 0 : i32
    %get3A_1703 = arith.index_cast %get3A_1702 : i32 to index
    %get3A_1704 = arith.constant 16 : index
    %get3A_1705 = tpu.vector_load %arg9[%get3A_1703, %get3A_1704] {strides = array<i32>} : memref<36x128xf32, #tpu.memory_space<vmem>>, vector<1x16xf32>,
    %get3A_1706 = vector.shape_cast %get3A_1705 : vector<1x16xf32> to vector<16xf32>
    %add3A_1707 = arith.addf %add3A_1701, %get3A_1706 : vector<16xf32>
    %get3A_1708 = arith.constant 0 : i32
    %get3A_1709 = arith.index_cast %get3A_1708 : i32 to index
    %get3A_1710 = arith.constant 32 : index
    %get3A_1711 = tpu.vector_load %arg9[%get3A_1709, %get3A_1710] {strides = array<i32>} : memref<36x128xf32, #tpu.memory_space<vmem>>, vector<1x16xf32>,
    %get3A_1712 = vector.shape_cast %get3A_1711 : vector<1x16xf32> to vector<16xf32>
    %add3A_1713 = arith.addf %add3A_1707, %get3A_1712 : vector<16xf32>
    %get3A_1714 = arith.constant 0 : i32
    %get3A_1715 = arith.index_cast %get3A_1714 : i32 to index
    %get3A_1716 = arith.constant 48 : index
    %get3A_1717 = tpu.vector_load %arg9[%get3A_1715, %get3A_1716] {strides = array<i32>} : memref<36x128xf32, #tpu.memory_space<vmem>>, vector<1x16xf32>,
    %get3A_1718 = vector.shape_cast %get3A_1717 : vector<1x16xf32> to vector<16xf32>
    %add3A_1719 = arith.addf %add3A_1713, %get3A_1718 : vector<16xf32>
    %get3A_1720 = arith.constant 0 : i32
    %get3A_1721 = arith.index_cast %get3A_1720 : i32 to index
    %get3A_1722 = arith.constant 64 : index
    %get3A_1723 = tpu.vector_load %arg9[%get3A_1721, %get3A_1722] {strides = array<i32>} : memref<36x128xf32, #tpu.memory_space<vmem>>, vector<1x16xf32>,
    %get3A_1724 = vector.shape_cast %get3A_1723 : vector<1x16xf32> to vector<16xf32>
    %add3A_1725 = arith.addf %add3A_1719, %get3A_1724 : vector<16xf32>
    %get3A_1726 = arith.constant 0 : i32
    %get3A_1727 = arith.index_cast %get3A_1726 : i32 to index
    %get3A_1728 = arith.constant 80 : index
    %get3A_1729 = tpu.vector_load %arg9[%get3A_1727, %get3A_1728] {strides = array<i32>} : memref<36x128xf32, #tpu.memory_space<vmem>>, vector<1x16xf32>,
    %get3A_1730 = vector.shape_cast %get3A_1729 : vector<1x16xf32> to vector<16xf32>
    %add3A_1731 = arith.addf %add3A_1725, %get3A_1730 : vector<16xf32>
    %get3A_1732 = arith.constant 0 : i32
    %get3A_1733 = arith.index_cast %get3A_1732 : i32 to index
    %get3A_1734 = arith.constant 96 : index
    %get3A_1735 = tpu.vector_load %arg9[%get3A_1733, %get3A_1734] {strides = array<i32>} : memref<36x128xf32, #tpu.memory_space<vmem>>, vector<1x16xf32>,
    %get3A_1736 = vector.shape_cast %get3A_1735 : vector<1x16xf32> to vector<16xf32>
    %add3A_1737 = arith.addf %add3A_1731, %get3A_1736 : vector<16xf32>
    %get3A_1738 = arith.constant 0 : i32
    %get3A_1739 = arith.index_cast %get3A_1738 : i32 to index
    %get3A_1740 = arith.constant 112 : index
    %get3A_1741 = tpu.vector_load %arg9[%get3A_1739, %get3A_1740] {strides = array<i32>} : memref<36x128xf32, #tpu.memory_space<vmem>>, vector<1x16xf32>,
    %get3A_1742 = vector.shape_cast %get3A_1741 : vector<1x16xf32> to vector<16xf32>
    %add3A_1743 = arith.addf %add3A_1737, %get3A_1742 : vector<16xf32>
    %get3A_1744 = arith.constant 1 : i32
    %get3A_1745 = arith.index_cast %get3A_1744 : i32 to index
    %get3A_1746 = arith.constant 0 : index
    %get3A_1747 = tpu.vector_load %arg9[%get3A_1745, %get3A_1746] {strides = array<i32>} : memref<36x128xf32, #tpu.memory_space<vmem>>, vector<1x16xf32>,
    %get3A_1748 = vector.shape_cast %get3A_1747 : vector<1x16xf32> to vector<16xf32>
    %add3A_1749 = arith.addf %add3A_1743, %get3A_1748 : vector<16xf32>
    %get3A_1750 = arith.constant 1 : i32
    %get3A_1751 = arith.index_cast %get3A_1750 : i32 to index
    %get3A_1752 = arith.constant 16 : index
    %get3A_1753 = tpu.vector_load %arg9[%get3A_1751, %get3A_1752] {strides = array<i32>} : memref<36x128xf32, #tpu.memory_space<vmem>>, vector<1x16xf32>,
    %get3A_1754 = vector.shape_cast %get3A_1753 : vector<1x16xf32> to vector<16xf32>
    %add3A_1755 = arith.addf %add3A_1749, %get3A_1754 : vector<16xf32>
    %get3A_1756 = arith.constant 1 : i32
    %get3A_1757 = arith.index_cast %get3A_1756 : i32 to index
    %get3A_1758 = arith.constant 32 : index
    %get3A_1759 = tpu.vector_load %arg9[%get3A_1757, %get3A_1758] {strides = array<i32>} : memref<36x128xf32, #tpu.memory_space<vmem>>, vector<1x16xf32>,
    %get3A_1760 = vector.shape_cast %get3A_1759 : vector<1x16xf32> to vector<16xf32>
    %add3A_1761 = arith.addf %add3A_1755, %get3A_1760 : vector<16xf32>
    %get3A_1762 = arith.constant 1 : i32
    %get3A_1763 = arith.index_cast %get3A_1762 : i32 to index
    %get3A_1764 = arith.constant 48 : index
    %get3A_1765 = tpu.vector_load %arg9[%get3A_1763, %get3A_1764] {strides = array<i32>} : memref<36x128xf32, #tpu.memory_space<vmem>>, vector<1x16xf32>,
    %get3A_1766 = vector.shape_cast %get3A_1765 : vector<1x16xf32> to vector<16xf32>
    %add3A_1767 = arith.addf %add3A_1761, %get3A_1766 : vector<16xf32>
    %get3A_1768 = arith.constant 1 : i32
    %get3A_1769 = arith.index_cast %get3A_1768 : i32 to index
    %get3A_1770 = arith.constant 64 : index
    %get3A_1771 = tpu.vector_load %arg9[%get3A_1769, %get3A_1770] {strides = array<i32>} : memref<36x128xf32, #tpu.memory_space<vmem>>, vector<1x16xf32>,
    %get3A_1772 = vector.shape_cast %get3A_1771 : vector<1x16xf32> to vector<16xf32>
    %add3A_1773 = arith.addf %add3A_1767, %get3A_1772 : vector<16xf32>
    %get3A_1774 = arith.constant 1 : i32
    %get3A_1775 = arith.index_cast %get3A_1774 : i32 to index
    %get3A_1776 = arith.constant 80 : index
    %get3A_1777 = tpu.vector_load %arg9[%get3A_1775, %get3A_1776] {strides = array<i32>} : memref<36x128xf32, #tpu.memory_space<vmem>>, vector<1x16xf32>,
    %get3A_1778 = vector.shape_cast %get3A_1777 : vector<1x16xf32> to vector<16xf32>
    %add3A_1779 = arith.addf %add3A_1773, %get3A_1778 : vector<16xf32>
    %get3A_1780 = arith.constant 1 : i32
    %get3A_1781 = arith.index_cast %get3A_1780 : i32 to index
    %get3A_1782 = arith.constant 96 : index
    %get3A_1783 = tpu.vector_load %arg9[%get3A_1781, %get3A_1782] {strides = array<i32>} : memref<36x128xf32, #tpu.memory_space<vmem>>, vector<1x16xf32>,
    %get3A_1784 = vector.shape_cast %get3A_1783 : vector<1x16xf32> to vector<16xf32>
    %add3A_1785 = arith.addf %add3A_1779, %get3A_1784 : vector<16xf32>
    %get3A_1786 = arith.constant 1 : i32
    %get3A_1787 = arith.index_cast %get3A_1786 : i32 to index
    %get3A_1788 = arith.constant 112 : index
    %get3A_1789 = tpu.vector_load %arg9[%get3A_1787, %get3A_1788] {strides = array<i32>} : memref<36x128xf32, #tpu.memory_space<vmem>>, vector<1x16xf32>,
    %get3A_1790 = vector.shape_cast %get3A_1789 : vector<1x16xf32> to vector<16xf32>
    %add3A_1791 = arith.addf %add3A_1785, %get3A_1790 : vector<16xf32>
    %get3A_1792 = arith.constant 2 : i32
    %get3A_1793 = arith.index_cast %get3A_1792 : i32 to index
    %get3A_1794 = arith.constant 0 : index
    %get3A_1795 = tpu.vector_load %arg9[%get3A_1793, %get3A_1794] {strides = array<i32>} : memref<36x128xf32, #tpu.memory_space<vmem>>, vector<1x16xf32>,
    %get3A_1796 = vector.shape_cast %get3A_1795 : vector<1x16xf32> to vector<16xf32>
    %add3A_1797 = arith.addf %add3A_1791, %get3A_1796 : vector<16xf32>
    %get3A_1798 = arith.constant 2 : i32
    %get3A_1799 = arith.index_cast %get3A_1798 : i32 to index
    %get3A_1800 = arith.constant 16 : index
    %get3A_1801 = tpu.vector_load %arg9[%get3A_1799, %get3A_1800] {strides = array<i32>} : memref<36x128xf32, #tpu.memory_space<vmem>>, vector<1x16xf32>,
    %get3A_1802 = vector.shape_cast %get3A_1801 : vector<1x16xf32> to vector<16xf32>
    %add3A_1803 = arith.addf %add3A_1797, %get3A_1802 : vector<16xf32>
    %get3A_1804 = arith.constant 2 : i32
    %get3A_1805 = arith.index_cast %get3A_1804 : i32 to index
    %get3A_1806 = arith.constant 32 : index
    %get3A_1807 = tpu.vector_load %arg9[%get3A_1805, %get3A_1806] {strides = array<i32>} : memref<36x128xf32, #tpu.memory_space<vmem>>, vector<1x16xf32>,
    %get3A_1808 = vector.shape_cast %get3A_1807 : vector<1x16xf32> to vector<16xf32>
    %add3A_1809 = arith.addf %add3A_1803, %get3A_1808 : vector<16xf32>
    %get3A_1810 = arith.constant 2 : i32
    %get3A_1811 = arith.index_cast %get3A_1810 : i32 to index
    %get3A_1812 = arith.constant 48 : index
    %get3A_1813 = tpu.vector_load %arg9[%get3A_1811, %get3A_1812] {strides = array<i32>} : memref<36x128xf32, #tpu.memory_space<vmem>>, vector<1x16xf32>,
    %get3A_1814 = vector.shape_cast %get3A_1813 : vector<1x16xf32> to vector<16xf32>
    %add3A_1815 = arith.addf %add3A_1809, %get3A_1814 : vector<16xf32>
    %get3A_1816 = arith.constant 2 : i32
    %get3A_1817 = arith.index_cast %get3A_1816 : i32 to index
    %get3A_1818 = arith.constant 64 : index
    %get3A_1819 = tpu.vector_load %arg9[%get3A_1817, %get3A_1818] {strides = array<i32>} : memref<36x128xf32, #tpu.memory_space<vmem>>, vector<1x16xf32>,
    %get3A_1820 = vector.shape_cast %get3A_1819 : vector<1x16xf32> to vector<16xf32>
    %add3A_1821 = arith.addf %add3A_1815, %get3A_1820 : vector<16xf32>
    %get3A_1822 = arith.constant 2 : i32
    %get3A_1823 = arith.index_cast %get3A_1822 : i32 to index
    %get3A_1824 = arith.constant 80 : index
    %get3A_1825 = tpu.vector_load %arg9[%get3A_1823, %get3A_1824] {strides = array<i32>} : memref<36x128xf32, #tpu.memory_space<vmem>>, vector<1x16xf32>,
    %get3A_1826 = vector.shape_cast %get3A_1825 : vector<1x16xf32> to vector<16xf32>
    %add3A_1827 = arith.addf %add3A_1821, %get3A_1826 : vector<16xf32>
    %get3A_1828 = arith.constant 2 : i32
    %get3A_1829 = arith.index_cast %get3A_1828 : i32 to index
    %get3A_1830 = arith.constant 96 : index
    %get3A_1831 = tpu.vector_load %arg9[%get3A_1829, %get3A_1830] {strides = array<i32>} : memref<36x128xf32, #tpu.memory_space<vmem>>, vector<1x16xf32>,
    %get3A_1832 = vector.shape_cast %get3A_1831 : vector<1x16xf32> to vector<16xf32>
    %add3A_1833 = arith.addf %add3A_1827, %get3A_1832 : vector<16xf32>
    %get3A_1834 = arith.constant 2 : i32
    %get3A_1835 = arith.index_cast %get3A_1834 : i32 to index
    %get3A_1836 = arith.constant 112 : index
    %get3A_1837 = tpu.vector_load %arg9[%get3A_1835, %get3A_1836] {strides = array<i32>} : memref<36x128xf32, #tpu.memory_space<vmem>>, vector<1x16xf32>,
    %get3A_1838 = vector.shape_cast %get3A_1837 : vector<1x16xf32> to vector<16xf32>
    %add3A_1839 = arith.addf %add3A_1833, %get3A_1838 : vector<16xf32>
    %get3A_1840 = arith.constant 3 : i32
    %get3A_1841 = arith.index_cast %get3A_1840 : i32 to index
    %get3A_1842 = arith.constant 0 : index
    %get3A_1843 = tpu.vector_load %arg9[%get3A_1841, %get3A_1842] {strides = array<i32>} : memref<36x128xf32, #tpu.memory_space<vmem>>, vector<1x16xf32>,
    %get3A_1844 = vector.shape_cast %get3A_1843 : vector<1x16xf32> to vector<16xf32>
    %add3A_1845 = arith.addf %add3A_1839, %get3A_1844 : vector<16xf32>
    %get3A_1846 = arith.constant 3 : i32
    %get3A_1847 = arith.index_cast %get3A_1846 : i32 to index
    %get3A_1848 = arith.constant 16 : index
    %get3A_1849 = tpu.vector_load %arg9[%get3A_1847, %get3A_1848] {strides = array<i32>} : memref<36x128xf32, #tpu.memory_space<vmem>>, vector<1x16xf32>,
    %get3A_1850 = vector.shape_cast %get3A_1849 : vector<1x16xf32> to vector<16xf32>
    %add3A_1851 = arith.addf %add3A_1845, %get3A_1850 : vector<16xf32>
    %get3A_1852 = arith.constant 3 : i32
    %get3A_1853 = arith.index_cast %get3A_1852 : i32 to index
    %get3A_1854 = arith.constant 32 : index
    %get3A_1855 = tpu.vector_load %arg9[%get3A_1853, %get3A_1854] {strides = array<i32>} : memref<36x128xf32, #tpu.memory_space<vmem>>, vector<1x16xf32>,
    %get3A_1856 = vector.shape_cast %get3A_1855 : vector<1x16xf32> to vector<16xf32>
    %add3A_1857 = arith.addf %add3A_1851, %get3A_1856 : vector<16xf32>
    %get3A_1858 = arith.constant 3 : i32
    %get3A_1859 = arith.index_cast %get3A_1858 : i32 to index
    %get3A_1860 = arith.constant 48 : index
    %get3A_1861 = tpu.vector_load %arg9[%get3A_1859, %get3A_1860] {strides = array<i32>} : memref<36x128xf32, #tpu.memory_space<vmem>>, vector<1x16xf32>,
    %get3A_1862 = vector.shape_cast %get3A_1861 : vector<1x16xf32> to vector<16xf32>
    %add3A_1863 = arith.addf %add3A_1857, %get3A_1862 : vector<16xf32>
    %get3A_1864 = arith.constant 3 : i32
    %get3A_1865 = arith.index_cast %get3A_1864 : i32 to index
    %get3A_1866 = arith.constant 64 : index
    %get3A_1867 = tpu.vector_load %arg9[%get3A_1865, %get3A_1866] {strides = array<i32>} : memref<36x128xf32, #tpu.memory_space<vmem>>, vector<1x16xf32>,
    %get3A_1868 = vector.shape_cast %get3A_1867 : vector<1x16xf32> to vector<16xf32>
    %add3A_1869 = arith.addf %add3A_1863, %get3A_1868 : vector<16xf32>
    %get3A_1870 = arith.constant 3 : i32
    %get3A_1871 = arith.index_cast %get3A_1870 : i32 to index
    %get3A_1872 = arith.constant 80 : index
    %get3A_1873 = tpu.vector_load %arg9[%get3A_1871, %get3A_1872] {strides = array<i32>} : memref<36x128xf32, #tpu.memory_space<vmem>>, vector<1x16xf32>,
    %get3A_1874 = vector.shape_cast %get3A_1873 : vector<1x16xf32> to vector<16xf32>
    %add3A_1875 = arith.addf %add3A_1869, %get3A_1874 : vector<16xf32>
    %get3A_1876 = arith.constant 3 : i32
    %get3A_1877 = arith.index_cast %get3A_1876 : i32 to index
    %get3A_1878 = arith.constant 96 : index
    %get3A_1879 = tpu.vector_load %arg9[%get3A_1877, %get3A_1878] {strides = array<i32>} : memref<36x128xf32, #tpu.memory_space<vmem>>, vector<1x16xf32>,
    %get3A_1880 = vector.shape_cast %get3A_1879 : vector<1x16xf32> to vector<16xf32>
    %add3A_1881 = arith.addf %add3A_1875, %get3A_1880 : vector<16xf32>
    %get3A_1882 = arith.constant 3 : i32
    %get3A_1883 = arith.index_cast %get3A_1882 : i32 to index
    %get3A_1884 = arith.constant 112 : index
    %get3A_1885 = tpu.vector_load %arg9[%get3A_1883, %get3A_1884] {strides = array<i32>} : memref<36x128xf32, #tpu.memory_space<vmem>>, vector<1x16xf32>,
    %get3A_1886 = vector.shape_cast %get3A_1885 : vector<1x16xf32> to vector<16xf32>
    %add3A_1887 = arith.addf %add3A_1881, %get3A_1886 : vector<16xf32>
    %get3A_1888 = arith.constant 4 : i32
    %get3A_1889 = arith.index_cast %get3A_1888 : i32 to index
    %get3A_1890 = arith.constant 0 : index
    %get3A_1891 = tpu.vector_load %arg9[%get3A_1889, %get3A_1890] {strides = array<i32>} : memref<36x128xf32, #tpu.memory_space<vmem>>, vector<1x16xf32>,
    %get3A_1892 = vector.shape_cast %get3A_1891 : vector<1x16xf32> to vector<16xf32>
    %add3A_1893 = arith.addf %broadcast_in_dim3A_1681, %get3A_1892 : vector<16xf32>
    %get3A_1894 = arith.constant 4 : i32
    %get3A_1895 = arith.index_cast %get3A_1894 : i32 to index
    %get3A_1896 = arith.constant 16 : index
    %get3A_1897 = tpu.vector_load %arg9[%get3A_1895, %get3A_1896] {strides = array<i32>} : memref<36x128xf32, #tpu.memory_space<vmem>>, vector<1x16xf32>,
    %get3A_1898 = vector.shape_cast %get3A_1897 : vector<1x16xf32> to vector<16xf32>
    %add3A_1899 = arith.addf %add3A_1893, %get3A_1898 : vector<16xf32>
    %get3A_1900 = arith.constant 4 : i32
    %get3A_1901 = arith.index_cast %get3A_1900 : i32 to index
    %get3A_1902 = arith.constant 32 : index
    %get3A_1903 = tpu.vector_load %arg9[%get3A_1901, %get3A_1902] {strides = array<i32>} : memref<36x128xf32, #tpu.memory_space<vmem>>, vector<1x16xf32>,
    %get3A_1904 = vector.shape_cast %get3A_1903 : vector<1x16xf32> to vector<16xf32>
    %add3A_1905 = arith.addf %add3A_1899, %get3A_1904 : vector<16xf32>
    %get3A_1906 = arith.constant 4 : i32
    %get3A_1907 = arith.index_cast %get3A_1906 : i32 to index
    %get3A_1908 = arith.constant 48 : index
    %get3A_1909 = tpu.vector_load %arg9[%get3A_1907, %get3A_1908] {strides = array<i32>} : memref<36x128xf32, #tpu.memory_space<vmem>>, vector<1x16xf32>,
    %get3A_1910 = vector.shape_cast %get3A_1909 : vector<1x16xf32> to vector<16xf32>
    %add3A_1911 = arith.addf %add3A_1905, %get3A_1910 : vector<16xf32>
    %get3A_1912 = arith.constant 4 : i32
    %get3A_1913 = arith.index_cast %get3A_1912 : i32 to index
    %get3A_1914 = arith.constant 64 : index
    %get3A_1915 = tpu.vector_load %arg9[%get3A_1913, %get3A_1914] {strides = array<i32>} : memref<36x128xf32, #tpu.memory_space<vmem>>, vector<1x16xf32>,
    %get3A_1916 = vector.shape_cast %get3A_1915 : vector<1x16xf32> to vector<16xf32>
    %add3A_1917 = arith.addf %add3A_1911, %get3A_1916 : vector<16xf32>
    %get3A_1918 = arith.constant 4 : i32
    %get3A_1919 = arith.index_cast %get3A_1918 : i32 to index
    %get3A_1920 = arith.constant 80 : index
    %get3A_1921 = tpu.vector_load %arg9[%get3A_1919, %get3A_1920] {strides = array<i32>} : memref<36x128xf32, #tpu.memory_space<vmem>>, vector<1x16xf32>,
    %get3A_1922 = vector.shape_cast %get3A_1921 : vector<1x16xf32> to vector<16xf32>
    %add3A_1923 = arith.addf %add3A_1917, %get3A_1922 : vector<16xf32>
    %get3A_1924 = arith.constant 4 : i32
    %get3A_1925 = arith.index_cast %get3A_1924 : i32 to index
    %get3A_1926 = arith.constant 96 : index
    %get3A_1927 = tpu.vector_load %arg9[%get3A_1925, %get3A_1926] {strides = array<i32>} : memref<36x128xf32, #tpu.memory_space<vmem>>, vector<1x16xf32>,
    %get3A_1928 = vector.shape_cast %get3A_1927 : vector<1x16xf32> to vector<16xf32>
    %add3A_1929 = arith.addf %add3A_1923, %get3A_1928 : vector<16xf32>
    %get3A_1930 = arith.constant 4 : i32
    %get3A_1931 = arith.index_cast %get3A_1930 : i32 to index
    %get3A_1932 = arith.constant 112 : index
    %get3A_1933 = tpu.vector_load %arg9[%get3A_1931, %get3A_1932] {strides = array<i32>} : memref<36x128xf32, #tpu.memory_space<vmem>>, vector<1x16xf32>,
    %get3A_1934 = vector.shape_cast %get3A_1933 : vector<1x16xf32> to vector<16xf32>
    %add3A_1935 = arith.addf %add3A_1929, %get3A_1934 : vector<16xf32>
    %get3A_1936 = arith.constant 5 : i32
    %get3A_1937 = arith.index_cast %get3A_1936 : i32 to index
    %get3A_1938 = arith.constant 0 : index
    %get3A_1939 = tpu.vector_load %arg9[%get3A_1937, %get3A_1938] {strides = array<i32>} : memref<36x128xf32, #tpu.memory_space<vmem>>, vector<1x16xf32>,
    %get3A_1940 = vector.shape_cast %get3A_1939 : vector<1x16xf32> to vector<16xf32>
    %add3A_1941 = arith.addf %add3A_1935, %get3A_1940 : vector<16xf32>
    %get3A_1942 = arith.constant 5 : i32
    %get3A_1943 = arith.index_cast %get3A_1942 : i32 to index
    %get3A_1944 = arith.constant 16 : index
    %get3A_1945 = tpu.vector_load %arg9[%get3A_1943, %get3A_1944] {strides = array<i32>} : memref<36x128xf32, #tpu.memory_space<vmem>>, vector<1x16xf32>,
    %get3A_1946 = vector.shape_cast %get3A_1945 : vector<1x16xf32> to vector<16xf32>
    %add3A_1947 = arith.addf %add3A_1941, %get3A_1946 : vector<16xf32>
    %get3A_1948 = arith.constant 5 : i32
    %get3A_1949 = arith.index_cast %get3A_1948 : i32 to index
    %get3A_1950 = arith.constant 32 : index
    %get3A_1951 = tpu.vector_load %arg9[%get3A_1949, %get3A_1950] {strides = array<i32>} : memref<36x128xf32, #tpu.memory_space<vmem>>, vector<1x16xf32>,
    %get3A_1952 = vector.shape_cast %get3A_1951 : vector<1x16xf32> to vector<16xf32>
    %add3A_1953 = arith.addf %add3A_1947, %get3A_1952 : vector<16xf32>
    %get3A_1954 = arith.constant 5 : i32
    %get3A_1955 = arith.index_cast %get3A_1954 : i32 to index
    %get3A_1956 = arith.constant 48 : index
    %get3A_1957 = tpu.vector_load %arg9[%get3A_1955, %get3A_1956] {strides = array<i32>} : memref<36x128xf32, #tpu.memory_space<vmem>>, vector<1x16xf32>,
    %get3A_1958 = vector.shape_cast %get3A_1957 : vector<1x16xf32> to vector<16xf32>
    %add3A_1959 = arith.addf %add3A_1953, %get3A_1958 : vector<16xf32>
    %get3A_1960 = arith.constant 5 : i32
    %get3A_1961 = arith.index_cast %get3A_1960 : i32 to index
    %get3A_1962 = arith.constant 64 : index
    %get3A_1963 = tpu.vector_load %arg9[%get3A_1961, %get3A_1962] {strides = array<i32>} : memref<36x128xf32, #tpu.memory_space<vmem>>, vector<1x16xf32>,
    %get3A_1964 = vector.shape_cast %get3A_1963 : vector<1x16xf32> to vector<16xf32>
    %add3A_1965 = arith.addf %add3A_1959, %get3A_1964 : vector<16xf32>
    %get3A_1966 = arith.constant 5 : i32
    %get3A_1967 = arith.index_cast %get3A_1966 : i32 to index
    %get3A_1968 = arith.constant 80 : index
    %get3A_1969 = tpu.vector_load %arg9[%get3A_1967, %get3A_1968] {strides = array<i32>} : memref<36x128xf32, #tpu.memory_space<vmem>>, vector<1x16xf32>,
    %get3A_1970 = vector.shape_cast %get3A_1969 : vector<1x16xf32> to vector<16xf32>
    %add3A_1971 = arith.addf %add3A_1965, %get3A_1970 : vector<16xf32>
    %get3A_1972 = arith.constant 5 : i32
    %get3A_1973 = arith.index_cast %get3A_1972 : i32 to index
    %get3A_1974 = arith.constant 96 : index
    %get3A_1975 = tpu.vector_load %arg9[%get3A_1973, %get3A_1974] {strides = array<i32>} : memref<36x128xf32, #tpu.memory_space<vmem>>, vector<1x16xf32>,
    %get3A_1976 = vector.shape_cast %get3A_1975 : vector<1x16xf32> to vector<16xf32>
    %add3A_1977 = arith.addf %add3A_1971, %get3A_1976 : vector<16xf32>
    %get3A_1978 = arith.constant 5 : i32
    %get3A_1979 = arith.index_cast %get3A_1978 : i32 to index
    %get3A_1980 = arith.constant 112 : index
    %get3A_1981 = tpu.vector_load %arg9[%get3A_1979, %get3A_1980] {strides = array<i32>} : memref<36x128xf32, #tpu.memory_space<vmem>>, vector<1x16xf32>,
    %get3A_1982 = vector.shape_cast %get3A_1981 : vector<1x16xf32> to vector<16xf32>
    %add3A_1983 = arith.addf %add3A_1977, %get3A_1982 : vector<16xf32>
    %get3A_1984 = arith.constant 6 : i32
    %get3A_1985 = arith.index_cast %get3A_1984 : i32 to index
    %get3A_1986 = arith.constant 0 : index
    %get3A_1987 = tpu.vector_load %arg9[%get3A_1985, %get3A_1986] {strides = array<i32>} : memref<36x128xf32, #tpu.memory_space<vmem>>, vector<1x16xf32>,
    %get3A_1988 = vector.shape_cast %get3A_1987 : vector<1x16xf32> to vector<16xf32>
    %add3A_1989 = arith.addf %add3A_1983, %get3A_1988 : vector<16xf32>
    %get3A_1990 = arith.constant 6 : i32
    %get3A_1991 = arith.index_cast %get3A_1990 : i32 to index
    %get3A_1992 = arith.constant 16 : index
    %get3A_1993 = tpu.vector_load %arg9[%get3A_1991, %get3A_1992] {strides = array<i32>} : memref<36x128xf32, #tpu.memory_space<vmem>>, vector<1x16xf32>,
    %get3A_1994 = vector.shape_cast %get3A_1993 : vector<1x16xf32> to vector<16xf32>
    %add3A_1995 = arith.addf %add3A_1989, %get3A_1994 : vector<16xf32>
    %get3A_1996 = arith.constant 6 : i32
    %get3A_1997 = arith.index_cast %get3A_1996 : i32 to index
    %get3A_1998 = arith.constant 32 : index
    %get3A_1999 = tpu.vector_load %arg9[%get3A_1997, %get3A_1998] {strides = array<i32>} : memref<36x128xf32, #tpu.memory_space<vmem>>, vector<1x16xf32>,
    %get3A_2000 = vector.shape_cast %get3A_1999 : vector<1x16xf32> to vector<16xf32>
    %add3A_2001 = arith.addf %add3A_1995, %get3A_2000 : vector<16xf32>
    %get3A_2002 = arith.constant 6 : i32
    %get3A_2003 = arith.index_cast %get3A_2002 : i32 to index
    %get3A_2004 = arith.constant 48 : index
    %get3A_2005 = tpu.vector_load %arg9[%get3A_2003, %get3A_2004] {strides = array<i32>} : memref<36x128xf32, #tpu.memory_space<vmem>>, vector<1x16xf32>,
    %get3A_2006 = vector.shape_cast %get3A_2005 : vector<1x16xf32> to vector<16xf32>
    %add3A_2007 = arith.addf %add3A_2001, %get3A_2006 : vector<16xf32>
    %get3A_2008 = arith.constant 6 : i32
    %get3A_2009 = arith.index_cast %get3A_2008 : i32 to index
    %get3A_2010 = arith.constant 64 : index
    %get3A_2011 = tpu.vector_load %arg9[%get3A_2009, %get3A_2010] {strides = array<i32>} : memref<36x128xf32, #tpu.memory_space<vmem>>, vector<1x16xf32>,
    %get3A_2012 = vector.shape_cast %get3A_2011 : vector<1x16xf32> to vector<16xf32>
    %add3A_2013 = arith.addf %add3A_2007, %get3A_2012 : vector<16xf32>
    %get3A_2014 = arith.constant 6 : i32
    %get3A_2015 = arith.index_cast %get3A_2014 : i32 to index
    %get3A_2016 = arith.constant 80 : index
    %get3A_2017 = tpu.vector_load %arg9[%get3A_2015, %get3A_2016] {strides = array<i32>} : memref<36x128xf32, #tpu.memory_space<vmem>>, vector<1x16xf32>,
    %get3A_2018 = vector.shape_cast %get3A_2017 : vector<1x16xf32> to vector<16xf32>
    %add3A_2019 = arith.addf %add3A_2013, %get3A_2018 : vector<16xf32>
    %get3A_2020 = arith.constant 6 : i32
    %get3A_2021 = arith.index_cast %get3A_2020 : i32 to index
    %get3A_2022 = arith.constant 96 : index
    %get3A_2023 = tpu.vector_load %arg9[%get3A_2021, %get3A_2022] {strides = array<i32>} : memref<36x128xf32, #tpu.memory_space<vmem>>, vector<1x16xf32>,
    %get3A_2024 = vector.shape_cast %get3A_2023 : vector<1x16xf32> to vector<16xf32>
    %add3A_2025 = arith.addf %add3A_2019, %get3A_2024 : vector<16xf32>
    %get3A_2026 = arith.constant 6 : i32
    %get3A_2027 = arith.index_cast %get3A_2026 : i32 to index
    %get3A_2028 = arith.constant 112 : index
    %get3A_2029 = tpu.vector_load %arg9[%get3A_2027, %get3A_2028] {strides = array<i32>} : memref<36x128xf32, #tpu.memory_space<vmem>>, vector<1x16xf32>,
    %get3A_2030 = vector.shape_cast %get3A_2029 : vector<1x16xf32> to vector<16xf32>
    %add3A_2031 = arith.addf %add3A_2025, %get3A_2030 : vector<16xf32>
    %get3A_2032 = arith.constant 7 : i32
    %get3A_2033 = arith.index_cast %get3A_2032 : i32 to index
    %get3A_2034 = arith.constant 0 : index
    %get3A_2035 = tpu.vector_load %arg9[%get3A_2033, %get3A_2034] {strides = array<i32>} : memref<36x128xf32, #tpu.memory_space<vmem>>, vector<1x16xf32>,
    %get3A_2036 = vector.shape_cast %get3A_2035 : vector<1x16xf32> to vector<16xf32>
    %add3A_2037 = arith.addf %add3A_2031, %get3A_2036 : vector<16xf32>
    %get3A_2038 = arith.constant 7 : i32
    %get3A_2039 = arith.index_cast %get3A_2038 : i32 to index
    %get3A_2040 = arith.constant 16 : index
    %get3A_2041 = tpu.vector_load %arg9[%get3A_2039, %get3A_2040] {strides = array<i32>} : memref<36x128xf32, #tpu.memory_space<vmem>>, vector<1x16xf32>,
    %get3A_2042 = vector.shape_cast %get3A_2041 : vector<1x16xf32> to vector<16xf32>
    %add3A_2043 = arith.addf %add3A_2037, %get3A_2042 : vector<16xf32>
    %get3A_2044 = arith.constant 7 : i32
    %get3A_2045 = arith.index_cast %get3A_2044 : i32 to index
    %get3A_2046 = arith.constant 32 : index
    %get3A_2047 = tpu.vector_load %arg9[%get3A_2045, %get3A_2046] {strides = array<i32>} : memref<36x128xf32, #tpu.memory_space<vmem>>, vector<1x16xf32>,
    %get3A_2048 = vector.shape_cast %get3A_2047 : vector<1x16xf32> to vector<16xf32>
    %add3A_2049 = arith.addf %add3A_2043, %get3A_2048 : vector<16xf32>
    %get3A_2050 = arith.constant 7 : i32
    %get3A_2051 = arith.index_cast %get3A_2050 : i32 to index
    %get3A_2052 = arith.constant 48 : index
    %get3A_2053 = tpu.vector_load %arg9[%get3A_2051, %get3A_2052] {strides = array<i32>} : memref<36x128xf32, #tpu.memory_space<vmem>>, vector<1x16xf32>,
    %get3A_2054 = vector.shape_cast %get3A_2053 : vector<1x16xf32> to vector<16xf32>
    %add3A_2055 = arith.addf %add3A_2049, %get3A_2054 : vector<16xf32>
    %get3A_2056 = arith.constant 7 : i32
    %get3A_2057 = arith.index_cast %get3A_2056 : i32 to index
    %get3A_2058 = arith.constant 64 : index
    %get3A_2059 = tpu.vector_load %arg9[%get3A_2057, %get3A_2058] {strides = array<i32>} : memref<36x128xf32, #tpu.memory_space<vmem>>, vector<1x16xf32>,
    %get3A_2060 = vector.shape_cast %get3A_2059 : vector<1x16xf32> to vector<16xf32>
    %add3A_2061 = arith.addf %add3A_2055, %get3A_2060 : vector<16xf32>
    %get3A_2062 = arith.constant 7 : i32
    %get3A_2063 = arith.index_cast %get3A_2062 : i32 to index
    %get3A_2064 = arith.constant 80 : index
    %get3A_2065 = tpu.vector_load %arg9[%get3A_2063, %get3A_2064] {strides = array<i32>} : memref<36x128xf32, #tpu.memory_space<vmem>>, vector<1x16xf32>,
    %get3A_2066 = vector.shape_cast %get3A_2065 : vector<1x16xf32> to vector<16xf32>
    %add3A_2067 = arith.addf %add3A_2061, %get3A_2066 : vector<16xf32>
    %get3A_2068 = arith.constant 7 : i32
    %get3A_2069 = arith.index_cast %get3A_2068 : i32 to index
    %get3A_2070 = arith.constant 96 : index
    %get3A_2071 = tpu.vector_load %arg9[%get3A_2069, %get3A_2070] {strides = array<i32>} : memref<36x128xf32, #tpu.memory_space<vmem>>, vector<1x16xf32>,
    %get3A_2072 = vector.shape_cast %get3A_2071 : vector<1x16xf32> to vector<16xf32>
    %add3A_2073 = arith.addf %add3A_2067, %get3A_2072 : vector<16xf32>
    %get3A_2074 = arith.constant 7 : i32
    %get3A_2075 = arith.index_cast %get3A_2074 : i32 to index
    %get3A_2076 = arith.constant 112 : index
    %get3A_2077 = tpu.vector_load %arg9[%get3A_2075, %get3A_2076] {strides = array<i32>} : memref<36x128xf32, #tpu.memory_space<vmem>>, vector<1x16xf32>,
    %get3A_2078 = vector.shape_cast %get3A_2077 : vector<1x16xf32> to vector<16xf32>
    %add3A_2079 = arith.addf %add3A_2073, %get3A_2078 : vector<16xf32>
    %get3A_2080 = arith.constant 8 : i32
    %get3A_2081 = arith.index_cast %get3A_2080 : i32 to index
    %get3A_2082 = arith.constant 0 : index
    %get3A_2083 = tpu.vector_load %arg9[%get3A_2081, %get3A_2082] {strides = array<i32>} : memref<36x128xf32, #tpu.memory_space<vmem>>, vector<1x16xf32>,
    %get3A_2084 = vector.shape_cast %get3A_2083 : vector<1x16xf32> to vector<16xf32>
    %add3A_2085 = arith.addf %broadcast_in_dim3A_1683, %get3A_2084 : vector<16xf32>
    %get3A_2086 = arith.constant 8 : i32
    %get3A_2087 = arith.index_cast %get3A_2086 : i32 to index
    %get3A_2088 = arith.constant 16 : index
    %get3A_2089 = tpu.vector_load %arg9[%get3A_2087, %get3A_2088] {strides = array<i32>} : memref<36x128xf32, #tpu.memory_space<vmem>>, vector<1x16xf32>,
    %get3A_2090 = vector.shape_cast %get3A_2089 : vector<1x16xf32> to vector<16xf32>
    %add3A_2091 = arith.addf %add3A_2085, %get3A_2090 : vector<16xf32>
    %get3A_2092 = arith.constant 8 : i32
    %get3A_2093 = arith.index_cast %get3A_2092 : i32 to index
    %get3A_2094 = arith.constant 32 : index
    %get3A_2095 = tpu.vector_load %arg9[%get3A_2093, %get3A_2094] {strides = array<i32>} : memref<36x128xf32, #tpu.memory_space<vmem>>, vector<1x16xf32>,
    %get3A_2096 = vector.shape_cast %get3A_2095 : vector<1x16xf32> to vector<16xf32>
    %add3A_2097 = arith.addf %add3A_2091, %get3A_2096 : vector<16xf32>
    %get3A_2098 = arith.constant 8 : i32
    %get3A_2099 = arith.index_cast %get3A_2098 : i32 to index
    %get3A_2100 = arith.constant 48 : index
    %get3A_2101 = tpu.vector_load %arg9[%get3A_2099, %get3A_2100] {strides = array<i32>} : memref<36x128xf32, #tpu.memory_space<vmem>>, vector<1x16xf32>,
    %get3A_2102 = vector.shape_cast %get3A_2101 : vector<1x16xf32> to vector<16xf32>
    %add3A_2103 = arith.addf %add3A_2097, %get3A_2102 : vector<16xf32>
    %get3A_2104 = arith.constant 8 : i32
    %get3A_2105 = arith.index_cast %get3A_2104 : i32 to index
    %get3A_2106 = arith.constant 64 : index
    %get3A_2107 = tpu.vector_load %arg9[%get3A_2105, %get3A_2106] {strides = array<i32>} : memref<36x128xf32, #tpu.memory_space<vmem>>, vector<1x16xf32>,
    %get3A_2108 = vector.shape_cast %get3A_2107 : vector<1x16xf32> to vector<16xf32>
    %add3A_2109 = arith.addf %add3A_2103, %get3A_2108 : vector<16xf32>
    %get3A_2110 = arith.constant 8 : i32
    %get3A_2111 = arith.index_cast %get3A_2110 : i32 to index
    %get3A_2112 = arith.constant 80 : index
    %get3A_2113 = tpu.vector_load %arg9[%get3A_2111, %get3A_2112] {strides = array<i32>} : memref<36x128xf32, #tpu.memory_space<vmem>>, vector<1x16xf32>,
    %get3A_2114 = vector.shape_cast %get3A_2113 : vector<1x16xf32> to vector<16xf32>
    %add3A_2115 = arith.addf %add3A_2109, %get3A_2114 : vector<16xf32>
    %get3A_2116 = arith.constant 8 : i32
    %get3A_2117 = arith.index_cast %get3A_2116 : i32 to index
    %get3A_2118 = arith.constant 96 : index
    %get3A_2119 = tpu.vector_load %arg9[%get3A_2117, %get3A_2118] {strides = array<i32>} : memref<36x128xf32, #tpu.memory_space<vmem>>, vector<1x16xf32>,
    %get3A_2120 = vector.shape_cast %get3A_2119 : vector<1x16xf32> to vector<16xf32>
    %add3A_2121 = arith.addf %add3A_2115, %get3A_2120 : vector<16xf32>
    %get3A_2122 = arith.constant 8 : i32
    %get3A_2123 = arith.index_cast %get3A_2122 : i32 to index
    %get3A_2124 = arith.constant 112 : index
    %get3A_2125 = tpu.vector_load %arg9[%get3A_2123, %get3A_2124] {strides = array<i32>} : memref<36x128xf32, #tpu.memory_space<vmem>>, vector<1x16xf32>,
    %get3A_2126 = vector.shape_cast %get3A_2125 : vector<1x16xf32> to vector<16xf32>
    %add3A_2127 = arith.addf %add3A_2121, %get3A_2126 : vector<16xf32>
    %get3A_2128 = arith.constant 9 : i32
    %get3A_2129 = arith.index_cast %get3A_2128 : i32 to index
    %get3A_2130 = arith.constant 0 : index
    %get3A_2131 = tpu.vector_load %arg9[%get3A_2129, %get3A_2130] {strides = array<i32>} : memref<36x128xf32, #tpu.memory_space<vmem>>, vector<1x16xf32>,
    %get3A_2132 = vector.shape_cast %get3A_2131 : vector<1x16xf32> to vector<16xf32>
    %add3A_2133 = arith.addf %add3A_2127, %get3A_2132 : vector<16xf32>
    %get3A_2134 = arith.constant 9 : i32
    %get3A_2135 = arith.index_cast %get3A_2134 : i32 to index
    %get3A_2136 = arith.constant 16 : index
    %get3A_2137 = tpu.vector_load %arg9[%get3A_2135, %get3A_2136] {strides = array<i32>} : memref<36x128xf32, #tpu.memory_space<vmem>>, vector<1x16xf32>,
    %get3A_2138 = vector.shape_cast %get3A_2137 : vector<1x16xf32> to vector<16xf32>
    %add3A_2139 = arith.addf %add3A_2133, %get3A_2138 : vector<16xf32>
    %get3A_2140 = arith.constant 9 : i32
    %get3A_2141 = arith.index_cast %get3A_2140 : i32 to index
    %get3A_2142 = arith.constant 32 : index
    %get3A_2143 = tpu.vector_load %arg9[%get3A_2141, %get3A_2142] {strides = array<i32>} : memref<36x128xf32, #tpu.memory_space<vmem>>, vector<1x16xf32>,
    %get3A_2144 = vector.shape_cast %get3A_2143 : vector<1x16xf32> to vector<16xf32>
    %add3A_2145 = arith.addf %add3A_2139, %get3A_2144 : vector<16xf32>
    %get3A_2146 = arith.constant 9 : i32
    %get3A_2147 = arith.index_cast %get3A_2146 : i32 to index
    %get3A_2148 = arith.constant 48 : index
    %get3A_2149 = tpu.vector_load %arg9[%get3A_2147, %get3A_2148] {strides = array<i32>} : memref<36x128xf32, #tpu.memory_space<vmem>>, vector<1x16xf32>,
    %get3A_2150 = vector.shape_cast %get3A_2149 : vector<1x16xf32> to vector<16xf32>
    %add3A_2151 = arith.addf %add3A_2145, %get3A_2150 : vector<16xf32>
    %get3A_2152 = arith.constant 9 : i32
    %get3A_2153 = arith.index_cast %get3A_2152 : i32 to index
    %get3A_2154 = arith.constant 64 : index
    %get3A_2155 = tpu.vector_load %arg9[%get3A_2153, %get3A_2154] {strides = array<i32>} : memref<36x128xf32, #tpu.memory_space<vmem>>, vector<1x16xf32>,
    %get3A_2156 = vector.shape_cast %get3A_2155 : vector<1x16xf32> to vector<16xf32>
    %add3A_2157 = arith.addf %add3A_2151, %get3A_2156 : vector<16xf32>
    %get3A_2158 = arith.constant 9 : i32
    %get3A_2159 = arith.index_cast %get3A_2158 : i32 to index
    %get3A_2160 = arith.constant 80 : index
    %get3A_2161 = tpu.vector_load %arg9[%get3A_2159, %get3A_2160] {strides = array<i32>} : memref<36x128xf32, #tpu.memory_space<vmem>>, vector<1x16xf32>,
    %get3A_2162 = vector.shape_cast %get3A_2161 : vector<1x16xf32> to vector<16xf32>
    %add3A_2163 = arith.addf %add3A_2157, %get3A_2162 : vector<16xf32>
    %get3A_2164 = arith.constant 9 : i32
    %get3A_2165 = arith.index_cast %get3A_2164 : i32 to index
    %get3A_2166 = arith.constant 96 : index
    %get3A_2167 = tpu.vector_load %arg9[%get3A_2165, %get3A_2166] {strides = array<i32>} : memref<36x128xf32, #tpu.memory_space<vmem>>, vector<1x16xf32>,
    %get3A_2168 = vector.shape_cast %get3A_2167 : vector<1x16xf32> to vector<16xf32>
    %add3A_2169 = arith.addf %add3A_2163, %get3A_2168 : vector<16xf32>
    %get3A_2170 = arith.constant 9 : i32
    %get3A_2171 = arith.index_cast %get3A_2170 : i32 to index
    %get3A_2172 = arith.constant 112 : index
    %get3A_2173 = tpu.vector_load %arg9[%get3A_2171, %get3A_2172] {strides = array<i32>} : memref<36x128xf32, #tpu.memory_space<vmem>>, vector<1x16xf32>,
    %get3A_2174 = vector.shape_cast %get3A_2173 : vector<1x16xf32> to vector<16xf32>
    %add3A_2175 = arith.addf %add3A_2169, %get3A_2174 : vector<16xf32>
    %get3A_2176 = arith.constant 10 : i32
    %get3A_2177 = arith.index_cast %get3A_2176 : i32 to index
    %get3A_2178 = arith.constant 0 : index
    %get3A_2179 = tpu.vector_load %arg9[%get3A_2177, %get3A_2178] {strides = array<i32>} : memref<36x128xf32, #tpu.memory_space<vmem>>, vector<1x16xf32>,
    %get3A_2180 = vector.shape_cast %get3A_2179 : vector<1x16xf32> to vector<16xf32>
    %add3A_2181 = arith.addf %add3A_2175, %get3A_2180 : vector<16xf32>
    %get3A_2182 = arith.constant 10 : i32
    %get3A_2183 = arith.index_cast %get3A_2182 : i32 to index
    %get3A_2184 = arith.constant 16 : index
    %get3A_2185 = tpu.vector_load %arg9[%get3A_2183, %get3A_2184] {strides = array<i32>} : memref<36x128xf32, #tpu.memory_space<vmem>>, vector<1x16xf32>,
    %get3A_2186 = vector.shape_cast %get3A_2185 : vector<1x16xf32> to vector<16xf32>
    %add3A_2187 = arith.addf %add3A_2181, %get3A_2186 : vector<16xf32>
    %get3A_2188 = arith.constant 10 : i32
    %get3A_2189 = arith.index_cast %get3A_2188 : i32 to index
    %get3A_2190 = arith.constant 32 : index
    %get3A_2191 = tpu.vector_load %arg9[%get3A_2189, %get3A_2190] {strides = array<i32>} : memref<36x128xf32, #tpu.memory_space<vmem>>, vector<1x16xf32>,
    %get3A_2192 = vector.shape_cast %get3A_2191 : vector<1x16xf32> to vector<16xf32>
    %add3A_2193 = arith.addf %add3A_2187, %get3A_2192 : vector<16xf32>
    %get3A_2194 = arith.constant 10 : i32
    %get3A_2195 = arith.index_cast %get3A_2194 : i32 to index
    %get3A_2196 = arith.constant 48 : index
    %get3A_2197 = tpu.vector_load %arg9[%get3A_2195, %get3A_2196] {strides = array<i32>} : memref<36x128xf32, #tpu.memory_space<vmem>>, vector<1x16xf32>,
    %get3A_2198 = vector.shape_cast %get3A_2197 : vector<1x16xf32> to vector<16xf32>
    %add3A_2199 = arith.addf %add3A_2193, %get3A_2198 : vector<16xf32>
    %get3A_2200 = arith.constant 10 : i32
    %get3A_2201 = arith.index_cast %get3A_2200 : i32 to index
    %get3A_2202 = arith.constant 64 : index
    %get3A_2203 = tpu.vector_load %arg9[%get3A_2201, %get3A_2202] {strides = array<i32>} : memref<36x128xf32, #tpu.memory_space<vmem>>, vector<1x16xf32>,
    %get3A_2204 = vector.shape_cast %get3A_2203 : vector<1x16xf32> to vector<16xf32>
    %add3A_2205 = arith.addf %add3A_2199, %get3A_2204 : vector<16xf32>
    %get3A_2206 = arith.constant 10 : i32
    %get3A_2207 = arith.index_cast %get3A_2206 : i32 to index
    %get3A_2208 = arith.constant 80 : index
    %get3A_2209 = tpu.vector_load %arg9[%get3A_2207, %get3A_2208] {strides = array<i32>} : memref<36x128xf32, #tpu.memory_space<vmem>>, vector<1x16xf32>,
    %get3A_2210 = vector.shape_cast %get3A_2209 : vector<1x16xf32> to vector<16xf32>
    %add3A_2211 = arith.addf %add3A_2205, %get3A_2210 : vector<16xf32>
    %get3A_2212 = arith.constant 10 : i32
    %get3A_2213 = arith.index_cast %get3A_2212 : i32 to index
    %get3A_2214 = arith.constant 96 : index
    %get3A_2215 = tpu.vector_load %arg9[%get3A_2213, %get3A_2214] {strides = array<i32>} : memref<36x128xf32, #tpu.memory_space<vmem>>, vector<1x16xf32>,
    %get3A_2216 = vector.shape_cast %get3A_2215 : vector<1x16xf32> to vector<16xf32>
    %add3A_2217 = arith.addf %add3A_2211, %get3A_2216 : vector<16xf32>
    %get3A_2218 = arith.constant 10 : i32
    %get3A_2219 = arith.index_cast %get3A_2218 : i32 to index
    %get3A_2220 = arith.constant 112 : index
    %get3A_2221 = tpu.vector_load %arg9[%get3A_2219, %get3A_2220] {strides = array<i32>} : memref<36x128xf32, #tpu.memory_space<vmem>>, vector<1x16xf32>,
    %get3A_2222 = vector.shape_cast %get3A_2221 : vector<1x16xf32> to vector<16xf32>
    %add3A_2223 = arith.addf %add3A_2217, %get3A_2222 : vector<16xf32>
    %get3A_2224 = arith.constant 11 : i32
    %get3A_2225 = arith.index_cast %get3A_2224 : i32 to index
    %get3A_2226 = arith.constant 0 : index
    %get3A_2227 = tpu.vector_load %arg9[%get3A_2225, %get3A_2226] {strides = array<i32>} : memref<36x128xf32, #tpu.memory_space<vmem>>, vector<1x16xf32>,
    %get3A_2228 = vector.shape_cast %get3A_2227 : vector<1x16xf32> to vector<16xf32>
    %add3A_2229 = arith.addf %add3A_2223, %get3A_2228 : vector<16xf32>
    %get3A_2230 = arith.constant 11 : i32
    %get3A_2231 = arith.index_cast %get3A_2230 : i32 to index
    %get3A_2232 = arith.constant 16 : index
    %get3A_2233 = tpu.vector_load %arg9[%get3A_2231, %get3A_2232] {strides = array<i32>} : memref<36x128xf32, #tpu.memory_space<vmem>>, vector<1x16xf32>,
    %get3A_2234 = vector.shape_cast %get3A_2233 : vector<1x16xf32> to vector<16xf32>
    %add3A_2235 = arith.addf %add3A_2229, %get3A_2234 : vector<16xf32>
    %get3A_2236 = arith.constant 11 : i32
    %get3A_2237 = arith.index_cast %get3A_2236 : i32 to index
    %get3A_2238 = arith.constant 32 : index
    %get3A_2239 = tpu.vector_load %arg9[%get3A_2237, %get3A_2238] {strides = array<i32>} : memref<36x128xf32, #tpu.memory_space<vmem>>, vector<1x16xf32>,
    %get3A_2240 = vector.shape_cast %get3A_2239 : vector<1x16xf32> to vector<16xf32>
    %add3A_2241 = arith.addf %add3A_2235, %get3A_2240 : vector<16xf32>
    %get3A_2242 = arith.constant 11 : i32
    %get3A_2243 = arith.index_cast %get3A_2242 : i32 to index
    %get3A_2244 = arith.constant 48 : index
    %get3A_2245 = tpu.vector_load %arg9[%get3A_2243, %get3A_2244] {strides = array<i32>} : memref<36x128xf32, #tpu.memory_space<vmem>>, vector<1x16xf32>,
    %get3A_2246 = vector.shape_cast %get3A_2245 : vector<1x16xf32> to vector<16xf32>
    %add3A_2247 = arith.addf %add3A_2241, %get3A_2246 : vector<16xf32>
    %get3A_2248 = arith.constant 11 : i32
    %get3A_2249 = arith.index_cast %get3A_2248 : i32 to index
    %get3A_2250 = arith.constant 64 : index
    %get3A_2251 = tpu.vector_load %arg9[%get3A_2249, %get3A_2250] {strides = array<i32>} : memref<36x128xf32, #tpu.memory_space<vmem>>, vector<1x16xf32>,
    %get3A_2252 = vector.shape_cast %get3A_2251 : vector<1x16xf32> to vector<16xf32>
    %add3A_2253 = arith.addf %add3A_2247, %get3A_2252 : vector<16xf32>
    %get3A_2254 = arith.constant 11 : i32
    %get3A_2255 = arith.index_cast %get3A_2254 : i32 to index
    %get3A_2256 = arith.constant 80 : index
    %get3A_2257 = tpu.vector_load %arg9[%get3A_2255, %get3A_2256] {strides = array<i32>} : memref<36x128xf32, #tpu.memory_space<vmem>>, vector<1x16xf32>,
    %get3A_2258 = vector.shape_cast %get3A_2257 : vector<1x16xf32> to vector<16xf32>
    %add3A_2259 = arith.addf %add3A_2253, %get3A_2258 : vector<16xf32>
    %get3A_2260 = arith.constant 11 : i32
    %get3A_2261 = arith.index_cast %get3A_2260 : i32 to index
    %get3A_2262 = arith.constant 96 : index
    %get3A_2263 = tpu.vector_load %arg9[%get3A_2261, %get3A_2262] {strides = array<i32>} : memref<36x128xf32, #tpu.memory_space<vmem>>, vector<1x16xf32>,
    %get3A_2264 = vector.shape_cast %get3A_2263 : vector<1x16xf32> to vector<16xf32>
    %add3A_2265 = arith.addf %add3A_2259, %get3A_2264 : vector<16xf32>
    %get3A_2266 = arith.constant 11 : i32
    %get3A_2267 = arith.index_cast %get3A_2266 : i32 to index
    %get3A_2268 = arith.constant 112 : index
    %get3A_2269 = tpu.vector_load %arg9[%get3A_2267, %get3A_2268] {strides = array<i32>} : memref<36x128xf32, #tpu.memory_space<vmem>>, vector<1x16xf32>,
    %get3A_2270 = vector.shape_cast %get3A_2269 : vector<1x16xf32> to vector<16xf32>
    %add3A_2271 = arith.addf %add3A_2265, %get3A_2270 : vector<16xf32>
    %get3A_2272 = arith.constant 12 : i32
    %get3A_2273 = arith.index_cast %get3A_2272 : i32 to index
    %get3A_2274 = arith.constant 0 : index
    %get3A_2275 = tpu.vector_load %arg9[%get3A_2273, %get3A_2274] {strides = array<i32>} : memref<36x128xf32, #tpu.memory_space<vmem>>, vector<1x16xf32>,
    %get3A_2276 = vector.shape_cast %get3A_2275 : vector<1x16xf32> to vector<16xf32>
    %add3A_2277 = arith.addf %broadcast_in_dim3A_1685, %get3A_2276 : vector<16xf32>
    %get3A_2278 = arith.constant 12 : i32
    %get3A_2279 = arith.index_cast %get3A_2278 : i32 to index
    %get3A_2280 = arith.constant 16 : index
    %get3A_2281 = tpu.vector_load %arg9[%get3A_2279, %get3A_2280] {strides = array<i32>} : memref<36x128xf32, #tpu.memory_space<vmem>>, vector<1x16xf32>,
    %get3A_2282 = vector.shape_cast %get3A_2281 : vector<1x16xf32> to vector<16xf32>
    %add3A_2283 = arith.addf %add3A_2277, %get3A_2282 : vector<16xf32>
    %get3A_2284 = arith.constant 12 : i32
    %get3A_2285 = arith.index_cast %get3A_2284 : i32 to index
    %get3A_2286 = arith.constant 32 : index
    %get3A_2287 = tpu.vector_load %arg9[%get3A_2285, %get3A_2286] {strides = array<i32>} : memref<36x128xf32, #tpu.memory_space<vmem>>, vector<1x16xf32>,
    %get3A_2288 = vector.shape_cast %get3A_2287 : vector<1x16xf32> to vector<16xf32>
    %add3A_2289 = arith.addf %add3A_2283, %get3A_2288 : vector<16xf32>
    %get3A_2290 = arith.constant 12 : i32
    %get3A_2291 = arith.index_cast %get3A_2290 : i32 to index
    %get3A_2292 = arith.constant 48 : index
    %get3A_2293 = tpu.vector_load %arg9[%get3A_2291, %get3A_2292] {strides = array<i32>} : memref<36x128xf32, #tpu.memory_space<vmem>>, vector<1x16xf32>,
    %get3A_2294 = vector.shape_cast %get3A_2293 : vector<1x16xf32> to vector<16xf32>
    %add3A_2295 = arith.addf %add3A_2289, %get3A_2294 : vector<16xf32>
    %get3A_2296 = arith.constant 12 : i32
    %get3A_2297 = arith.index_cast %get3A_2296 : i32 to index
    %get3A_2298 = arith.constant 64 : index
    %get3A_2299 = tpu.vector_load %arg9[%get3A_2297, %get3A_2298] {strides = array<i32>} : memref<36x128xf32, #tpu.memory_space<vmem>>, vector<1x16xf32>,
    %get3A_2300 = vector.shape_cast %get3A_2299 : vector<1x16xf32> to vector<16xf32>
    %add3A_2301 = arith.addf %add3A_2295, %get3A_2300 : vector<16xf32>
    %get3A_2302 = arith.constant 12 : i32
    %get3A_2303 = arith.index_cast %get3A_2302 : i32 to index
    %get3A_2304 = arith.constant 80 : index
    %get3A_2305 = tpu.vector_load %arg9[%get3A_2303, %get3A_2304] {strides = array<i32>} : memref<36x128xf32, #tpu.memory_space<vmem>>, vector<1x16xf32>,
    %get3A_2306 = vector.shape_cast %get3A_2305 : vector<1x16xf32> to vector<16xf32>
    %add3A_2307 = arith.addf %add3A_2301, %get3A_2306 : vector<16xf32>
    %get3A_2308 = arith.constant 12 : i32
    %get3A_2309 = arith.index_cast %get3A_2308 : i32 to index
    %get3A_2310 = arith.constant 96 : index
    %get3A_2311 = tpu.vector_load %arg9[%get3A_2309, %get3A_2310] {strides = array<i32>} : memref<36x128xf32, #tpu.memory_space<vmem>>, vector<1x16xf32>,
    %get3A_2312 = vector.shape_cast %get3A_2311 : vector<1x16xf32> to vector<16xf32>
    %add3A_2313 = arith.addf %add3A_2307, %get3A_2312 : vector<16xf32>
    %get3A_2314 = arith.constant 12 : i32
    %get3A_2315 = arith.index_cast %get3A_2314 : i32 to index
    %get3A_2316 = arith.constant 112 : index
    %get3A_2317 = tpu.vector_load %arg9[%get3A_2315, %get3A_2316] {strides = array<i32>} : memref<36x128xf32, #tpu.memory_space<vmem>>, vector<1x16xf32>,
    %get3A_2318 = vector.shape_cast %get3A_2317 : vector<1x16xf32> to vector<16xf32>
    %add3A_2319 = arith.addf %add3A_2313, %get3A_2318 : vector<16xf32>
    %get3A_2320 = arith.constant 13 : i32
    %get3A_2321 = arith.index_cast %get3A_2320 : i32 to index
    %get3A_2322 = arith.constant 0 : index
    %get3A_2323 = tpu.vector_load %arg9[%get3A_2321, %get3A_2322] {strides = array<i32>} : memref<36x128xf32, #tpu.memory_space<vmem>>, vector<1x16xf32>,
    %get3A_2324 = vector.shape_cast %get3A_2323 : vector<1x16xf32> to vector<16xf32>
    %add3A_2325 = arith.addf %add3A_2319, %get3A_2324 : vector<16xf32>
    %get3A_2326 = arith.constant 13 : i32
    %get3A_2327 = arith.index_cast %get3A_2326 : i32 to index
    %get3A_2328 = arith.constant 16 : index
    %get3A_2329 = tpu.vector_load %arg9[%get3A_2327, %get3A_2328] {strides = array<i32>} : memref<36x128xf32, #tpu.memory_space<vmem>>, vector<1x16xf32>,
    %get3A_2330 = vector.shape_cast %get3A_2329 : vector<1x16xf32> to vector<16xf32>
    %add3A_2331 = arith.addf %add3A_2325, %get3A_2330 : vector<16xf32>
    %get3A_2332 = arith.constant 13 : i32
    %get3A_2333 = arith.index_cast %get3A_2332 : i32 to index
    %get3A_2334 = arith.constant 32 : index
    %get3A_2335 = tpu.vector_load %arg9[%get3A_2333, %get3A_2334] {strides = array<i32>} : memref<36x128xf32, #tpu.memory_space<vmem>>, vector<1x16xf32>,
    %get3A_2336 = vector.shape_cast %get3A_2335 : vector<1x16xf32> to vector<16xf32>
    %add3A_2337 = arith.addf %add3A_2331, %get3A_2336 : vector<16xf32>
    %get3A_2338 = arith.constant 13 : i32
    %get3A_2339 = arith.index_cast %get3A_2338 : i32 to index
    %get3A_2340 = arith.constant 48 : index
    %get3A_2341 = tpu.vector_load %arg9[%get3A_2339, %get3A_2340] {strides = array<i32>} : memref<36x128xf32, #tpu.memory_space<vmem>>, vector<1x16xf32>,
    %get3A_2342 = vector.shape_cast %get3A_2341 : vector<1x16xf32> to vector<16xf32>
    %add3A_2343 = arith.addf %add3A_2337, %get3A_2342 : vector<16xf32>
    %get3A_2344 = arith.constant 13 : i32
    %get3A_2345 = arith.index_cast %get3A_2344 : i32 to index
    %get3A_2346 = arith.constant 64 : index
    %get3A_2347 = tpu.vector_load %arg9[%get3A_2345, %get3A_2346] {strides = array<i32>} : memref<36x128xf32, #tpu.memory_space<vmem>>, vector<1x16xf32>,
    %get3A_2348 = vector.shape_cast %get3A_2347 : vector<1x16xf32> to vector<16xf32>
    %add3A_2349 = arith.addf %add3A_2343, %get3A_2348 : vector<16xf32>
    %get3A_2350 = arith.constant 13 : i32
    %get3A_2351 = arith.index_cast %get3A_2350 : i32 to index
    %get3A_2352 = arith.constant 80 : index
    %get3A_2353 = tpu.vector_load %arg9[%get3A_2351, %get3A_2352] {strides = array<i32>} : memref<36x128xf32, #tpu.memory_space<vmem>>, vector<1x16xf32>,
    %get3A_2354 = vector.shape_cast %get3A_2353 : vector<1x16xf32> to vector<16xf32>
    %add3A_2355 = arith.addf %add3A_2349, %get3A_2354 : vector<16xf32>
    %get3A_2356 = arith.constant 13 : i32
    %get3A_2357 = arith.index_cast %get3A_2356 : i32 to index
    %get3A_2358 = arith.constant 96 : index
    %get3A_2359 = tpu.vector_load %arg9[%get3A_2357, %get3A_2358] {strides = array<i32>} : memref<36x128xf32, #tpu.memory_space<vmem>>, vector<1x16xf32>,
    %get3A_2360 = vector.shape_cast %get3A_2359 : vector<1x16xf32> to vector<16xf32>
    %add3A_2361 = arith.addf %add3A_2355, %get3A_2360 : vector<16xf32>
    %get3A_2362 = arith.constant 13 : i32
    %get3A_2363 = arith.index_cast %get3A_2362 : i32 to index
    %get3A_2364 = arith.constant 112 : index
    %get3A_2365 = tpu.vector_load %arg9[%get3A_2363, %get3A_2364] {strides = array<i32>} : memref<36x128xf32, #tpu.memory_space<vmem>>, vector<1x16xf32>,
    %get3A_2366 = vector.shape_cast %get3A_2365 : vector<1x16xf32> to vector<16xf32>
    %add3A_2367 = arith.addf %add3A_2361, %get3A_2366 : vector<16xf32>
    %get3A_2368 = arith.constant 14 : i32
    %get3A_2369 = arith.index_cast %get3A_2368 : i32 to index
    %get3A_2370 = arith.constant 0 : index
    %get3A_2371 = tpu.vector_load %arg9[%get3A_2369, %get3A_2370] {strides = array<i32>} : memref<36x128xf32, #tpu.memory_space<vmem>>, vector<1x16xf32>,
    %get3A_2372 = vector.shape_cast %get3A_2371 : vector<1x16xf32> to vector<16xf32>
    %add3A_2373 = arith.addf %add3A_2367, %get3A_2372 : vector<16xf32>
    %get3A_2374 = arith.constant 14 : i32
    %get3A_2375 = arith.index_cast %get3A_2374 : i32 to index
    %get3A_2376 = arith.constant 16 : index
    %get3A_2377 = tpu.vector_load %arg9[%get3A_2375, %get3A_2376] {strides = array<i32>} : memref<36x128xf32, #tpu.memory_space<vmem>>, vector<1x16xf32>,
    %get3A_2378 = vector.shape_cast %get3A_2377 : vector<1x16xf32> to vector<16xf32>
    %add3A_2379 = arith.addf %add3A_2373, %get3A_2378 : vector<16xf32>
    %get3A_2380 = arith.constant 14 : i32
    %get3A_2381 = arith.index_cast %get3A_2380 : i32 to index
    %get3A_2382 = arith.constant 32 : index
    %get3A_2383 = tpu.vector_load %arg9[%get3A_2381, %get3A_2382] {strides = array<i32>} : memref<36x128xf32, #tpu.memory_space<vmem>>, vector<1x16xf32>,
    %get3A_2384 = vector.shape_cast %get3A_2383 : vector<1x16xf32> to vector<16xf32>
    %add3A_2385 = arith.addf %add3A_2379, %get3A_2384 : vector<16xf32>
    %get3A_2386 = arith.constant 14 : i32
    %get3A_2387 = arith.index_cast %get3A_2386 : i32 to index
    %get3A_2388 = arith.constant 48 : index
    %get3A_2389 = tpu.vector_load %arg9[%get3A_2387, %get3A_2388] {strides = array<i32>} : memref<36x128xf32, #tpu.memory_space<vmem>>, vector<1x16xf32>,
    %get3A_2390 = vector.shape_cast %get3A_2389 : vector<1x16xf32> to vector<16xf32>
    %add3A_2391 = arith.addf %add3A_2385, %get3A_2390 : vector<16xf32>
    %get3A_2392 = arith.constant 14 : i32
    %get3A_2393 = arith.index_cast %get3A_2392 : i32 to index
    %get3A_2394 = arith.constant 64 : index
    %get3A_2395 = tpu.vector_load %arg9[%get3A_2393, %get3A_2394] {strides = array<i32>} : memref<36x128xf32, #tpu.memory_space<vmem>>, vector<1x16xf32>,
    %get3A_2396 = vector.shape_cast %get3A_2395 : vector<1x16xf32> to vector<16xf32>
    %add3A_2397 = arith.addf %add3A_2391, %get3A_2396 : vector<16xf32>
    %get3A_2398 = arith.constant 14 : i32
    %get3A_2399 = arith.index_cast %get3A_2398 : i32 to index
    %get3A_2400 = arith.constant 80 : index
    %get3A_2401 = tpu.vector_load %arg9[%get3A_2399, %get3A_2400] {strides = array<i32>} : memref<36x128xf32, #tpu.memory_space<vmem>>, vector<1x16xf32>,
    %get3A_2402 = vector.shape_cast %get3A_2401 : vector<1x16xf32> to vector<16xf32>
    %add3A_2403 = arith.addf %add3A_2397, %get3A_2402 : vector<16xf32>
    %get3A_2404 = arith.constant 14 : i32
    %get3A_2405 = arith.index_cast %get3A_2404 : i32 to index
    %get3A_2406 = arith.constant 96 : index
    %get3A_2407 = tpu.vector_load %arg9[%get3A_2405, %get3A_2406] {strides = array<i32>} : memref<36x128xf32, #tpu.memory_space<vmem>>, vector<1x16xf32>,
    %get3A_2408 = vector.shape_cast %get3A_2407 : vector<1x16xf32> to vector<16xf32>
    %add3A_2409 = arith.addf %add3A_2403, %get3A_2408 : vector<16xf32>
    %get3A_2410 = arith.constant 14 : i32
    %get3A_2411 = arith.index_cast %get3A_2410 : i32 to index
    %get3A_2412 = arith.constant 112 : index
    %get3A_2413 = tpu.vector_load %arg9[%get3A_2411, %get3A_2412] {strides = array<i32>} : memref<36x128xf32, #tpu.memory_space<vmem>>, vector<1x16xf32>,
    %get3A_2414 = vector.shape_cast %get3A_2413 : vector<1x16xf32> to vector<16xf32>
    %add3A_2415 = arith.addf %add3A_2409, %get3A_2414 : vector<16xf32>
    %get3A_2416 = arith.constant 15 : i32
    %get3A_2417 = arith.index_cast %get3A_2416 : i32 to index
    %get3A_2418 = arith.constant 0 : index
    %get3A_2419 = tpu.vector_load %arg9[%get3A_2417, %get3A_2418] {strides = array<i32>} : memref<36x128xf32, #tpu.memory_space<vmem>>, vector<1x16xf32>,
    %get3A_2420 = vector.shape_cast %get3A_2419 : vector<1x16xf32> to vector<16xf32>
    %add3A_2421 = arith.addf %add3A_2415, %get3A_2420 : vector<16xf32>
    %get3A_2422 = arith.constant 15 : i32
    %get3A_2423 = arith.index_cast %get3A_2422 : i32 to index
    %get3A_2424 = arith.constant 16 : index
    %get3A_2425 = tpu.vector_load %arg9[%get3A_2423, %get3A_2424] {strides = array<i32>} : memref<36x128xf32, #tpu.memory_space<vmem>>, vector<1x16xf32>,
    %get3A_2426 = vector.shape_cast %get3A_2425 : vector<1x16xf32> to vector<16xf32>
    %add3A_2427 = arith.addf %add3A_2421, %get3A_2426 : vector<16xf32>
    %get3A_2428 = arith.constant 15 : i32
    %get3A_2429 = arith.index_cast %get3A_2428 : i32 to index
    %get3A_2430 = arith.constant 32 : index
    %get3A_2431 = tpu.vector_load %arg9[%get3A_2429, %get3A_2430] {strides = array<i32>} : memref<36x128xf32, #tpu.memory_space<vmem>>, vector<1x16xf32>,
    %get3A_2432 = vector.shape_cast %get3A_2431 : vector<1x16xf32> to vector<16xf32>
    %add3A_2433 = arith.addf %add3A_2427, %get3A_2432 : vector<16xf32>
    %get3A_2434 = arith.constant 15 : i32
    %get3A_2435 = arith.index_cast %get3A_2434 : i32 to index
    %get3A_2436 = arith.constant 48 : index
    %get3A_2437 = tpu.vector_load %arg9[%get3A_2435, %get3A_2436] {strides = array<i32>} : memref<36x128xf32, #tpu.memory_space<vmem>>, vector<1x16xf32>,
    %get3A_2438 = vector.shape_cast %get3A_2437 : vector<1x16xf32> to vector<16xf32>
    %add3A_2439 = arith.addf %add3A_2433, %get3A_2438 : vector<16xf32>
    %get3A_2440 = arith.constant 15 : i32
    %get3A_2441 = arith.index_cast %get3A_2440 : i32 to index
    %get3A_2442 = arith.constant 64 : index
    %get3A_2443 = tpu.vector_load %arg9[%get3A_2441, %get3A_2442] {strides = array<i32>} : memref<36x128xf32, #tpu.memory_space<vmem>>, vector<1x16xf32>,
    %get3A_2444 = vector.shape_cast %get3A_2443 : vector<1x16xf32> to vector<16xf32>
    %add3A_2445 = arith.addf %add3A_2439, %get3A_2444 : vector<16xf32>
    %get3A_2446 = arith.constant 15 : i32
    %get3A_2447 = arith.index_cast %get3A_2446 : i32 to index
    %get3A_2448 = arith.constant 80 : index
    %get3A_2449 = tpu.vector_load %arg9[%get3A_2447, %get3A_2448] {strides = array<i32>} : memref<36x128xf32, #tpu.memory_space<vmem>>, vector<1x16xf32>,
    %get3A_2450 = vector.shape_cast %get3A_2449 : vector<1x16xf32> to vector<16xf32>
    %add3A_2451 = arith.addf %add3A_2445, %get3A_2450 : vector<16xf32>
    %get3A_2452 = arith.constant 15 : i32
    %get3A_2453 = arith.index_cast %get3A_2452 : i32 to index
    %get3A_2454 = arith.constant 96 : index
    %get3A_2455 = tpu.vector_load %arg9[%get3A_2453, %get3A_2454] {strides = array<i32>} : memref<36x128xf32, #tpu.memory_space<vmem>>, vector<1x16xf32>,
    %get3A_2456 = vector.shape_cast %get3A_2455 : vector<1x16xf32> to vector<16xf32>
    %add3A_2457 = arith.addf %add3A_2451, %get3A_2456 : vector<16xf32>
    %get3A_2458 = arith.constant 15 : i32
    %get3A_2459 = arith.index_cast %get3A_2458 : i32 to index
    %get3A_2460 = arith.constant 112 : index
    %get3A_2461 = tpu.vector_load %arg9[%get3A_2459, %get3A_2460] {strides = array<i32>} : memref<36x128xf32, #tpu.memory_space<vmem>>, vector<1x16xf32>,
    %get3A_2462 = vector.shape_cast %get3A_2461 : vector<1x16xf32> to vector<16xf32>
    %add3A_2463 = arith.addf %add3A_2457, %get3A_2462 : vector<16xf32>
    %get3A_2464 = arith.constant 16 : i32
    %get3A_2465 = arith.index_cast %get3A_2464 : i32 to index
    %get3A_2466 = arith.constant 0 : index
    %get3A_2467 = tpu.vector_load %arg9[%get3A_2465, %get3A_2466] {strides = array<i32>} : memref<36x128xf32, #tpu.memory_space<vmem>>, vector<1x16xf32>,
    %get3A_2468 = vector.shape_cast %get3A_2467 : vector<1x16xf32> to vector<16xf32>
    %add3A_2469 = arith.addf %broadcast_in_dim3A_1687, %get3A_2468 : vector<16xf32>
    %get3A_2470 = arith.constant 16 : i32
    %get3A_2471 = arith.index_cast %get3A_2470 : i32 to index
    %get3A_2472 = arith.constant 16 : index
    %get3A_2473 = tpu.vector_load %arg9[%get3A_2471, %get3A_2472] {strides = array<i32>} : memref<36x128xf32, #tpu.memory_space<vmem>>, vector<1x16xf32>,
    %get3A_2474 = vector.shape_cast %get3A_2473 : vector<1x16xf32> to vector<16xf32>
    %add3A_2475 = arith.addf %add3A_2469, %get3A_2474 : vector<16xf32>
    %get3A_2476 = arith.constant 16 : i32
    %get3A_2477 = arith.index_cast %get3A_2476 : i32 to index
    %get3A_2478 = arith.constant 32 : index
    %get3A_2479 = tpu.vector_load %arg9[%get3A_2477, %get3A_2478] {strides = array<i32>} : memref<36x128xf32, #tpu.memory_space<vmem>>, vector<1x16xf32>,
    %get3A_2480 = vector.shape_cast %get3A_2479 : vector<1x16xf32> to vector<16xf32>
    %add3A_2481 = arith.addf %add3A_2475, %get3A_2480 : vector<16xf32>
    %get3A_2482 = arith.constant 16 : i32
    %get3A_2483 = arith.index_cast %get3A_2482 : i32 to index
    %get3A_2484 = arith.constant 48 : index
    %get3A_2485 = tpu.vector_load %arg9[%get3A_2483, %get3A_2484] {strides = array<i32>} : memref<36x128xf32, #tpu.memory_space<vmem>>, vector<1x16xf32>,
    %get3A_2486 = vector.shape_cast %get3A_2485 : vector<1x16xf32> to vector<16xf32>
    %add3A_2487 = arith.addf %add3A_2481, %get3A_2486 : vector<16xf32>
    %get3A_2488 = arith.constant 16 : i32
    %get3A_2489 = arith.index_cast %get3A_2488 : i32 to index
    %get3A_2490 = arith.constant 64 : index
    %get3A_2491 = tpu.vector_load %arg9[%get3A_2489, %get3A_2490] {strides = array<i32>} : memref<36x128xf32, #tpu.memory_space<vmem>>, vector<1x16xf32>,
    %get3A_2492 = vector.shape_cast %get3A_2491 : vector<1x16xf32> to vector<16xf32>
    %add3A_2493 = arith.addf %add3A_2487, %get3A_2492 : vector<16xf32>
    %get3A_2494 = arith.constant 16 : i32
    %get3A_2495 = arith.index_cast %get3A_2494 : i32 to index
    %get3A_2496 = arith.constant 80 : index
    %get3A_2497 = tpu.vector_load %arg9[%get3A_2495, %get3A_2496] {strides = array<i32>} : memref<36x128xf32, #tpu.memory_space<vmem>>, vector<1x16xf32>,
    %get3A_2498 = vector.shape_cast %get3A_2497 : vector<1x16xf32> to vector<16xf32>
    %add3A_2499 = arith.addf %add3A_2493, %get3A_2498 : vector<16xf32>
    %get3A_2500 = arith.constant 16 : i32
    %get3A_2501 = arith.index_cast %get3A_2500 : i32 to index
    %get3A_2502 = arith.constant 96 : index
    %get3A_2503 = tpu.vector_load %arg9[%get3A_2501, %get3A_2502] {strides = array<i32>} : memref<36x128xf32, #tpu.memory_space<vmem>>, vector<1x16xf32>,
    %get3A_2504 = vector.shape_cast %get3A_2503 : vector<1x16xf32> to vector<16xf32>
    %add3A_2505 = arith.addf %add3A_2499, %get3A_2504 : vector<16xf32>
    %get3A_2506 = arith.constant 16 : i32
    %get3A_2507 = arith.index_cast %get3A_2506 : i32 to index
    %get3A_2508 = arith.constant 112 : index
    %get3A_2509 = tpu.vector_load %arg9[%get3A_2507, %get3A_2508] {strides = array<i32>} : memref<36x128xf32, #tpu.memory_space<vmem>>, vector<1x16xf32>,
    %get3A_2510 = vector.shape_cast %get3A_2509 : vector<1x16xf32> to vector<16xf32>
    %add3A_2511 = arith.addf %add3A_2505, %get3A_2510 : vector<16xf32>
    %get3A_2512 = arith.constant 17 : i32
    %get3A_2513 = arith.index_cast %get3A_2512 : i32 to index
    %get3A_2514 = arith.constant 0 : index
    %get3A_2515 = tpu.vector_load %arg9[%get3A_2513, %get3A_2514] {strides = array<i32>} : memref<36x128xf32, #tpu.memory_space<vmem>>, vector<1x16xf32>,
    %get3A_2516 = vector.shape_cast %get3A_2515 : vector<1x16xf32> to vector<16xf32>
    %add3A_2517 = arith.addf %add3A_2511, %get3A_2516 : vector<16xf32>
    %get3A_2518 = arith.constant 17 : i32
    %get3A_2519 = arith.index_cast %get3A_2518 : i32 to index
    %get3A_2520 = arith.constant 16 : index
    %get3A_2521 = tpu.vector_load %arg9[%get3A_2519, %get3A_2520] {strides = array<i32>} : memref<36x128xf32, #tpu.memory_space<vmem>>, vector<1x16xf32>,
    %get3A_2522 = vector.shape_cast %get3A_2521 : vector<1x16xf32> to vector<16xf32>
    %add3A_2523 = arith.addf %add3A_2517, %get3A_2522 : vector<16xf32>
    %get3A_2524 = arith.constant 17 : i32
    %get3A_2525 = arith.index_cast %get3A_2524 : i32 to index
    %get3A_2526 = arith.constant 32 : index
    %get3A_2527 = tpu.vector_load %arg9[%get3A_2525, %get3A_2526] {strides = array<i32>} : memref<36x128xf32, #tpu.memory_space<vmem>>, vector<1x16xf32>,
    %get3A_2528 = vector.shape_cast %get3A_2527 : vector<1x16xf32> to vector<16xf32>
    %add3A_2529 = arith.addf %add3A_2523, %get3A_2528 : vector<16xf32>
    %get3A_2530 = arith.constant 17 : i32
    %get3A_2531 = arith.index_cast %get3A_2530 : i32 to index
    %get3A_2532 = arith.constant 48 : index
    %get3A_2533 = tpu.vector_load %arg9[%get3A_2531, %get3A_2532] {strides = array<i32>} : memref<36x128xf32, #tpu.memory_space<vmem>>, vector<1x16xf32>,
    %get3A_2534 = vector.shape_cast %get3A_2533 : vector<1x16xf32> to vector<16xf32>
    %add3A_2535 = arith.addf %add3A_2529, %get3A_2534 : vector<16xf32>
    %get3A_2536 = arith.constant 17 : i32
    %get3A_2537 = arith.index_cast %get3A_2536 : i32 to index
    %get3A_2538 = arith.constant 64 : index
    %get3A_2539 = tpu.vector_load %arg9[%get3A_2537, %get3A_2538] {strides = array<i32>} : memref<36x128xf32, #tpu.memory_space<vmem>>, vector<1x16xf32>,
    %get3A_2540 = vector.shape_cast %get3A_2539 : vector<1x16xf32> to vector<16xf32>
    %add3A_2541 = arith.addf %add3A_2535, %get3A_2540 : vector<16xf32>
    %get3A_2542 = arith.constant 17 : i32
    %get3A_2543 = arith.index_cast %get3A_2542 : i32 to index
    %get3A_2544 = arith.constant 80 : index
    %get3A_2545 = tpu.vector_load %arg9[%get3A_2543, %get3A_2544] {strides = array<i32>} : memref<36x128xf32, #tpu.memory_space<vmem>>, vector<1x16xf32>,
    %get3A_2546 = vector.shape_cast %get3A_2545 : vector<1x16xf32> to vector<16xf32>
    %add3A_2547 = arith.addf %add3A_2541, %get3A_2546 : vector<16xf32>
    %get3A_2548 = arith.constant 17 : i32
    %get3A_2549 = arith.index_cast %get3A_2548 : i32 to index
    %get3A_2550 = arith.constant 96 : index
    %get3A_2551 = tpu.vector_load %arg9[%get3A_2549, %get3A_2550] {strides = array<i32>} : memref<36x128xf32, #tpu.memory_space<vmem>>, vector<1x16xf32>,
    %get3A_2552 = vector.shape_cast %get3A_2551 : vector<1x16xf32> to vector<16xf32>
    %add3A_2553 = arith.addf %add3A_2547, %get3A_2552 : vector<16xf32>
    %get3A_2554 = arith.constant 17 : i32
    %get3A_2555 = arith.index_cast %get3A_2554 : i32 to index
    %get3A_2556 = arith.constant 112 : index
    %get3A_2557 = tpu.vector_load %arg9[%get3A_2555, %get3A_2556] {strides = array<i32>} : memref<36x128xf32, #tpu.memory_space<vmem>>, vector<1x16xf32>,
    %get3A_2558 = vector.shape_cast %get3A_2557 : vector<1x16xf32> to vector<16xf32>
    %add3A_2559 = arith.addf %add3A_2553, %get3A_2558 : vector<16xf32>
    %get3A_2560 = arith.constant 18 : i32
    %get3A_2561 = arith.index_cast %get3A_2560 : i32 to index
    %get3A_2562 = arith.constant 0 : index
    %get3A_2563 = tpu.vector_load %arg9[%get3A_2561, %get3A_2562] {strides = array<i32>} : memref<36x128xf32, #tpu.memory_space<vmem>>, vector<1x16xf32>,
    %get3A_2564 = vector.shape_cast %get3A_2563 : vector<1x16xf32> to vector<16xf32>
    %add3A_2565 = arith.addf %add3A_2559, %get3A_2564 : vector<16xf32>
    %get3A_2566 = arith.constant 18 : i32
    %get3A_2567 = arith.index_cast %get3A_2566 : i32 to index
    %get3A_2568 = arith.constant 16 : index
    %get3A_2569 = tpu.vector_load %arg9[%get3A_2567, %get3A_2568] {strides = array<i32>} : memref<36x128xf32, #tpu.memory_space<vmem>>, vector<1x16xf32>,
    %get3A_2570 = vector.shape_cast %get3A_2569 : vector<1x16xf32> to vector<16xf32>
    %add3A_2571 = arith.addf %add3A_2565, %get3A_2570 : vector<16xf32>
    %get3A_2572 = arith.constant 18 : i32
    %get3A_2573 = arith.index_cast %get3A_2572 : i32 to index
    %get3A_2574 = arith.constant 32 : index
    %get3A_2575 = tpu.vector_load %arg9[%get3A_2573, %get3A_2574] {strides = array<i32>} : memref<36x128xf32, #tpu.memory_space<vmem>>, vector<1x16xf32>,
    %get3A_2576 = vector.shape_cast %get3A_2575 : vector<1x16xf32> to vector<16xf32>
    %add3A_2577 = arith.addf %add3A_2571, %get3A_2576 : vector<16xf32>
    %get3A_2578 = arith.constant 18 : i32
    %get3A_2579 = arith.index_cast %get3A_2578 : i32 to index
    %get3A_2580 = arith.constant 48 : index
    %get3A_2581 = tpu.vector_load %arg9[%get3A_2579, %get3A_2580] {strides = array<i32>} : memref<36x128xf32, #tpu.memory_space<vmem>>, vector<1x16xf32>,
    %get3A_2582 = vector.shape_cast %get3A_2581 : vector<1x16xf32> to vector<16xf32>
    %add3A_2583 = arith.addf %add3A_2577, %get3A_2582 : vector<16xf32>
    %get3A_2584 = arith.constant 18 : i32
    %get3A_2585 = arith.index_cast %get3A_2584 : i32 to index
    %get3A_2586 = arith.constant 64 : index
    %get3A_2587 = tpu.vector_load %arg9[%get3A_2585, %get3A_2586] {strides = array<i32>} : memref<36x128xf32, #tpu.memory_space<vmem>>, vector<1x16xf32>,
    %get3A_2588 = vector.shape_cast %get3A_2587 : vector<1x16xf32> to vector<16xf32>
    %add3A_2589 = arith.addf %add3A_2583, %get3A_2588 : vector<16xf32>
    %get3A_2590 = arith.constant 18 : i32
    %get3A_2591 = arith.index_cast %get3A_2590 : i32 to index
    %get3A_2592 = arith.constant 80 : index
    %get3A_2593 = tpu.vector_load %arg9[%get3A_2591, %get3A_2592] {strides = array<i32>} : memref<36x128xf32, #tpu.memory_space<vmem>>, vector<1x16xf32>,
    %get3A_2594 = vector.shape_cast %get3A_2593 : vector<1x16xf32> to vector<16xf32>
    %add3A_2595 = arith.addf %add3A_2589, %get3A_2594 : vector<16xf32>
    %get3A_2596 = arith.constant 18 : i32
    %get3A_2597 = arith.index_cast %get3A_2596 : i32 to index
    %get3A_2598 = arith.constant 96 : index
    %get3A_2599 = tpu.vector_load %arg9[%get3A_2597, %get3A_2598] {strides = array<i32>} : memref<36x128xf32, #tpu.memory_space<vmem>>, vector<1x16xf32>,
    %get3A_2600 = vector.shape_cast %get3A_2599 : vector<1x16xf32> to vector<16xf32>
    %add3A_2601 = arith.addf %add3A_2595, %get3A_2600 : vector<16xf32>
    %get3A_2602 = arith.constant 18 : i32
    %get3A_2603 = arith.index_cast %get3A_2602 : i32 to index
    %get3A_2604 = arith.constant 112 : index
    %get3A_2605 = tpu.vector_load %arg9[%get3A_2603, %get3A_2604] {strides = array<i32>} : memref<36x128xf32, #tpu.memory_space<vmem>>, vector<1x16xf32>,
    %get3A_2606 = vector.shape_cast %get3A_2605 : vector<1x16xf32> to vector<16xf32>
    %add3A_2607 = arith.addf %add3A_2601, %get3A_2606 : vector<16xf32>
    %get3A_2608 = arith.constant 19 : i32
    %get3A_2609 = arith.index_cast %get3A_2608 : i32 to index
    %get3A_2610 = arith.constant 0 : index
    %get3A_2611 = tpu.vector_load %arg9[%get3A_2609, %get3A_2610] {strides = array<i32>} : memref<36x128xf32, #tpu.memory_space<vmem>>, vector<1x16xf32>,
    %get3A_2612 = vector.shape_cast %get3A_2611 : vector<1x16xf32> to vector<16xf32>
    %add3A_2613 = arith.addf %add3A_2607, %get3A_2612 : vector<16xf32>
    %get3A_2614 = arith.constant 19 : i32
    %get3A_2615 = arith.index_cast %get3A_2614 : i32 to index
    %get3A_2616 = arith.constant 16 : index
    %get3A_2617 = tpu.vector_load %arg9[%get3A_2615, %get3A_2616] {strides = array<i32>} : memref<36x128xf32, #tpu.memory_space<vmem>>, vector<1x16xf32>,
    %get3A_2618 = vector.shape_cast %get3A_2617 : vector<1x16xf32> to vector<16xf32>
    %add3A_2619 = arith.addf %add3A_2613, %get3A_2618 : vector<16xf32>
    %get3A_2620 = arith.constant 19 : i32
    %get3A_2621 = arith.index_cast %get3A_2620 : i32 to index
    %get3A_2622 = arith.constant 32 : index
    %get3A_2623 = tpu.vector_load %arg9[%get3A_2621, %get3A_2622] {strides = array<i32>} : memref<36x128xf32, #tpu.memory_space<vmem>>, vector<1x16xf32>,
    %get3A_2624 = vector.shape_cast %get3A_2623 : vector<1x16xf32> to vector<16xf32>
    %add3A_2625 = arith.addf %add3A_2619, %get3A_2624 : vector<16xf32>
    %get3A_2626 = arith.constant 19 : i32
    %get3A_2627 = arith.index_cast %get3A_2626 : i32 to index
    %get3A_2628 = arith.constant 48 : index
    %get3A_2629 = tpu.vector_load %arg9[%get3A_2627, %get3A_2628] {strides = array<i32>} : memref<36x128xf32, #tpu.memory_space<vmem>>, vector<1x16xf32>,
    %get3A_2630 = vector.shape_cast %get3A_2629 : vector<1x16xf32> to vector<16xf32>
    %add3A_2631 = arith.addf %add3A_2625, %get3A_2630 : vector<16xf32>
    %get3A_2632 = arith.constant 19 : i32
    %get3A_2633 = arith.index_cast %get3A_2632 : i32 to index
    %get3A_2634 = arith.constant 64 : index
    %get3A_2635 = tpu.vector_load %arg9[%get3A_2633, %get3A_2634] {strides = array<i32>} : memref<36x128xf32, #tpu.memory_space<vmem>>, vector<1x16xf32>,
    %get3A_2636 = vector.shape_cast %get3A_2635 : vector<1x16xf32> to vector<16xf32>
    %add3A_2637 = arith.addf %add3A_2631, %get3A_2636 : vector<16xf32>
    %get3A_2638 = arith.constant 19 : i32
    %get3A_2639 = arith.index_cast %get3A_2638 : i32 to index
    %get3A_2640 = arith.constant 80 : index
    %get3A_2641 = tpu.vector_load %arg9[%get3A_2639, %get3A_2640] {strides = array<i32>} : memref<36x128xf32, #tpu.memory_space<vmem>>, vector<1x16xf32>,
    %get3A_2642 = vector.shape_cast %get3A_2641 : vector<1x16xf32> to vector<16xf32>
    %add3A_2643 = arith.addf %add3A_2637, %get3A_2642 : vector<16xf32>
    %get3A_2644 = arith.constant 19 : i32
    %get3A_2645 = arith.index_cast %get3A_2644 : i32 to index
    %get3A_2646 = arith.constant 96 : index
    %get3A_2647 = tpu.vector_load %arg9[%get3A_2645, %get3A_2646] {strides = array<i32>} : memref<36x128xf32, #tpu.memory_space<vmem>>, vector<1x16xf32>,
    %get3A_2648 = vector.shape_cast %get3A_2647 : vector<1x16xf32> to vector<16xf32>
    %add3A_2649 = arith.addf %add3A_2643, %get3A_2648 : vector<16xf32>
    %get3A_2650 = arith.constant 19 : i32
    %get3A_2651 = arith.index_cast %get3A_2650 : i32 to index
    %get3A_2652 = arith.constant 112 : index
    %get3A_2653 = tpu.vector_load %arg9[%get3A_2651, %get3A_2652] {strides = array<i32>} : memref<36x128xf32, #tpu.memory_space<vmem>>, vector<1x16xf32>,
    %get3A_2654 = vector.shape_cast %get3A_2653 : vector<1x16xf32> to vector<16xf32>
    %add3A_2655 = arith.addf %add3A_2649, %get3A_2654 : vector<16xf32>
    %get3A_2656 = arith.constant 20 : i32
    %get3A_2657 = arith.index_cast %get3A_2656 : i32 to index
    %get3A_2658 = arith.constant 0 : index
    %get3A_2659 = tpu.vector_load %arg9[%get3A_2657, %get3A_2658] {strides = array<i32>} : memref<36x128xf32, #tpu.memory_space<vmem>>, vector<1x16xf32>,
    %get3A_2660 = vector.shape_cast %get3A_2659 : vector<1x16xf32> to vector<16xf32>
    %add3A_2661 = arith.addf %broadcast_in_dim3A_1689, %get3A_2660 : vector<16xf32>
    %get3A_2662 = arith.constant 20 : i32
    %get3A_2663 = arith.index_cast %get3A_2662 : i32 to index
    %get3A_2664 = arith.constant 16 : index
    %get3A_2665 = tpu.vector_load %arg9[%get3A_2663, %get3A_2664] {strides = array<i32>} : memref<36x128xf32, #tpu.memory_space<vmem>>, vector<1x16xf32>,
    %get3A_2666 = vector.shape_cast %get3A_2665 : vector<1x16xf32> to vector<16xf32>
    %add3A_2667 = arith.addf %add3A_2661, %get3A_2666 : vector<16xf32>
    %get3A_2668 = arith.constant 20 : i32
    %get3A_2669 = arith.index_cast %get3A_2668 : i32 to index
    %get3A_2670 = arith.constant 32 : index
    %get3A_2671 = tpu.vector_load %arg9[%get3A_2669, %get3A_2670] {strides = array<i32>} : memref<36x128xf32, #tpu.memory_space<vmem>>, vector<1x16xf32>,
    %get3A_2672 = vector.shape_cast %get3A_2671 : vector<1x16xf32> to vector<16xf32>
    %add3A_2673 = arith.addf %add3A_2667, %get3A_2672 : vector<16xf32>
    %get3A_2674 = arith.constant 20 : i32
    %get3A_2675 = arith.index_cast %get3A_2674 : i32 to index
    %get3A_2676 = arith.constant 48 : index
    %get3A_2677 = tpu.vector_load %arg9[%get3A_2675, %get3A_2676] {strides = array<i32>} : memref<36x128xf32, #tpu.memory_space<vmem>>, vector<1x16xf32>,
    %get3A_2678 = vector.shape_cast %get3A_2677 : vector<1x16xf32> to vector<16xf32>
    %add3A_2679 = arith.addf %add3A_2673, %get3A_2678 : vector<16xf32>
    %get3A_2680 = arith.constant 20 : i32
    %get3A_2681 = arith.index_cast %get3A_2680 : i32 to index
    %get3A_2682 = arith.constant 64 : index
    %get3A_2683 = tpu.vector_load %arg9[%get3A_2681, %get3A_2682] {strides = array<i32>} : memref<36x128xf32, #tpu.memory_space<vmem>>, vector<1x16xf32>,
    %get3A_2684 = vector.shape_cast %get3A_2683 : vector<1x16xf32> to vector<16xf32>
    %add3A_2685 = arith.addf %add3A_2679, %get3A_2684 : vector<16xf32>
    %get3A_2686 = arith.constant 20 : i32
    %get3A_2687 = arith.index_cast %get3A_2686 : i32 to index
    %get3A_2688 = arith.constant 80 : index
    %get3A_2689 = tpu.vector_load %arg9[%get3A_2687, %get3A_2688] {strides = array<i32>} : memref<36x128xf32, #tpu.memory_space<vmem>>, vector<1x16xf32>,
    %get3A_2690 = vector.shape_cast %get3A_2689 : vector<1x16xf32> to vector<16xf32>
    %add3A_2691 = arith.addf %add3A_2685, %get3A_2690 : vector<16xf32>
    %get3A_2692 = arith.constant 20 : i32
    %get3A_2693 = arith.index_cast %get3A_2692 : i32 to index
    %get3A_2694 = arith.constant 96 : index
    %get3A_2695 = tpu.vector_load %arg9[%get3A_2693, %get3A_2694] {strides = array<i32>} : memref<36x128xf32, #tpu.memory_space<vmem>>, vector<1x16xf32>,
    %get3A_2696 = vector.shape_cast %get3A_2695 : vector<1x16xf32> to vector<16xf32>
    %add3A_2697 = arith.addf %add3A_2691, %get3A_2696 : vector<16xf32>
    %get3A_2698 = arith.constant 20 : i32
    %get3A_2699 = arith.index_cast %get3A_2698 : i32 to index
    %get3A_2700 = arith.constant 112 : index
    %get3A_2701 = tpu.vector_load %arg9[%get3A_2699, %get3A_2700] {strides = array<i32>} : memref<36x128xf32, #tpu.memory_space<vmem>>, vector<1x16xf32>,
    %get3A_2702 = vector.shape_cast %get3A_2701 : vector<1x16xf32> to vector<16xf32>
    %add3A_2703 = arith.addf %add3A_2697, %get3A_2702 : vector<16xf32>
    %get3A_2704 = arith.constant 21 : i32
    %get3A_2705 = arith.index_cast %get3A_2704 : i32 to index
    %get3A_2706 = arith.constant 0 : index
    %get3A_2707 = tpu.vector_load %arg9[%get3A_2705, %get3A_2706] {strides = array<i32>} : memref<36x128xf32, #tpu.memory_space<vmem>>, vector<1x16xf32>,
    %get3A_2708 = vector.shape_cast %get3A_2707 : vector<1x16xf32> to vector<16xf32>
    %add3A_2709 = arith.addf %add3A_2703, %get3A_2708 : vector<16xf32>
    %get3A_2710 = arith.constant 21 : i32
    %get3A_2711 = arith.index_cast %get3A_2710 : i32 to index
    %get3A_2712 = arith.constant 16 : index
    %get3A_2713 = tpu.vector_load %arg9[%get3A_2711, %get3A_2712] {strides = array<i32>} : memref<36x128xf32, #tpu.memory_space<vmem>>, vector<1x16xf32>,
    %get3A_2714 = vector.shape_cast %get3A_2713 : vector<1x16xf32> to vector<16xf32>
    %add3A_2715 = arith.addf %add3A_2709, %get3A_2714 : vector<16xf32>
    %get3A_2716 = arith.constant 21 : i32
    %get3A_2717 = arith.index_cast %get3A_2716 : i32 to index
    %get3A_2718 = arith.constant 32 : index
    %get3A_2719 = tpu.vector_load %arg9[%get3A_2717, %get3A_2718] {strides = array<i32>} : memref<36x128xf32, #tpu.memory_space<vmem>>, vector<1x16xf32>,
    %get3A_2720 = vector.shape_cast %get3A_2719 : vector<1x16xf32> to vector<16xf32>
    %add3A_2721 = arith.addf %add3A_2715, %get3A_2720 : vector<16xf32>
    %get3A_2722 = arith.constant 21 : i32
    %get3A_2723 = arith.index_cast %get3A_2722 : i32 to index
    %get3A_2724 = arith.constant 48 : index
    %get3A_2725 = tpu.vector_load %arg9[%get3A_2723, %get3A_2724] {strides = array<i32>} : memref<36x128xf32, #tpu.memory_space<vmem>>, vector<1x16xf32>,
    %get3A_2726 = vector.shape_cast %get3A_2725 : vector<1x16xf32> to vector<16xf32>
    %add3A_2727 = arith.addf %add3A_2721, %get3A_2726 : vector<16xf32>
    %get3A_2728 = arith.constant 21 : i32
    %get3A_2729 = arith.index_cast %get3A_2728 : i32 to index
    %get3A_2730 = arith.constant 64 : index
    %get3A_2731 = tpu.vector_load %arg9[%get3A_2729, %get3A_2730] {strides = array<i32>} : memref<36x128xf32, #tpu.memory_space<vmem>>, vector<1x16xf32>,
    %get3A_2732 = vector.shape_cast %get3A_2731 : vector<1x16xf32> to vector<16xf32>
    %add3A_2733 = arith.addf %add3A_2727, %get3A_2732 : vector<16xf32>
    %get3A_2734 = arith.constant 21 : i32
    %get3A_2735 = arith.index_cast %get3A_2734 : i32 to index
    %get3A_2736 = arith.constant 80 : index
    %get3A_2737 = tpu.vector_load %arg9[%get3A_2735, %get3A_2736] {strides = array<i32>} : memref<36x128xf32, #tpu.memory_space<vmem>>, vector<1x16xf32>,
    %get3A_2738 = vector.shape_cast %get3A_2737 : vector<1x16xf32> to vector<16xf32>
    %add3A_2739 = arith.addf %add3A_2733, %get3A_2738 : vector<16xf32>
    %get3A_2740 = arith.constant 21 : i32
    %get3A_2741 = arith.index_cast %get3A_2740 : i32 to index
    %get3A_2742 = arith.constant 96 : index
    %get3A_2743 = tpu.vector_load %arg9[%get3A_2741, %get3A_2742] {strides = array<i32>} : memref<36x128xf32, #tpu.memory_space<vmem>>, vector<1x16xf32>,
    %get3A_2744 = vector.shape_cast %get3A_2743 : vector<1x16xf32> to vector<16xf32>
    %add3A_2745 = arith.addf %add3A_2739, %get3A_2744 : vector<16xf32>
    %get3A_2746 = arith.constant 21 : i32
    %get3A_2747 = arith.index_cast %get3A_2746 : i32 to index
    %get3A_2748 = arith.constant 112 : index
    %get3A_2749 = tpu.vector_load %arg9[%get3A_2747, %get3A_2748] {strides = array<i32>} : memref<36x128xf32, #tpu.memory_space<vmem>>, vector<1x16xf32>,
    %get3A_2750 = vector.shape_cast %get3A_2749 : vector<1x16xf32> to vector<16xf32>
    %add3A_2751 = arith.addf %add3A_2745, %get3A_2750 : vector<16xf32>
    %get3A_2752 = arith.constant 22 : i32
    %get3A_2753 = arith.index_cast %get3A_2752 : i32 to index
    %get3A_2754 = arith.constant 0 : index
    %get3A_2755 = tpu.vector_load %arg9[%get3A_2753, %get3A_2754] {strides = array<i32>} : memref<36x128xf32, #tpu.memory_space<vmem>>, vector<1x16xf32>,
    %get3A_2756 = vector.shape_cast %get3A_2755 : vector<1x16xf32> to vector<16xf32>
    %add3A_2757 = arith.addf %add3A_2751, %get3A_2756 : vector<16xf32>
    %get3A_2758 = arith.constant 22 : i32
    %get3A_2759 = arith.index_cast %get3A_2758 : i32 to index
    %get3A_2760 = arith.constant 16 : index
    %get3A_2761 = tpu.vector_load %arg9[%get3A_2759, %get3A_2760] {strides = array<i32>} : memref<36x128xf32, #tpu.memory_space<vmem>>, vector<1x16xf32>,
    %get3A_2762 = vector.shape_cast %get3A_2761 : vector<1x16xf32> to vector<16xf32>
    %add3A_2763 = arith.addf %add3A_2757, %get3A_2762 : vector<16xf32>
    %get3A_2764 = arith.constant 22 : i32
    %get3A_2765 = arith.index_cast %get3A_2764 : i32 to index
    %get3A_2766 = arith.constant 32 : index
    %get3A_2767 = tpu.vector_load %arg9[%get3A_2765, %get3A_2766] {strides = array<i32>} : memref<36x128xf32, #tpu.memory_space<vmem>>, vector<1x16xf32>,
    %get3A_2768 = vector.shape_cast %get3A_2767 : vector<1x16xf32> to vector<16xf32>
    %add3A_2769 = arith.addf %add3A_2763, %get3A_2768 : vector<16xf32>
    %get3A_2770 = arith.constant 22 : i32
    %get3A_2771 = arith.index_cast %get3A_2770 : i32 to index
    %get3A_2772 = arith.constant 48 : index
    %get3A_2773 = tpu.vector_load %arg9[%get3A_2771, %get3A_2772] {strides = array<i32>} : memref<36x128xf32, #tpu.memory_space<vmem>>, vector<1x16xf32>,
    %get3A_2774 = vector.shape_cast %get3A_2773 : vector<1x16xf32> to vector<16xf32>
    %add3A_2775 = arith.addf %add3A_2769, %get3A_2774 : vector<16xf32>
    %get3A_2776 = arith.constant 22 : i32
    %get3A_2777 = arith.index_cast %get3A_2776 : i32 to index
    %get3A_2778 = arith.constant 64 : index
    %get3A_2779 = tpu.vector_load %arg9[%get3A_2777, %get3A_2778] {strides = array<i32>} : memref<36x128xf32, #tpu.memory_space<vmem>>, vector<1x16xf32>,
    %get3A_2780 = vector.shape_cast %get3A_2779 : vector<1x16xf32> to vector<16xf32>
    %add3A_2781 = arith.addf %add3A_2775, %get3A_2780 : vector<16xf32>
    %get3A_2782 = arith.constant 22 : i32
    %get3A_2783 = arith.index_cast %get3A_2782 : i32 to index
    %get3A_2784 = arith.constant 80 : index
    %get3A_2785 = tpu.vector_load %arg9[%get3A_2783, %get3A_2784] {strides = array<i32>} : memref<36x128xf32, #tpu.memory_space<vmem>>, vector<1x16xf32>,
    %get3A_2786 = vector.shape_cast %get3A_2785 : vector<1x16xf32> to vector<16xf32>
    %add3A_2787 = arith.addf %add3A_2781, %get3A_2786 : vector<16xf32>
    %get3A_2788 = arith.constant 22 : i32
    %get3A_2789 = arith.index_cast %get3A_2788 : i32 to index
    %get3A_2790 = arith.constant 96 : index
    %get3A_2791 = tpu.vector_load %arg9[%get3A_2789, %get3A_2790] {strides = array<i32>} : memref<36x128xf32, #tpu.memory_space<vmem>>, vector<1x16xf32>,
    %get3A_2792 = vector.shape_cast %get3A_2791 : vector<1x16xf32> to vector<16xf32>
    %add3A_2793 = arith.addf %add3A_2787, %get3A_2792 : vector<16xf32>
    %get3A_2794 = arith.constant 22 : i32
    %get3A_2795 = arith.index_cast %get3A_2794 : i32 to index
    %get3A_2796 = arith.constant 112 : index
    %get3A_2797 = tpu.vector_load %arg9[%get3A_2795, %get3A_2796] {strides = array<i32>} : memref<36x128xf32, #tpu.memory_space<vmem>>, vector<1x16xf32>,
    %get3A_2798 = vector.shape_cast %get3A_2797 : vector<1x16xf32> to vector<16xf32>
    %add3A_2799 = arith.addf %add3A_2793, %get3A_2798 : vector<16xf32>
    %get3A_2800 = arith.constant 23 : i32
    %get3A_2801 = arith.index_cast %get3A_2800 : i32 to index
    %get3A_2802 = arith.constant 0 : index
    %get3A_2803 = tpu.vector_load %arg9[%get3A_2801, %get3A_2802] {strides = array<i32>} : memref<36x128xf32, #tpu.memory_space<vmem>>, vector<1x16xf32>,
    %get3A_2804 = vector.shape_cast %get3A_2803 : vector<1x16xf32> to vector<16xf32>
    %add3A_2805 = arith.addf %add3A_2799, %get3A_2804 : vector<16xf32>
    %get3A_2806 = arith.constant 23 : i32
    %get3A_2807 = arith.index_cast %get3A_2806 : i32 to index
    %get3A_2808 = arith.constant 16 : index
    %get3A_2809 = tpu.vector_load %arg9[%get3A_2807, %get3A_2808] {strides = array<i32>} : memref<36x128xf32, #tpu.memory_space<vmem>>, vector<1x16xf32>,
    %get3A_2810 = vector.shape_cast %get3A_2809 : vector<1x16xf32> to vector<16xf32>
    %add3A_2811 = arith.addf %add3A_2805, %get3A_2810 : vector<16xf32>
    %get3A_2812 = arith.constant 23 : i32
    %get3A_2813 = arith.index_cast %get3A_2812 : i32 to index
    %get3A_2814 = arith.constant 32 : index
    %get3A_2815 = tpu.vector_load %arg9[%get3A_2813, %get3A_2814] {strides = array<i32>} : memref<36x128xf32, #tpu.memory_space<vmem>>, vector<1x16xf32>,
    %get3A_2816 = vector.shape_cast %get3A_2815 : vector<1x16xf32> to vector<16xf32>
    %add3A_2817 = arith.addf %add3A_2811, %get3A_2816 : vector<16xf32>
    %get3A_2818 = arith.constant 23 : i32
    %get3A_2819 = arith.index_cast %get3A_2818 : i32 to index
    %get3A_2820 = arith.constant 48 : index
    %get3A_2821 = tpu.vector_load %arg9[%get3A_2819, %get3A_2820] {strides = array<i32>} : memref<36x128xf32, #tpu.memory_space<vmem>>, vector<1x16xf32>,
    %get3A_2822 = vector.shape_cast %get3A_2821 : vector<1x16xf32> to vector<16xf32>
    %add3A_2823 = arith.addf %add3A_2817, %get3A_2822 : vector<16xf32>
    %get3A_2824 = arith.constant 23 : i32
    %get3A_2825 = arith.index_cast %get3A_2824 : i32 to index
    %get3A_2826 = arith.constant 64 : index
    %get3A_2827 = tpu.vector_load %arg9[%get3A_2825, %get3A_2826] {strides = array<i32>} : memref<36x128xf32, #tpu.memory_space<vmem>>, vector<1x16xf32>,
    %get3A_2828 = vector.shape_cast %get3A_2827 : vector<1x16xf32> to vector<16xf32>
    %add3A_2829 = arith.addf %add3A_2823, %get3A_2828 : vector<16xf32>
    %get3A_2830 = arith.constant 23 : i32
    %get3A_2831 = arith.index_cast %get3A_2830 : i32 to index
    %get3A_2832 = arith.constant 80 : index
    %get3A_2833 = tpu.vector_load %arg9[%get3A_2831, %get3A_2832] {strides = array<i32>} : memref<36x128xf32, #tpu.memory_space<vmem>>, vector<1x16xf32>,
    %get3A_2834 = vector.shape_cast %get3A_2833 : vector<1x16xf32> to vector<16xf32>
    %add3A_2835 = arith.addf %add3A_2829, %get3A_2834 : vector<16xf32>
    %get3A_2836 = arith.constant 23 : i32
    %get3A_2837 = arith.index_cast %get3A_2836 : i32 to index
    %get3A_2838 = arith.constant 96 : index
    %get3A_2839 = tpu.vector_load %arg9[%get3A_2837, %get3A_2838] {strides = array<i32>} : memref<36x128xf32, #tpu.memory_space<vmem>>, vector<1x16xf32>,
    %get3A_2840 = vector.shape_cast %get3A_2839 : vector<1x16xf32> to vector<16xf32>
    %add3A_2841 = arith.addf %add3A_2835, %get3A_2840 : vector<16xf32>
    %get3A_2842 = arith.constant 23 : i32
    %get3A_2843 = arith.index_cast %get3A_2842 : i32 to index
    %get3A_2844 = arith.constant 112 : index
    %get3A_2845 = tpu.vector_load %arg9[%get3A_2843, %get3A_2844] {strides = array<i32>} : memref<36x128xf32, #tpu.memory_space<vmem>>, vector<1x16xf32>,
    %get3A_2846 = vector.shape_cast %get3A_2845 : vector<1x16xf32> to vector<16xf32>
    %add3A_2847 = arith.addf %add3A_2841, %get3A_2846 : vector<16xf32>
    %get3A_2848 = arith.constant 24 : i32
    %get3A_2849 = arith.index_cast %get3A_2848 : i32 to index
    %get3A_2850 = arith.constant 0 : index
    %get3A_2851 = tpu.vector_load %arg9[%get3A_2849, %get3A_2850] {strides = array<i32>} : memref<36x128xf32, #tpu.memory_space<vmem>>, vector<1x16xf32>,
    %get3A_2852 = vector.shape_cast %get3A_2851 : vector<1x16xf32> to vector<16xf32>
    %add3A_2853 = arith.addf %broadcast_in_dim3A_1691, %get3A_2852 : vector<16xf32>
    %get3A_2854 = arith.constant 24 : i32
    %get3A_2855 = arith.index_cast %get3A_2854 : i32 to index
    %get3A_2856 = arith.constant 16 : index
    %get3A_2857 = tpu.vector_load %arg9[%get3A_2855, %get3A_2856] {strides = array<i32>} : memref<36x128xf32, #tpu.memory_space<vmem>>, vector<1x16xf32>,
    %get3A_2858 = vector.shape_cast %get3A_2857 : vector<1x16xf32> to vector<16xf32>
    %add3A_2859 = arith.addf %add3A_2853, %get3A_2858 : vector<16xf32>
    %get3A_2860 = arith.constant 24 : i32
    %get3A_2861 = arith.index_cast %get3A_2860 : i32 to index
    %get3A_2862 = arith.constant 32 : index
    %get3A_2863 = tpu.vector_load %arg9[%get3A_2861, %get3A_2862] {strides = array<i32>} : memref<36x128xf32, #tpu.memory_space<vmem>>, vector<1x16xf32>,
    %get3A_2864 = vector.shape_cast %get3A_2863 : vector<1x16xf32> to vector<16xf32>
    %add3A_2865 = arith.addf %add3A_2859, %get3A_2864 : vector<16xf32>
    %get3A_2866 = arith.constant 24 : i32
    %get3A_2867 = arith.index_cast %get3A_2866 : i32 to index
    %get3A_2868 = arith.constant 48 : index
    %get3A_2869 = tpu.vector_load %arg9[%get3A_2867, %get3A_2868] {strides = array<i32>} : memref<36x128xf32, #tpu.memory_space<vmem>>, vector<1x16xf32>,
    %get3A_2870 = vector.shape_cast %get3A_2869 : vector<1x16xf32> to vector<16xf32>
    %add3A_2871 = arith.addf %add3A_2865, %get3A_2870 : vector<16xf32>
    %get3A_2872 = arith.constant 24 : i32
    %get3A_2873 = arith.index_cast %get3A_2872 : i32 to index
    %get3A_2874 = arith.constant 64 : index
    %get3A_2875 = tpu.vector_load %arg9[%get3A_2873, %get3A_2874] {strides = array<i32>} : memref<36x128xf32, #tpu.memory_space<vmem>>, vector<1x16xf32>,
    %get3A_2876 = vector.shape_cast %get3A_2875 : vector<1x16xf32> to vector<16xf32>
    %add3A_2877 = arith.addf %add3A_2871, %get3A_2876 : vector<16xf32>
    %get3A_2878 = arith.constant 24 : i32
    %get3A_2879 = arith.index_cast %get3A_2878 : i32 to index
    %get3A_2880 = arith.constant 80 : index
    %get3A_2881 = tpu.vector_load %arg9[%get3A_2879, %get3A_2880] {strides = array<i32>} : memref<36x128xf32, #tpu.memory_space<vmem>>, vector<1x16xf32>,
    %get3A_2882 = vector.shape_cast %get3A_2881 : vector<1x16xf32> to vector<16xf32>
    %add3A_2883 = arith.addf %add3A_2877, %get3A_2882 : vector<16xf32>
    %get3A_2884 = arith.constant 24 : i32
    %get3A_2885 = arith.index_cast %get3A_2884 : i32 to index
    %get3A_2886 = arith.constant 96 : index
    %get3A_2887 = tpu.vector_load %arg9[%get3A_2885, %get3A_2886] {strides = array<i32>} : memref<36x128xf32, #tpu.memory_space<vmem>>, vector<1x16xf32>,
    %get3A_2888 = vector.shape_cast %get3A_2887 : vector<1x16xf32> to vector<16xf32>
    %add3A_2889 = arith.addf %add3A_2883, %get3A_2888 : vector<16xf32>
    %get3A_2890 = arith.constant 24 : i32
    %get3A_2891 = arith.index_cast %get3A_2890 : i32 to index
    %get3A_2892 = arith.constant 112 : index
    %get3A_2893 = tpu.vector_load %arg9[%get3A_2891, %get3A_2892] {strides = array<i32>} : memref<36x128xf32, #tpu.memory_space<vmem>>, vector<1x16xf32>,
    %get3A_2894 = vector.shape_cast %get3A_2893 : vector<1x16xf32> to vector<16xf32>
    %add3A_2895 = arith.addf %add3A_2889, %get3A_2894 : vector<16xf32>
    %get3A_2896 = arith.constant 25 : i32
    %get3A_2897 = arith.index_cast %get3A_2896 : i32 to index
    %get3A_2898 = arith.constant 0 : index
    %get3A_2899 = tpu.vector_load %arg9[%get3A_2897, %get3A_2898] {strides = array<i32>} : memref<36x128xf32, #tpu.memory_space<vmem>>, vector<1x16xf32>,
    %get3A_2900 = vector.shape_cast %get3A_2899 : vector<1x16xf32> to vector<16xf32>
    %add3A_2901 = arith.addf %add3A_2895, %get3A_2900 : vector<16xf32>
    %get3A_2902 = arith.constant 25 : i32
    %get3A_2903 = arith.index_cast %get3A_2902 : i32 to index
    %get3A_2904 = arith.constant 16 : index
    %get3A_2905 = tpu.vector_load %arg9[%get3A_2903, %get3A_2904] {strides = array<i32>} : memref<36x128xf32, #tpu.memory_space<vmem>>, vector<1x16xf32>,
    %get3A_2906 = vector.shape_cast %get3A_2905 : vector<1x16xf32> to vector<16xf32>
    %add3A_2907 = arith.addf %add3A_2901, %get3A_2906 : vector<16xf32>
    %get3A_2908 = arith.constant 25 : i32
    %get3A_2909 = arith.index_cast %get3A_2908 : i32 to index
    %get3A_2910 = arith.constant 32 : index
    %get3A_2911 = tpu.vector_load %arg9[%get3A_2909, %get3A_2910] {strides = array<i32>} : memref<36x128xf32, #tpu.memory_space<vmem>>, vector<1x16xf32>,
    %get3A_2912 = vector.shape_cast %get3A_2911 : vector<1x16xf32> to vector<16xf32>
    %add3A_2913 = arith.addf %add3A_2907, %get3A_2912 : vector<16xf32>
    %get3A_2914 = arith.constant 25 : i32
    %get3A_2915 = arith.index_cast %get3A_2914 : i32 to index
    %get3A_2916 = arith.constant 48 : index
    %get3A_2917 = tpu.vector_load %arg9[%get3A_2915, %get3A_2916] {strides = array<i32>} : memref<36x128xf32, #tpu.memory_space<vmem>>, vector<1x16xf32>,
    %get3A_2918 = vector.shape_cast %get3A_2917 : vector<1x16xf32> to vector<16xf32>
    %add3A_2919 = arith.addf %add3A_2913, %get3A_2918 : vector<16xf32>
    %get3A_2920 = arith.constant 25 : i32
    %get3A_2921 = arith.index_cast %get3A_2920 : i32 to index
    %get3A_2922 = arith.constant 64 : index
    %get3A_2923 = tpu.vector_load %arg9[%get3A_2921, %get3A_2922] {strides = array<i32>} : memref<36x128xf32, #tpu.memory_space<vmem>>, vector<1x16xf32>,
    %get3A_2924 = vector.shape_cast %get3A_2923 : vector<1x16xf32> to vector<16xf32>
    %add3A_2925 = arith.addf %add3A_2919, %get3A_2924 : vector<16xf32>
    %get3A_2926 = arith.constant 25 : i32
    %get3A_2927 = arith.index_cast %get3A_2926 : i32 to index
    %get3A_2928 = arith.constant 80 : index
    %get3A_2929 = tpu.vector_load %arg9[%get3A_2927, %get3A_2928] {strides = array<i32>} : memref<36x128xf32, #tpu.memory_space<vmem>>, vector<1x16xf32>,
    %get3A_2930 = vector.shape_cast %get3A_2929 : vector<1x16xf32> to vector<16xf32>
    %add3A_2931 = arith.addf %add3A_2925, %get3A_2930 : vector<16xf32>
    %get3A_2932 = arith.constant 25 : i32
    %get3A_2933 = arith.index_cast %get3A_2932 : i32 to index
    %get3A_2934 = arith.constant 96 : index
    %get3A_2935 = tpu.vector_load %arg9[%get3A_2933, %get3A_2934] {strides = array<i32>} : memref<36x128xf32, #tpu.memory_space<vmem>>, vector<1x16xf32>,
    %get3A_2936 = vector.shape_cast %get3A_2935 : vector<1x16xf32> to vector<16xf32>
    %add3A_2937 = arith.addf %add3A_2931, %get3A_2936 : vector<16xf32>
    %get3A_2938 = arith.constant 25 : i32
    %get3A_2939 = arith.index_cast %get3A_2938 : i32 to index
    %get3A_2940 = arith.constant 112 : index
    %get3A_2941 = tpu.vector_load %arg9[%get3A_2939, %get3A_2940] {strides = array<i32>} : memref<36x128xf32, #tpu.memory_space<vmem>>, vector<1x16xf32>,
    %get3A_2942 = vector.shape_cast %get3A_2941 : vector<1x16xf32> to vector<16xf32>
    %add3A_2943 = arith.addf %add3A_2937, %get3A_2942 : vector<16xf32>
    %get3A_2944 = arith.constant 26 : i32
    %get3A_2945 = arith.index_cast %get3A_2944 : i32 to index
    %get3A_2946 = arith.constant 0 : index
    %get3A_2947 = tpu.vector_load %arg9[%get3A_2945, %get3A_2946] {strides = array<i32>} : memref<36x128xf32, #tpu.memory_space<vmem>>, vector<1x16xf32>,
    %get3A_2948 = vector.shape_cast %get3A_2947 : vector<1x16xf32> to vector<16xf32>
    %add3A_2949 = arith.addf %add3A_2943, %get3A_2948 : vector<16xf32>
    %get3A_2950 = arith.constant 26 : i32
    %get3A_2951 = arith.index_cast %get3A_2950 : i32 to index
    %get3A_2952 = arith.constant 16 : index
    %get3A_2953 = tpu.vector_load %arg9[%get3A_2951, %get3A_2952] {strides = array<i32>} : memref<36x128xf32, #tpu.memory_space<vmem>>, vector<1x16xf32>,
    %get3A_2954 = vector.shape_cast %get3A_2953 : vector<1x16xf32> to vector<16xf32>
    %add3A_2955 = arith.addf %add3A_2949, %get3A_2954 : vector<16xf32>
    %get3A_2956 = arith.constant 26 : i32
    %get3A_2957 = arith.index_cast %get3A_2956 : i32 to index
    %get3A_2958 = arith.constant 32 : index
    %get3A_2959 = tpu.vector_load %arg9[%get3A_2957, %get3A_2958] {strides = array<i32>} : memref<36x128xf32, #tpu.memory_space<vmem>>, vector<1x16xf32>,
    %get3A_2960 = vector.shape_cast %get3A_2959 : vector<1x16xf32> to vector<16xf32>
    %add3A_2961 = arith.addf %add3A_2955, %get3A_2960 : vector<16xf32>
    %get3A_2962 = arith.constant 26 : i32
    %get3A_2963 = arith.index_cast %get3A_2962 : i32 to index
    %get3A_2964 = arith.constant 48 : index
    %get3A_2965 = tpu.vector_load %arg9[%get3A_2963, %get3A_2964] {strides = array<i32>} : memref<36x128xf32, #tpu.memory_space<vmem>>, vector<1x16xf32>,
    %get3A_2966 = vector.shape_cast %get3A_2965 : vector<1x16xf32> to vector<16xf32>
    %add3A_2967 = arith.addf %add3A_2961, %get3A_2966 : vector<16xf32>
    %get3A_2968 = arith.constant 26 : i32
    %get3A_2969 = arith.index_cast %get3A_2968 : i32 to index
    %get3A_2970 = arith.constant 64 : index
    %get3A_2971 = tpu.vector_load %arg9[%get3A_2969, %get3A_2970] {strides = array<i32>} : memref<36x128xf32, #tpu.memory_space<vmem>>, vector<1x16xf32>,
    %get3A_2972 = vector.shape_cast %get3A_2971 : vector<1x16xf32> to vector<16xf32>
    %add3A_2973 = arith.addf %add3A_2967, %get3A_2972 : vector<16xf32>
    %get3A_2974 = arith.constant 26 : i32
    %get3A_2975 = arith.index_cast %get3A_2974 : i32 to index
    %get3A_2976 = arith.constant 80 : index
    %get3A_2977 = tpu.vector_load %arg9[%get3A_2975, %get3A_2976] {strides = array<i32>} : memref<36x128xf32, #tpu.memory_space<vmem>>, vector<1x16xf32>,
    %get3A_2978 = vector.shape_cast %get3A_2977 : vector<1x16xf32> to vector<16xf32>
    %add3A_2979 = arith.addf %add3A_2973, %get3A_2978 : vector<16xf32>
    %get3A_2980 = arith.constant 26 : i32
    %get3A_2981 = arith.index_cast %get3A_2980 : i32 to index
    %get3A_2982 = arith.constant 96 : index
    %get3A_2983 = tpu.vector_load %arg9[%get3A_2981, %get3A_2982] {strides = array<i32>} : memref<36x128xf32, #tpu.memory_space<vmem>>, vector<1x16xf32>,
    %get3A_2984 = vector.shape_cast %get3A_2983 : vector<1x16xf32> to vector<16xf32>
    %add3A_2985 = arith.addf %add3A_2979, %get3A_2984 : vector<16xf32>
    %get3A_2986 = arith.constant 26 : i32
    %get3A_2987 = arith.index_cast %get3A_2986 : i32 to index
    %get3A_2988 = arith.constant 112 : index
    %get3A_2989 = tpu.vector_load %arg9[%get3A_2987, %get3A_2988] {strides = array<i32>} : memref<36x128xf32, #tpu.memory_space<vmem>>, vector<1x16xf32>,
    %get3A_2990 = vector.shape_cast %get3A_2989 : vector<1x16xf32> to vector<16xf32>
    %add3A_2991 = arith.addf %add3A_2985, %get3A_2990 : vector<16xf32>
    %get3A_2992 = arith.constant 27 : i32
    %get3A_2993 = arith.index_cast %get3A_2992 : i32 to index
    %get3A_2994 = arith.constant 0 : index
    %get3A_2995 = tpu.vector_load %arg9[%get3A_2993, %get3A_2994] {strides = array<i32>} : memref<36x128xf32, #tpu.memory_space<vmem>>, vector<1x16xf32>,
    %get3A_2996 = vector.shape_cast %get3A_2995 : vector<1x16xf32> to vector<16xf32>
    %add3A_2997 = arith.addf %add3A_2991, %get3A_2996 : vector<16xf32>
    %get3A_2998 = arith.constant 27 : i32
    %get3A_2999 = arith.index_cast %get3A_2998 : i32 to index
    %get3A_3000 = arith.constant 16 : index
    %get3A_3001 = tpu.vector_load %arg9[%get3A_2999, %get3A_3000] {strides = array<i32>} : memref<36x128xf32, #tpu.memory_space<vmem>>, vector<1x16xf32>,
    %get3A_3002 = vector.shape_cast %get3A_3001 : vector<1x16xf32> to vector<16xf32>
    %add3A_3003 = arith.addf %add3A_2997, %get3A_3002 : vector<16xf32>
    %get3A_3004 = arith.constant 27 : i32
    %get3A_3005 = arith.index_cast %get3A_3004 : i32 to index
    %get3A_3006 = arith.constant 32 : index
    %get3A_3007 = tpu.vector_load %arg9[%get3A_3005, %get3A_3006] {strides = array<i32>} : memref<36x128xf32, #tpu.memory_space<vmem>>, vector<1x16xf32>,
    %get3A_3008 = vector.shape_cast %get3A_3007 : vector<1x16xf32> to vector<16xf32>
    %add3A_3009 = arith.addf %add3A_3003, %get3A_3008 : vector<16xf32>
    %get3A_3010 = arith.constant 27 : i32
    %get3A_3011 = arith.index_cast %get3A_3010 : i32 to index
    %get3A_3012 = arith.constant 48 : index
    %get3A_3013 = tpu.vector_load %arg9[%get3A_3011, %get3A_3012] {strides = array<i32>} : memref<36x128xf32, #tpu.memory_space<vmem>>, vector<1x16xf32>,
    %get3A_3014 = vector.shape_cast %get3A_3013 : vector<1x16xf32> to vector<16xf32>
    %add3A_3015 = arith.addf %add3A_3009, %get3A_3014 : vector<16xf32>
    %get3A_3016 = arith.constant 27 : i32
    %get3A_3017 = arith.index_cast %get3A_3016 : i32 to index
    %get3A_3018 = arith.constant 64 : index
    %get3A_3019 = tpu.vector_load %arg9[%get3A_3017, %get3A_3018] {strides = array<i32>} : memref<36x128xf32, #tpu.memory_space<vmem>>, vector<1x16xf32>,
    %get3A_3020 = vector.shape_cast %get3A_3019 : vector<1x16xf32> to vector<16xf32>
    %add3A_3021 = arith.addf %add3A_3015, %get3A_3020 : vector<16xf32>
    %get3A_3022 = arith.constant 27 : i32
    %get3A_3023 = arith.index_cast %get3A_3022 : i32 to index
    %get3A_3024 = arith.constant 80 : index
    %get3A_3025 = tpu.vector_load %arg9[%get3A_3023, %get3A_3024] {strides = array<i32>} : memref<36x128xf32, #tpu.memory_space<vmem>>, vector<1x16xf32>,
    %get3A_3026 = vector.shape_cast %get3A_3025 : vector<1x16xf32> to vector<16xf32>
    %add3A_3027 = arith.addf %add3A_3021, %get3A_3026 : vector<16xf32>
    %get3A_3028 = arith.constant 27 : i32
    %get3A_3029 = arith.index_cast %get3A_3028 : i32 to index
    %get3A_3030 = arith.constant 96 : index
    %get3A_3031 = tpu.vector_load %arg9[%get3A_3029, %get3A_3030] {strides = array<i32>} : memref<36x128xf32, #tpu.memory_space<vmem>>, vector<1x16xf32>,
    %get3A_3032 = vector.shape_cast %get3A_3031 : vector<1x16xf32> to vector<16xf32>
    %add3A_3033 = arith.addf %add3A_3027, %get3A_3032 : vector<16xf32>
    %get3A_3034 = arith.constant 27 : i32
    %get3A_3035 = arith.index_cast %get3A_3034 : i32 to index
    %get3A_3036 = arith.constant 112 : index
    %get3A_3037 = tpu.vector_load %arg9[%get3A_3035, %get3A_3036] {strides = array<i32>} : memref<36x128xf32, #tpu.memory_space<vmem>>, vector<1x16xf32>,
    %get3A_3038 = vector.shape_cast %get3A_3037 : vector<1x16xf32> to vector<16xf32>
    %add3A_3039 = arith.addf %add3A_3033, %get3A_3038 : vector<16xf32>
    %get3A_3040 = arith.constant 28 : i32
    %get3A_3041 = arith.index_cast %get3A_3040 : i32 to index
    %get3A_3042 = arith.constant 0 : index
    %get3A_3043 = tpu.vector_load %arg9[%get3A_3041, %get3A_3042] {strides = array<i32>} : memref<36x128xf32, #tpu.memory_space<vmem>>, vector<1x16xf32>,
    %get3A_3044 = vector.shape_cast %get3A_3043 : vector<1x16xf32> to vector<16xf32>
    %add3A_3045 = arith.addf %broadcast_in_dim3A_1693, %get3A_3044 : vector<16xf32>
    %get3A_3046 = arith.constant 28 : i32
    %get3A_3047 = arith.index_cast %get3A_3046 : i32 to index
    %get3A_3048 = arith.constant 16 : index
    %get3A_3049 = tpu.vector_load %arg9[%get3A_3047, %get3A_3048] {strides = array<i32>} : memref<36x128xf32, #tpu.memory_space<vmem>>, vector<1x16xf32>,
    %get3A_3050 = vector.shape_cast %get3A_3049 : vector<1x16xf32> to vector<16xf32>
    %add3A_3051 = arith.addf %add3A_3045, %get3A_3050 : vector<16xf32>
    %get3A_3052 = arith.constant 28 : i32
    %get3A_3053 = arith.index_cast %get3A_3052 : i32 to index
    %get3A_3054 = arith.constant 32 : index
    %get3A_3055 = tpu.vector_load %arg9[%get3A_3053, %get3A_3054] {strides = array<i32>} : memref<36x128xf32, #tpu.memory_space<vmem>>, vector<1x16xf32>,
    %get3A_3056 = vector.shape_cast %get3A_3055 : vector<1x16xf32> to vector<16xf32>
    %add3A_3057 = arith.addf %add3A_3051, %get3A_3056 : vector<16xf32>
    %get3A_3058 = arith.constant 28 : i32
    %get3A_3059 = arith.index_cast %get3A_3058 : i32 to index
    %get3A_3060 = arith.constant 48 : index
    %get3A_3061 = tpu.vector_load %arg9[%get3A_3059, %get3A_3060] {strides = array<i32>} : memref<36x128xf32, #tpu.memory_space<vmem>>, vector<1x16xf32>,
    %get3A_3062 = vector.shape_cast %get3A_3061 : vector<1x16xf32> to vector<16xf32>
    %add3A_3063 = arith.addf %add3A_3057, %get3A_3062 : vector<16xf32>
    %get3A_3064 = arith.constant 28 : i32
    %get3A_3065 = arith.index_cast %get3A_3064 : i32 to index
    %get3A_3066 = arith.constant 64 : index
    %get3A_3067 = tpu.vector_load %arg9[%get3A_3065, %get3A_3066] {strides = array<i32>} : memref<36x128xf32, #tpu.memory_space<vmem>>, vector<1x16xf32>,
    %get3A_3068 = vector.shape_cast %get3A_3067 : vector<1x16xf32> to vector<16xf32>
    %add3A_3069 = arith.addf %add3A_3063, %get3A_3068 : vector<16xf32>
    %get3A_3070 = arith.constant 28 : i32
    %get3A_3071 = arith.index_cast %get3A_3070 : i32 to index
    %get3A_3072 = arith.constant 80 : index
    %get3A_3073 = tpu.vector_load %arg9[%get3A_3071, %get3A_3072] {strides = array<i32>} : memref<36x128xf32, #tpu.memory_space<vmem>>, vector<1x16xf32>,
    %get3A_3074 = vector.shape_cast %get3A_3073 : vector<1x16xf32> to vector<16xf32>
    %add3A_3075 = arith.addf %add3A_3069, %get3A_3074 : vector<16xf32>
    %get3A_3076 = arith.constant 28 : i32
    %get3A_3077 = arith.index_cast %get3A_3076 : i32 to index
    %get3A_3078 = arith.constant 96 : index
    %get3A_3079 = tpu.vector_load %arg9[%get3A_3077, %get3A_3078] {strides = array<i32>} : memref<36x128xf32, #tpu.memory_space<vmem>>, vector<1x16xf32>,
    %get3A_3080 = vector.shape_cast %get3A_3079 : vector<1x16xf32> to vector<16xf32>
    %add3A_3081 = arith.addf %add3A_3075, %get3A_3080 : vector<16xf32>
    %get3A_3082 = arith.constant 28 : i32
    %get3A_3083 = arith.index_cast %get3A_3082 : i32 to index
    %get3A_3084 = arith.constant 112 : index
    %get3A_3085 = tpu.vector_load %arg9[%get3A_3083, %get3A_3084] {strides = array<i32>} : memref<36x128xf32, #tpu.memory_space<vmem>>, vector<1x16xf32>,
    %get3A_3086 = vector.shape_cast %get3A_3085 : vector<1x16xf32> to vector<16xf32>
    %add3A_3087 = arith.addf %add3A_3081, %get3A_3086 : vector<16xf32>
    %get3A_3088 = arith.constant 29 : i32
    %get3A_3089 = arith.index_cast %get3A_3088 : i32 to index
    %get3A_3090 = arith.constant 0 : index
    %get3A_3091 = tpu.vector_load %arg9[%get3A_3089, %get3A_3090] {strides = array<i32>} : memref<36x128xf32, #tpu.memory_space<vmem>>, vector<1x16xf32>,
    %get3A_3092 = vector.shape_cast %get3A_3091 : vector<1x16xf32> to vector<16xf32>
    %add3A_3093 = arith.addf %add3A_3087, %get3A_3092 : vector<16xf32>
    %get3A_3094 = arith.constant 29 : i32
    %get3A_3095 = arith.index_cast %get3A_3094 : i32 to index
    %get3A_3096 = arith.constant 16 : index
    %get3A_3097 = tpu.vector_load %arg9[%get3A_3095, %get3A_3096] {strides = array<i32>} : memref<36x128xf32, #tpu.memory_space<vmem>>, vector<1x16xf32>,
    %get3A_3098 = vector.shape_cast %get3A_3097 : vector<1x16xf32> to vector<16xf32>
    %add3A_3099 = arith.addf %add3A_3093, %get3A_3098 : vector<16xf32>
    %get3A_3100 = arith.constant 29 : i32
    %get3A_3101 = arith.index_cast %get3A_3100 : i32 to index
    %get3A_3102 = arith.constant 32 : index
    %get3A_3103 = tpu.vector_load %arg9[%get3A_3101, %get3A_3102] {strides = array<i32>} : memref<36x128xf32, #tpu.memory_space<vmem>>, vector<1x16xf32>,
    %get3A_3104 = vector.shape_cast %get3A_3103 : vector<1x16xf32> to vector<16xf32>
    %add3A_3105 = arith.addf %add3A_3099, %get3A_3104 : vector<16xf32>
    %get3A_3106 = arith.constant 29 : i32
    %get3A_3107 = arith.index_cast %get3A_3106 : i32 to index
    %get3A_3108 = arith.constant 48 : index
    %get3A_3109 = tpu.vector_load %arg9[%get3A_3107, %get3A_3108] {strides = array<i32>} : memref<36x128xf32, #tpu.memory_space<vmem>>, vector<1x16xf32>,
    %get3A_3110 = vector.shape_cast %get3A_3109 : vector<1x16xf32> to vector<16xf32>
    %add3A_3111 = arith.addf %add3A_3105, %get3A_3110 : vector<16xf32>
    %get3A_3112 = arith.constant 29 : i32
    %get3A_3113 = arith.index_cast %get3A_3112 : i32 to index
    %get3A_3114 = arith.constant 64 : index
    %get3A_3115 = tpu.vector_load %arg9[%get3A_3113, %get3A_3114] {strides = array<i32>} : memref<36x128xf32, #tpu.memory_space<vmem>>, vector<1x16xf32>,
    %get3A_3116 = vector.shape_cast %get3A_3115 : vector<1x16xf32> to vector<16xf32>
    %add3A_3117 = arith.addf %add3A_3111, %get3A_3116 : vector<16xf32>
    %get3A_3118 = arith.constant 29 : i32
    %get3A_3119 = arith.index_cast %get3A_3118 : i32 to index
    %get3A_3120 = arith.constant 80 : index
    %get3A_3121 = tpu.vector_load %arg9[%get3A_3119, %get3A_3120] {strides = array<i32>} : memref<36x128xf32, #tpu.memory_space<vmem>>, vector<1x16xf32>,
    %get3A_3122 = vector.shape_cast %get3A_3121 : vector<1x16xf32> to vector<16xf32>
    %add3A_3123 = arith.addf %add3A_3117, %get3A_3122 : vector<16xf32>
    %get3A_3124 = arith.constant 29 : i32
    %get3A_3125 = arith.index_cast %get3A_3124 : i32 to index
    %get3A_3126 = arith.constant 96 : index
    %get3A_3127 = tpu.vector_load %arg9[%get3A_3125, %get3A_3126] {strides = array<i32>} : memref<36x128xf32, #tpu.memory_space<vmem>>, vector<1x16xf32>,
    %get3A_3128 = vector.shape_cast %get3A_3127 : vector<1x16xf32> to vector<16xf32>
    %add3A_3129 = arith.addf %add3A_3123, %get3A_3128 : vector<16xf32>
    %get3A_3130 = arith.constant 29 : i32
    %get3A_3131 = arith.index_cast %get3A_3130 : i32 to index
    %get3A_3132 = arith.constant 112 : index
    %get3A_3133 = tpu.vector_load %arg9[%get3A_3131, %get3A_3132] {strides = array<i32>} : memref<36x128xf32, #tpu.memory_space<vmem>>, vector<1x16xf32>,
    %get3A_3134 = vector.shape_cast %get3A_3133 : vector<1x16xf32> to vector<16xf32>
    %add3A_3135 = arith.addf %add3A_3129, %get3A_3134 : vector<16xf32>
    %get3A_3136 = arith.constant 30 : i32
    %get3A_3137 = arith.index_cast %get3A_3136 : i32 to index
    %get3A_3138 = arith.constant 0 : index
    %get3A_3139 = tpu.vector_load %arg9[%get3A_3137, %get3A_3138] {strides = array<i32>} : memref<36x128xf32, #tpu.memory_space<vmem>>, vector<1x16xf32>,
    %get3A_3140 = vector.shape_cast %get3A_3139 : vector<1x16xf32> to vector<16xf32>
    %add3A_3141 = arith.addf %add3A_3135, %get3A_3140 : vector<16xf32>
    %get3A_3142 = arith.constant 30 : i32
    %get3A_3143 = arith.index_cast %get3A_3142 : i32 to index
    %get3A_3144 = arith.constant 16 : index
    %get3A_3145 = tpu.vector_load %arg9[%get3A_3143, %get3A_3144] {strides = array<i32>} : memref<36x128xf32, #tpu.memory_space<vmem>>, vector<1x16xf32>,
    %get3A_3146 = vector.shape_cast %get3A_3145 : vector<1x16xf32> to vector<16xf32>
    %add3A_3147 = arith.addf %add3A_3141, %get3A_3146 : vector<16xf32>
    %get3A_3148 = arith.constant 30 : i32
    %get3A_3149 = arith.index_cast %get3A_3148 : i32 to index
    %get3A_3150 = arith.constant 32 : index
    %get3A_3151 = tpu.vector_load %arg9[%get3A_3149, %get3A_3150] {strides = array<i32>} : memref<36x128xf32, #tpu.memory_space<vmem>>, vector<1x16xf32>,
    %get3A_3152 = vector.shape_cast %get3A_3151 : vector<1x16xf32> to vector<16xf32>
    %add3A_3153 = arith.addf %add3A_3147, %get3A_3152 : vector<16xf32>
    %get3A_3154 = arith.constant 30 : i32
    %get3A_3155 = arith.index_cast %get3A_3154 : i32 to index
    %get3A_3156 = arith.constant 48 : index
    %get3A_3157 = tpu.vector_load %arg9[%get3A_3155, %get3A_3156] {strides = array<i32>} : memref<36x128xf32, #tpu.memory_space<vmem>>, vector<1x16xf32>,
    %get3A_3158 = vector.shape_cast %get3A_3157 : vector<1x16xf32> to vector<16xf32>
    %add3A_3159 = arith.addf %add3A_3153, %get3A_3158 : vector<16xf32>
    %get3A_3160 = arith.constant 30 : i32
    %get3A_3161 = arith.index_cast %get3A_3160 : i32 to index
    %get3A_3162 = arith.constant 64 : index
    %get3A_3163 = tpu.vector_load %arg9[%get3A_3161, %get3A_3162] {strides = array<i32>} : memref<36x128xf32, #tpu.memory_space<vmem>>, vector<1x16xf32>,
    %get3A_3164 = vector.shape_cast %get3A_3163 : vector<1x16xf32> to vector<16xf32>
    %add3A_3165 = arith.addf %add3A_3159, %get3A_3164 : vector<16xf32>
    %get3A_3166 = arith.constant 30 : i32
    %get3A_3167 = arith.index_cast %get3A_3166 : i32 to index
    %get3A_3168 = arith.constant 80 : index
    %get3A_3169 = tpu.vector_load %arg9[%get3A_3167, %get3A_3168] {strides = array<i32>} : memref<36x128xf32, #tpu.memory_space<vmem>>, vector<1x16xf32>,
    %get3A_3170 = vector.shape_cast %get3A_3169 : vector<1x16xf32> to vector<16xf32>
    %add3A_3171 = arith.addf %add3A_3165, %get3A_3170 : vector<16xf32>
    %get3A_3172 = arith.constant 30 : i32
    %get3A_3173 = arith.index_cast %get3A_3172 : i32 to index
    %get3A_3174 = arith.constant 96 : index
    %get3A_3175 = tpu.vector_load %arg9[%get3A_3173, %get3A_3174] {strides = array<i32>} : memref<36x128xf32, #tpu.memory_space<vmem>>, vector<1x16xf32>,
    %get3A_3176 = vector.shape_cast %get3A_3175 : vector<1x16xf32> to vector<16xf32>
    %add3A_3177 = arith.addf %add3A_3171, %get3A_3176 : vector<16xf32>
    %get3A_3178 = arith.constant 30 : i32
    %get3A_3179 = arith.index_cast %get3A_3178 : i32 to index
    %get3A_3180 = arith.constant 112 : index
    %get3A_3181 = tpu.vector_load %arg9[%get3A_3179, %get3A_3180] {strides = array<i32>} : memref<36x128xf32, #tpu.memory_space<vmem>>, vector<1x16xf32>,
    %get3A_3182 = vector.shape_cast %get3A_3181 : vector<1x16xf32> to vector<16xf32>
    %add3A_3183 = arith.addf %add3A_3177, %get3A_3182 : vector<16xf32>
    %get3A_3184 = arith.constant 31 : i32
    %get3A_3185 = arith.index_cast %get3A_3184 : i32 to index
    %get3A_3186 = arith.constant 0 : index
    %get3A_3187 = tpu.vector_load %arg9[%get3A_3185, %get3A_3186] {strides = array<i32>} : memref<36x128xf32, #tpu.memory_space<vmem>>, vector<1x16xf32>,
    %get3A_3188 = vector.shape_cast %get3A_3187 : vector<1x16xf32> to vector<16xf32>
    %add3A_3189 = arith.addf %add3A_3183, %get3A_3188 : vector<16xf32>
    %get3A_3190 = arith.constant 31 : i32
    %get3A_3191 = arith.index_cast %get3A_3190 : i32 to index
    %get3A_3192 = arith.constant 16 : index
    %get3A_3193 = tpu.vector_load %arg9[%get3A_3191, %get3A_3192] {strides = array<i32>} : memref<36x128xf32, #tpu.memory_space<vmem>>, vector<1x16xf32>,
    %get3A_3194 = vector.shape_cast %get3A_3193 : vector<1x16xf32> to vector<16xf32>
    %add3A_3195 = arith.addf %add3A_3189, %get3A_3194 : vector<16xf32>
    %get3A_3196 = arith.constant 31 : i32
    %get3A_3197 = arith.index_cast %get3A_3196 : i32 to index
    %get3A_3198 = arith.constant 32 : index
    %get3A_3199 = tpu.vector_load %arg9[%get3A_3197, %get3A_3198] {strides = array<i32>} : memref<36x128xf32, #tpu.memory_space<vmem>>, vector<1x16xf32>,
    %get3A_3200 = vector.shape_cast %get3A_3199 : vector<1x16xf32> to vector<16xf32>
    %add3A_3201 = arith.addf %add3A_3195, %get3A_3200 : vector<16xf32>
    %get3A_3202 = arith.constant 31 : i32
    %get3A_3203 = arith.index_cast %get3A_3202 : i32 to index
    %get3A_3204 = arith.constant 48 : index
    %get3A_3205 = tpu.vector_load %arg9[%get3A_3203, %get3A_3204] {strides = array<i32>} : memref<36x128xf32, #tpu.memory_space<vmem>>, vector<1x16xf32>,
    %get3A_3206 = vector.shape_cast %get3A_3205 : vector<1x16xf32> to vector<16xf32>
    %add3A_3207 = arith.addf %add3A_3201, %get3A_3206 : vector<16xf32>
    %get3A_3208 = arith.constant 31 : i32
    %get3A_3209 = arith.index_cast %get3A_3208 : i32 to index
    %get3A_3210 = arith.constant 64 : index
    %get3A_3211 = tpu.vector_load %arg9[%get3A_3209, %get3A_3210] {strides = array<i32>} : memref<36x128xf32, #tpu.memory_space<vmem>>, vector<1x16xf32>,
    %get3A_3212 = vector.shape_cast %get3A_3211 : vector<1x16xf32> to vector<16xf32>
    %add3A_3213 = arith.addf %add3A_3207, %get3A_3212 : vector<16xf32>
    %get3A_3214 = arith.constant 31 : i32
    %get3A_3215 = arith.index_cast %get3A_3214 : i32 to index
    %get3A_3216 = arith.constant 80 : index
    %get3A_3217 = tpu.vector_load %arg9[%get3A_3215, %get3A_3216] {strides = array<i32>} : memref<36x128xf32, #tpu.memory_space<vmem>>, vector<1x16xf32>,
    %get3A_3218 = vector.shape_cast %get3A_3217 : vector<1x16xf32> to vector<16xf32>
    %add3A_3219 = arith.addf %add3A_3213, %get3A_3218 : vector<16xf32>
    %get3A_3220 = arith.constant 31 : i32
    %get3A_3221 = arith.index_cast %get3A_3220 : i32 to index
    %get3A_3222 = arith.constant 96 : index
    %get3A_3223 = tpu.vector_load %arg9[%get3A_3221, %get3A_3222] {strides = array<i32>} : memref<36x128xf32, #tpu.memory_space<vmem>>, vector<1x16xf32>,
    %get3A_3224 = vector.shape_cast %get3A_3223 : vector<1x16xf32> to vector<16xf32>
    %add3A_3225 = arith.addf %add3A_3219, %get3A_3224 : vector<16xf32>
    %get3A_3226 = arith.constant 31 : i32
    %get3A_3227 = arith.index_cast %get3A_3226 : i32 to index
    %get3A_3228 = arith.constant 112 : index
    %get3A_3229 = tpu.vector_load %arg9[%get3A_3227, %get3A_3228] {strides = array<i32>} : memref<36x128xf32, #tpu.memory_space<vmem>>, vector<1x16xf32>,
    %get3A_3230 = vector.shape_cast %get3A_3229 : vector<1x16xf32> to vector<16xf32>
    %add3A_3231 = arith.addf %add3A_3225, %get3A_3230 : vector<16xf32>
    %get3A_3232 = arith.constant 32 : i32
    %get3A_3233 = arith.index_cast %get3A_3232 : i32 to index
    %get3A_3234 = arith.constant 0 : index
    %get3A_3235 = tpu.vector_load %arg9[%get3A_3233, %get3A_3234] {strides = array<i32>} : memref<36x128xf32, #tpu.memory_space<vmem>>, vector<1x16xf32>,
    %get3A_3236 = vector.shape_cast %get3A_3235 : vector<1x16xf32> to vector<16xf32>
    %add3A_3237 = arith.addf %broadcast_in_dim3A_1695, %get3A_3236 : vector<16xf32>
    %get3A_3238 = arith.constant 32 : i32
    %get3A_3239 = arith.index_cast %get3A_3238 : i32 to index
    %get3A_3240 = arith.constant 16 : index
    %get3A_3241 = tpu.vector_load %arg9[%get3A_3239, %get3A_3240] {strides = array<i32>} : memref<36x128xf32, #tpu.memory_space<vmem>>, vector<1x16xf32>,
    %get3A_3242 = vector.shape_cast %get3A_3241 : vector<1x16xf32> to vector<16xf32>
    %add3A_3243 = arith.addf %add3A_3237, %get3A_3242 : vector<16xf32>
    %get3A_3244 = arith.constant 32 : i32
    %get3A_3245 = arith.index_cast %get3A_3244 : i32 to index
    %get3A_3246 = arith.constant 32 : index
    %get3A_3247 = tpu.vector_load %arg9[%get3A_3245, %get3A_3246] {strides = array<i32>} : memref<36x128xf32, #tpu.memory_space<vmem>>, vector<1x16xf32>,
    %get3A_3248 = vector.shape_cast %get3A_3247 : vector<1x16xf32> to vector<16xf32>
    %add3A_3249 = arith.addf %add3A_3243, %get3A_3248 : vector<16xf32>
    %get3A_3250 = arith.constant 32 : i32
    %get3A_3251 = arith.index_cast %get3A_3250 : i32 to index
    %get3A_3252 = arith.constant 48 : index
    %get3A_3253 = tpu.vector_load %arg9[%get3A_3251, %get3A_3252] {strides = array<i32>} : memref<36x128xf32, #tpu.memory_space<vmem>>, vector<1x16xf32>,
    %get3A_3254 = vector.shape_cast %get3A_3253 : vector<1x16xf32> to vector<16xf32>
    %add3A_3255 = arith.addf %add3A_3249, %get3A_3254 : vector<16xf32>
    %get3A_3256 = arith.constant 32 : i32
    %get3A_3257 = arith.index_cast %get3A_3256 : i32 to index
    %get3A_3258 = arith.constant 64 : index
    %get3A_3259 = tpu.vector_load %arg9[%get3A_3257, %get3A_3258] {strides = array<i32>} : memref<36x128xf32, #tpu.memory_space<vmem>>, vector<1x16xf32>,
    %get3A_3260 = vector.shape_cast %get3A_3259 : vector<1x16xf32> to vector<16xf32>
    %add3A_3261 = arith.addf %add3A_3255, %get3A_3260 : vector<16xf32>
    %get3A_3262 = arith.constant 32 : i32
    %get3A_3263 = arith.index_cast %get3A_3262 : i32 to index
    %get3A_3264 = arith.constant 80 : index
    %get3A_3265 = tpu.vector_load %arg9[%get3A_3263, %get3A_3264] {strides = array<i32>} : memref<36x128xf32, #tpu.memory_space<vmem>>, vector<1x16xf32>,
    %get3A_3266 = vector.shape_cast %get3A_3265 : vector<1x16xf32> to vector<16xf32>
    %add3A_3267 = arith.addf %add3A_3261, %get3A_3266 : vector<16xf32>
    %get3A_3268 = arith.constant 32 : i32
    %get3A_3269 = arith.index_cast %get3A_3268 : i32 to index
    %get3A_3270 = arith.constant 96 : index
    %get3A_3271 = tpu.vector_load %arg9[%get3A_3269, %get3A_3270] {strides = array<i32>} : memref<36x128xf32, #tpu.memory_space<vmem>>, vector<1x16xf32>,
    %get3A_3272 = vector.shape_cast %get3A_3271 : vector<1x16xf32> to vector<16xf32>
    %add3A_3273 = arith.addf %add3A_3267, %get3A_3272 : vector<16xf32>
    %get3A_3274 = arith.constant 32 : i32
    %get3A_3275 = arith.index_cast %get3A_3274 : i32 to index
    %get3A_3276 = arith.constant 112 : index
    %get3A_3277 = tpu.vector_load %arg9[%get3A_3275, %get3A_3276] {strides = array<i32>} : memref<36x128xf32, #tpu.memory_space<vmem>>, vector<1x16xf32>,
    %get3A_3278 = vector.shape_cast %get3A_3277 : vector<1x16xf32> to vector<16xf32>
    %add3A_3279 = arith.addf %add3A_3273, %get3A_3278 : vector<16xf32>
    %get3A_3280 = arith.constant 33 : i32
    %get3A_3281 = arith.index_cast %get3A_3280 : i32 to index
    %get3A_3282 = arith.constant 0 : index
    %get3A_3283 = tpu.vector_load %arg9[%get3A_3281, %get3A_3282] {strides = array<i32>} : memref<36x128xf32, #tpu.memory_space<vmem>>, vector<1x16xf32>,
    %get3A_3284 = vector.shape_cast %get3A_3283 : vector<1x16xf32> to vector<16xf32>
    %add3A_3285 = arith.addf %add3A_3279, %get3A_3284 : vector<16xf32>
    %get3A_3286 = arith.constant 33 : i32
    %get3A_3287 = arith.index_cast %get3A_3286 : i32 to index
    %get3A_3288 = arith.constant 16 : index
    %get3A_3289 = tpu.vector_load %arg9[%get3A_3287, %get3A_3288] {strides = array<i32>} : memref<36x128xf32, #tpu.memory_space<vmem>>, vector<1x16xf32>,
    %get3A_3290 = vector.shape_cast %get3A_3289 : vector<1x16xf32> to vector<16xf32>
    %add3A_3291 = arith.addf %add3A_3285, %get3A_3290 : vector<16xf32>
    %get3A_3292 = arith.constant 33 : i32
    %get3A_3293 = arith.index_cast %get3A_3292 : i32 to index
    %get3A_3294 = arith.constant 32 : index
    %get3A_3295 = tpu.vector_load %arg9[%get3A_3293, %get3A_3294] {strides = array<i32>} : memref<36x128xf32, #tpu.memory_space<vmem>>, vector<1x16xf32>,
    %get3A_3296 = vector.shape_cast %get3A_3295 : vector<1x16xf32> to vector<16xf32>
    %add3A_3297 = arith.addf %add3A_3291, %get3A_3296 : vector<16xf32>
    %get3A_3298 = arith.constant 33 : i32
    %get3A_3299 = arith.index_cast %get3A_3298 : i32 to index
    %get3A_3300 = arith.constant 48 : index
    %get3A_3301 = tpu.vector_load %arg9[%get3A_3299, %get3A_3300] {strides = array<i32>} : memref<36x128xf32, #tpu.memory_space<vmem>>, vector<1x16xf32>,
    %get3A_3302 = vector.shape_cast %get3A_3301 : vector<1x16xf32> to vector<16xf32>
    %add3A_3303 = arith.addf %add3A_3297, %get3A_3302 : vector<16xf32>
    %get3A_3304 = arith.constant 33 : i32
    %get3A_3305 = arith.index_cast %get3A_3304 : i32 to index
    %get3A_3306 = arith.constant 64 : index
    %get3A_3307 = tpu.vector_load %arg9[%get3A_3305, %get3A_3306] {strides = array<i32>} : memref<36x128xf32, #tpu.memory_space<vmem>>, vector<1x16xf32>,
    %get3A_3308 = vector.shape_cast %get3A_3307 : vector<1x16xf32> to vector<16xf32>
    %add3A_3309 = arith.addf %add3A_3303, %get3A_3308 : vector<16xf32>
    %get3A_3310 = arith.constant 33 : i32
    %get3A_3311 = arith.index_cast %get3A_3310 : i32 to index
    %get3A_3312 = arith.constant 80 : index
    %get3A_3313 = tpu.vector_load %arg9[%get3A_3311, %get3A_3312] {strides = array<i32>} : memref<36x128xf32, #tpu.memory_space<vmem>>, vector<1x16xf32>,
    %get3A_3314 = vector.shape_cast %get3A_3313 : vector<1x16xf32> to vector<16xf32>
    %add3A_3315 = arith.addf %add3A_3309, %get3A_3314 : vector<16xf32>
    %get3A_3316 = arith.constant 33 : i32
    %get3A_3317 = arith.index_cast %get3A_3316 : i32 to index
    %get3A_3318 = arith.constant 96 : index
    %get3A_3319 = tpu.vector_load %arg9[%get3A_3317, %get3A_3318] {strides = array<i32>} : memref<36x128xf32, #tpu.memory_space<vmem>>, vector<1x16xf32>,
    %get3A_3320 = vector.shape_cast %get3A_3319 : vector<1x16xf32> to vector<16xf32>
    %add3A_3321 = arith.addf %add3A_3315, %get3A_3320 : vector<16xf32>
    %get3A_3322 = arith.constant 33 : i32
    %get3A_3323 = arith.index_cast %get3A_3322 : i32 to index
    %get3A_3324 = arith.constant 112 : index
    %get3A_3325 = tpu.vector_load %arg9[%get3A_3323, %get3A_3324] {strides = array<i32>} : memref<36x128xf32, #tpu.memory_space<vmem>>, vector<1x16xf32>,
    %get3A_3326 = vector.shape_cast %get3A_3325 : vector<1x16xf32> to vector<16xf32>
    %add3A_3327 = arith.addf %add3A_3321, %get3A_3326 : vector<16xf32>
    %get3A_3328 = arith.constant 34 : i32
    %get3A_3329 = arith.index_cast %get3A_3328 : i32 to index
    %get3A_3330 = arith.constant 0 : index
    %get3A_3331 = tpu.vector_load %arg9[%get3A_3329, %get3A_3330] {strides = array<i32>} : memref<36x128xf32, #tpu.memory_space<vmem>>, vector<1x16xf32>,
    %get3A_3332 = vector.shape_cast %get3A_3331 : vector<1x16xf32> to vector<16xf32>
    %add3A_3333 = arith.addf %add3A_3327, %get3A_3332 : vector<16xf32>
    %get3A_3334 = arith.constant 34 : i32
    %get3A_3335 = arith.index_cast %get3A_3334 : i32 to index
    %get3A_3336 = arith.constant 16 : index
    %get3A_3337 = tpu.vector_load %arg9[%get3A_3335, %get3A_3336] {strides = array<i32>} : memref<36x128xf32, #tpu.memory_space<vmem>>, vector<1x16xf32>,
    %get3A_3338 = vector.shape_cast %get3A_3337 : vector<1x16xf32> to vector<16xf32>
    %add3A_3339 = arith.addf %add3A_3333, %get3A_3338 : vector<16xf32>
    %get3A_3340 = arith.constant 34 : i32
    %get3A_3341 = arith.index_cast %get3A_3340 : i32 to index
    %get3A_3342 = arith.constant 32 : index
    %get3A_3343 = tpu.vector_load %arg9[%get3A_3341, %get3A_3342] {strides = array<i32>} : memref<36x128xf32, #tpu.memory_space<vmem>>, vector<1x16xf32>,
    %get3A_3344 = vector.shape_cast %get3A_3343 : vector<1x16xf32> to vector<16xf32>
    %add3A_3345 = arith.addf %add3A_3339, %get3A_3344 : vector<16xf32>
    %get3A_3346 = arith.constant 34 : i32
    %get3A_3347 = arith.index_cast %get3A_3346 : i32 to index
    %get3A_3348 = arith.constant 48 : index
    %get3A_3349 = tpu.vector_load %arg9[%get3A_3347, %get3A_3348] {strides = array<i32>} : memref<36x128xf32, #tpu.memory_space<vmem>>, vector<1x16xf32>,
    %get3A_3350 = vector.shape_cast %get3A_3349 : vector<1x16xf32> to vector<16xf32>
    %add3A_3351 = arith.addf %add3A_3345, %get3A_3350 : vector<16xf32>
    %get3A_3352 = arith.constant 34 : i32
    %get3A_3353 = arith.index_cast %get3A_3352 : i32 to index
    %get3A_3354 = arith.constant 64 : index
    %get3A_3355 = tpu.vector_load %arg9[%get3A_3353, %get3A_3354] {strides = array<i32>} : memref<36x128xf32, #tpu.memory_space<vmem>>, vector<1x16xf32>,
    %get3A_3356 = vector.shape_cast %get3A_3355 : vector<1x16xf32> to vector<16xf32>
    %add3A_3357 = arith.addf %add3A_3351, %get3A_3356 : vector<16xf32>
    %get3A_3358 = arith.constant 34 : i32
    %get3A_3359 = arith.index_cast %get3A_3358 : i32 to index
    %get3A_3360 = arith.constant 80 : index
    %get3A_3361 = tpu.vector_load %arg9[%get3A_3359, %get3A_3360] {strides = array<i32>} : memref<36x128xf32, #tpu.memory_space<vmem>>, vector<1x16xf32>,
    %get3A_3362 = vector.shape_cast %get3A_3361 : vector<1x16xf32> to vector<16xf32>
    %add3A_3363 = arith.addf %add3A_3357, %get3A_3362 : vector<16xf32>
    %get3A_3364 = arith.constant 34 : i32
    %get3A_3365 = arith.index_cast %get3A_3364 : i32 to index
    %get3A_3366 = arith.constant 96 : index
    %get3A_3367 = tpu.vector_load %arg9[%get3A_3365, %get3A_3366] {strides = array<i32>} : memref<36x128xf32, #tpu.memory_space<vmem>>, vector<1x16xf32>,
    %get3A_3368 = vector.shape_cast %get3A_3367 : vector<1x16xf32> to vector<16xf32>
    %add3A_3369 = arith.addf %add3A_3363, %get3A_3368 : vector<16xf32>
    %get3A_3370 = arith.constant 34 : i32
    %get3A_3371 = arith.index_cast %get3A_3370 : i32 to index
    %get3A_3372 = arith.constant 112 : index
    %get3A_3373 = tpu.vector_load %arg9[%get3A_3371, %get3A_3372] {strides = array<i32>} : memref<36x128xf32, #tpu.memory_space<vmem>>, vector<1x16xf32>,
    %get3A_3374 = vector.shape_cast %get3A_3373 : vector<1x16xf32> to vector<16xf32>
    %add3A_3375 = arith.addf %add3A_3369, %get3A_3374 : vector<16xf32>
    %get3A_3376 = arith.constant 35 : i32
    %get3A_3377 = arith.index_cast %get3A_3376 : i32 to index
    %get3A_3378 = arith.constant 0 : index
    %get3A_3379 = tpu.vector_load %arg9[%get3A_3377, %get3A_3378] {strides = array<i32>} : memref<36x128xf32, #tpu.memory_space<vmem>>, vector<1x16xf32>,
    %get3A_3380 = vector.shape_cast %get3A_3379 : vector<1x16xf32> to vector<16xf32>
    %add3A_3381 = arith.addf %add3A_3375, %get3A_3380 : vector<16xf32>
    %get3A_3382 = arith.constant 35 : i32
    %get3A_3383 = arith.index_cast %get3A_3382 : i32 to index
    %get3A_3384 = arith.constant 16 : index
    %get3A_3385 = tpu.vector_load %arg9[%get3A_3383, %get3A_3384] {strides = array<i32>} : memref<36x128xf32, #tpu.memory_space<vmem>>, vector<1x16xf32>,
    %get3A_3386 = vector.shape_cast %get3A_3385 : vector<1x16xf32> to vector<16xf32>
    %add3A_3387 = arith.addf %add3A_3381, %get3A_3386 : vector<16xf32>
    %get3A_3388 = arith.constant 35 : i32
    %get3A_3389 = arith.index_cast %get3A_3388 : i32 to index
    %get3A_3390 = arith.constant 32 : index
    %get3A_3391 = tpu.vector_load %arg9[%get3A_3389, %get3A_3390] {strides = array<i32>} : memref<36x128xf32, #tpu.memory_space<vmem>>, vector<1x16xf32>,
    %get3A_3392 = vector.shape_cast %get3A_3391 : vector<1x16xf32> to vector<16xf32>
    %add3A_3393 = arith.addf %add3A_3387, %get3A_3392 : vector<16xf32>
    %get3A_3394 = arith.constant 35 : i32
    %get3A_3395 = arith.index_cast %get3A_3394 : i32 to index
    %get3A_3396 = arith.constant 48 : index
    %get3A_3397 = tpu.vector_load %arg9[%get3A_3395, %get3A_3396] {strides = array<i32>} : memref<36x128xf32, #tpu.memory_space<vmem>>, vector<1x16xf32>,
    %get3A_3398 = vector.shape_cast %get3A_3397 : vector<1x16xf32> to vector<16xf32>
    %add3A_3399 = arith.addf %add3A_3393, %get3A_3398 : vector<16xf32>
    %get3A_3400 = arith.constant 35 : i32
    %get3A_3401 = arith.index_cast %get3A_3400 : i32 to index
    %get3A_3402 = arith.constant 64 : index
    %get3A_3403 = tpu.vector_load %arg9[%get3A_3401, %get3A_3402] {strides = array<i32>} : memref<36x128xf32, #tpu.memory_space<vmem>>, vector<1x16xf32>,
    %get3A_3404 = vector.shape_cast %get3A_3403 : vector<1x16xf32> to vector<16xf32>
    %add3A_3405 = arith.addf %add3A_3399, %get3A_3404 : vector<16xf32>
    %get3A_3406 = arith.constant 35 : i32
    %get3A_3407 = arith.index_cast %get3A_3406 : i32 to index
    %get3A_3408 = arith.constant 80 : index
    %get3A_3409 = tpu.vector_load %arg9[%get3A_3407, %get3A_3408] {strides = array<i32>} : memref<36x128xf32, #tpu.memory_space<vmem>>, vector<1x16xf32>,
    %get3A_3410 = vector.shape_cast %get3A_3409 : vector<1x16xf32> to vector<16xf32>
    %add3A_3411 = arith.addf %add3A_3405, %get3A_3410 : vector<16xf32>
    %get3A_3412 = arith.constant 35 : i32
    %get3A_3413 = arith.index_cast %get3A_3412 : i32 to index
    %get3A_3414 = arith.constant 96 : index
    %get3A_3415 = tpu.vector_load %arg9[%get3A_3413, %get3A_3414] {strides = array<i32>} : memref<36x128xf32, #tpu.memory_space<vmem>>, vector<1x16xf32>,
    %get3A_3416 = vector.shape_cast %get3A_3415 : vector<1x16xf32> to vector<16xf32>
    %add3A_3417 = arith.addf %add3A_3411, %get3A_3416 : vector<16xf32>
    %get3A_3418 = arith.constant 35 : i32
    %get3A_3419 = arith.index_cast %get3A_3418 : i32 to index
    %get3A_3420 = arith.constant 112 : index
    %get3A_3421 = tpu.vector_load %arg9[%get3A_3419, %get3A_3420] {strides = array<i32>} : memref<36x128xf32, #tpu.memory_space<vmem>>, vector<1x16xf32>,
    %get3A_3422 = vector.shape_cast %get3A_3421 : vector<1x16xf32> to vector<16xf32>
    %add3A_3423 = arith.addf %add3A_3417, %get3A_3422 : vector<16xf32>
    %iota3A = tpu.iota {dimensions = array<i32: 0>} : vector<16xi32>
    %broadcast_in_dim3A_3424 = arith.constant 0.000000e+00 : f32
    %broadcast_in_dim3A_3425 = vector.broadcast %broadcast_in_dim3A_3424 : f32 to vector<16xf32>
    %eq3A = arith.constant 0 : i32
    %eq3A_3426 = vector.broadcast %eq3A : i32 to vector<16xi32>
    %eq3A_3427 = arith.cmpi eq, %iota3A, %eq3A_3426 : vector<16xi32>
    %xor3A = arith.constant 1 : i32
    %xor3A_3428 = vector.broadcast %xor3A : i32 to vector<16xi32>
    %xor3A_3429 = arith.xori %iota3A, %xor3A_3428 : vector<16xi32>
    %broadcast_in_dim3A_3430 = vector.shape_cast %xor3A_3429 : vector<16xi32> to vector<16x1xi32>
    %gather3A = vector.shape_cast %broadcast_in_dim3A_3430 : vector<16x1xi32> to vector<16xi32>
    %gather3A_3431 = tpu.dynamic_gather %add3A_1887[%gather3A] in [0] : vector<16xf32>, vector<16xi32> -> vector<16xf32>
    %add3A_3432 = arith.addf %add3A_1887, %gather3A_3431 : vector<16xf32>
    %xor3A_3433 = arith.constant 2 : i32
    %xor3A_3434 = vector.broadcast %xor3A_3433 : i32 to vector<16xi32>
    %xor3A_3435 = arith.xori %iota3A, %xor3A_3434 : vector<16xi32>
    %broadcast_in_dim3A_3436 = vector.shape_cast %xor3A_3435 : vector<16xi32> to vector<16x1xi32>
    %gather3A_3437 = vector.shape_cast %broadcast_in_dim3A_3436 : vector<16x1xi32> to vector<16xi32>
    %gather3A_3438 = tpu.dynamic_gather %add3A_3432[%gather3A_3437] in [0] : vector<16xf32>, vector<16xi32> -> vector<16xf32>
    %add3A_3439 = arith.addf %add3A_3432, %gather3A_3438 : vector<16xf32>
    %xor3A_3440 = arith.constant 4 : i32
    %xor3A_3441 = vector.broadcast %xor3A_3440 : i32 to vector<16xi32>
    %xor3A_3442 = arith.xori %iota3A, %xor3A_3441 : vector<16xi32>
    %broadcast_in_dim3A_3443 = vector.shape_cast %xor3A_3442 : vector<16xi32> to vector<16x1xi32>
    %gather3A_3444 = vector.shape_cast %broadcast_in_dim3A_3443 : vector<16x1xi32> to vector<16xi32>
    %gather3A_3445 = tpu.dynamic_gather %add3A_3439[%gather3A_3444] in [0] : vector<16xf32>, vector<16xi32> -> vector<16xf32>
    %add3A_3446 = arith.addf %add3A_3439, %gather3A_3445 : vector<16xf32>
    %xor3A_3447 = arith.constant 8 : i32
    %xor3A_3448 = vector.broadcast %xor3A_3447 : i32 to vector<16xi32>
    %xor3A_3449 = arith.xori %iota3A, %xor3A_3448 : vector<16xi32>
    %broadcast_in_dim3A_3450 = vector.shape_cast %xor3A_3449 : vector<16xi32> to vector<16x1xi32>
    %gather3A_3451 = vector.shape_cast %broadcast_in_dim3A_3450 : vector<16x1xi32> to vector<16xi32>
    %gather3A_3452 = tpu.dynamic_gather %add3A_3446[%gather3A_3451] in [0] : vector<16xf32>, vector<16xi32> -> vector<16xf32>
    %add3A_3453 = arith.addf %add3A_3446, %gather3A_3452 : vector<16xf32>
    %select_n3A = arith.select %eq3A_3427, %add3A_3453, %broadcast_in_dim3A_3425 : vector<16xi1>, vector<16xf32>
    %eq3A_3454 = arith.constant 1 : i32
    %eq3A_3455 = vector.broadcast %eq3A_3454 : i32 to vector<16xi32>
    %eq3A_3456 = arith.cmpi eq, %iota3A, %eq3A_3455 : vector<16xi32>
    %xor3A_3457 = arith.constant 1 : i32
    %xor3A_3458 = vector.broadcast %xor3A_3457 : i32 to vector<16xi32>
    %xor3A_3459 = arith.xori %iota3A, %xor3A_3458 : vector<16xi32>
    %broadcast_in_dim3A_3460 = vector.shape_cast %xor3A_3459 : vector<16xi32> to vector<16x1xi32>
    %gather3A_3461 = vector.shape_cast %broadcast_in_dim3A_3460 : vector<16x1xi32> to vector<16xi32>
    %gather3A_3462 = tpu.dynamic_gather %add3A_2079[%gather3A_3461] in [0] : vector<16xf32>, vector<16xi32> -> vector<16xf32>
    %add3A_3463 = arith.addf %add3A_2079, %gather3A_3462 : vector<16xf32>
    %xor3A_3464 = arith.constant 2 : i32
    %xor3A_3465 = vector.broadcast %xor3A_3464 : i32 to vector<16xi32>
    %xor3A_3466 = arith.xori %iota3A, %xor3A_3465 : vector<16xi32>
    %broadcast_in_dim3A_3467 = vector.shape_cast %xor3A_3466 : vector<16xi32> to vector<16x1xi32>
    %gather3A_3468 = vector.shape_cast %broadcast_in_dim3A_3467 : vector<16x1xi32> to vector<16xi32>
    %gather3A_3469 = tpu.dynamic_gather %add3A_3463[%gather3A_3468] in [0] : vector<16xf32>, vector<16xi32> -> vector<16xf32>
    %add3A_3470 = arith.addf %add3A_3463, %gather3A_3469 : vector<16xf32>
    %xor3A_3471 = arith.constant 4 : i32
    %xor3A_3472 = vector.broadcast %xor3A_3471 : i32 to vector<16xi32>
    %xor3A_3473 = arith.xori %iota3A, %xor3A_3472 : vector<16xi32>
    %broadcast_in_dim3A_3474 = vector.shape_cast %xor3A_3473 : vector<16xi32> to vector<16x1xi32>
    %gather3A_3475 = vector.shape_cast %broadcast_in_dim3A_3474 : vector<16x1xi32> to vector<16xi32>
    %gather3A_3476 = tpu.dynamic_gather %add3A_3470[%gather3A_3475] in [0] : vector<16xf32>, vector<16xi32> -> vector<16xf32>
    %add3A_3477 = arith.addf %add3A_3470, %gather3A_3476 : vector<16xf32>
    %xor3A_3478 = arith.constant 8 : i32
    %xor3A_3479 = vector.broadcast %xor3A_3478 : i32 to vector<16xi32>
    %xor3A_3480 = arith.xori %iota3A, %xor3A_3479 : vector<16xi32>
    %broadcast_in_dim3A_3481 = vector.shape_cast %xor3A_3480 : vector<16xi32> to vector<16x1xi32>
    %gather3A_3482 = vector.shape_cast %broadcast_in_dim3A_3481 : vector<16x1xi32> to vector<16xi32>
    %gather3A_3483 = tpu.dynamic_gather %add3A_3477[%gather3A_3482] in [0] : vector<16xf32>, vector<16xi32> -> vector<16xf32>
    %add3A_3484 = arith.addf %add3A_3477, %gather3A_3483 : vector<16xf32>
    %select_n3A_3485 = arith.select %eq3A_3456, %add3A_3484, %select_n3A : vector<16xi1>, vector<16xf32>
    %eq3A_3486 = arith.constant 2 : i32
    %eq3A_3487 = vector.broadcast %eq3A_3486 : i32 to vector<16xi32>
    %eq3A_3488 = arith.cmpi eq, %iota3A, %eq3A_3487 : vector<16xi32>
    %xor3A_3489 = arith.constant 1 : i32
    %xor3A_3490 = vector.broadcast %xor3A_3489 : i32 to vector<16xi32>
    %xor3A_3491 = arith.xori %iota3A, %xor3A_3490 : vector<16xi32>
    %broadcast_in_dim3A_3492 = vector.shape_cast %xor3A_3491 : vector<16xi32> to vector<16x1xi32>
    %gather3A_3493 = vector.shape_cast %broadcast_in_dim3A_3492 : vector<16x1xi32> to vector<16xi32>
    %gather3A_3494 = tpu.dynamic_gather %add3A_2271[%gather3A_3493] in [0] : vector<16xf32>, vector<16xi32> -> vector<16xf32>
    %add3A_3495 = arith.addf %add3A_2271, %gather3A_3494 : vector<16xf32>
    %xor3A_3496 = arith.constant 2 : i32
    %xor3A_3497 = vector.broadcast %xor3A_3496 : i32 to vector<16xi32>
    %xor3A_3498 = arith.xori %iota3A, %xor3A_3497 : vector<16xi32>
    %broadcast_in_dim3A_3499 = vector.shape_cast %xor3A_3498 : vector<16xi32> to vector<16x1xi32>
    %gather3A_3500 = vector.shape_cast %broadcast_in_dim3A_3499 : vector<16x1xi32> to vector<16xi32>
    %gather3A_3501 = tpu.dynamic_gather %add3A_3495[%gather3A_3500] in [0] : vector<16xf32>, vector<16xi32> -> vector<16xf32>
    %add3A_3502 = arith.addf %add3A_3495, %gather3A_3501 : vector<16xf32>
    %xor3A_3503 = arith.constant 4 : i32
    %xor3A_3504 = vector.broadcast %xor3A_3503 : i32 to vector<16xi32>
    %xor3A_3505 = arith.xori %iota3A, %xor3A_3504 : vector<16xi32>
    %broadcast_in_dim3A_3506 = vector.shape_cast %xor3A_3505 : vector<16xi32> to vector<16x1xi32>
    %gather3A_3507 = vector.shape_cast %broadcast_in_dim3A_3506 : vector<16x1xi32> to vector<16xi32>
    %gather3A_3508 = tpu.dynamic_gather %add3A_3502[%gather3A_3507] in [0] : vector<16xf32>, vector<16xi32> -> vector<16xf32>
    %add3A_3509 = arith.addf %add3A_3502, %gather3A_3508 : vector<16xf32>
    %xor3A_3510 = arith.constant 8 : i32
    %xor3A_3511 = vector.broadcast %xor3A_3510 : i32 to vector<16xi32>
    %xor3A_3512 = arith.xori %iota3A, %xor3A_3511 : vector<16xi32>
    %broadcast_in_dim3A_3513 = vector.shape_cast %xor3A_3512 : vector<16xi32> to vector<16x1xi32>
    %gather3A_3514 = vector.shape_cast %broadcast_in_dim3A_3513 : vector<16x1xi32> to vector<16xi32>
    %gather3A_3515 = tpu.dynamic_gather %add3A_3509[%gather3A_3514] in [0] : vector<16xf32>, vector<16xi32> -> vector<16xf32>
    %add3A_3516 = arith.addf %add3A_3509, %gather3A_3515 : vector<16xf32>
    %select_n3A_3517 = arith.select %eq3A_3488, %add3A_3516, %select_n3A_3485 : vector<16xi1>, vector<16xf32>
    %eq3A_3518 = arith.constant 3 : i32
    %eq3A_3519 = vector.broadcast %eq3A_3518 : i32 to vector<16xi32>
    %eq3A_3520 = arith.cmpi eq, %iota3A, %eq3A_3519 : vector<16xi32>
    %xor3A_3521 = arith.constant 1 : i32
    %xor3A_3522 = vector.broadcast %xor3A_3521 : i32 to vector<16xi32>
    %xor3A_3523 = arith.xori %iota3A, %xor3A_3522 : vector<16xi32>
    %broadcast_in_dim3A_3524 = vector.shape_cast %xor3A_3523 : vector<16xi32> to vector<16x1xi32>
    %gather3A_3525 = vector.shape_cast %broadcast_in_dim3A_3524 : vector<16x1xi32> to vector<16xi32>
    %gather3A_3526 = tpu.dynamic_gather %add3A_2463[%gather3A_3525] in [0] : vector<16xf32>, vector<16xi32> -> vector<16xf32>
    %add3A_3527 = arith.addf %add3A_2463, %gather3A_3526 : vector<16xf32>
    %xor3A_3528 = arith.constant 2 : i32
    %xor3A_3529 = vector.broadcast %xor3A_3528 : i32 to vector<16xi32>
    %xor3A_3530 = arith.xori %iota3A, %xor3A_3529 : vector<16xi32>
    %broadcast_in_dim3A_3531 = vector.shape_cast %xor3A_3530 : vector<16xi32> to vector<16x1xi32>
    %gather3A_3532 = vector.shape_cast %broadcast_in_dim3A_3531 : vector<16x1xi32> to vector<16xi32>
    %gather3A_3533 = tpu.dynamic_gather %add3A_3527[%gather3A_3532] in [0] : vector<16xf32>, vector<16xi32> -> vector<16xf32>
    %add3A_3534 = arith.addf %add3A_3527, %gather3A_3533 : vector<16xf32>
    %xor3A_3535 = arith.constant 4 : i32
    %xor3A_3536 = vector.broadcast %xor3A_3535 : i32 to vector<16xi32>
    %xor3A_3537 = arith.xori %iota3A, %xor3A_3536 : vector<16xi32>
    %broadcast_in_dim3A_3538 = vector.shape_cast %xor3A_3537 : vector<16xi32> to vector<16x1xi32>
    %gather3A_3539 = vector.shape_cast %broadcast_in_dim3A_3538 : vector<16x1xi32> to vector<16xi32>
    %gather3A_3540 = tpu.dynamic_gather %add3A_3534[%gather3A_3539] in [0] : vector<16xf32>, vector<16xi32> -> vector<16xf32>
    %add3A_3541 = arith.addf %add3A_3534, %gather3A_3540 : vector<16xf32>
    %xor3A_3542 = arith.constant 8 : i32
    %xor3A_3543 = vector.broadcast %xor3A_3542 : i32 to vector<16xi32>
    %xor3A_3544 = arith.xori %iota3A, %xor3A_3543 : vector<16xi32>
    %broadcast_in_dim3A_3545 = vector.shape_cast %xor3A_3544 : vector<16xi32> to vector<16x1xi32>
    %gather3A_3546 = vector.shape_cast %broadcast_in_dim3A_3545 : vector<16x1xi32> to vector<16xi32>
    %gather3A_3547 = tpu.dynamic_gather %add3A_3541[%gather3A_3546] in [0] : vector<16xf32>, vector<16xi32> -> vector<16xf32>
    %add3A_3548 = arith.addf %add3A_3541, %gather3A_3547 : vector<16xf32>
    %select_n3A_3549 = arith.select %eq3A_3520, %add3A_3548, %select_n3A_3517 : vector<16xi1>, vector<16xf32>
    %eq3A_3550 = arith.constant 4 : i32
    %eq3A_3551 = vector.broadcast %eq3A_3550 : i32 to vector<16xi32>
    %eq3A_3552 = arith.cmpi eq, %iota3A, %eq3A_3551 : vector<16xi32>
    %xor3A_3553 = arith.constant 1 : i32
    %xor3A_3554 = vector.broadcast %xor3A_3553 : i32 to vector<16xi32>
    %xor3A_3555 = arith.xori %iota3A, %xor3A_3554 : vector<16xi32>
    %broadcast_in_dim3A_3556 = vector.shape_cast %xor3A_3555 : vector<16xi32> to vector<16x1xi32>
    %gather3A_3557 = vector.shape_cast %broadcast_in_dim3A_3556 : vector<16x1xi32> to vector<16xi32>
    %gather3A_3558 = tpu.dynamic_gather %add3A_2655[%gather3A_3557] in [0] : vector<16xf32>, vector<16xi32> -> vector<16xf32>
    %add3A_3559 = arith.addf %add3A_2655, %gather3A_3558 : vector<16xf32>
    %xor3A_3560 = arith.constant 2 : i32
    %xor3A_3561 = vector.broadcast %xor3A_3560 : i32 to vector<16xi32>
    %xor3A_3562 = arith.xori %iota3A, %xor3A_3561 : vector<16xi32>
    %broadcast_in_dim3A_3563 = vector.shape_cast %xor3A_3562 : vector<16xi32> to vector<16x1xi32>
    %gather3A_3564 = vector.shape_cast %broadcast_in_dim3A_3563 : vector<16x1xi32> to vector<16xi32>
    %gather3A_3565 = tpu.dynamic_gather %add3A_3559[%gather3A_3564] in [0] : vector<16xf32>, vector<16xi32> -> vector<16xf32>
    %add3A_3566 = arith.addf %add3A_3559, %gather3A_3565 : vector<16xf32>
    %xor3A_3567 = arith.constant 4 : i32
    %xor3A_3568 = vector.broadcast %xor3A_3567 : i32 to vector<16xi32>
    %xor3A_3569 = arith.xori %iota3A, %xor3A_3568 : vector<16xi32>
    %broadcast_in_dim3A_3570 = vector.shape_cast %xor3A_3569 : vector<16xi32> to vector<16x1xi32>
    %gather3A_3571 = vector.shape_cast %broadcast_in_dim3A_3570 : vector<16x1xi32> to vector<16xi32>
    %gather3A_3572 = tpu.dynamic_gather %add3A_3566[%gather3A_3571] in [0] : vector<16xf32>, vector<16xi32> -> vector<16xf32>
    %add3A_3573 = arith.addf %add3A_3566, %gather3A_3572 : vector<16xf32>
    %xor3A_3574 = arith.constant 8 : i32
    %xor3A_3575 = vector.broadcast %xor3A_3574 : i32 to vector<16xi32>
    %xor3A_3576 = arith.xori %iota3A, %xor3A_3575 : vector<16xi32>
    %broadcast_in_dim3A_3577 = vector.shape_cast %xor3A_3576 : vector<16xi32> to vector<16x1xi32>
    %gather3A_3578 = vector.shape_cast %broadcast_in_dim3A_3577 : vector<16x1xi32> to vector<16xi32>
    %gather3A_3579 = tpu.dynamic_gather %add3A_3573[%gather3A_3578] in [0] : vector<16xf32>, vector<16xi32> -> vector<16xf32>
    %add3A_3580 = arith.addf %add3A_3573, %gather3A_3579 : vector<16xf32>
    %select_n3A_3581 = arith.select %eq3A_3552, %add3A_3580, %select_n3A_3549 : vector<16xi1>, vector<16xf32>
    %eq3A_3582 = arith.constant 5 : i32
    %eq3A_3583 = vector.broadcast %eq3A_3582 : i32 to vector<16xi32>
    %eq3A_3584 = arith.cmpi eq, %iota3A, %eq3A_3583 : vector<16xi32>
    %xor3A_3585 = arith.constant 1 : i32
    %xor3A_3586 = vector.broadcast %xor3A_3585 : i32 to vector<16xi32>
    %xor3A_3587 = arith.xori %iota3A, %xor3A_3586 : vector<16xi32>
    %broadcast_in_dim3A_3588 = vector.shape_cast %xor3A_3587 : vector<16xi32> to vector<16x1xi32>
    %gather3A_3589 = vector.shape_cast %broadcast_in_dim3A_3588 : vector<16x1xi32> to vector<16xi32>
    %gather3A_3590 = tpu.dynamic_gather %add3A_2847[%gather3A_3589] in [0] : vector<16xf32>, vector<16xi32> -> vector<16xf32>
    %add3A_3591 = arith.addf %add3A_2847, %gather3A_3590 : vector<16xf32>
    %xor3A_3592 = arith.constant 2 : i32
    %xor3A_3593 = vector.broadcast %xor3A_3592 : i32 to vector<16xi32>
    %xor3A_3594 = arith.xori %iota3A, %xor3A_3593 : vector<16xi32>
    %broadcast_in_dim3A_3595 = vector.shape_cast %xor3A_3594 : vector<16xi32> to vector<16x1xi32>
    %gather3A_3596 = vector.shape_cast %broadcast_in_dim3A_3595 : vector<16x1xi32> to vector<16xi32>
    %gather3A_3597 = tpu.dynamic_gather %add3A_3591[%gather3A_3596] in [0] : vector<16xf32>, vector<16xi32> -> vector<16xf32>
    %add3A_3598 = arith.addf %add3A_3591, %gather3A_3597 : vector<16xf32>
    %xor3A_3599 = arith.constant 4 : i32
    %xor3A_3600 = vector.broadcast %xor3A_3599 : i32 to vector<16xi32>
    %xor3A_3601 = arith.xori %iota3A, %xor3A_3600 : vector<16xi32>
    %broadcast_in_dim3A_3602 = vector.shape_cast %xor3A_3601 : vector<16xi32> to vector<16x1xi32>
    %gather3A_3603 = vector.shape_cast %broadcast_in_dim3A_3602 : vector<16x1xi32> to vector<16xi32>
    %gather3A_3604 = tpu.dynamic_gather %add3A_3598[%gather3A_3603] in [0] : vector<16xf32>, vector<16xi32> -> vector<16xf32>
    %add3A_3605 = arith.addf %add3A_3598, %gather3A_3604 : vector<16xf32>
    %xor3A_3606 = arith.constant 8 : i32
    %xor3A_3607 = vector.broadcast %xor3A_3606 : i32 to vector<16xi32>
    %xor3A_3608 = arith.xori %iota3A, %xor3A_3607 : vector<16xi32>
    %broadcast_in_dim3A_3609 = vector.shape_cast %xor3A_3608 : vector<16xi32> to vector<16x1xi32>
    %gather3A_3610 = vector.shape_cast %broadcast_in_dim3A_3609 : vector<16x1xi32> to vector<16xi32>
    %gather3A_3611 = tpu.dynamic_gather %add3A_3605[%gather3A_3610] in [0] : vector<16xf32>, vector<16xi32> -> vector<16xf32>
    %add3A_3612 = arith.addf %add3A_3605, %gather3A_3611 : vector<16xf32>
    %select_n3A_3613 = arith.select %eq3A_3584, %add3A_3612, %select_n3A_3581 : vector<16xi1>, vector<16xf32>
    %eq3A_3614 = arith.constant 6 : i32
    %eq3A_3615 = vector.broadcast %eq3A_3614 : i32 to vector<16xi32>
    %eq3A_3616 = arith.cmpi eq, %iota3A, %eq3A_3615 : vector<16xi32>
    %xor3A_3617 = arith.constant 1 : i32
    %xor3A_3618 = vector.broadcast %xor3A_3617 : i32 to vector<16xi32>
    %xor3A_3619 = arith.xori %iota3A, %xor3A_3618 : vector<16xi32>
    %broadcast_in_dim3A_3620 = vector.shape_cast %xor3A_3619 : vector<16xi32> to vector<16x1xi32>
    %gather3A_3621 = vector.shape_cast %broadcast_in_dim3A_3620 : vector<16x1xi32> to vector<16xi32>
    %gather3A_3622 = tpu.dynamic_gather %add3A_3039[%gather3A_3621] in [0] : vector<16xf32>, vector<16xi32> -> vector<16xf32>
    %add3A_3623 = arith.addf %add3A_3039, %gather3A_3622 : vector<16xf32>
    %xor3A_3624 = arith.constant 2 : i32
    %xor3A_3625 = vector.broadcast %xor3A_3624 : i32 to vector<16xi32>
    %xor3A_3626 = arith.xori %iota3A, %xor3A_3625 : vector<16xi32>
    %broadcast_in_dim3A_3627 = vector.shape_cast %xor3A_3626 : vector<16xi32> to vector<16x1xi32>
    %gather3A_3628 = vector.shape_cast %broadcast_in_dim3A_3627 : vector<16x1xi32> to vector<16xi32>
    %gather3A_3629 = tpu.dynamic_gather %add3A_3623[%gather3A_3628] in [0] : vector<16xf32>, vector<16xi32> -> vector<16xf32>
    %add3A_3630 = arith.addf %add3A_3623, %gather3A_3629 : vector<16xf32>
    %xor3A_3631 = arith.constant 4 : i32
    %xor3A_3632 = vector.broadcast %xor3A_3631 : i32 to vector<16xi32>
    %xor3A_3633 = arith.xori %iota3A, %xor3A_3632 : vector<16xi32>
    %broadcast_in_dim3A_3634 = vector.shape_cast %xor3A_3633 : vector<16xi32> to vector<16x1xi32>
    %gather3A_3635 = vector.shape_cast %broadcast_in_dim3A_3634 : vector<16x1xi32> to vector<16xi32>
    %gather3A_3636 = tpu.dynamic_gather %add3A_3630[%gather3A_3635] in [0] : vector<16xf32>, vector<16xi32> -> vector<16xf32>
    %add3A_3637 = arith.addf %add3A_3630, %gather3A_3636 : vector<16xf32>
    %xor3A_3638 = arith.constant 8 : i32
    %xor3A_3639 = vector.broadcast %xor3A_3638 : i32 to vector<16xi32>
    %xor3A_3640 = arith.xori %iota3A, %xor3A_3639 : vector<16xi32>
    %broadcast_in_dim3A_3641 = vector.shape_cast %xor3A_3640 : vector<16xi32> to vector<16x1xi32>
    %gather3A_3642 = vector.shape_cast %broadcast_in_dim3A_3641 : vector<16x1xi32> to vector<16xi32>
    %gather3A_3643 = tpu.dynamic_gather %add3A_3637[%gather3A_3642] in [0] : vector<16xf32>, vector<16xi32> -> vector<16xf32>
    %add3A_3644 = arith.addf %add3A_3637, %gather3A_3643 : vector<16xf32>
    %select_n3A_3645 = arith.select %eq3A_3616, %add3A_3644, %select_n3A_3613 : vector<16xi1>, vector<16xf32>
    %eq3A_3646 = arith.constant 7 : i32
    %eq3A_3647 = vector.broadcast %eq3A_3646 : i32 to vector<16xi32>
    %eq3A_3648 = arith.cmpi eq, %iota3A, %eq3A_3647 : vector<16xi32>
    %xor3A_3649 = arith.constant 1 : i32
    %xor3A_3650 = vector.broadcast %xor3A_3649 : i32 to vector<16xi32>
    %xor3A_3651 = arith.xori %iota3A, %xor3A_3650 : vector<16xi32>
    %broadcast_in_dim3A_3652 = vector.shape_cast %xor3A_3651 : vector<16xi32> to vector<16x1xi32>
    %gather3A_3653 = vector.shape_cast %broadcast_in_dim3A_3652 : vector<16x1xi32> to vector<16xi32>
    %gather3A_3654 = tpu.dynamic_gather %add3A_3231[%gather3A_3653] in [0] : vector<16xf32>, vector<16xi32> -> vector<16xf32>
    %add3A_3655 = arith.addf %add3A_3231, %gather3A_3654 : vector<16xf32>
    %xor3A_3656 = arith.constant 2 : i32
    %xor3A_3657 = vector.broadcast %xor3A_3656 : i32 to vector<16xi32>
    %xor3A_3658 = arith.xori %iota3A, %xor3A_3657 : vector<16xi32>
    %broadcast_in_dim3A_3659 = vector.shape_cast %xor3A_3658 : vector<16xi32> to vector<16x1xi32>
    %gather3A_3660 = vector.shape_cast %broadcast_in_dim3A_3659 : vector<16x1xi32> to vector<16xi32>
    %gather3A_3661 = tpu.dynamic_gather %add3A_3655[%gather3A_3660] in [0] : vector<16xf32>, vector<16xi32> -> vector<16xf32>
    %add3A_3662 = arith.addf %add3A_3655, %gather3A_3661 : vector<16xf32>
    %xor3A_3663 = arith.constant 4 : i32
    %xor3A_3664 = vector.broadcast %xor3A_3663 : i32 to vector<16xi32>
    %xor3A_3665 = arith.xori %iota3A, %xor3A_3664 : vector<16xi32>
    %broadcast_in_dim3A_3666 = vector.shape_cast %xor3A_3665 : vector<16xi32> to vector<16x1xi32>
    %gather3A_3667 = vector.shape_cast %broadcast_in_dim3A_3666 : vector<16x1xi32> to vector<16xi32>
    %gather3A_3668 = tpu.dynamic_gather %add3A_3662[%gather3A_3667] in [0] : vector<16xf32>, vector<16xi32> -> vector<16xf32>
    %add3A_3669 = arith.addf %add3A_3662, %gather3A_3668 : vector<16xf32>
    %xor3A_3670 = arith.constant 8 : i32
    %xor3A_3671 = vector.broadcast %xor3A_3670 : i32 to vector<16xi32>
    %xor3A_3672 = arith.xori %iota3A, %xor3A_3671 : vector<16xi32>
    %broadcast_in_dim3A_3673 = vector.shape_cast %xor3A_3672 : vector<16xi32> to vector<16x1xi32>
    %gather3A_3674 = vector.shape_cast %broadcast_in_dim3A_3673 : vector<16x1xi32> to vector<16xi32>
    %gather3A_3675 = tpu.dynamic_gather %add3A_3669[%gather3A_3674] in [0] : vector<16xf32>, vector<16xi32> -> vector<16xf32>
    %add3A_3676 = arith.addf %add3A_3669, %gather3A_3675 : vector<16xf32>
    %select_n3A_3677 = arith.select %eq3A_3648, %add3A_3676, %select_n3A_3645 : vector<16xi1>, vector<16xf32>
    %eq3A_3678 = arith.constant 8 : i32
    %eq3A_3679 = vector.broadcast %eq3A_3678 : i32 to vector<16xi32>
    %eq3A_3680 = arith.cmpi eq, %iota3A, %eq3A_3679 : vector<16xi32>
    %xor3A_3681 = arith.constant 1 : i32
    %xor3A_3682 = vector.broadcast %xor3A_3681 : i32 to vector<16xi32>
    %xor3A_3683 = arith.xori %iota3A, %xor3A_3682 : vector<16xi32>
    %broadcast_in_dim3A_3684 = vector.shape_cast %xor3A_3683 : vector<16xi32> to vector<16x1xi32>
    %gather3A_3685 = vector.shape_cast %broadcast_in_dim3A_3684 : vector<16x1xi32> to vector<16xi32>
    %gather3A_3686 = tpu.dynamic_gather %add3A_3423[%gather3A_3685] in [0] : vector<16xf32>, vector<16xi32> -> vector<16xf32>
    %add3A_3687 = arith.addf %add3A_3423, %gather3A_3686 : vector<16xf32>
    %xor3A_3688 = arith.constant 2 : i32
    %xor3A_3689 = vector.broadcast %xor3A_3688 : i32 to vector<16xi32>
    %xor3A_3690 = arith.xori %iota3A, %xor3A_3689 : vector<16xi32>
    %broadcast_in_dim3A_3691 = vector.shape_cast %xor3A_3690 : vector<16xi32> to vector<16x1xi32>
    %gather3A_3692 = vector.shape_cast %broadcast_in_dim3A_3691 : vector<16x1xi32> to vector<16xi32>
    %gather3A_3693 = tpu.dynamic_gather %add3A_3687[%gather3A_3692] in [0] : vector<16xf32>, vector<16xi32> -> vector<16xf32>
    %add3A_3694 = arith.addf %add3A_3687, %gather3A_3693 : vector<16xf32>
    %xor3A_3695 = arith.constant 4 : i32
    %xor3A_3696 = vector.broadcast %xor3A_3695 : i32 to vector<16xi32>
    %xor3A_3697 = arith.xori %iota3A, %xor3A_3696 : vector<16xi32>
    %broadcast_in_dim3A_3698 = vector.shape_cast %xor3A_3697 : vector<16xi32> to vector<16x1xi32>
    %gather3A_3699 = vector.shape_cast %broadcast_in_dim3A_3698 : vector<16x1xi32> to vector<16xi32>
    %gather3A_3700 = tpu.dynamic_gather %add3A_3694[%gather3A_3699] in [0] : vector<16xf32>, vector<16xi32> -> vector<16xf32>
    %add3A_3701 = arith.addf %add3A_3694, %gather3A_3700 : vector<16xf32>
    %xor3A_3702 = arith.constant 8 : i32
    %xor3A_3703 = vector.broadcast %xor3A_3702 : i32 to vector<16xi32>
    %xor3A_3704 = arith.xori %iota3A, %xor3A_3703 : vector<16xi32>
    %broadcast_in_dim3A_3705 = vector.shape_cast %xor3A_3704 : vector<16xi32> to vector<16x1xi32>
    %gather3A_3706 = vector.shape_cast %broadcast_in_dim3A_3705 : vector<16x1xi32> to vector<16xi32>
    %gather3A_3707 = tpu.dynamic_gather %add3A_3701[%gather3A_3706] in [0] : vector<16xf32>, vector<16xi32> -> vector<16xf32>
    %add3A_3708 = arith.addf %add3A_3701, %gather3A_3707 : vector<16xf32>
    %select_n3A_3709 = arith.select %eq3A_3680, %add3A_3708, %select_n3A_3677 : vector<16xi1>, vector<16xf32>
    %lt3A = arith.constant 3 : i32
    %lt3A_3710 = vector.broadcast %lt3A : i32 to vector<16xi32>
    %lt3A_3711 = arith.cmpi slt, %iota3A, %lt3A_3710 : vector<16xi32>
    %lt3A_3712 = arith.constant 6 : i32
    %lt3A_3713 = vector.broadcast %lt3A_3712 : i32 to vector<16xi32>
    %lt3A_3714 = arith.cmpi slt, %iota3A, %lt3A_3713 : vector<16xi32>
    %lt3A_3715 = arith.constant 9 : i32
    %lt3A_3716 = vector.broadcast %lt3A_3715 : i32 to vector<16xi32>
    %lt3A_3717 = arith.cmpi slt, %iota3A, %lt3A_3716 : vector<16xi32>
    %jit3A = arith.constant 6.000000e+00 : f32
    %jit3A_3718 = arith.constant 0.000000e+00 : f32
    %broadcast_in_dim3A_3719 = vector.broadcast %jit3A : f32 to vector<16xf32>
    %broadcast_in_dim3A_3720 = vector.broadcast %jit3A_3718 : f32 to vector<16xf32>
    %select_n3A_3721 = arith.select %lt3A_3717, %broadcast_in_dim3A_3719, %broadcast_in_dim3A_3720 : vector<16xi1>, vector<16xf32>
    %jit3A_3722 = arith.constant 1.000000e+01 : f32
    %broadcast_in_dim3A_3723 = vector.broadcast %jit3A_3722 : f32 to vector<16xf32>
    %select_n3A_3724 = arith.select %lt3A_3714, %broadcast_in_dim3A_3723, %select_n3A_3721 : vector<16xi1>, vector<16xf32>
    %jit3A_3725 = arith.constant 5.000000e+00 : f32
    %broadcast_in_dim3A_3726 = vector.broadcast %jit3A_3725 : f32 to vector<16xf32>
    %select_n3A_3727 = arith.select %lt3A_3711, %broadcast_in_dim3A_3726, %select_n3A_3724 : vector<16xi1>, vector<16xf32>
    %mul3A_3728 = arith.mulf %select_n3A_3709, %select_n3A_3727 : vector<16xf32>
    %swap3A_3729 = arith.constant 0 : index
    %swap3A_3730 = tpu.vector_load %arg10[%swap3A_3729] {strides = array<i32>} : memref<16xf32, #tpu.memory_space<vmem>>, vector<16xf32>,
    %swap3A_3731 = vector.shape_cast %swap3A_3730 : vector<16xf32> to vector<16xf32>
    %swap3A_3732 = vector.shape_cast %mul3A_3728 : vector<16xf32> to vector<16xf32>
    tpu.vector_store %arg10[%swap3A_3729], %swap3A_3732 {strides = array<i32>} : memref<16xf32, #tpu.memory_space<vmem>>, vector<16xf32>,
    "tpu.region"() ({
      %run_scoped3A = tpu.sem_alloc : memref<!tpu.dma_semaphore, #tpu.memory_space<semaphore_mem>>
      %dma_start3A_3733 = arith.constant 0 : i32
      %dma_start3A_3734 = tpu.memref_slice %arg6[%add3A, %dma_start3A_3733] : memref<32x16xf32, #tpu.memory_space<hbm>> -> memref<1x16xf32, #tpu.memory_space<hbm>>
      %dma_start3A_3735 = tpu.memref_squeeze %dma_start3A_3734 : memref<1x16xf32, #tpu.memory_space<hbm>> -> memref<16xf32, #tpu.memory_space<hbm>>
      %dma_start3A_3736 = arith.constant 0 : i32
      %dma_start3A_3737 = tpu.memref_slice %arg6[%add3A, %dma_start3A_3736] : memref<32x16xf32, #tpu.memory_space<hbm>> -> memref<1x16xf32, #tpu.memory_space<hbm>>
      %dma_start3A_3738 = tpu.memref_squeeze %dma_start3A_3737 : memref<1x16xf32, #tpu.memory_space<hbm>> -> memref<16xf32, #tpu.memory_space<hbm>>
      tpu.enqueue_dma source(%arg10 : memref<16xf32, #tpu.memory_space<vmem>>) target(%dma_start3A_3738 : memref<16xf32, #tpu.memory_space<hbm>>) target_semaphore(%run_scoped3A : memref<!tpu.dma_semaphore, #tpu.memory_space<semaphore_mem>>)
      %dma_wait3A_3739 = arith.constant 0 : i32
      %dma_wait3A_3740 = tpu.memref_slice %arg6[%add3A, %dma_wait3A_3739] : memref<32x16xf32, #tpu.memory_space<hbm>> -> memref<1x16xf32, #tpu.memory_space<hbm>>
      %dma_wait3A_3741 = tpu.memref_squeeze %dma_wait3A_3740 : memref<1x16xf32, #tpu.memory_space<hbm>> -> memref<16xf32, #tpu.memory_space<hbm>>
      %dma_wait3A_3742 = arith.constant 0 : i32
      %dma_wait3A_3743 = tpu.memref_slice %arg6[%add3A, %dma_wait3A_3742] : memref<32x16xf32, #tpu.memory_space<hbm>> -> memref<1x16xf32, #tpu.memory_space<hbm>>
      %dma_wait3A_3744 = tpu.memref_squeeze %dma_wait3A_3743 : memref<1x16xf32, #tpu.memory_space<hbm>> -> memref<16xf32, #tpu.memory_space<hbm>>
      tpu.wait_dma2 semaphore(%run_scoped3A : memref<!tpu.dma_semaphore, #tpu.memory_space<semaphore_mem>>) src(%arg10 : memref<16xf32, #tpu.memory_space<vmem>>) dst(%dma_wait3A_3744 : memref<16xf32, #tpu.memory_space<hbm>>)
      tpu.yield
    }) : () -> ()
    return
  }
}

</mosaic_0001>

<sc_bundles>
// kernel: kernel.3.cloned.1.call-start
scs
__scs_entry_jumppad:
0x0: {  	(pc) =	sbr.rel $0x88, $3  }
0x1: {  	(tag) =	ssettag $0x0;
	lr =	simm.s32 $0x1  }
0x2: {  	[smem:$0x3F9D] =	sst lr;
	_ =	strace $0xD0000000  }
0x3: {  	_ = 	snop  }
0x4: {  	_ = 	snop  }
0x5: {  	_ = 	snop  }
0x6: {  	_ = 	snop  }
0x7: {  	_ = 	snop  }
__scs_overlays_trampoline_lowered:
0x8: {  	[smem:$0x3FAC] =	sst s0  }
0x9: {  	[smem:$0x3FAD] =	sst s1  }
0xa: {  	[smem:$0x3FAE] =	sst s2  }
0xb: {  	[smem:$0x3FAF] =	sst s3  }
0xc: {  	[smem:$0x3FB0] =	sst s4  }
0xd: {  	[smem:$0x3FB1] =	sst s5  }
0xe: {  	[smem:$0x3FB2] =	sst s6  }
0xf: {  	[smem:$0x3FB3] =	sst s7  }
0x10: {  	[smem:$0x3FB4] =	sst s8  }
0x11: {  	[smem:$0x3FB5] =	sst s9;
	s0 =	simm.s32 @!p0 $0x0  }
0x12: {  	s1 =	sld [smem:$0x3F9B];
	s0 =	simm.s32 @p0 $0x1  }
0x13: {  	[smem:$0x3FB6] =	sst s0;
	s0 =	simm.s32 @!p1 $0x0  }
0x14: {  	s2 =	sld [smem:$0x3F9A];
	s0 =	simm.s32 @p1 $0x1  }
0x15: {  	[smem:$0x3FB7] =	sst s0;
	s0 =	simm.s32 @!p2 $0x0  }
0x16: {  	s3 =	sld [smem:$0x3FDB];
	s0 =	simm.s32 @p2 $0x1  }
0x17: {  	s4 =	simm.s32 $0x1BF5;
	[smem:$0x3FB9] =	sst s0  }
0x18: {  	s0 =	sld [smem:$0x3F9C];
	_ =	swait.ge [sflag:s4], $0x0  }
0x19: {  	s7 =	sld [smem:$0x3F9D]  }
0x1a: {  	s8 =	sadd.s32 $0xFFFFE003, lr  }
0x1b: {  	s9 =	sadd.s32 $0xFFFFFEF7, lr;
	s5 =	simm.s32 $0xFFFFFFFF;
	p2 =	slt.u32 s8, $0xFFFFF086  }
0x1c: {  	p1 =	slt.u32 s9, $0xF7A;
	s5 =	simm.s32 @!p2 $0x0  }
0x1d: {  	s5 =	simm.s32 @p1 $0x1;
	p0 =	seq.s32 s7, s2  }
0x1e: {  	s7 =	smul.u32 @!p0 $0xF7A, s2;
	p2 =	seq.s32 @!p0 s5, $0x0  }
0x1f: {  	s9 =	smul.u32 $0xF7A, s1;
	s8 =	simm.s32 @!p0 $0x1BF5;
	p2 =	por !p2, p0  }
0x20: {  	[sflag:s8] =	ssyncset.s32 @!p0 $0xFFFFF086;
	s6 =	sadd.s32 @!p0 s3, s7;
	s7 =	simm.s32 @!p0 $0x108  }
0x21: {  	s3 =	sadd.s32 s3, s9;
	s6 =	sadd.s32 @!p0 $0x88, s6;
	s7 =	simm.s32 @p2 $0x1082  }
0x22: {  	[simem:s7], [sflag:s8] =	dma.local @!p0 [hbm:s6], $0xF7A  }
0x23: {  	s9 =	sor.u32 $0xD0000000, s2;
	s6 =	simm.s32 $0x108;
	_ =	swait.ge @!p0 [sflag:s8], $0x0  }
0x24: {  	s3 =	sadd.s32 $0x88, s3;
	s6 =	simm.s32 @!p1 $0x1082;
	[sflag:s4] =	ssyncset.s32 $0xFFFFF086  }
0x25: {  	[simem:s6], [sflag:s4] =	dma.local [hbm:s3], $0xF7A  }
0x26: {  	[smem:$0x3F9D] =	sst s1;
	(tag) =	ssettag s2;
	_ =	strace s9  }
0x27: {  	s1 =	sld [smem:$0x3FAD]  }
0x28: {  	s2 =	sld [smem:$0x3FAE]  }
0x29: {  	s4 =	sld [smem:$0x3FB0]  }
0x2a: {  	p0 =	seq.s32 s5, $0x0;
	s5 =	sld [smem:$0x3FB1]  }
0x2b: {  	s6 =	sld [smem:$0x3FB2]  }
0x2c: {  	s7 =	sld [smem:$0x3FB3]  }
0x2d: {  	s3 =	simm.s32 $0x108;
	s8 =	sld [smem:$0x3FB4]  }
0x2e: {  	s3 =	simm.s32 @!p0 $0x1082;
	s9 =	sld [smem:$0x3FB5]  }
0x2f: {  	lr =	sadd.s32 s0, s3;
	s0 =	sld [smem:$0x3FAC]  }
0x30: {  	s3 =	sld [smem:$0x3FAF]  }
0x31: {  	[smem:$0x3FB8] =	sst s10  }
0x32: {  	s10 =	sld [smem:$0x3FB6];
	_ =	sdelay $0x3  }
0x33: {  	p0 =	seq.s32 s10, $0x1;
	s10 =	sld [smem:$0x3FB8];
	_ =	sdelay $0x3  }
0x34: {  	[smem:$0x3FB8] =	sst s10  }
0x35: {  	s10 =	sld [smem:$0x3FB7];
	_ =	sdelay $0x3  }
0x36: {  	p1 =	seq.s32 s10, $0x1;
	s10 =	sld [smem:$0x3FB8];
	_ =	sdelay $0x3  }
0x37: {  	[smem:$0x3FB8] =	sst s10  }
0x38: {  	s10 =	sld [smem:$0x3FB9]  }
0x39: {  	_ = 	snop;
	(pc) =	sbr.ind lr, $3  }
0x3a: {  	_ = 	snop  }
0x3b: {  	_ = 	snop  }
0x3c: {  	p2 =	seq.s32 s10, $0x1;
	s10 =	sld [smem:$0x3FB8]  }
0x3d: {  	_ =	shalt  }
0x3e: {  	_ =	shalt  }
0x3f: {  	_ =	shalt  }
0x40: {  	_ =	shalt  }
0x41: {  	_ =	shalt  }
0x42: {  	_ =	shalt  }
0x43: {  	_ =	shalt  }
0x44: {  	_ =	shalt  }
0x45: {  	_ =	shalt  }
0x46: {  	_ =	shalt  }
0x47: {  	_ =	shalt  }
0x48: {  	_ =	shalt  }
0x49: {  	_ =	shalt  }
0x4a: {  	_ =	shalt  }
0x4b: {  	_ =	shalt  }
0x4c: {  	_ =	shalt  }
0x4d: {  	_ =	shalt  }
0x4e: {  	_ =	shalt  }
0x4f: {  	_ =	shalt  }
0x50: {  	_ =	shalt  }
0x51: {  	_ =	shalt  }
0x52: {  	_ =	shalt  }
0x53: {  	_ =	shalt  }
0x54: {  	_ =	shalt  }
0x55: {  	_ =	shalt  }
0x56: {  	_ =	shalt  }
0x57: {  	_ =	shalt  }
0x58: {  	_ =	shalt  }
0x59: {  	_ =	shalt  }
0x5a: {  	_ =	shalt  }
0x5b: {  	_ =	shalt  }
0x5c: {  	_ =	shalt  }
0x5d: {  	_ =	shalt  }
0x5e: {  	_ =	shalt  }
0x5f: {  	_ =	shalt  }
0x60: {  	_ =	shalt  }
0x61: {  	_ =	shalt  }
0x62: {  	_ =	shalt  }
0x63: {  	_ =	shalt  }
0x64: {  	_ =	shalt  }
0x65: {  	_ =	shalt  }
0x66: {  	_ =	shalt  }
0x67: {  	_ =	shalt  }
0x68: {  	_ =	shalt  }
0x69: {  	_ =	shalt  }
0x6a: {  	_ =	shalt  }
0x6b: {  	_ =	shalt  }
0x6c: {  	_ =	shalt  }
0x6d: {  	_ =	shalt  }
0x6e: {  	_ =	shalt  }
0x6f: {  	_ =	shalt  }
0x70: {  	_ =	shalt  }
0x71: {  	_ =	shalt  }
0x72: {  	_ =	shalt  }
0x73: {  	_ =	shalt  }
0x74: {  	_ =	shalt  }
0x75: {  	_ =	shalt  }
0x76: {  	_ =	shalt  }
0x77: {  	_ =	shalt  }
0x78: {  	_ =	shalt  }
0x79: {  	_ =	shalt  }
0x7a: {  	_ =	shalt  }
0x7b: {  	_ =	shalt  }
0x7c: {  	_ =	shalt  }
0x7d: {  	_ =	shalt  }
0x7e: {  	_ =	shalt  }
0x7f: {  	_ =	shalt  }
0x80: {  	_ =	shalt  }
0x81: {  	_ =	shalt  }
0x82: {  	_ =	shalt  }
0x83: {  	_ =	shalt  }
0x84: {  	_ =	shalt  }
0x85: {  	_ =	shalt  }
0x86: {  	_ =	shalt  }
0x87: {  	_ =	shalt  }
.Lfunc_end0:
.L_simem_size_0:
called_computation_lowered:
.L_overlay_start_0:
0x88: {  	s2 =	sld [smem:$0x3FD9]  }
0x89: {  	s3 =	sld [smem:$0x3FFE];
	_ =	sdelay $0x1  }
0x8a: {  	s1 =	srdreg.scid  }
0x8b: {  	s0 =	sand.u32 $0x1, s1  }
0x8c: {  	s17 =	sshll.u32 s0, $0xA;
	s2 =	sadd.s32 s3, s2  }
0x8d: {  	s2 =	sadd.s32 s2, s17  }
0x8e: {  	[smem:$0x3FC4] =	sst s2  }
0x8f: {  	_ = 	snop  }
0x90: {  	s2 =	sld [smem:$0x3FC9];
	(tm) =	ssettm $0x1  }
0x91: {  	s18 =	sld [smem:$0x3FFB];
	_ =	sdelay $0x3  }
0x92: {  	_ =	strace s18  }
0x93: {  	s3 =	sld [smem:$0x3FFC];
	_ =	sdelay $0x3  }
0x94: {  	_ =	strace s3  }
0x95: {  	s3 =	sld [smem:$0x3FFD];
	_ =	sdelay $0x3  }
0x96: {  	_ =	strace s3  }
0x97: {  	_ =	strace $0x8FFFFFFF  }
0x98: {  	s19 =	sld [smem:$0x3FDB];
	_ =	sdelay $0x1  }
0x99: {  	s4 =	simm.s32 $_scs_section_size  }
0x9a: {  	s5 =	simm.s32 $_size__tile_overlayer_lowered;
	s6 =	simm.s32 $_tile_overlayer_lowered  }
0x9b: {  	s22 =	simm.s32 $0x1BFF;
	s21 =	sshll.u32 s6, $0x1;
	s3 =	sadd.s32 s4, s19  }
0x9c: {  	s7 =	simm.s32 $0x0;
	s20 =	sshll.u32 s5, $0x1;
	s5 =	sadd.s32 s21, s3  }
0x9d: {  	[timem:s7], [sflag:s22] =	dma.local [hbm:s5], s20  }
0x9e: {  	_ =	swait.ge [sflag:s22], s20  }
0x9f: {  	s4 =	ssub.s32 $0x0, s20;
	[sflag:s22] =	ssyncset.done $0x0  }
0xa0: {  	[sflag:s22] =	ssyncadd.s32 s4;
	_ =	sdelay $0x1  }
0xa1: {  	s23 =	simm.s32 $0x1B8B  }
0xa2: {  	_ =	swait.ge [sflag:s23], $0x1  }
0xa3: {  	[sflag:s23] =	ssyncset.done $0x0  }
0xa4: {  	s25 =	simm.s32 $0x1B8E;
	s24 =	sld [smem:$0x3FFE];
	[sflag:s23] =	ssyncadd.s32 $0xFFFFFFFF  }
0xa5: {  	s26 =	simm.s32 $execute0_lowered;
	[smem:$0x3FD2] =	sst s25  }
0xa6: {  	s5 =	sshll.u32 s26, $0x1;
	_ =	strace $0x80000046;
	[dreg:$0x1] =	wrdreg $0xFFFFFFFF  }
0xa7: {  	s28 =	simm.s32 $_size_execute0_lowered;
	s3 =	sadd.s32 s3, s5;
	[dreg:$0x0] =	wrdreg $0x0  }
0xa8: {  	s5 =	sshll.u32 s28, $0x1;
	[dreg:$0x2] =	wrdreg s3  }
0xa9: {  	[dreg:$0x3] =	wrdreg s5  }
0xaa: {  	[dreg:$0x4] =	wrdreg $0xC0  }
0xab: {  	_ =	task [dreg:s7], $0x5FFFF  }
0xac: {  	[dreg:$0x1] =	wrdreg $0xFFFFFFFF  }
0xad: {  	[dreg:$0x0] =	wrdreg $0x60  }
0xae: {  	[dreg:$0x2] =	wrdreg s2  }
0xaf: {  	[dreg:$0x3] =	wrdreg s24  }
0xb0: {  	[dreg:$0x4] =	wrdreg $0x9  }
0xb1: {  	_ =	task.clear_ibuf [dreg:s7], $0x5FFFF;
	_ =	strace $0x90000046  }
0xb2: {  	s29 =	simm.s32 $0x9;
	_ =	strace $0x80000048  }
0xb3: {  	_ =	swait.ge [sflag:s29], $0x1  }
0xb4: {  	[sflag:s29] =	ssyncadd.s32 $0xFFFFFFFF  }
0xb5: {  	_ =	strace $0x90000048  }
0xb6: {  	_ =	sfence  }
0xb7: {  	s30 =	sld [smem:$0x0];
	_ =	sdelay $0x2  }
0xb8: {  	s31 =	sshll.u32 s1, $0xD;
	s1 =	sshrl.u32 s1, $0x2  }
0xb9: {  	s3 =	sand.u32 $0x4000, s31;
	s1 =	sadd.s32 s1, s30  }
0xba: {  	s0 =	sor.u32 s3, s0;
	s1 =	sshll.u32 s1, $0x11  }
0xbb: {  	s0 =	sor.u32 s1, s0  }
0xbc: {  	s0 =	sadd.s32 $0x8F2B, s0  }
0xbd: {  	[sflag:s0] =	ssyncadd.remote.s32 $0x1  }
0xbe: {  	_ =	sfence.sel $0xFFFF  }
0xbf: {  	[dreg:$0x0] =	wrdreg $0xFFFFFFFF;
	(pc) =	sbr.abs _section_cstart, $3  }
0xc0: {  	[dreg:$0x1] =	wrdreg $0xFFFFFFFF  }
0xc1: {  	_ =	task.clear_ibuf [dreg:s7], $0x2FFFF;
	_ =	strace $0x9FFFFFFF  }
0xc2: {  	(tm) =	ssettm $0x7FFFFFFF  }
0xc3: {  	_ =	shalt  }
tec
execute0_lowered:
.L_overlay_start_1:
0x0: {  	(tag) =	ssettag $0x1  }
0x1: {  	s0 =	rddreg [dreg:$0x0]  }
0x2: {  	s5 =	rddreg [dreg:$0x1];
	s2 =	simm.s32 $0x0  }
0x3: {  	s20 =	simm.s32 $0xA00;
	[smem:$0x7FF] =	sst s2  }
0x4: {  	s21 =	simm.s32 $0xA80;
	_ =	strace $0x80000047;
	[dreg:$0x5] =	wrdreg s20  }
0x5: {  	s22 =	simm.s32 $0xB00;
	[dreg:$0x6] =	wrdreg s21  }
0x6: {  	s1 =	srdreg.scid;
	s23 =	simm.s32 $0xB80;
	[dreg:$0x7] =	wrdreg s22  }
0x7: {  	s17 =	stileid.u32;
	s24 =	simm.s32 $0xC00;
	[dreg:$0x8] =	wrdreg s23  }
0x8: {  	s25 =	simm.s32 $0xC80;
	s26 =	simm.s32 $0xD00;
	[dreg:$0x9] =	wrdreg s24  }
0x9: {  	s8 =	simm.s32 $0xE80;
	s10 =	simm.s32 $0xF00;
	[dreg:$0xa] =	wrdreg s25  }
0xa: {  	s6 =	sand.u32 $0x1, s1;
	s1 =	simm.s32 $0xD80;
	[dreg:$0xb] =	wrdreg s26  }
0xb: {  	s11 =	simm.s32 $0xF80;
	s12 =	simm.s32 $0x1000;
	[dreg:$0xc] =	wrdreg s1  }
0xc: {  	s13 =	simm.s32 $0x1080;
	s14 =	simm.s32 $0x1100;
	[dreg:$0xe] =	wrdreg s8  }
0xd: {  	s15 =	simm.s32 $0x1180;
	s16 =	simm.s32 $0x1200;
	[dreg:$0xf] =	wrdreg s10  }
0xe: {  	s28 =	simm.s32 $0x1A80;
	s29 =	simm.s32 $0x1B00;
	[dreg:$0x10] =	wrdreg s11  }
0xf: {  	s30 =	simm.s32 $0x1B80;
	s31 =	simm.s32 $0x1;
	[dreg:$0x11] =	wrdreg s12  }
0x10: {  	s4 =	sshll.u32 s17, $0x4;
	s3 =	sshll.u32 s6, $0x4;
	[dreg:$0x12] =	wrdreg s13  }
0x11: {  	s4 =	sand.u32 $0x70, s4;
	s6 =	ssub.s32 $0x2, s6;
	[dreg:$0x13] =	wrdreg s14  }
0x12: {  	s8 =	simm.s32 $0x80;
	s10 =	simm.s32 $0x280;
	[dreg:$0x14] =	wrdreg s15  }
0x13: {  	s11 =	simm.s32 $0x300;
	[dreg:$0x15] =	wrdreg s16;
	s12 =	simm.s32 $0x380  }
0x14: {  	s13 =	simm.s32 $0x400;
	s14 =	simm.s32 $0x480;
	s20 =	simm.s32 $0x1400  }
0x15: {  	v0 =	vimm.s32 $0xEFCDAB89;
	v1 =	vimm.s32 $0x67452301;
	s15 =	simm.s32 $0x500;
	s21 =	simm.s32 $0x1480;
	[dreg:$0x19] =	wrdreg s20  }
0x16: {  	v2 =	vimm.s32 $0xDCFE98BA;
	v3 =	vimm.s32 $0x54761032;
	s16 =	simm.s32 $0x580;
	s22 =	simm.s32 $0x1500;
	[dreg:$0x1a] =	wrdreg s21  }
0x17: {  	v4 =	vimm.s32 $0xBA98FEDC;
	v5 =	vimm.s32 $0x32107654;
	s23 =	simm.s32 $0x1580;
	s24 =	simm.s32 $0x1600;
	[dreg:$0x1b] =	wrdreg s22  }
0x18: {  	v6 =	vimm.s32 $0xFEDCBA98;
	v7 =	vimm.s32 $0x76543210;
	vm0 =	vmmov $0x1;
	s25 =	simm.s32 $0x1680;
	s26 =	simm.s32 $0x1700;
	[dreg:$0x1c] =	wrdreg s23  }
0x19: {  	vm1 =	vcmask $0x324;
	v0 =	vunpack.c.l.s4.s8 v0;
	v1 =	vunpack.c.l.s4.s8 v1;
	s3 =	sor.u32 s17, s3;
	s4 =	sadd.s32 s4, s5;
	[dreg:$0x1d] =	wrdreg s24  }
0x1a: {  	vm2 =	vcmask $0x724;
	v2 =	vunpack.c.l.s4.s8 v2;
	v3 =	vunpack.c.l.s4.s8 v3;
	s9 =	sshrl.u32 s6, $0x1;
	s17 =	simm.s32 $0x1280;
	[dreg:$0x1e] =	wrdreg s25  }
0x1b: {  	v6 =	vunpack.c.l.s4.s8 v6;
	v0 =	vunpack.c.0.s8.s32 v0;
	v1 =	vunpack.c.0.s8.s32 v1;
	s20 =	simm.s32 $0x780;
	[dreg:$0x1f] =	wrdreg s26;
	s22 =	simm.s32 $0x1800  }
0x1c: {  	v4 =	vunpack.c.l.s4.s8 v4;
	v5 =	vunpack.c.l.s4.s8 v5;
	v7 =	vunpack.c.l.s4.s8 v7;
	s23 =	simm.s32 $0x1880;
	s24 =	simm.s32 $0x1900;
	s25 =	simm.s32 $0x1980  }
0x1d: {  	v2 =	vunpack.c.0.s8.s32 v2;
	v57 =	vunpack.c.0.s8.s32 v6;
	s26 =	simm.s32 $0x1A00;
	s7 =	sshll.u32 s3, $0x4;
	s3 =	sshll.u32 s3, $0x6;
	v0 =	vcombine.low v1, v0  }
0x1e: {  	v3 =	vunpack.c.0.s8.s32 v3;
	v4 =	vunpack.c.0.s8.s32 v4;
	v59 =	vunpack.c.0.s8.s32 v7;
	s6 =	ssub.s32 s6, s9;
	s9 =	simm.s32 $0x200;
	[dreg:$0x16] =	wrdreg s17  }
0x1f: {  	v5 =	vunpack.c.0.s8.s32 v5;
	s17 =	simm.s32 $0x600;
	s7 =	sand.u32 $0x180, s7;
	s0 =	sadd.s32 s0, s3;
	v61 =	vand.u32 $0xF, v57;
	v0 =	vand.u32 $0xF, v0  }
0x20: {  	vm3 =	vcmask $0xB24;
	s3 =	sadd.s32 $0x1200, s5;
	s6 =	smax.u32 s6, $0x1;
	v56 =	vcombine.low v3, v2;
	s18 =	sadd.s32 s7, s4;
	[tilespmem:$0x1FFB0] =	vst v0;
	v0 =	vcombine.low v61, v59  }
0x21: {  	v63 =	vimm.f32 $0.0e+00;
	vm6 =	vcmask $0xB00;
	v58 =	vcombine.low v5, v4;
	[dreg:$0x3] =	wrdreg s0;
	s4 =	sadd.s32 $0x5CC00, s5;
	s7 =	simm.s32 $0xE00  }
0x22: {  	vm7 =	vcmask $0x170C;
	s5 =	sadd.s32 $0xB8600, s5;
	s19 =	sadd.s32 $0x114000, s18;
	[dreg:$0xd] =	wrdreg s7;
	v60 =	vand.u32 $0xF, v56;
	[tilespmem:$0x1FFE0] =	vst v0;
	v0 =	vsel vm6, $0x40A00000, v63  }
0x23: {  	vm9 =	vcmask $0x2318;
	s0 =	simm.s32 $0x1E00;
	s18 =	simm.s32 $0x1300;
	v62 =	vand.u32 $0xF, v58;
	[dreg:$0x4] =	wrdreg s19;
	[tilespmem:$0x1FFC0] =	vst v60;
	v0 =	vsel vm7, $0x41200000, v0  }
0x24: {  	vm4 =	vcmask $0xF24;
	vm5 =	vcmask $0x1324;
	s7 =	simm.s32 $0x2;
	[dreg:$0x17] =	wrdreg s18;
	s19 =	simm.s32 $0x1380;
	[tilespmem:$0x1FFD0] =	vst v62;
	v0 =	vsel vm9, $0x40C00000, v0  }
0x25: {  	vm8 =	vcmask $0x1F24;
	s18 =	simm.s32 $0x680;
	[dreg:$0x18] =	wrdreg s19;
	s19 =	simm.s32 $0x700;
	vm6 =	vcmask $0x1724;
	vm7 =	vcmask $0x1B24;
	[tilespmem:$0x1FFF0] =	vst v0  }
.LBB2_1:
0x26: {  	s1 =	rddreg [dreg:$0x3]  }
0x27: {  	[tilespmem:s2], [sflag:$0x2] =	stream.linear.gather [hbm4b:s1+s2], $0x200, $0x38;
	[tilespmem:$0x1E80] =	vst v63  }
0x28: {  	_ =	swait.ge [sflag:s7], $0x200  }
0x29: {  	[sflag:s7] =	ssyncset.done $0x0  }
0x2a: {  	[sflag:s7] =	ssyncadd.s32 $0xFFFFFE00  }
0x2b: {  	v0 =	vld [tilespmem:$0x0]  }
0x2c: {  	v1 =	vld [tilespmem:$0x10]  }
0x2d: {  	v50 =	vld [tilespmem:$0x20]  }
0x2e: {  	v53 =	vld [tilespmem:$0x30]  }
0x2f: {  	v56 =	vld [tilespmem:$0x40]  }
0x30: {  	v59 =	vld [tilespmem:$0x50];
	[tilespmem:$0x200] =	vst v0  }
0x31: {  	v62 =	vld [tilespmem:$0x60];
	[tilespmem:$0x210] =	vst v1  }
0x32: {  	v5 =	vld [tilespmem:$0x70];
	[tilespmem:$0x220] =	vst v50  }
0x33: {  	v8 =	vld [tilespmem:$0x80];
	[tilespmem:$0x230] =	vst v53  }
0x34: {  	v11 =	vld [tilespmem:$0x90];
	[tilespmem:$0x240] =	vst v56  }
0x35: {  	v14 =	vld [tilespmem:$0xA0];
	[tilespmem:$0x250] =	vst v59  }
0x36: {  	v17 =	vld [tilespmem:$0xB0];
	[tilespmem:$0x260] =	vst v62  }
0x37: {  	v20 =	vld [tilespmem:$0xC0];
	[tilespmem:$0x270] =	vst v5  }
0x38: {  	v23 =	vld [tilespmem:$0xD0];
	[tilespmem:$0x280] =	vst v8  }
0x39: {  	v28 =	vld [tilespmem:$0xE0];
	[tilespmem:$0x290] =	vst v11  }
0x3a: {  	v29 =	vld [tilespmem:$0xF0];
	[tilespmem:$0x2A0] =	vst v14  }
0x3b: {  	v31 =	vld [tilespmem:$0x100];
	[tilespmem:$0x2B0] =	vst v17  }
0x3c: {  	v34 =	vld [tilespmem:$0x110];
	[tilespmem:$0x2C0] =	vst v20  }
0x3d: {  	v37 =	vld [tilespmem:$0x120];
	[tilespmem:$0x2D0] =	vst v23  }
0x3e: {  	v40 =	vld [tilespmem:$0x130];
	[tilespmem:$0x2E0] =	vst v28  }
0x3f: {  	v43 =	vld [tilespmem:$0x140];
	[tilespmem:$0x2F0] =	vst v29  }
0x40: {  	v46 =	vld [tilespmem:$0x150];
	[tilespmem:$0x300] =	vst v31  }
0x41: {  	v49 =	vld [tilespmem:$0x160];
	[tilespmem:$0x310] =	vst v34  }
0x42: {  	[tilespmem:$0x320] =	vst v37  }
0x43: {  	[tilespmem:$0x330] =	vst v40  }
0x44: {  	[tilespmem:$0x340] =	vst v43  }
0x45: {  	[tilespmem:$0x350] =	vst v46  }
0x46: {  	v2 =	vadd.s32 $0xF4240, v0;
	[tilespmem:$0x360] =	vst v49  }
0x47: {  	v0 =	vadd.s32 $0x1E8480, v0;
	[tilespmem:$0x400] =	vst v2  }
0x48: {  	v51 =	vadd.s32 $0xF4240, v1;
	[tilespmem:$0x600] =	vst v0  }
0x49: {  	v52 =	vadd.s32 $0x1E8480, v1;
	[tilespmem:$0x410] =	vst v51  }
0x4a: {  	v54 =	vadd.s32 $0xF4240, v50;
	[tilespmem:$0x610] =	vst v52  }
0x4b: {  	v55 =	vadd.s32 $0x1E8480, v50;
	[tilespmem:$0x420] =	vst v54  }
0x4c: {  	v57 =	vadd.s32 $0xF4240, v53;
	[tilespmem:$0x620] =	vst v55  }
0x4d: {  	v58 =	vadd.s32 $0x1E8480, v53;
	[tilespmem:$0x430] =	vst v57  }
0x4e: {  	v60 =	vadd.s32 $0xF4240, v56;
	[tilespmem:$0x630] =	vst v58  }
0x4f: {  	v61 =	vadd.s32 $0x1E8480, v56;
	[tilespmem:$0x440] =	vst v60  }
0x50: {  	v63 =	vadd.s32 $0xF4240, v59;
	[tilespmem:$0x640] =	vst v61  }
0x51: {  	v4 =	vadd.s32 $0x1E8480, v59;
	[tilespmem:$0x450] =	vst v63  }
0x52: {  	v6 =	vadd.s32 $0xF4240, v62;
	[tilespmem:$0x650] =	vst v4  }
0x53: {  	v7 =	vadd.s32 $0x1E8480, v62;
	[tilespmem:$0x460] =	vst v6  }
0x54: {  	v9 =	vadd.s32 $0xF4240, v5;
	[tilespmem:$0x660] =	vst v7  }
0x55: {  	v10 =	vadd.s32 $0x1E8480, v5;
	[tilespmem:$0x470] =	vst v9  }
0x56: {  	v12 =	vadd.s32 $0xF4240, v8;
	[tilespmem:$0x670] =	vst v10  }
0x57: {  	v13 =	vadd.s32 $0x1E8480, v8;
	[tilespmem:$0x480] =	vst v12  }
0x58: {  	v15 =	vadd.s32 $0xF4240, v11;
	[tilespmem:$0x680] =	vst v13  }
0x59: {  	v16 =	vadd.s32 $0x1E8480, v11;
	[tilespmem:$0x490] =	vst v15  }
0x5a: {  	v18 =	vadd.s32 $0xF4240, v14;
	[tilespmem:$0x690] =	vst v16  }
0x5b: {  	v19 =	vadd.s32 $0x1E8480, v14;
	[tilespmem:$0x4A0] =	vst v18  }
0x5c: {  	v21 =	vadd.s32 $0xF4240, v17;
	[tilespmem:$0x6A0] =	vst v19  }
0x5d: {  	v22 =	vadd.s32 $0x1E8480, v17;
	[tilespmem:$0x4B0] =	vst v21  }
0x5e: {  	v24 =	vadd.s32 $0xF4240, v20;
	[tilespmem:$0x6B0] =	vst v22  }
0x5f: {  	v25 =	vadd.s32 $0x1E8480, v20;
	[tilespmem:$0x4C0] =	vst v24  }
0x60: {  	v26 =	vadd.s32 $0xF4240, v23;
	[tilespmem:$0x6C0] =	vst v25  }
0x61: {  	v27 =	vadd.s32 $0x1E8480, v23;
	[tilespmem:$0x4D0] =	vst v26  }
0x62: {  	v30 =	vadd.s32 $0xF4240, v28;
	[tilespmem:$0x6D0] =	vst v27  }
0x63: {  	v32 =	vadd.s32 $0xF4240, v29;
	[tilespmem:$0x4E0] =	vst v30  }
0x64: {  	v33 =	vadd.s32 $0x1E8480, v29;
	[tilespmem:$0x4F0] =	vst v32  }
0x65: {  	v35 =	vadd.s32 $0xF4240, v31;
	[tilespmem:$0x6F0] =	vst v33  }
0x66: {  	v36 =	vadd.s32 $0x1E8480, v31;
	[tilespmem:$0x500] =	vst v35  }
0x67: {  	v38 =	vadd.s32 $0xF4240, v34;
	[tilespmem:$0x700] =	vst v36  }
0x68: {  	v39 =	vadd.s32 $0x1E8480, v34;
	[tilespmem:$0x510] =	vst v38  }
0x69: {  	v41 =	vadd.s32 $0xF4240, v37;
	[tilespmem:$0x710] =	vst v39  }
0x6a: {  	v42 =	vadd.s32 $0x1E8480, v37;
	[tilespmem:$0x520] =	vst v41  }
0x6b: {  	v44 =	vadd.s32 $0xF4240, v40;
	[tilespmem:$0x720] =	vst v42  }
0x6c: {  	v45 =	vadd.s32 $0x1E8480, v40;
	[tilespmem:$0x530] =	vst v44  }
0x6d: {  	v47 =	vadd.s32 $0xF4240, v43;
	[tilespmem:$0x730] =	vst v45  }
0x6e: {  	v48 =	vadd.s32 $0x1E8480, v43;
	[tilespmem:$0x540] =	vst v47  }
0x6f: {  	v50 =	vadd.s32 $0xF4240, v46;
	[tilespmem:$0x740] =	vst v48  }
0x70: {  	v53 =	vadd.s32 $0xF4240, v49;
	[tilespmem:$0x550] =	vst v50;
	v52 =	vld [tilespmem:$0x170]  }
0x71: {  	v0 =	vadd.s32 $0x1E8480, v28;
	[tilespmem:$0x560] =	vst v53;
	v55 =	vld [tilespmem:$0x180]  }
0x72: {  	v51 =	vadd.s32 $0x1E8480, v46;
	v58 =	vld [tilespmem:$0x190];
	[tilespmem:$0x6E0] =	vst v0  }
0x73: {  	v54 =	vadd.s32 $0x1E8480, v49;
	v61 =	vld [tilespmem:$0x1A0];
	[tilespmem:$0x750] =	vst v51  }
0x74: {  	v4 =	vld [tilespmem:$0x1B0];
	[tilespmem:$0x760] =	vst v54  }
0x75: {  	v7 =	vld [tilespmem:$0x1C0];
	[tilespmem:$0x370] =	vst v52  }
0x76: {  	v10 =	vld [tilespmem:$0x1D0];
	[tilespmem:$0x380] =	vst v55  }
0x77: {  	v13 =	vld [tilespmem:$0x1E0];
	[tilespmem:$0x390] =	vst v58  }
0x78: {  	v16 =	vld [tilespmem:$0x1F0];
	[tilespmem:$0x3A0] =	vst v61  }
0x79: {  	[tilespmem:$0x3B0] =	vst v4  }
0x7a: {  	[tilespmem:$0x3C0] =	vst v7  }
0x7b: {  	[tilespmem:$0x3D0] =	vst v10  }
0x7c: {  	[tilespmem:$0x3E0] =	vst v13  }
0x7d: {  	v56 =	vadd.s32 $0xF4240, v52;
	[tilespmem:$0x3F0] =	vst v16  }
0x7e: {  	v57 =	vadd.s32 $0x1E8480, v52;
	[tilespmem:$0x570] =	vst v56  }
0x7f: {  	v59 =	vadd.s32 $0xF4240, v55;
	[tilespmem:$0x770] =	vst v57  }
0x80: {  	v60 =	vadd.s32 $0x1E8480, v55;
	[tilespmem:$0x580] =	vst v59  }
0x81: {  	v62 =	vadd.s32 $0xF4240, v58;
	[tilespmem:$0x780] =	vst v60  }
0x82: {  	v63 =	vadd.s32 $0x1E8480, v58;
	[tilespmem:$0x590] =	vst v62  }
0x83: {  	v5 =	vadd.s32 $0xF4240, v61;
	[tilespmem:$0x790] =	vst v63  }
0x84: {  	v6 =	vadd.s32 $0x1E8480, v61;
	[tilespmem:$0x5A0] =	vst v5  }
0x85: {  	v8 =	vadd.s32 $0xF4240, v4;
	[tilespmem:$0x7A0] =	vst v6  }
0x86: {  	v9 =	vadd.s32 $0x1E8480, v4;
	[tilespmem:$0x5B0] =	vst v8  }
0x87: {  	v11 =	vadd.s32 $0xF4240, v7;
	[tilespmem:$0x7B0] =	vst v9  }
0x88: {  	v12 =	vadd.s32 $0x1E8480, v7;
	[tilespmem:$0x5C0] =	vst v11  }
0x89: {  	v14 =	vadd.s32 $0xF4240, v10;
	[tilespmem:$0x7C0] =	vst v12  }
0x8a: {  	v15 =	vadd.s32 $0x1E8480, v10;
	[tilespmem:$0x5D0] =	vst v14  }
0x8b: {  	v17 =	vadd.s32 $0xF4240, v13;
	[tilespmem:$0x7D0] =	vst v15  }
0x8c: {  	v18 =	vadd.s32 $0x1E8480, v13;
	[tilespmem:$0x5E0] =	vst v17  }
0x8d: {  	v19 =	vadd.s32 $0xF4240, v16;
	[tilespmem:$0x7E0] =	vst v18  }
0x8e: {  	v20 =	vadd.s32 $0x1E8480, v16;
	[tilespmem:$0x5F0] =	vst v19  }
0x8f: {  	s1 =	rddreg [dreg:$0x5];
	[tilespmem:$0x7F0] =	vst v20  }
0x90: {  	[tilespmem:s1], [sflag:$0x1] =	stream.indirect.gather [hbm4b:s3+s8], $0x1, s9, s8, $0xb8;
	[tilespmem:$0x1E80] =	vst v63  }
0x91: {  	s21 =	rddreg [dreg:$0x6]  }
0x92: {  	[tilespmem:s21], [sflag:$0x1] =	stream.indirect.gather [hbm4b:s3+s8], $0x1, s10, s8, $0xb8;
	[tilespmem:$0x1E80] =	vst v63  }
0x93: {  	s1 =	rddreg [dreg:$0x7]  }
0x94: {  	[tilespmem:s1], [sflag:$0x1] =	stream.indirect.gather [hbm4b:s3+s8], $0x1, s11, s8, $0xb8;
	[tilespmem:$0x1E80] =	vst v63  }
0x95: {  	s21 =	rddreg [dreg:$0x8]  }
0x96: {  	[tilespmem:s21], [sflag:$0x1] =	stream.indirect.gather [hbm4b:s3+s8], $0x1, s12, s8, $0xb8;
	[tilespmem:$0x1E80] =	vst v63  }
0x97: {  	s1 =	rddreg [dreg:$0x9]  }
0x98: {  	[tilespmem:s1], [sflag:$0x1] =	stream.indirect.gather [hbm4b:s3+s8], $0x1, s13, s8, $0xb8;
	[tilespmem:$0x1E80] =	vst v63  }
0x99: {  	s21 =	rddreg [dreg:$0xa]  }
0x9a: {  	[tilespmem:s21], [sflag:$0x1] =	stream.indirect.gather [hbm4b:s3+s8], $0x1, s14, s8, $0xb8;
	[tilespmem:$0x1E80] =	vst v63  }
0x9b: {  	s1 =	rddreg [dreg:$0xb]  }
0x9c: {  	[tilespmem:s1], [sflag:$0x1] =	stream.indirect.gather [hbm4b:s3+s8], $0x1, s15, s8, $0xb8;
	[tilespmem:$0x1E80] =	vst v63  }
0x9d: {  	s21 =	rddreg [dreg:$0xc]  }
0x9e: {  	[tilespmem:s21], [sflag:$0x1] =	stream.indirect.gather [hbm4b:s3+s8], $0x1, s16, s8, $0xb8;
	[tilespmem:$0x1E80] =	vst v63  }
0x9f: {  	s1 =	rddreg [dreg:$0xd]  }
0xa0: {  	[tilespmem:s1], [sflag:$0x1] =	stream.indirect.gather [hbm4b:s3+s8], $0x1, s17, s8, $0xb8;
	[tilespmem:$0x1E80] =	vst v63  }
0xa1: {  	s21 =	rddreg [dreg:$0xe]  }
0xa2: {  	[tilespmem:s21], [sflag:$0x1] =	stream.indirect.gather [hbm4b:s3+s8], $0x1, s18, s8, $0xb8;
	[tilespmem:$0x1E80] =	vst v63  }
0xa3: {  	s1 =	rddreg [dreg:$0xf]  }
0xa4: {  	[tilespmem:s1], [sflag:$0x1] =	stream.indirect.gather [hbm4b:s3+s8], $0x1, s19, s8, $0xb8;
	[tilespmem:$0x1E80] =	vst v63  }
0xa5: {  	s21 =	rddreg [dreg:$0x10]  }
0xa6: {  	[tilespmem:s21], [sflag:$0x1] =	stream.indirect.gather [hbm4b:s3+s8], $0x1, s20, s8, $0xb8;
	[tilespmem:$0x1E80] =	vst v63  }
0xa7: {  	s1 =	rddreg [dreg:$0x11]  }
0xa8: {  	[tilespmem:s1], [sflag:$0x1] =	stream.indirect.gather [hbm4b:s4+s8], $0x1, s9, s8, $0xb8;
	[tilespmem:$0x1E80] =	vst v63  }
0xa9: {  	s21 =	rddreg [dreg:$0x12]  }
0xaa: {  	[tilespmem:s21], [sflag:$0x1] =	stream.indirect.gather [hbm4b:s4+s8], $0x1, s10, s8, $0xb8;
	[tilespmem:$0x1E80] =	vst v63  }
0xab: {  	s1 =	rddreg [dreg:$0x13]  }
0xac: {  	[tilespmem:s1], [sflag:$0x1] =	stream.indirect.gather [hbm4b:s4+s8], $0x1, s11, s8, $0xb8;
	[tilespmem:$0x1E80] =	vst v63  }
0xad: {  	s21 =	rddreg [dreg:$0x14]  }
0xae: {  	[tilespmem:s21], [sflag:$0x1] =	stream.indirect.gather [hbm4b:s4+s8], $0x1, s12, s8, $0xb8;
	[tilespmem:$0x1E80] =	vst v63  }
0xaf: {  	s1 =	rddreg [dreg:$0x15]  }
0xb0: {  	[tilespmem:s1], [sflag:$0x1] =	stream.indirect.gather [hbm4b:s4+s8], $0x1, s13, s8, $0xb8;
	[tilespmem:$0x1E80] =	vst v63  }
0xb1: {  	s21 =	rddreg [dreg:$0x16]  }
0xb2: {  	[tilespmem:s21], [sflag:$0x1] =	stream.indirect.gather [hbm4b:s4+s8], $0x1, s14, s8, $0xb8;
	[tilespmem:$0x1E80] =	vst v63  }
0xb3: {  	s1 =	rddreg [dreg:$0x17]  }
0xb4: {  	[tilespmem:s1], [sflag:$0x1] =	stream.indirect.gather [hbm4b:s4+s8], $0x1, s15, s8, $0xb8;
	[tilespmem:$0x1E80] =	vst v63  }
0xb5: {  	s21 =	rddreg [dreg:$0x18]  }
0xb6: {  	[tilespmem:s21], [sflag:$0x1] =	stream.indirect.gather [hbm4b:s4+s8], $0x1, s16, s8, $0xb8;
	[tilespmem:$0x1E80] =	vst v63  }
0xb7: {  	s1 =	rddreg [dreg:$0x19]  }
0xb8: {  	[tilespmem:s1], [sflag:$0x1] =	stream.indirect.gather [hbm4b:s4+s8], $0x1, s17, s8, $0xb8;
	[tilespmem:$0x1E80] =	vst v63  }
0xb9: {  	s21 =	rddreg [dreg:$0x1a]  }
0xba: {  	[tilespmem:s21], [sflag:$0x1] =	stream.indirect.gather [hbm4b:s4+s8], $0x1, s18, s8, $0xb8;
	[tilespmem:$0x1E80] =	vst v63  }
0xbb: {  	s1 =	rddreg [dreg:$0x1b]  }
0xbc: {  	[tilespmem:s1], [sflag:$0x1] =	stream.indirect.gather [hbm4b:s4+s8], $0x1, s19, s8, $0xb8;
	[tilespmem:$0x1E80] =	vst v63  }
0xbd: {  	s21 =	rddreg [dreg:$0x1c]  }
0xbe: {  	[tilespmem:s21], [sflag:$0x1] =	stream.indirect.gather [hbm4b:s4+s8], $0x1, s20, s8, $0xb8;
	[tilespmem:$0x1E80] =	vst v63  }
0xbf: {  	s1 =	rddreg [dreg:$0x1d]  }
0xc0: {  	[tilespmem:s1], [sflag:$0x1] =	stream.indirect.gather [hbm4b:s5+s8], $0x1, s9, s8, $0xb8;
	[tilespmem:$0x1E80] =	vst v63  }
0xc1: {  	s21 =	rddreg [dreg:$0x1e]  }
0xc2: {  	[tilespmem:s21], [sflag:$0x1] =	stream.indirect.gather [hbm4b:s5+s8], $0x1, s10, s8, $0xb8;
	[tilespmem:$0x1E80] =	vst v63  }
0xc3: {  	s1 =	rddreg [dreg:$0x1f]  }
0xc4: {  	[tilespmem:s1], [sflag:$0x1] =	stream.indirect.gather [hbm4b:s5+s8], $0x1, s11, s8, $0xb8;
	[tilespmem:$0x1E80] =	vst v63  }
0xc5: {  	s21 =	simm.s32 $0x1780  }
0xc6: {  	[tilespmem:s21], [sflag:$0x1] =	stream.indirect.gather [hbm4b:s5+s8], $0x1, s12, s8, $0xb8;
	[tilespmem:$0x1E80] =	vst v63  }
0xc7: {  	_ = 	snop  }
0xc8: {  	[tilespmem:s22], [sflag:$0x1] =	stream.indirect.gather [hbm4b:s5+s8], $0x1, s13, s8, $0xb8;
	[tilespmem:$0x1E80] =	vst v63  }
0xc9: {  	_ = 	snop  }
0xca: {  	[tilespmem:s23], [sflag:$0x1] =	stream.indirect.gather [hbm4b:s5+s8], $0x1, s14, s8, $0xb8;
	[tilespmem:$0x1E80] =	vst v63  }
0xcb: {  	_ = 	snop  }
0xcc: {  	[tilespmem:s24], [sflag:$0x1] =	stream.indirect.gather [hbm4b:s5+s8], $0x1, s15, s8, $0xb8;
	[tilespmem:$0x1E80] =	vst v63  }
0xcd: {  	_ = 	snop  }
0xce: {  	[tilespmem:s25], [sflag:$0x1] =	stream.indirect.gather [hbm4b:s5+s8], $0x1, s16, s8, $0xb8;
	[tilespmem:$0x1E80] =	vst v63  }
0xcf: {  	_ = 	snop  }
0xd0: {  	[tilespmem:s26], [sflag:$0x1] =	stream.indirect.gather [hbm4b:s5+s8], $0x1, s17, s8, $0xb8;
	[tilespmem:$0x1E80] =	vst v63  }
0xd1: {  	_ = 	snop  }
0xd2: {  	[tilespmem:s28], [sflag:$0x1] =	stream.indirect.gather [hbm4b:s5+s8], $0x1, s18, s8, $0xb8;
	[tilespmem:$0x1E80] =	vst v63  }
0xd3: {  	_ = 	snop  }
0xd4: {  	[tilespmem:s29], [sflag:$0x1] =	stream.indirect.gather [hbm4b:s5+s8], $0x1, s19, s8, $0xb8;
	[tilespmem:$0x1E80] =	vst v63  }
0xd5: {  	_ = 	snop  }
0xd6: {  	[tilespmem:s30], [sflag:$0x1] =	stream.indirect.gather [hbm4b:s5+s8], $0x1, s20, s8, $0xb8;
	[tilespmem:$0x1E80] =	vst v63  }
0xd7: {  	_ =	swait.ge [sflag:s31], $0x80  }
0xd8: {  	[sflag:s31] =	ssyncset.done $0x0  }
0xd9: {  	[sflag:s31] =	ssyncadd.s32 $0xFFFFFF80  }
0xda: {  	_ =	swait.ge [sflag:s31], $0x80  }
0xdb: {  	[sflag:s31] =	ssyncset.done $0x0  }
0xdc: {  	[sflag:s31] =	ssyncadd.s32 $0xFFFFFF80  }
0xdd: {  	_ =	swait.ge [sflag:s31], $0x80  }
0xde: {  	[sflag:s31] =	ssyncset.done $0x0  }
0xdf: {  	[sflag:s31] =	ssyncadd.s32 $0xFFFFFF80  }
0xe0: {  	_ =	swait.ge [sflag:s31], $0x80  }
0xe1: {  	[sflag:s31] =	ssyncset.done $0x0  }
0xe2: {  	[sflag:s31] =	ssyncadd.s32 $0xFFFFFF80  }
0xe3: {  	_ =	swait.ge [sflag:s31], $0x80  }
0xe4: {  	[sflag:s31] =	ssyncset.done $0x0  }
0xe5: {  	[sflag:s31] =	ssyncadd.s32 $0xFFFFFF80  }
0xe6: {  	_ =	swait.ge [sflag:s31], $0x80  }
0xe7: {  	[sflag:s31] =	ssyncset.done $0x0  }
0xe8: {  	[sflag:s31] =	ssyncadd.s32 $0xFFFFFF80  }
0xe9: {  	_ =	swait.ge [sflag:s31], $0x80  }
0xea: {  	[sflag:s31] =	ssyncset.done $0x0  }
0xeb: {  	[sflag:s31] =	ssyncadd.s32 $0xFFFFFF80  }
0xec: {  	_ =	swait.ge [sflag:s31], $0x80  }
0xed: {  	[sflag:s31] =	ssyncset.done $0x0  }
0xee: {  	[sflag:s31] =	ssyncadd.s32 $0xFFFFFF80  }
0xef: {  	_ =	swait.ge [sflag:s31], $0x80  }
0xf0: {  	[sflag:s31] =	ssyncset.done $0x0  }
0xf1: {  	[sflag:s31] =	ssyncadd.s32 $0xFFFFFF80  }
0xf2: {  	_ =	swait.ge [sflag:s31], $0x80  }
0xf3: {  	[sflag:s31] =	ssyncset.done $0x0  }
0xf4: {  	[sflag:s31] =	ssyncadd.s32 $0xFFFFFF80  }
0xf5: {  	_ =	swait.ge [sflag:s31], $0x80  }
0xf6: {  	[sflag:s31] =	ssyncset.done $0x0  }
0xf7: {  	[sflag:s31] =	ssyncadd.s32 $0xFFFFFF80  }
0xf8: {  	_ =	swait.ge [sflag:s31], $0x80  }
0xf9: {  	[sflag:s31] =	ssyncset.done $0x0  }
0xfa: {  	[sflag:s31] =	ssyncadd.s32 $0xFFFFFF80  }
0xfb: {  	_ =	swait.ge [sflag:s31], $0x80  }
0xfc: {  	[sflag:s31] =	ssyncset.done $0x0  }
0xfd: {  	[sflag:s31] =	ssyncadd.s32 $0xFFFFFF80  }
0xfe: {  	_ =	swait.ge [sflag:s31], $0x80  }
0xff: {  	[sflag:s31] =	ssyncset.done $0x0  }
0x100: {  	[sflag:s31] =	ssyncadd.s32 $0xFFFFFF80  }
0x101: {  	_ =	swait.ge [sflag:s31], $0x80  }
0x102: {  	[sflag:s31] =	ssyncset.done $0x0  }
0x103: {  	[sflag:s31] =	ssyncadd.s32 $0xFFFFFF80  }
0x104: {  	_ =	swait.ge [sflag:s31], $0x80  }
0x105: {  	[sflag:s31] =	ssyncset.done $0x0  }
0x106: {  	[sflag:s31] =	ssyncadd.s32 $0xFFFFFF80  }
0x107: {  	_ =	swait.ge [sflag:s31], $0x80  }
0x108: {  	[sflag:s31] =	ssyncset.done $0x0  }
0x109: {  	[sflag:s31] =	ssyncadd.s32 $0xFFFFFF80  }
0x10a: {  	_ =	swait.ge [sflag:s31], $0x80  }
0x10b: {  	[sflag:s31] =	ssyncset.done $0x0  }
0x10c: {  	[sflag:s31] =	ssyncadd.s32 $0xFFFFFF80  }
0x10d: {  	_ =	swait.ge [sflag:s31], $0x80  }
0x10e: {  	[sflag:s31] =	ssyncset.done $0x0  }
0x10f: {  	[sflag:s31] =	ssyncadd.s32 $0xFFFFFF80  }
0x110: {  	_ =	swait.ge [sflag:s31], $0x80  }
0x111: {  	[sflag:s31] =	ssyncset.done $0x0  }
0x112: {  	[sflag:s31] =	ssyncadd.s32 $0xFFFFFF80  }
0x113: {  	_ =	swait.ge [sflag:s31], $0x80  }
0x114: {  	[sflag:s31] =	ssyncset.done $0x0  }
0x115: {  	[sflag:s31] =	ssyncadd.s32 $0xFFFFFF80  }
0x116: {  	_ =	swait.ge [sflag:s31], $0x80  }
0x117: {  	[sflag:s31] =	ssyncset.done $0x0  }
0x118: {  	[sflag:s31] =	ssyncadd.s32 $0xFFFFFF80  }
0x119: {  	_ =	swait.ge [sflag:s31], $0x80  }
0x11a: {  	[sflag:s31] =	ssyncset.done $0x0  }
0x11b: {  	[sflag:s31] =	ssyncadd.s32 $0xFFFFFF80  }
0x11c: {  	_ =	swait.ge [sflag:s31], $0x80  }
0x11d: {  	[sflag:s31] =	ssyncset.done $0x0  }
0x11e: {  	[sflag:s31] =	ssyncadd.s32 $0xFFFFFF80  }
0x11f: {  	_ =	swait.ge [sflag:s31], $0x80  }
0x120: {  	[sflag:s31] =	ssyncset.done $0x0  }
0x121: {  	[sflag:s31] =	ssyncadd.s32 $0xFFFFFF80  }
0x122: {  	_ =	swait.ge [sflag:s31], $0x80  }
0x123: {  	[sflag:s31] =	ssyncset.done $0x0  }
0x124: {  	[sflag:s31] =	ssyncadd.s32 $0xFFFFFF80  }
0x125: {  	_ =	swait.ge [sflag:s31], $0x80  }
0x126: {  	[sflag:s31] =	ssyncset.done $0x0  }
0x127: {  	[sflag:s31] =	ssyncadd.s32 $0xFFFFFF80  }
0x128: {  	_ =	swait.ge [sflag:s31], $0x80  }
0x129: {  	[sflag:s31] =	ssyncset.done $0x0  }
0x12a: {  	[sflag:s31] =	ssyncadd.s32 $0xFFFFFF80  }
0x12b: {  	_ =	swait.ge [sflag:s31], $0x80  }
0x12c: {  	[sflag:s31] =	ssyncset.done $0x0  }
0x12d: {  	[sflag:s31] =	ssyncadd.s32 $0xFFFFFF80  }
0x12e: {  	_ =	swait.ge [sflag:s31], $0x80  }
0x12f: {  	[sflag:s31] =	ssyncset.done $0x0  }
0x130: {  	[sflag:s31] =	ssyncadd.s32 $0xFFFFFF80  }
0x131: {  	_ =	swait.ge [sflag:s31], $0x80  }
0x132: {  	[sflag:s31] =	ssyncset.done $0x0  }
0x133: {  	[sflag:s31] =	ssyncadd.s32 $0xFFFFFF80  }
0x134: {  	_ =	swait.ge [sflag:s31], $0x80  }
0x135: {  	[sflag:s31] =	ssyncset.done $0x0  }
0x136: {  	[sflag:s31] =	ssyncadd.s32 $0xFFFFFF80  }
0x137: {  	_ =	swait.ge [sflag:s31], $0x80  }
0x138: {  	[sflag:s31] =	ssyncset.done $0x0  }
0x139: {  	[sflag:s31] =	ssyncadd.s32 $0xFFFFFF80  }
0x13a: {  	_ =	swait.ge [sflag:s31], $0x80  }
0x13b: {  	[sflag:s31] =	ssyncset.done $0x0  }
0x13c: {  	[sflag:s31] =	ssyncadd.s32 $0xFFFFFF80  }
0x13d: {  	_ =	swait.ge [sflag:s31], $0x80  }
0x13e: {  	[sflag:s31] =	ssyncset.done $0x0  }
0x13f: {  	[sflag:s31] =	ssyncadd.s32 $0xFFFFFF80  }
0x140: {  	_ =	swait.ge [sflag:s31], $0x80  }
0x141: {  	[sflag:s31] =	ssyncset.done $0x0  }
0x142: {  	[sflag:s31] =	ssyncadd.s32 $0xFFFFFF80  }
0x143: {  	v7 =	vld [tilespmem:$0xA00]  }
0x144: {  	v11 =	vld [tilespmem:$0xA10]  }
0x145: {  	v17 =	vld [tilespmem:$0xA20]  }
0x146: {  	v19 =	vld [tilespmem:$0xA30]  }
0x147: {  	v26 =	vld [tilespmem:$0xA40]  }
0x148: {  	v40 =	vld [tilespmem:$0xA50]  }
0x149: {  	v51 =	vld [tilespmem:$0xA60]  }
0x14a: {  	v1 =	vld [tilespmem:$0xA70]  }
0x14b: {  	v0 =	vld [tilespmem:$0xA80]  }
0x14c: {  	v2 =	vld [tilespmem:$0xA90]  }
0x14d: {  	v3 =	vld [tilespmem:$0xAA0]  }
0x14e: {  	v4 =	vld [tilespmem:$0xAB0]  }
0x14f: {  	v9 =	vld [tilespmem:$0xAC0]  }
0x150: {  	v5 =	vld [tilespmem:$0xAD0]  }
0x151: {  	v50 =	vld [tilespmem:$0xAE0]  }
0x152: {  	v6 =	vld [tilespmem:$0xAF0]  }
0x153: {  	v8 =	vld [tilespmem:$0xB00]  }
0x154: {  	v10 =	vld [tilespmem:$0xB10]  }
0x155: {  	v43 =	vld [tilespmem:$0xB20]  }
0x156: {  	v25 =	vld [tilespmem:$0xB30]  }
0x157: {  	v27 =	vld [tilespmem:$0xB40]  }
0x158: {  	v46 =	vld [tilespmem:$0xB50]  }
0x159: {  	v29 =	vld [tilespmem:$0xB60]  }
0x15a: {  	v33 =	vld [tilespmem:$0xB70]  }
0x15b: {  	v34 =	vld [tilespmem:$0xB80]  }
0x15c: {  	v37 =	vld [tilespmem:$0xB90]  }
0x15d: {  	v38 =	vld [tilespmem:$0xBA0]  }
0x15e: {  	v55 =	vld [tilespmem:$0xBB0]  }
0x15f: {  	v49 =	vld [tilespmem:$0xBC0]  }
0x160: {  	v57 =	vld [tilespmem:$0xBD0]  }
0x161: {  	v62 =	vld [tilespmem:$0xBE0]  }
0x162: {  	v12 =	vld [tilespmem:$0xBF0]  }
0x163: {  	v39 =	vld [tilespmem:$0xC00]  }
0x164: {  	v44 =	vld [tilespmem:$0xC10]  }
0x165: {  	v47 =	vld [tilespmem:$0xC20]  }
0x166: {  	v45 =	vld [tilespmem:$0xC30]  }
0x167: {  	v63 =	vld [tilespmem:$0xC40]  }
0x168: {  	v48 =	vld [tilespmem:$0xC50]  }
0x169: {  	v53 =	vld [tilespmem:$0xC60]  }
0x16a: {  	v21 =	vld [tilespmem:$0xC70]  }
0x16b: {  	v22 =	vld [tilespmem:$0xC80]  }
0x16c: {  	v23 =	vld [tilespmem:$0xC90]  }
0x16d: {  	v24 =	vld [tilespmem:$0xCA0]  }
0x16e: {  	v28 =	vld [tilespmem:$0xCB0]  }
0x16f: {  	v30 =	vld [tilespmem:$0xCC0]  }
0x170: {  	v31 =	vld [tilespmem:$0xCD0]  }
0x171: {  	v32 =	vld [tilespmem:$0xCE0]  }
0x172: {  	v35 =	vld [tilespmem:$0xCF0]  }
0x173: {  	v36 =	vld [tilespmem:$0xD00]  }
0x174: {  	v41 =	vld [tilespmem:$0xD10]  }
0x175: {  	v42 =	vld [tilespmem:$0xD20]  }
0x176: {  	v52 =	vld [tilespmem:$0xD30]  }
0x177: {  	v54 =	vld [tilespmem:$0xD40]  }
0x178: {  	v56 =	vld [tilespmem:$0xD50]  }
0x179: {  	v58 =	vld [tilespmem:$0xD60]  }
0x17a: {  	v59 =	vld [tilespmem:$0xD70]  }
0x17b: {  	v60 =	vld [tilespmem:$0xD80]  }
0x17c: {  	v61 =	vld [tilespmem:$0xD90]  }
0x17d: {  	v16 =	vld [tilespmem:$0xDA0]  }
0x17e: {  	v18 =	vld [tilespmem:$0xDB0]  }
0x17f: {  	v20 =	vld [tilespmem:$0xDC0]  }
0x180: {  	v14 =	vld [tilespmem:$0x1010]  }
0x181: {  	v13 =	vld [tilespmem:$0x10F0]  }
0x182: {  	v15 =	vld [tilespmem:$0x1100];
	[tilespmem:$0x1FB10] =	vst v12  }
0x183: {  	[tilespmem:$0x1FB20] =	vst v21;
	v21 =	vld [tilespmem:$0xDD0]  }
0x184: {  	[tilespmem:$0x1FB30] =	vst v22;
	v22 =	vld [tilespmem:$0xDE0]  }
0x185: {  	[tilespmem:$0x1FB40] =	vst v23;
	v23 =	vld [tilespmem:$0xDF0]  }
0x186: {  	[tilespmem:$0x1FDB0] =	vst v18;
	v18 =	vld [tilespmem:$0xE00]  }
0x187: {  	[tilespmem:$0x1FC00] =	vst v41;
	v41 =	vld [tilespmem:$0xE30]  }
0x188: {  	[tilespmem:$0x1FBC0] =	vst v35;
	v35 =	vld [tilespmem:$0xE40]  }
0x189: {  	[tilespmem:$0x1FBE0] =	vst v36;
	v36 =	vld [tilespmem:$0xE50]  }
0x18a: {  	[tilespmem:$0x1FCF0] =	vst v59;
	v59 =	vld [tilespmem:$0xE60]  }
0x18b: {  	[tilespmem:$0x1FC90] =	vst v56;
	v56 =	vld [tilespmem:$0xE70]  }
0x18c: {  	[tilespmem:$0x1FC60] =	vst v54;
	v54 =	vld [tilespmem:$0xE80]  }
0x18d: {  	[tilespmem:$0x1FD50] =	vst v61;
	v61 =	vld [tilespmem:$0xE90]  }
0x18e: {  	[tilespmem:$0x1FB50] =	vst v24;
	v24 =	vld [tilespmem:$0xEA0]  }
0x18f: {  	[tilespmem:$0x1FB60] =	vst v28;
	v28 =	vld [tilespmem:$0xEB0]  }
0x190: {  	[tilespmem:$0x1FB70] =	vst v30;
	v30 =	vld [tilespmem:$0xEC0]  }
0x191: {  	[tilespmem:$0x1FB80] =	vst v31;
	v31 =	vld [tilespmem:$0xED0]  }
0x192: {  	[tilespmem:$0x1FBA0] =	vst v32;
	v32 =	vld [tilespmem:$0xEE0]  }
0x193: {  	[tilespmem:$0x1FC20] =	vst v42;
	v42 =	vld [tilespmem:$0xEF0]  }
0x194: {  	[tilespmem:$0x1FC40] =	vst v52;
	v52 =	vld [tilespmem:$0xF00]  }
0x195: {  	[tilespmem:$0x1FCC0] =	vst v58;
	v58 =	vld [tilespmem:$0xF10]  }
0x196: {  	[tilespmem:$0x1FD20] =	vst v60;
	v60 =	vld [tilespmem:$0xF20]  }
0x197: {  	[tilespmem:$0x1FD80] =	vst v16;
	v16 =	vld [tilespmem:$0xF30]  }
0x198: {  	[tilespmem:$0x1FDE0] =	vst v20;
	v20 =	vld [tilespmem:$0xF40]  }
0x199: {  	v12 =	vld [tilespmem:$0x1000];
	[tilespmem:$0x1FCD0] =	vst v13  }
0x19a: {  	[tilespmem:$0x1FD00] =	vst v15;
	v13 =	vld [tilespmem:$0x1190]  }
0x19b: {  	v15 =	vld [tilespmem:$0x11A0];
	[tilespmem:$0x1FE10] =	vst v21  }
0x19c: {  	[tilespmem:$0x1FE40] =	vst v22;
	v21 =	vld [tilespmem:$0xE10]  }
0x19d: {  	[tilespmem:$0x1FE70] =	vst v23;
	v23 =	vld [tilespmem:$0xE20]  }
0x19e: {  	[tilespmem:$0x1FB90] =	vst v24;
	v22 =	vld [tilespmem:$0xF50]  }
0x19f: {  	[tilespmem:$0x1FBB0] =	vst v28;
	v24 =	vld [tilespmem:$0xF60]  }
0x1a0: {  	[tilespmem:$0x1FBD0] =	vst v30;
	v28 =	vld [tilespmem:$0xF70]  }
0x1a1: {  	[tilespmem:$0x1FBF0] =	vst v31;
	v30 =	vld [tilespmem:$0xF80]  }
0x1a2: {  	[tilespmem:$0x1FC10] =	vst v32;
	v31 =	vld [tilespmem:$0xF90]  }
0x1a3: {  	[tilespmem:$0x1FC30] =	vst v42;
	v32 =	vld [tilespmem:$0xFA0]  }
0x1a4: {  	[tilespmem:$0x1FC50] =	vst v52;
	v42 =	vld [tilespmem:$0xFB0]  }
0x1a5: {  	[tilespmem:$0x1FC80] =	vst v58;
	v52 =	vld [tilespmem:$0xFC0]  }
0x1a6: {  	[tilespmem:$0x1FCB0] =	vst v60;
	v58 =	vld [tilespmem:$0xFD0]  }
0x1a7: {  	[tilespmem:$0x1FCE0] =	vst v16;
	v16 =	vld [tilespmem:$0xFF0]  }
0x1a8: {  	[tilespmem:$0x1FD10] =	vst v20;
	v60 =	vld [tilespmem:$0xFE0]  }
0x1a9: {  	v20 =	vld [tilespmem:$0x1030];
	[tilespmem:$0x1FEA0] =	vst v13  }
0x1aa: {  	[tilespmem:$0x1FEC0] =	vst v15;
	v13 =	vld [tilespmem:$0x12A0]  }
0x1ab: {  	v15 =	vld [tilespmem:$0x12B0];
	[tilespmem:$0x1FD40] =	vst v22  }
0x1ac: {  	[tilespmem:$0x1FEF0] =	vst v16;
	v16 =	vld [tilespmem:$0x1020]  }
0x1ad: {  	[tilespmem:$0x1FD70] =	vst v24;
	v22 =	vld [tilespmem:$0x1040]  }
0x1ae: {  	[tilespmem:$0x1FDA0] =	vst v28;
	v24 =	vld [tilespmem:$0x1050]  }
0x1af: {  	[tilespmem:$0x1FDD0] =	vst v30;
	v28 =	vld [tilespmem:$0x1060]  }
0x1b0: {  	[tilespmem:$0x1FE30] =	vst v32;
	v30 =	vld [tilespmem:$0x1070]  }
0x1b1: {  	[tilespmem:$0x1FE90] =	vst v52;
	v52 =	vld [tilespmem:$0x1090]  }
0x1b2: {  	[tilespmem:$0x1FE60] =	vst v42;
	v42 =	vld [tilespmem:$0x10A0]  }
0x1b3: {  	v18 =	vadd.f32 $0.0e+00, v18;
	[tilespmem:$0x1FEB0] =	vst v58;
	v32 =	vadd.f32 $0.0e+00, v7;
	v58 =	vld [tilespmem:$0x10B0]  }
0x1b4: {  	[tilespmem:$0x1FED0] =	vst v60;
	v60 =	vld [tilespmem:$0x10C0]  }
0x1b5: {  	[tilespmem:$0x1FE00] =	vst v31;
	v31 =	vld [tilespmem:$0x10E0];
	v18 =	vadd.f32 v21, v18;
	v11 =	vadd.f32 v11, v32  }
0x1b6: {  	v7 =	vld [tilespmem:$0x1170]  }
0x1b7: {  	v32 =	vld [tilespmem:$0x1080];
	v18 =	vadd.f32 v23, v18;
	v11 =	vadd.f32 v17, v11  }
0x1b8: {  	v12 =	vadd.f32 $0.0e+00, v12;
	v17 =	vld [tilespmem:$0x1110]  }
0x1b9: {  	v18 =	vadd.f32 v41, v18;
	v41 =	vld [tilespmem:$0x1440];
	v11 =	vadd.f32 v19, v11  }
0x1ba: {  	v12 =	vadd.f32 v14, v12;
	[tilespmem:$0x1FCA0] =	vst v31;
	v31 =	vld [tilespmem:$0x1140]  }
0x1bb: {  	[tilespmem:$0x1FE50] =	vst v7;
	v7 =	vld [tilespmem:$0x1260];
	v11 =	vadd.f32 v26, v11  }
0x1bc: {  	v12 =	vadd.f32 v16, v12;
	v16 =	vld [tilespmem:$0x14E0]  }
0x1bd: {  	v19 =	vld [tilespmem:$0x10D0];
	v11 =	vadd.f32 v40, v11  }
0x1be: {  	v18 =	vadd.f32 v35, v18;
	v35 =	vld [tilespmem:$0x1490]  }
0x1bf: {  	v26 =	vld [tilespmem:$0x1130];
	v11 =	vadd.f32 v51, v11  }
0x1c0: {  	[tilespmem:$0x1FD30] =	vst v17;
	v17 =	vld [tilespmem:$0x11B0]  }
0x1c1: {  	v40 =	vld [tilespmem:$0x1150];
	v1 =	vadd.f32 v1, v11  }
0x1c2: {  	[tilespmem:$0x1FDC0] =	vst v31;
	v31 =	vld [tilespmem:$0x11E0]  }
0x1c3: {  	[tilespmem:$0x1FC70] =	vst v19;
	v19 =	vld [tilespmem:$0x1120];
	v1 =	vadd.f32 v0, v1  }
0x1c4: {  	v51 =	vld [tilespmem:$0x1160]  }
0x1c5: {  	[tilespmem:$0x1FD90] =	vst v26;
	v26 =	vld [tilespmem:$0x11D0];
	v1 =	vadd.f32 v2, v1  }
0x1c6: {  	v11 =	vld [tilespmem:$0x1180]  }
0x1c7: {  	[tilespmem:$0x1FEE0] =	vst v17;
	v17 =	vld [tilespmem:$0x12E0];
	v1 =	vadd.f32 v3, v1  }
0x1c8: {  	[tilespmem:$0x1FDF0] =	vst v40;
	v40 =	vld [tilespmem:$0x11F0]  }
0x1c9: {  	[tilespmem:$0x1FF30] =	vst v31;
	v31 =	vld [tilespmem:$0x12F0];
	v1 =	vadd.f32 v4, v1  }
0x1ca: {  	[tilespmem:$0x1FD60] =	vst v19;
	v19 =	vld [tilespmem:$0x11C0]  }
0x1cb: {  	v1 =	vadd.f32 v9, v1;
	v9 =	vld [tilespmem:$0x1200]  }
0x1cc: {  	v2 =	vld [tilespmem:$0x1210]  }
0x1cd: {  	[tilespmem:$0x1FF10] =	vst v26;
	v26 =	vld [tilespmem:$0x1300];
	v1 =	vadd.f32 v5, v1  }
0x1ce: {  	[tilespmem:$0x1FE80] =	vst v11;
	v11 =	vld [tilespmem:$0x1290]  }
0x1cf: {  	v3 =	vld [tilespmem:$0x1220];
	v1 =	vadd.f32 v50, v1  }
0x1d0: {  	[tilespmem:$0x1FF50] =	vst v40;
	v40 =	vld [tilespmem:$0x13A0];
	v9 =	vadd.f32 $0.0e+00, v9  }
0x1d1: {  	v4 =	vld [tilespmem:$0x1230];
	v1 =	vadd.f32 v6, v1  }
0x1d2: {  	[tilespmem:$0x1FF00] =	vst v19;
	v19 =	vld [tilespmem:$0x12D0];
	v2 =	vadd.f32 v2, v9  }
0x1d3: {  	v5 =	vld [tilespmem:$0x1240];
	v1 =	vadd.f32 v8, v1  }
0x1d4: {  	v50 =	vld [tilespmem:$0x1350];
	v2 =	vadd.f32 v3, v2  }
0x1d5: {  	v6 =	vld [tilespmem:$0x1250];
	v1 =	vadd.f32 v10, v1  }
0x1d6: {  	v8 =	vld [tilespmem:$0x1270];
	v2 =	vadd.f32 v4, v2  }
0x1d7: {  	v10 =	vld [tilespmem:$0x1280];
	v1 =	vadd.f32 v43, v1  }
0x1d8: {  	v43 =	vld [tilespmem:$0x1310];
	v2 =	vadd.f32 v5, v2  }
0x1d9: {  	[tilespmem:$0x1FE20] =	vst v51;
	v51 =	vadd.f32 v25, v1;
	v1 =	vld [tilespmem:$0x12C0]  }
0x1da: {  	v25 =	vld [tilespmem:$0x1330];
	v2 =	vadd.f32 v6, v2  }
0x1db: {  	v0 =	vadd.f32 v27, v51;
	v51 =	vld [tilespmem:$0x1340]  }
0x1dc: {  	v2 =	vadd.f32 v7, v2;
	v7 =	vld [tilespmem:$0x1610]  }
0x1dd: {  	v27 =	vadd.f32 v46, v0;
	v0 =	vadd.f32 $0.0e+00, v39;
	v39 =	vld [tilespmem:$0x1380]  }
0x1de: {  	v2 =	vadd.f32 v8, v2;
	v8 =	vld [tilespmem:$0x16F0]  }
0x1df: {  	v46 =	vadd.f32 v29, v27;
	v27 =	vld [tilespmem:$0x1320]  }
0x1e0: {  	v29 =	vld [tilespmem:$0x13B0]  }
0x1e1: {  	v0 =	vadd.f32 v44, v0;
	v44 =	vld [tilespmem:$0x1430]  }
0x1e2: {  	v2 =	vadd.f32 v10, v2;
	v10 =	vld [tilespmem:$0x1FC50]  }
0x1e3: {  	v33 =	vadd.f32 v33, v46;
	v46 =	vld [tilespmem:$0x1360]  }
0x1e4: {  	v0 =	vadd.f32 v47, v0;
	v47 =	vld [tilespmem:$0x13E0]  }
0x1e5: {  	v2 =	vadd.f32 v11, v2;
	v11 =	vld [tilespmem:$0x15E0]  }
0x1e6: {  	v34 =	vadd.f32 v34, v33;
	v33 =	vld [tilespmem:$0x1370]  }
0x1e7: {  	v0 =	vadd.f32 v45, v0;
	v45 =	vld [tilespmem:$0x13D0]  }
0x1e8: {  	v2 =	vadd.f32 v13, v2;
	v13 =	vld [tilespmem:$0x1FC70]  }
0x1e9: {  	v34 =	vadd.f32 v37, v34;
	v37 =	vld [tilespmem:$0x1390]  }
0x1ea: {  	[tilespmem:$0x1FF40] =	vst v47;
	v47 =	vld [tilespmem:$0x1420]  }
0x1eb: {  	v2 =	vadd.f32 v15, v2;
	v15 =	vld [tilespmem:$0x15F0]  }
0x1ec: {  	v34 =	vadd.f32 v38, v34;
	v38 =	vadd.f32 v20, v12;
	v20 =	vld [tilespmem:$0x1FB80]  }
0x1ed: {  	[tilespmem:$0x1FF80] =	vst v11;
	v11 =	vld [tilespmem:$0x16A0]  }
0x1ee: {  	[tilespmem:$0x1FF20] =	vst v45;
	v45 =	vld [tilespmem:$0x1FB20];
	v1 =	vadd.f32 v1, v2  }
0x1ef: {  	v34 =	vadd.f32 v55, v34;
	v55 =	vld [tilespmem:$0x13C0]  }
0x1f0: {  	v1 =	vadd.f32 v19, v1;
	v19 =	vld [tilespmem:$0x1FD20]  }
0x1f1: {  	v34 =	vadd.f32 v49, v34;
	v49 =	vadd.f32 v63, v0;
	v63 =	vld [tilespmem:$0x13F0]  }
0x1f2: {  	v0 =	vld [tilespmem:$0x1400]  }
0x1f3: {  	[tilespmem:$0x1FF90] =	vst v15;
	v15 =	vld [tilespmem:$0x1620]  }
0x1f4: {  	v1 =	vadd.f32 v17, v1;
	v17 =	vld [tilespmem:$0x1630]  }
0x1f5: {  	v57 =	vadd.f32 v57, v34;
	v34 =	vld [tilespmem:$0x1410]  }
0x1f6: {  	v49 =	vadd.f32 v48, v49;
	v48 =	vld [tilespmem:$0x1FB30]  }
0x1f7: {  	v1 =	vadd.f32 v31, v1;
	v31 =	vld [tilespmem:$0x1640]  }
0x1f8: {  	v57 =	vadd.f32 v62, v57;
	v62 =	vld [tilespmem:$0x1FB10]  }
0x1f9: {  	v21 =	vadd.f32 v53, v49;
	v53 =	vld [tilespmem:$0x1450]  }
0x1fa: {  	v49 =	vadd.f32 v36, v18;
	v36 =	vld [tilespmem:$0x1480]  }
0x1fb: {  	v18 =	vld [tilespmem:$0x1FB50]  }
0x1fc: {  	v1 =	vadd.f32 v26, v1;
	v26 =	vld [tilespmem:$0x1FD30]  }
0x1fd: {  	v14 =	vadd.f32 v59, v49;
	v59 =	vld [tilespmem:$0x14B0]  }
0x1fe: {  	v49 =	vld [tilespmem:$0x14C0]  }
0x1ff: {  	v0 =	vadd.f32 $0.0e+00, v0;
	v1 =	vadd.f32 v43, v1;
	v43 =	vld [tilespmem:$0x1680]  }
0x200: {  	v23 =	vadd.f32 v62, v57;
	v62 =	vld [tilespmem:$0x1470]  }
0x201: {  	v0 =	vadd.f32 v34, v0;
	v57 =	vld [tilespmem:$0x1FB40]  }
0x202: {  	v1 =	vadd.f32 v27, v1;
	v27 =	vld [tilespmem:$0x1FDC0]  }
0x203: {  	v0 =	vadd.f32 v47, v0;
	v47 =	vld [tilespmem:$0x1FEF0]  }
0x204: {  	[tilespmem:$0x1FFA0] =	vst v23;
	v23 =	vadd.f32 v45, v21;
	v21 =	vld [tilespmem:$0x1460]  }
0x205: {  	v45 =	vadd.f32 v56, v14;
	v56 =	vld [tilespmem:$0x1FB60]  }
0x206: {  	v14 =	vld [tilespmem:$0x1FB70]  }
0x207: {  	v1 =	vadd.f32 v25, v1;
	v25 =	vld [tilespmem:$0x16C0]  }
0x208: {  	v12 =	vadd.f32 v54, v45;
	v54 =	vld [tilespmem:$0x1510]  }
0x209: {  	v23 =	vadd.f32 v48, v23;
	v48 =	vld [tilespmem:$0x1520]  }
0x20a: {  	v45 =	vld [tilespmem:$0x1FBC0]  }
0x20b: {  	v1 =	vadd.f32 v51, v1;
	v51 =	vld [tilespmem:$0x1FDE0]  }
0x20c: {  	v9 =	vadd.f32 v57, v23;
	v23 =	vld [tilespmem:$0x14A0]  }
0x20d: {  	v57 =	vadd.f32 v22, v38;
	v22 =	vld [tilespmem:$0x14F0]  }
0x20e: {  	v38 =	vld [tilespmem:$0x1FBB0]  }
0x20f: {  	v1 =	vadd.f32 v50, v1;
	v50 =	vld [tilespmem:$0x1FE30]  }
0x210: {  	v3 =	vadd.f32 v18, v9;
	v9 =	vld [tilespmem:$0x14D0]  }
0x211: {  	v4 =	vadd.f32 v24, v57;
	v24 =	vld [tilespmem:$0x1FB90]  }
0x212: {  	v18 =	vadd.f32 v61, v12;
	v61 =	vld [tilespmem:$0x1550]  }
0x213: {  	v57 =	vld [tilespmem:$0x1FBD0]  }
0x214: {  	v12 =	vld [tilespmem:$0x1560]  }
0x215: {  	v1 =	vadd.f32 v46, v1;
	v46 =	vld [tilespmem:$0x1730]  }
0x216: {  	v3 =	vadd.f32 v56, v3;
	v56 =	vld [tilespmem:$0x1500]  }
0x217: {  	v4 =	vadd.f32 v28, v4;
	v28 =	vld [tilespmem:$0x1FBA0]  }
0x218: {  	v1 =	vadd.f32 v33, v1;
	v33 =	vld [tilespmem:$0x1740]  }
0x219: {  	v4 =	vadd.f32 v30, v4;
	v30 =	vld [tilespmem:$0x1540]  }
0x21a: {  	v3 =	vadd.f32 v14, v3;
	v14 =	vld [tilespmem:$0x1FBE0]  }
0x21b: {  	v1 =	vadd.f32 v39, v1;
	v39 =	vld [tilespmem:$0x1FEB0]  }
0x21c: {  	v5 =	vadd.f32 v24, v18;
	v24 =	vld [tilespmem:$0x1530]  }
0x21d: {  	v18 =	vld [tilespmem:$0x1FBF0]  }
0x21e: {  	[tilespmem:$0x1FF60] =	vst v12;
	v12 =	vld [tilespmem:$0x1FC60]  }
0x21f: {  	v4 =	vadd.f32 v32, v4;
	v32 =	vld [tilespmem:$0x1580]  }
0x220: {  	v3 =	vadd.f32 v20, v3;
	v20 =	vld [tilespmem:$0x1FC00]  }
0x221: {  	v5 =	vadd.f32 v38, v5;
	v38 =	vld [tilespmem:$0x1FC10]  }
0x222: {  	v3 =	vadd.f32 v28, v3;
	v4 =	vadd.f32 v52, v4;
	v52 =	vld [tilespmem:$0x1FC30]  }
0x223: {  	v5 =	vadd.f32 v57, v5;
	v57 =	vld [tilespmem:$0x15C0]  }
0x224: {  	v3 =	vadd.f32 v45, v3;
	v45 =	vld [tilespmem:$0x1570]  }
0x225: {  	v28 =	vadd.f32 v42, v4;
	v4 =	vld [tilespmem:$0x15A0]  }
0x226: {  	v42 =	vld [tilespmem:$0x1FC20]  }
0x227: {  	v5 =	vadd.f32 v18, v5;
	v18 =	vld [tilespmem:$0x1FC80]  }
0x228: {  	v6 =	vadd.f32 v58, v28;
	v28 =	vld [tilespmem:$0x15B0]  }
0x229: {  	v58 =	vld [tilespmem:$0x1FC40]  }
0x22a: {  	v3 =	vadd.f32 v14, v3;
	v14 =	vld [tilespmem:$0x15D0]  }
0x22b: {  	v5 =	vadd.f32 v38, v5;
	v38 =	vld [tilespmem:$0x1FC90]  }
0x22c: {  	v3 =	vadd.f32 v20, v3;
	v20 =	vld [tilespmem:$0x1590]  }
0x22d: {  	[tilespmem:$0x1FF70] =	vst v57;
	v57 =	vld [tilespmem:$0x1FCC0]  }
0x22e: {  	v6 =	vadd.f32 v60, v6;
	v60 =	vld [tilespmem:$0x1FCE0]  }
0x22f: {  	v5 =	vadd.f32 v52, v5;
	v52 =	vld [tilespmem:$0x1FCB0]  }
0x230: {  	v3 =	vadd.f32 v42, v3;
	v42 =	vld [tilespmem:$0x1FCA0]  }
0x231: {  	v5 =	vadd.f32 v10, v5;
	v10 =	vld [tilespmem:$0x1FE70]  }
0x232: {  	v3 =	vadd.f32 v58, v3;
	v58 =	vld [tilespmem:$0x1FCD0]  }
0x233: {  	v5 =	vadd.f32 v18, v5;
	v18 =	vld [tilespmem:$0x1FD10]  }
0x234: {  	v2 =	vadd.f32 v12, v3;
	v3 =	vadd.f32 v13, v6;
	v6 =	vld [tilespmem:$0x1600]  }
0x235: {  	v12 =	vld [tilespmem:$0x1FCF0]  }
0x236: {  	v13 =	vld [tilespmem:$0x1FD00]  }
0x237: {  	v5 =	vadd.f32 v52, v5;
	v52 =	vld [tilespmem:$0x1660]  }
0x238: {  	v3 =	vadd.f32 v42, v3;
	v42 =	vld [tilespmem:$0x1650]  }
0x239: {  	v2 =	vadd.f32 v38, v2;
	v38 =	vld [tilespmem:$0x1FD40]  }
0x23a: {  	v5 =	vadd.f32 v60, v5;
	v60 =	vld [tilespmem:$0x1FD60]  }
0x23b: {  	v3 =	vadd.f32 v58, v3;
	v58 =	vld [tilespmem:$0x1670]  }
0x23c: {  	v2 =	vadd.f32 v57, v2;
	v57 =	vld [tilespmem:$0x1FD50]  }
0x23d: {  	v5 =	vadd.f32 v18, v5;
	v18 =	vld [tilespmem:$0x1FD90]  }
0x23e: {  	v2 =	vadd.f32 v12, v2;
	v12 =	vld [tilespmem:$0x1FD70]  }
0x23f: {  	v3 =	vadd.f32 v13, v3;
	v13 =	vld [tilespmem:$0x1FD80]  }
0x240: {  	v6 =	vadd.f32 $0.0e+00, v6;
	v5 =	vadd.f32 v38, v5;
	v38 =	vld [tilespmem:$0x1FDD0]  }
0x241: {  	v2 =	vadd.f32 v19, v2;
	v3 =	vadd.f32 v26, v3;
	v19 =	vld [tilespmem:$0x1FDA0]  }
0x242: {  	v6 =	vadd.f32 v7, v6;
	v26 =	vld [tilespmem:$0x1FDB0]  }
0x243: {  	v3 =	vadd.f32 v60, v3;
	v60 =	vld [tilespmem:$0x1690]  }
0x244: {  	v15 =	vadd.f32 v15, v6;
	v2 =	vadd.f32 v57, v2;
	v57 =	vld [tilespmem:$0x16E0]  }
0x245: {  	v5 =	vadd.f32 v12, v5;
	v12 =	vld [tilespmem:$0x1FDF0]  }
0x246: {  	v15 =	vadd.f32 v17, v15;
	v17 =	vld [tilespmem:$0x1820]  }
0x247: {  	v2 =	vadd.f32 v13, v2;
	v13 =	vld [tilespmem:$0x16B0]  }
0x248: {  	v3 =	vadd.f32 v18, v3;
	v18 =	vld [tilespmem:$0x16D0]  }
0x249: {  	v5 =	vadd.f32 v19, v5;
	v19 =	vld [tilespmem:$0x1FE00]  }
0x24a: {  	v2 =	vadd.f32 v26, v2;
	v26 =	vld [tilespmem:$0x1FE10]  }
0x24b: {  	v15 =	vadd.f32 v31, v15;
	v3 =	vadd.f32 v27, v3;
	v27 =	vld [tilespmem:$0x1FE20]  }
0x24c: {  	v5 =	vadd.f32 v38, v5;
	v38 =	vld [tilespmem:$0x1700]  }
0x24d: {  	v15 =	vadd.f32 v42, v15;
	v42 =	vld [tilespmem:$0x1AB0]  }
0x24e: {  	v2 =	vadd.f32 v51, v2;
	v51 =	vld [tilespmem:$0x1710]  }
0x24f: {  	v5 =	vadd.f32 v19, v5;
	v19 =	vld [tilespmem:$0x1FE50]  }
0x250: {  	v3 =	vadd.f32 v12, v3;
	v2 =	vadd.f32 v26, v2;
	v26 =	vld [tilespmem:$0x1FE60]  }
0x251: {  	v12 =	vld [tilespmem:$0x1FE40];
	v15 =	vadd.f32 v52, v15  }
0x252: {  	v52 =	vld [tilespmem:$0x1A60];
	v3 =	vadd.f32 v27, v3  }
0x253: {  	v15 =	vadd.f32 v58, v15;
	v58 =	vld [tilespmem:$0x1880];
	v5 =	vadd.f32 v50, v5  }
0x254: {  	v3 =	vadd.f32 v19, v3;
	v19 =	vld [tilespmem:$0x1FE80]  }
0x255: {  	v15 =	vadd.f32 v43, v15;
	v27 =	vadd.f32 v26, v5;
	v26 =	vld [tilespmem:$0x1FE90]  }
0x256: {  	v50 =	vld [tilespmem:$0x1720];
	v2 =	vadd.f32 v12, v2  }
0x257: {  	v43 =	vld [tilespmem:$0x18C0];
	v15 =	vadd.f32 v60, v15  }
0x258: {  	v10 =	vadd.f32 v10, v2;
	v5 =	vld [tilespmem:$0x1750]  }
0x259: {  	v11 =	vadd.f32 v11, v15;
	v2 =	vadd.f32 v19, v3;
	v3 =	vld [tilespmem:$0x1760]  }
0x25a: {  	v12 =	vadd.f32 v26, v27;
	v27 =	vld [tilespmem:$0x1FEA0]  }
0x25b: {  	v11 =	vadd.f32 v13, v11;
	v26 =	vadd.f32 v37, v1;
	v1 =	vld [tilespmem:$0x1780]  }
0x25c: {  	v37 =	vld [tilespmem:$0x1FEC0]  }
0x25d: {  	v11 =	vadd.f32 v25, v11;
	v25 =	vld [tilespmem:$0x1940]  }
0x25e: {  	v12 =	vadd.f32 v39, v12;
	v39 =	vld [tilespmem:$0x1FED0]  }
0x25f: {  	v34 =	vadd.f32 v40, v26;
	v40 =	vld [tilespmem:$0x1FEE0]  }
0x260: {  	v26 =	vld [tilespmem:$0x17A0];
	v11 =	vadd.f32 v18, v11;
	v19 =	vadd.f32 v27, v2  }
0x261: {  	v34 =	vadd.f32 v29, v34;
	v29 =	vld [tilespmem:$0x17D0]  }
0x262: {  	v11 =	vadd.f32 v57, v11;
	v57 =	vld [tilespmem:$0x1900];
	v19 =	vadd.f32 v37, v19  }
0x263: {  	v2 =	vld [tilespmem:$0x1770]  }
0x264: {  	v12 =	vadd.f32 v39, v12;
	v39 =	vadd.f32 v40, v19;
	v40 =	vld [tilespmem:$0x1FF00]  }
0x265: {  	v27 =	vld [tilespmem:$0x1790]  }
0x266: {  	v8 =	vadd.f32 v8, v11;
	v37 =	vld [tilespmem:$0x17C0]  }
0x267: {  	v12 =	vadd.f32 v47, v12;
	v47 =	vld [tilespmem:$0x1FF10]  }
0x268: {  	v8 =	vadd.f32 v38, v8;
	v38 =	vld [tilespmem:$0x1960]  }
0x269: {  	v19 =	vld [tilespmem:$0x17B0];
	v39 =	vadd.f32 v40, v39  }
0x26a: {  	v40 =	vadd.f32 v44, v0;
	v44 =	vadd.f32 v55, v34;
	v55 =	vld [tilespmem:$0x1FF20]  }
0x26b: {  	v8 =	vadd.f32 v51, v8;
	v51 =	vld [tilespmem:$0x1BA0]  }
0x26c: {  	v39 =	vadd.f32 v47, v39;
	v47 =	vld [tilespmem:$0x1FF30]  }
0x26d: {  	v8 =	vadd.f32 v50, v8;
	v50 =	vld [tilespmem:$0x1FF90]  }
0x26e: {  	v0 =	vld [tilespmem:$0x17E0]  }
0x26f: {  	v40 =	vadd.f32 v41, v40;
	v41 =	vadd.f32 v55, v44;
	v55 =	vld [tilespmem:$0x1FF40]  }
0x270: {  	v44 =	vld [tilespmem:$0x1800]  }
0x271: {  	v7 =	vadd.f32 v47, v39;
	v39 =	vadd.f32 v53, v40;
	v53 =	vld [tilespmem:$0x1FF50]  }
0x272: {  	v40 =	vld [tilespmem:$0x1A00]  }
0x273: {  	v47 =	vld [tilespmem:$0x1810];
	v21 =	vadd.f32 v21, v39  }
0x274: {  	v41 =	vadd.f32 v55, v41;
	v55 =	vld [tilespmem:$0x1A10]  }
0x275: {  	v34 =	vld [tilespmem:$0x17F0];
	v21 =	vadd.f32 v62, v21  }
0x276: {  	v62 =	vadd.f32 $0.0e+00, v44;
	v44 =	vld [tilespmem:$0x1A20];
	v6 =	vadd.f32 v53, v7  }
0x277: {  	v7 =	vadd.f32 v63, v41;
	v63 =	vadd.f32 $0.0e+00, v40;
	v40 =	vld [tilespmem:$0x1830]  }
0x278: {  	v53 =	vld [tilespmem:$0x1A30];
	v47 =	vadd.f32 v47, v62  }
0x279: {  	v31 =	vadd.f32 v55, v63;
	v55 =	vld [tilespmem:$0x1840]  }
0x27a: {  	v21 =	vadd.f32 v36, v21;
	v62 =	vld [tilespmem:$0x1A40];
	v17 =	vadd.f32 v17, v47  }
0x27b: {  	v8 =	vadd.f32 v46, v8;
	v63 =	vld [tilespmem:$0x1850];
	v31 =	vadd.f32 v44, v31  }
0x27c: {  	v21 =	vadd.f32 v35, v21;
	v17 =	vadd.f32 v40, v17;
	v44 =	vld [tilespmem:$0x1A50]  }
0x27d: {  	v8 =	vadd.f32 v33, v8;
	v47 =	vld [tilespmem:$0x1860];
	v31 =	vadd.f32 v53, v31  }
0x27e: {  	v46 =	vld [tilespmem:$0x1990];
	v21 =	vadd.f32 v23, v21;
	v17 =	vadd.f32 v55, v17  }
0x27f: {  	v5 =	vadd.f32 v5, v8;
	v53 =	vld [tilespmem:$0x1870];
	v31 =	vadd.f32 v62, v31  }
0x280: {  	v21 =	vadd.f32 v59, v21;
	v55 =	vld [tilespmem:$0x1A70];
	v17 =	vadd.f32 v63, v17  }
0x281: {  	v3 =	vadd.f32 v3, v5;
	v39 =	vld [tilespmem:$0x18A0];
	v23 =	vadd.f32 v44, v31  }
0x282: {  	v59 =	vld [tilespmem:$0x1A80];
	v21 =	vadd.f32 v49, v21;
	v17 =	vadd.f32 v47, v17  }
0x283: {  	v2 =	vadd.f32 v2, v3;
	v62 =	vld [tilespmem:$0x1890];
	v60 =	vadd.f32 v52, v23  }
0x284: {  	v35 =	vld [tilespmem:$0x1A90];
	v9 =	vadd.f32 v9, v21;
	v63 =	vadd.f32 v53, v17  }
0x285: {  	v1 =	vadd.f32 v1, v2;
	v41 =	vld [tilespmem:$0x18B0];
	v36 =	vadd.f32 v55, v60  }
0x286: {  	v40 =	vld [tilespmem:$0x1AA0];
	v9 =	vadd.f32 v16, v9;
	v16 =	vadd.f32 v58, v63  }
0x287: {  	v1 =	vadd.f32 v27, v1;
	v27 =	vld [tilespmem:$0x1FFD0];
	v13 =	vadd.f32 v59, v36  }
0x288: {  	v49 =	vld [tilespmem:$0x1AD0];
	v9 =	vadd.f32 v22, v9;
	v16 =	vadd.f32 v62, v16  }
0x289: {  	v44 =	vld [tilespmem:$0x1AC0];
	v13 =	vadd.f32 v35, v13  }
0x28a: {  	v47 =	vld [tilespmem:$0x18D0];
	v9 =	vadd.f32 v56, v9;
	v15 =	vadd.f32 v39, v16  }
0x28b: {  	v23 =	vld [tilespmem:$0x1B30];
	v13 =	vadd.f32 v40, v13  }
0x28c: {  	v53 =	vld [tilespmem:$0x18E0];
	v9 =	vadd.f32 v54, v9;
	v15 =	vadd.f32 v41, v15  }
0x28d: {  	v55 =	vld [tilespmem:$0x18F0];
	v52 =	vadd.f32 v42, v13  }
0x28e: {  	v54 =	vld [tilespmem:$0x1AE0];
	v9 =	vadd.f32 v48, v9;
	v15 =	vadd.f32 v43, v15  }
0x28f: {  	v60 =	vld [tilespmem:$0x1FF60];
	v11 =	vadd.f32 v44, v52  }
0x290: {  	v56 =	vld [tilespmem:$0x1AF0];
	v9 =	vadd.f32 v24, v9;
	v15 =	vadd.f32 v47, v15  }
0x291: {  	v22 =	vld [tilespmem:$0x1930];
	v11 =	vadd.f32 v49, v11  }
0x292: {  	v58 =	vld [tilespmem:$0x1B00];
	v9 =	vadd.f32 v30, v9;
	v13 =	vadd.f32 v53, v15  }
0x293: {  	v59 =	vld [tilespmem:$0x1910];
	v11 =	vadd.f32 v54, v11  }
0x294: {  	v9 =	vadd.f32 v61, v9;
	v61 =	vld [tilespmem:$0x1B10];
	v13 =	vadd.f32 v55, v13  }
0x295: {  	v1 =	vadd.f32 v26, v1;
	v62 =	vld [tilespmem:$0x1920];
	v11 =	vadd.f32 v56, v11  }
0x296: {  	v63 =	vld [tilespmem:$0x1B20];
	v9 =	vadd.f32 v60, v9;
	v13 =	vadd.f32 v57, v13  }
0x297: {  	v1 =	vadd.f32 v19, v1;
	v35 =	vld [tilespmem:$0x1B50];
	v11 =	vadd.f32 v58, v11  }
0x298: {  	v39 =	vld [tilespmem:$0x1B60];
	v9 =	vadd.f32 v45, v9;
	v13 =	vadd.f32 v59, v13  }
0x299: {  	v1 =	vadd.f32 v37, v1;
	v30 =	vld [tilespmem:$0x1B40];
	v24 =	vadd.f32 v61, v11  }
0x29a: {  	v52 =	vld [tilespmem:$0x1FFB0];
	v9 =	vadd.f32 v32, v9;
	v13 =	vadd.f32 v62, v13  }
0x29b: {  	v1 =	vadd.f32 v29, v1;
	v32 =	vld [tilespmem:$0x1950];
	v31 =	vadd.f32 v63, v24  }
0x29c: {  	v41 =	vld [tilespmem:$0x1970];
	v9 =	vadd.f32 v20, v9;
	v33 =	vadd.f32 v22, v13  }
0x29d: {  	v0 =	vadd.f32 v0, v1;
	v42 =	vld [tilespmem:$0x1FF70];
	v36 =	vadd.f32 v23, v31  }
0x29e: {  	v43 =	vld [tilespmem:$0x1B70];
	v4 =	vadd.f32 v4, v9;
	v9 =	vadd.f32 v25, v33  }
0x29f: {  	v53 =	vld [tilespmem:$0x1FFA0];
	v40 =	vadd.f32 v30, v36  }
0x2a0: {  	v0 =	vadd.f32 v34, v0;
	v58 =	vperm.xlane v12, v52;
	v63 =	vld [tilespmem:$0x1FFC0];
	v8 =	vadd.f32 v32, v9  }
0x2a1: {  	v44 =	vld [tilespmem:$0x1980];
	v4 =	vadd.f32 v28, v4;
	v2 =	vadd.f32 v35, v40  }
0x2a2: {  	v45 =	vld [tilespmem:$0x1B80];
	v56 =	vperm.xlane v10, v52;
	v62 =	vadd.f32 v58, v12;
	v5 =	vadd.f32 v38, v8  }
0x2a3: {  	v47 =	vld [tilespmem:$0x1FF80];
	v4 =	vadd.f32 v42, v4;
	v2 =	vadd.f32 v39, v2  }
0x2a4: {  	v48 =	vld [tilespmem:$0x1B90];
	v54 =	vperm.xlane v53, v52;
	v59 =	vadd.f32 v56, v10;
	v3 =	vadd.f32 v41, v5  }
0x2a5: {  	v49 =	vld [tilespmem:$0x19A0];
	v24 =	vperm.xlane v62, v63;
	v4 =	vadd.f32 v14, v4;
	v2 =	vadd.f32 v43, v2  }
0x2a6: {  	v21 =	vld [tilespmem:$0x19D0];
	v14 =	vadd.f32 v54, v53;
	v3 =	vadd.f32 v44, v3  }
0x2a7: {  	v55 =	vld [tilespmem:$0x19B0];
	v40 =	vperm.xlane v6, v52;
	v10 =	vadd.f32 v24, v62;
	v2 =	vadd.f32 v45, v2  }
0x2a8: {  	v57 =	vld [tilespmem:$0x1BB0];
	v22 =	vperm.xlane v59, v63;
	v4 =	vadd.f32 v47, v4;
	v3 =	vadd.f32 v46, v3  }
0x2a9: {  	v60 =	vld [tilespmem:$0x19C0];
	v42 =	vadd.f32 v40, v6;
	v2 =	vadd.f32 v48, v2  }
0x2aa: {  	v61 =	vld [tilespmem:$0x1BC0];
	v20 =	vperm.xlane v14, v63;
	v5 =	vadd.f32 v22, v59;
	v3 =	vadd.f32 v49, v3  }
0x2ab: {  	v23 =	vld [tilespmem:$0x1BD0];
	v32 =	vperm.xlane v10, v27;
	v4 =	vadd.f32 v50, v4;
	v2 =	vadd.f32 v51, v2  }
0x2ac: {  	v35 =	vld [tilespmem:$0x1FFE0];
	v41 =	vperm.xlane v7, v52;
	v12 =	vadd.f32 v20, v14;
	v3 =	vadd.f32 v55, v3  }
0x2ad: {  	v25 =	vld [tilespmem:$0x19E0];
	v33 =	vadd.f32 v32, v10;
	v2 =	vadd.f32 v57, v2  }
0x2ae: {  	v26 =	vld [tilespmem:$0x1BE0];
	v30 =	vperm.xlane v5, v27;
	v7 =	vadd.f32 v41, v7;
	v3 =	vadd.f32 v60, v3  }
0x2af: {  	v29 =	vld [tilespmem:$0x19F0];
	v44 =	vperm.xlane v0, v52;
	v28 =	vperm.xlane v12, v27;
	v2 =	vadd.f32 v61, v2  }
0x2b0: {  	v31 =	vld [tilespmem:$0x1BF0];
	v43 =	vperm.xlane v4, v52;
	v5 =	vadd.f32 v30, v5;
	v3 =	vadd.f32 v21, v3  }
0x2b1: {  	v39 =	vperm.xlane v33, v35;
	v12 =	vadd.f32 v28, v12;
	v2 =	vadd.f32 v23, v2  }
0x2b2: {  	v10 =	vperm.xlane v7, v63;
	v0 =	vadd.f32 v44, v0;
	v3 =	vadd.f32 v25, v3  }
0x2b3: {  	v4 =	vadd.f32 v43, v4;
	v36 =	vperm.xlane v12, v35;
	v2 =	vadd.f32 v26, v2  }
0x2b4: {  	v37 =	vperm.xlane v5, v35;
	v9 =	vadd.f32 v39, v33;
	v1 =	vadd.f32 v29, v3  }
0x2b5: {  	v45 =	vperm.xlane v42, v63;
	v38 =	vadd.f32 v36, v12;
	v2 =	vadd.f32 v31, v2  }
0x2b6: {  	v49 =	vadd.f32 v10, v7;
	v5 =	vadd.f32 v37, v5;
	v46 =	vperm.xlane v1, v52  }
0x2b7: {  	v48 =	vperm.xlane v4, v63;
	v3 =	vnsel vm0, $0x0, v38;
	v47 =	vperm.xlane v2, v52  }
0x2b8: {  	v3 =	vsel vm1, v3, v5;
	v5 =	vadd.f32 v45, v42;
	v1 =	vadd.f32 v46, v1  }
0x2b9: {  	v50 =	vperm.xlane v0, v63;
	v10 =	vperm.xlane v49, v27;
	v2 =	vadd.f32 v47, v2  }
0x2ba: {  	v4 =	vadd.f32 v48, v4;
	v51 =	vperm.xlane v5, v27;
	v52 =	vperm.xlane v1, v63  }
0x2bb: {  	v0 =	vadd.f32 v50, v0;
	v6 =	vadd.f32 v10, v49;
	v53 =	vperm.xlane v2, v63  }
0x2bc: {  	v54 =	vperm.xlane v4, v27;
	v5 =	vadd.f32 v51, v5;
	v1 =	vadd.f32 v52, v1  }
0x2bd: {  	v55 =	vperm.xlane v0, v27;
	v10 =	vperm.xlane v6, v35;
	v2 =	vadd.f32 v53, v2  }
0x2be: {  	v4 =	vadd.f32 v54, v4;
	v56 =	vperm.xlane v5, v35;
	v57 =	vperm.xlane v1, v27  }
0x2bf: {  	v0 =	vadd.f32 v55, v0;
	v6 =	vadd.f32 v10, v6;
	v58 =	vperm.xlane v2, v27  }
0x2c0: {  	v59 =	vperm.xlane v4, v35;
	v5 =	vadd.f32 v56, v5;
	v1 =	vadd.f32 v57, v1  }
0x2c1: {  	v60 =	vperm.xlane v0, v35;
	v3 =	vsel vm2, v3, v9;
	v2 =	vadd.f32 v58, v2  }
0x2c2: {  	v4 =	vadd.f32 v59, v4;
	v3 =	vsel vm3, v3, v5;
	v61 =	vperm.xlane v1, v35  }
0x2c3: {  	v0 =	vadd.f32 v60, v0;
	v63 =	vld [tilespmem:$0x1FFF0];
	v3 =	vsel vm4, v3, v6;
	v62 =	vperm.xlane v2, v35  }
0x2c4: {  	v3 =	vsel vm5, v3, v4;
	v1 =	vadd.f32 v61, v1  }
0x2c5: {  	v0 =	vsel vm6, v3, v0;
	v2 =	vadd.f32 v62, v2  }
0x2c6: {  	v0 =	vsel vm7, v0, v1  }
0x2c7: {  	v0 =	vsel vm8, v0, v2  }
0x2c8: {  	v0 =	vmul.f32 v63, v0  }
0x2c9: {  	p0 =	sne.s32 s6, $0x1  }
.Ltmp0:
0x2ca: {  	s21 =	rddreg [dreg:$0x4];
	[tilespmem:$0x1E00] =	vst v0;
	(pc) =	sbr.rel @p0 .LBB2_1-.Ltmp0, $4  }
0x2cb: {  	[hbm4b:s21+s2] =	stream.linear.scatter [tilespmem:s0], [sflag:$0x2], $0x80, $0x38;
	[tilespmem:$0x1E80] =	vst v63  }
0x2cc: {  	_ =	swait.ge [sflag:s7], $0x80  }
0x2cd: {  	[sflag:s7] =	ssyncset.done $0x0  }
0x2ce: {  	s6 =	sadd.s32 $0xFFFFFFFF, s6;
	[sflag:s7] =	ssyncadd.s32 $0xFFFFFF80  }
0x2cf: {  	_ =	sfence.sel $0x180000  }
0x2d0: {  	[bflag:$0x0] =	sbarrier.arrive $0xFFFF  }
0x2d1: {  	_ =	strace $0x90000047  }
0x2d2: {  	s0 =	stileid.u32;
	[bflag:$0x2] =	sbarrier.arrive $0xFFFF  }
0x2d3: {  	p0 =	sne.s32 s0, $0x0;
	s0 =	rddreg [dreg:$0x2]  }
0x2d4: {  	s0 =	sadd.s32 @!p0 $0x100000, s0  }
0x2d5: {  	[sflag:s0] =	ssyncadd.tile.s32 @!p0 $0x1;
	_ =	shalt  }
.Lfunc_end2:
_tile_overlayer_lowered:
.L_overlay_start_2:
0x2d6: {  	(tag) =	ssettag $0x2  }
0x2d7: {  	s0 =	rddreg [dreg:$0x0];
	s2 =	stileid.u32  }
0x2d8: {  	s1 =	rddreg [dreg:$0x1];
	p0 =	sne.s32 s2, $0x0  }
0x2d9: {  	s3 =	rddreg [dreg:$0x2];
	[bflag:$0x3] =	sbarrier.arrive $0xFFFF;
	s2 =	simm.s32 @!p0 $0x1C02  }
0x2da: {  	[timem:s3], [sflag:s2] =	dma.local @!p0 [hbm:s0], s1  }
0x2db: {  	s0 =	simm.s32 @!p0 $0x2  }
0x2dc: {  	_ =	swait.ge @!p0 [sflag:s0], s1  }
0x2dd: {  	s1 =	ssub.s32 @!p0 $0x0, s1;
	[sflag:s0] =	ssyncset.done @!p0 $0x0  }
0x2de: {  	[sflag:s0] =	ssyncadd.s32 @!p0 s1  }
0x2df: {  	[bflag:$0x3] =	sbarrier.arrive $0xFFFF  }
0x2e0: {  	_ =	shalt  }

</sc_bundles>
